<compile_context>
chip_gen: v7x
topology: tpu7x:2x2x1
jax: 0.10.2.dev20260603
libtpu: 0.0.44.dev20260713+nightly
codegen_flags: <defaults>
</compile_context>

<pallas_src>
import functools

import jax
import jax.numpy as jnp
from jax import lax
from jax.experimental import pallas as pl
from jax.experimental.pallas import tpu as pltpu
from jax.experimental.pallas import tpu_sc as plsc

_E = 8
_D = 768
_BT = 4096
_NSC = 8192
_C = 32
_NW = 32
_NG = _C // 16
_LANES = 16


def _tc_kernel(x_ref, wt_ref, gates_ref, idx_ref, usage_ref, acc_ref, *,
               nblocks):
    i = pl.program_id(0)
    logits = jnp.dot(x_ref[...], wt_ref[...],
                     preferred_element_type=jnp.float32)
    lt = logits.T
    bt = lt.shape[1]
    e = lax.broadcasted_iota(jnp.int32, (_E, bt), 0)

    m1 = jnp.max(lt, axis=0, keepdims=True)
    i1 = jnp.min(jnp.where(lt == m1, e, _E), axis=0, keepdims=True)
    masked = jnp.where(e == i1, -jnp.inf, lt)
    m2 = jnp.max(masked, axis=0, keepdims=True)
    i2 = jnp.min(jnp.where(masked == m2, e, _E), axis=0, keepdims=True)

    ed = jnp.exp(m2 - m1)
    g2 = ed / (1.0 + ed)
    g1 = 1.0 - g2

    gt = jnp.where(e == i1, g1, jnp.where(e == i2, g2, jnp.float32(0.0)))
    gates_ref[...] = gt.T
    idx_ref[...] = jnp.concatenate([i1, i2], axis=0).T

    @pl.when(i == 0)
    def _init():
        acc_ref[...] = jnp.zeros_like(acc_ref)

    acc_ref[...] += jnp.sum(gt, axis=1, keepdims=True)

    @pl.when(i == nblocks - 1)
    def _fin():
        usage_ref[...] = acc_ref[...]


def _sc_kernel(x_hbm, w_hbm, gates_hbm, idx_hbm, usage_hbm,
               w_v, x_v, g_v, i_v, u_v, *, per_w):
    nc = 2
    wid = lax.axis_index("s") * nc + lax.axis_index("c")
    base = wid * per_w
    pltpu.sync_copy(w_hbm, w_v)
    lane = lax.broadcasted_iota(jnp.int32, (_LANES,), 0)
    rows = [lane + _LANES * g for g in range(_NG)]
    nchunks = per_w // _C

    def chunk_body(ci, usage):
        tok0 = base + ci * _C
        pltpu.sync_copy(x_hbm.at[pl.ds(tok0, _C), :],
                        x_v.at[:, pl.ds(0, _D)])

        def _round_bf16(v):
            t = plsc.bitcast(v, jnp.int32)
            lsb = jnp.bitwise_and(jnp.right_shift(t, 16), 1)
            t = jnp.bitwise_and(t + 0x7FFF + lsb, jnp.int32(-65536))
            return plsc.bitcast(t, jnp.float32)

        def d_body(dc, accs):
            d0 = dc * _LANES
            wv = [_round_bf16(w_v[pl.ds(ei * _D + d0, _LANES)])
                  for ei in range(_E)]
            accs = list(accs)
            for j in range(_LANES):
                col = jnp.full((_LANES,), 0, jnp.int32) + (d0 + j)
                xg = [_round_bf16(plsc.load_gather(x_v, (rows[g], col)))
                      for g in range(_NG)]
                for ei in range(_E):
                    ws = wv[ei][j]
                    for g in range(_NG):
                        k = ei * _NG + g
                        accs[k] = accs[k] + xg[g] * ws
            return accs

        zero = jnp.zeros((_LANES,), jnp.float32)
        accs = lax.fori_loop(0, _D // _LANES, d_body, [zero] * (_E * _NG))

        new_usage = list(usage)
        for g in range(_NG):
            a = [accs[ei * _NG + g] for ei in range(_E)]
            m1 = a[0]
            for ei in range(1, _E):
                m1 = jnp.maximum(m1, a[ei])
            i1 = jnp.full((_LANES,), _E, jnp.int32)
            for ei in range(_E - 1, -1, -1):
                i1 = jnp.where(a[ei] == m1, ei, i1)
            neg = jnp.full((_LANES,), -jnp.inf, jnp.float32)
            m2 = neg
            for ei in range(_E):
                m2 = jnp.maximum(m2, jnp.where(i1 == ei, neg, a[ei]))
            i2 = jnp.full((_LANES,), _E, jnp.int32)
            for ei in range(_E - 1, -1, -1):
                hit = jnp.logical_and(a[ei] == m2, i1 != ei)
                i2 = jnp.where(hit, ei, i2)
            ed = jnp.exp(m2 - m1)
            g2v = ed / (1.0 + ed)
            g1v = 1.0 - g2v
            rg8 = rows[g] * _E
            for ei in range(_E):
                gate = jnp.where(i1 == ei, g1v,
                                 jnp.where(i2 == ei, g2v, jnp.float32(0.0)))
                plsc.store_scatter(g_v, (rg8 + ei,), gate)
                new_usage[ei] = new_usage[ei] + gate
            rg2 = rows[g] * 2
            plsc.store_scatter(i_v, (rg2,), i1)
            plsc.store_scatter(i_v, (rg2 + 1,), i2)
        pltpu.sync_copy(g_v, gates_hbm.at[pl.ds(tok0 * _E, _C * _E)])
        pltpu.sync_copy(i_v, idx_hbm.at[pl.ds(tok0 * 2, _C * 2)])
        return new_usage

    zero = jnp.zeros((_LANES,), jnp.float32)
    usage = lax.fori_loop(0, nchunks, chunk_body, [zero] * _E)
    for ei in range(_E):
        u_v[pl.ds(ei * _LANES, _LANES)] = usage[ei]
    pltpu.sync_copy(u_v, usage_hbm.at[pl.ds(wid * _E * _LANES, _E * _LANES)])


def _loss_kernel(ut_ref, us_ref, loss_ref, *, ntokens):
    u = ut_ref[...] + jnp.sum(us_ref[...], axis=(0, 2)).reshape(_E, 1)
    usage = u / jnp.float32(ntokens)
    log_usage = jnp.maximum(jnp.log(usage), -1e9)
    un = jnp.float32(1.0 / _E)
    loss_ref[...] = jnp.sum(un * (jnp.log(un) - log_usage)).reshape(1, 1)


def kernel(input_tensor, W):
    B, S, D = input_tensor.shape
    n = B * S
    x = input_tensor.reshape(n, D)
    wt = W.T
    ntc = n - _NSC
    nblocks = ntc // _BT
    per_w = _NSC // _NW

    tc_gates, tc_idx, tc_usage = pl.pallas_call(
        functools.partial(_tc_kernel, nblocks=nblocks),
        grid=(nblocks,),
        in_specs=[
            pl.BlockSpec((_BT, D), lambda i: (i, 0)),
            pl.BlockSpec((D, _E), lambda i: (0, 0)),
        ],
        out_specs=[
            pl.BlockSpec((_BT, _E), lambda i: (i, 0)),
            pl.BlockSpec((_BT, 2), lambda i: (i, 0)),
            pl.BlockSpec((_E, 1), lambda i: (0, 0)),
        ],
        out_shape=[
            jax.ShapeDtypeStruct((ntc, _E), jnp.float32),
            jax.ShapeDtypeStruct((ntc, 2), jnp.int32),
            jax.ShapeDtypeStruct((_E, 1), jnp.float32),
        ],
        scratch_shapes=[pltpu.VMEM((_E, 1), jnp.float32)],
    )(x[:ntc], wt)

    sc_fn = pl.kernel(
        functools.partial(_sc_kernel, per_w=per_w),
        out_type=[
            jax.ShapeDtypeStruct((_NSC * _E,), jnp.float32),
            jax.ShapeDtypeStruct((_NSC * 2,), jnp.int32),
            jax.ShapeDtypeStruct((_NW * _E * _LANES,), jnp.float32),
        ],
        mesh=plsc.VectorSubcoreMesh(core_axis_name="c", subcore_axis_name="s",
                                    num_cores=2, num_subcores=16),
        compiler_params=pltpu.CompilerParams(needs_layout_passes=False),
        scratch_types=[
            pltpu.VMEM((_E * _D,), jnp.float32),
            pltpu.VMEM((_C, _D + 1), jnp.float32),
            pltpu.VMEM((_C * _E,), jnp.float32),
            pltpu.VMEM((_C * 2,), jnp.int32),
            pltpu.VMEM((_E * _LANES,), jnp.float32),
        ],
    )
    sc_gates, sc_idx, sc_usage = sc_fn(x[ntc:], W.reshape(_E * _D))
    sc_gates = sc_gates.reshape(_NSC, _E)
    sc_idx = sc_idx.reshape(_NSC, 2)
    sc_usage = sc_usage.reshape(_NW, _E, _LANES)

    loss = pl.pallas_call(
        functools.partial(_loss_kernel, ntokens=n),
        in_specs=[
            pl.BlockSpec(memory_space=pltpu.VMEM),
            pl.BlockSpec(memory_space=pltpu.VMEM),
        ],
        out_specs=pl.BlockSpec(memory_space=pltpu.VMEM),
        out_shape=jax.ShapeDtypeStruct((1, 1), jnp.float32),
    )(tc_usage, sc_usage)

    gates = jnp.concatenate([tc_gates, sc_gates], axis=0)
    idx = jnp.concatenate([tc_idx, sc_idx], axis=0)
    return (gates.reshape(B, S, _E), idx.reshape(B, S, 2), loss.reshape(()))

# --- scband reference (transcript-rebuilt; emitter-appended) ---
"""Pipeline reference for scband-router-78958678769761 (READ-ONLY COPY).

The authoritative reference and input builder live on the scoring server;
editing this copy changes nothing except your own understanding.
"""

import jax, jax.numpy as jnp
import numpy as np

INPUT_DIM = 768
NUM_EXPERTS = 8
TOP_K = 2


def setup_inputs(seed: int = 0) -> dict:
    key = jax.random.key(seed)
    k1, k2 = jax.random.split(key)
    input_tensor = jax.random.normal(k1, (4, 8192, INPUT_DIM), dtype=jnp.float32)
    # gate: nn.Linear(input_dim, num_experts, bias=False) -> weight [num_experts, input_dim]
    W = jax.random.normal(k2, (NUM_EXPERTS, INPUT_DIM), dtype=jnp.float32) * (1.0 / np.sqrt(INPUT_DIM))
    return {"input_tensor": input_tensor, "W": W}


def reference(input_tensor, W):
    # logits = gate(input_tensor); eval mode / noise_std=0 -> no gating noise
    logits = jnp.einsum('bsd,ed->bse', input_tensor, W)
    # top-k gate
    top_k_logits, indices = jax.lax.top_k(logits, TOP_K)
    top_k_gates = jax.nn.softmax(top_k_logits, axis=-1)
    B, S, E = logits.shape
    b = jnp.arange(B)[:, None, None]
    s = jnp.arange(S)[None, :, None]
    gates = jnp.zeros_like(logits).at[b, s, indices].set(top_k_gates)
    # load balance loss: KL(usage -> uniform) with torch F.kl_div(input=log_usage, target=uniform, 'sum')
    expert_usage = gates.sum(axis=(0, 1)) / (B * S)
    uniform = jnp.ones((E,), dtype=gates.dtype) / E
    log_usage = jnp.maximum(jnp.log(expert_usage), -1e9)
    load_balance_loss = jnp.sum(uniform * (jnp.log(uniform) - log_usage))
    return (gates, indices, load_balance_loss)

if __name__ == "__main__":
    import jax
    _d = setup_inputs()
    print(jax.jit(kernel)(*tuple(_d.values())))

</pallas_src>

<mosaic_0001>
#map = affine_map<(d0, d1) -> (0, 0)>
#map1 = affine_map<(d0, d1) -> (0)>
module attributes {stable_mosaic.version = 14 : i64} {
  func.func @_sc_kernel(%arg0: i32, %arg1: i32, %arg2: memref<8192x768xf32, #tpu.memory_space<hbm>>, %arg3: memref<6144xf32, #tpu.memory_space<hbm>>, %arg4: memref<65536xf32, #tpu.memory_space<hbm>>, %arg5: memref<16384xi32, #tpu.memory_space<hbm>>, %arg6: memref<4096xf32, #tpu.memory_space<hbm>>, %arg7: memref<6144xf32, #tpu.memory_space<vmem>>, %arg8: memref<32x769xf32, #tpu.memory_space<vmem>>, %arg9: memref<256xf32, #tpu.memory_space<vmem>>, %arg10: memref<64xi32, #tpu.memory_space<vmem>>, %arg11: memref<128xf32, #tpu.memory_space<vmem>>) attributes {dimension_semantics = [#tpu.dimension_semantics<core_parallel>, #tpu.dimension_semantics<subcore_parallel>], iteration_bounds = array<i64: 2, 16>, scalar_prefetch = 0 : i64, scratch_operands = 5 : i64, tpu.core_type = #tpu.core_type<sc_vector_subcore>, window_params = [{transform_indices = #map}, {transform_indices = #map1}, {transform_indices = #map1}, {transform_indices = #map1}, {transform_indices = #map1}]} {
    %mul3A = arith.constant 2 : i32
    %mul3A_0 = arith.muli %arg1, %mul3A : i32
    %add3A = arith.addi %mul3A_0, %arg0 : i32
    %mul3A_1 = arith.constant 256 : i32
    %mul3A_2 = arith.muli %add3A, %mul3A_1 : i32
    "tpu.region"() ({
      %run_scoped3A = tpu.sem_alloc : memref<!tpu.dma_semaphore, #tpu.memory_space<semaphore_mem>>
      tpu.enqueue_dma source(%arg3 : memref<6144xf32, #tpu.memory_space<hbm>>) target(%arg7 : memref<6144xf32, #tpu.memory_space<vmem>>) target_semaphore(%run_scoped3A : memref<!tpu.dma_semaphore, #tpu.memory_space<semaphore_mem>>)
      tpu.wait_dma2 semaphore(%run_scoped3A : memref<!tpu.dma_semaphore, #tpu.memory_space<semaphore_mem>>) src(%arg3 : memref<6144xf32, #tpu.memory_space<hbm>>) dst(%arg7 : memref<6144xf32, #tpu.memory_space<vmem>>)
      tpu.yield
    }) : () -> ()
    %iota3A = tpu.iota {dimensions = array<i32: 0>} : vector<16xi32>
    %add3A_3 = arith.constant 0 : i32
    %add3A_4 = vector.broadcast %add3A_3 : i32 to vector<16xi32>
    %add3A_5 = arith.addi %iota3A, %add3A_4 : vector<16xi32>
    %add3A_6 = arith.constant 16 : i32
    %add3A_7 = vector.broadcast %add3A_6 : i32 to vector<16xi32>
    %add3A_8 = arith.addi %iota3A, %add3A_7 : vector<16xi32>
    %broadcast_in_dim3A = arith.constant 0.000000e+00 : f32
    %broadcast_in_dim3A_9 = vector.broadcast %broadcast_in_dim3A : f32 to vector<16xf32>
    %scan3A = arith.constant 0 : i32
    %scan3A_10 = arith.constant 8 : i32
    %scan3A_11 = arith.addi %scan3A, %scan3A_10 : i32
    %scan3A_12 = arith.constant 1 : i32
    %scan3A_13:8 = scf.for %scan3A_34 = %scan3A to %scan3A_11 step %scan3A_12 iter_args(%scan3A_35 = %broadcast_in_dim3A_9, %scan3A_36 = %broadcast_in_dim3A_9, %scan3A_37 = %broadcast_in_dim3A_9, %scan3A_38 = %broadcast_in_dim3A_9, %scan3A_39 = %broadcast_in_dim3A_9, %scan3A_40 = %broadcast_in_dim3A_9, %scan3A_41 = %broadcast_in_dim3A_9, %scan3A_42 = %broadcast_in_dim3A_9) -> (vector<16xf32>, vector<16xf32>, vector<16xf32>, vector<16xf32>, vector<16xf32>, vector<16xf32>, vector<16xf32>, vector<16xf32>)  : i32 {
      %mul3A_43 = arith.constant 32 : i32
      %mul3A_44 = arith.muli %scan3A_34, %mul3A_43 : i32
      %add3A_45 = arith.addi %mul3A_2, %mul3A_44 : i32
      "tpu.region"() ({
        %run_scoped3A = tpu.sem_alloc : memref<!tpu.dma_semaphore, #tpu.memory_space<semaphore_mem>>
        %dma_start3A = arith.constant 0 : i32
        %dma_start3A_607 = arith.constant 0 : i32
        %dma_start3A_608 = tpu.memref_slice %arg8[%dma_start3A, %dma_start3A_607] : memref<32x769xf32, #tpu.memory_space<vmem>> -> memref<32x768xf32, #tpu.memory_space<vmem>>
        %dma_start3A_609 = arith.constant 0 : i32
        %dma_start3A_610 = tpu.memref_slice %arg2[%add3A_45, %dma_start3A_609] : memref<8192x768xf32, #tpu.memory_space<hbm>> -> memref<32x768xf32, #tpu.memory_space<hbm>>
        %dma_start3A_611 = arith.constant 0 : i32
        %dma_start3A_612 = arith.constant 0 : i32
        %dma_start3A_613 = tpu.memref_slice %arg8[%dma_start3A_611, %dma_start3A_612] : memref<32x769xf32, #tpu.memory_space<vmem>> -> memref<32x768xf32, #tpu.memory_space<vmem>>
        %dma_start3A_614 = arith.constant 0 : i32
        %dma_start3A_615 = tpu.memref_slice %arg2[%add3A_45, %dma_start3A_614] : memref<8192x768xf32, #tpu.memory_space<hbm>> -> memref<32x768xf32, #tpu.memory_space<hbm>>
        tpu.enqueue_dma source(%dma_start3A_615 : memref<32x768xf32, #tpu.memory_space<hbm>>) target(%dma_start3A_613 : memref<32x768xf32, #tpu.memory_space<vmem>>) target_semaphore(%run_scoped3A : memref<!tpu.dma_semaphore, #tpu.memory_space<semaphore_mem>>)
        %dma_wait3A = arith.constant 0 : i32
        %dma_wait3A_616 = arith.constant 0 : i32
        %dma_wait3A_617 = tpu.memref_slice %arg8[%dma_wait3A, %dma_wait3A_616] : memref<32x769xf32, #tpu.memory_space<vmem>> -> memref<32x768xf32, #tpu.memory_space<vmem>>
        %dma_wait3A_618 = arith.constant 0 : i32
        %dma_wait3A_619 = tpu.memref_slice %arg2[%add3A_45, %dma_wait3A_618] : memref<8192x768xf32, #tpu.memory_space<hbm>> -> memref<32x768xf32, #tpu.memory_space<hbm>>
        %dma_wait3A_620 = arith.constant 0 : i32
        %dma_wait3A_621 = arith.constant 0 : i32
        %dma_wait3A_622 = tpu.memref_slice %arg8[%dma_wait3A_620, %dma_wait3A_621] : memref<32x769xf32, #tpu.memory_space<vmem>> -> memref<32x768xf32, #tpu.memory_space<vmem>>
        %dma_wait3A_623 = arith.constant 0 : i32
        %dma_wait3A_624 = tpu.memref_slice %arg2[%add3A_45, %dma_wait3A_623] : memref<8192x768xf32, #tpu.memory_space<hbm>> -> memref<32x768xf32, #tpu.memory_space<hbm>>
        tpu.wait_dma2 semaphore(%run_scoped3A : memref<!tpu.dma_semaphore, #tpu.memory_space<semaphore_mem>>) src(%dma_wait3A_624 : memref<32x768xf32, #tpu.memory_space<hbm>>) dst(%dma_wait3A_622 : memref<32x768xf32, #tpu.memory_space<vmem>>)
        tpu.yield
      }) : () -> ()
      %broadcast_in_dim3A_46 = arith.constant 0.000000e+00 : f32
      %broadcast_in_dim3A_47 = vector.broadcast %broadcast_in_dim3A_46 : f32 to vector<16xf32>
      %scan3A_48 = arith.constant 0 : i32
      %scan3A_49 = arith.constant 48 : i32
      %scan3A_50 = arith.addi %scan3A_48, %scan3A_49 : i32
      %scan3A_51 = arith.constant 1 : i32
      %scan3A_52:16 = scf.for %scan3A_607 = %scan3A_48 to %scan3A_50 step %scan3A_51 iter_args(%scan3A_608 = %broadcast_in_dim3A_47, %scan3A_609 = %broadcast_in_dim3A_47, %scan3A_610 = %broadcast_in_dim3A_47, %scan3A_611 = %broadcast_in_dim3A_47, %scan3A_612 = %broadcast_in_dim3A_47, %scan3A_613 = %broadcast_in_dim3A_47, %scan3A_614 = %broadcast_in_dim3A_47, %scan3A_615 = %broadcast_in_dim3A_47, %scan3A_616 = %broadcast_in_dim3A_47, %scan3A_617 = %broadcast_in_dim3A_47, %scan3A_618 = %broadcast_in_dim3A_47, %scan3A_619 = %broadcast_in_dim3A_47, %scan3A_620 = %broadcast_in_dim3A_47, %scan3A_621 = %broadcast_in_dim3A_47, %scan3A_622 = %broadcast_in_dim3A_47, %scan3A_623 = %broadcast_in_dim3A_47) -> (vector<16xf32>, vector<16xf32>, vector<16xf32>, vector<16xf32>, vector<16xf32>, vector<16xf32>, vector<16xf32>, vector<16xf32>, vector<16xf32>, vector<16xf32>, vector<16xf32>, vector<16xf32>, vector<16xf32>, vector<16xf32>, vector<16xf32>, vector<16xf32>)  : i32 {
        %mul3A_624 = arith.constant 16 : i32
        %mul3A_625 = arith.muli %scan3A_607, %mul3A_624 : i32
        %add3A_626 = arith.constant 0 : i32
        %add3A_627 = arith.addi %add3A_626, %mul3A_625 : i32
        %get3A = arith.index_cast %add3A_627 : i32 to index
        %get3A_628 = tpu.vector_load %arg7[%get3A] {strides = array<i32>} : memref<6144xf32, #tpu.memory_space<vmem>>, vector<16xf32>,
        %bitcast3A = vector.bitcast %get3A_628 : vector<16xf32> to vector<16xi32>
        %shift_right_arithmetic3A = arith.constant 16 : i32
        %shift_right_arithmetic3A_629 = vector.broadcast %shift_right_arithmetic3A : i32 to vector<16xi32>
        %shift_right_arithmetic3A_630 = arith.shrsi %bitcast3A, %shift_right_arithmetic3A_629 : vector<16xi32>
        %and3A_631 = arith.constant 1 : i32
        %and3A_632 = vector.broadcast %and3A_631 : i32 to vector<16xi32>
        %and3A_633 = arith.andi %shift_right_arithmetic3A_630, %and3A_632 : vector<16xi32>
        %add3A_634 = arith.constant 32767 : i32
        %add3A_635 = vector.broadcast %add3A_634 : i32 to vector<16xi32>
        %add3A_636 = arith.addi %bitcast3A, %add3A_635 : vector<16xi32>
        %add3A_637 = arith.addi %add3A_636, %and3A_633 : vector<16xi32>
        %and3A_638 = arith.constant -65536 : i32
        %and3A_639 = vector.broadcast %and3A_638 : i32 to vector<16xi32>
        %and3A_640 = arith.andi %add3A_637, %and3A_639 : vector<16xi32>
        %bitcast3A_641 = vector.bitcast %and3A_640 : vector<16xi32> to vector<16xf32>
        %add3A_642 = arith.constant 768 : i32
        %add3A_643 = arith.addi %add3A_642, %mul3A_625 : i32
        %get3A_644 = arith.index_cast %add3A_643 : i32 to index
        %get3A_645 = tpu.vector_load %arg7[%get3A_644] {strides = array<i32>} : memref<6144xf32, #tpu.memory_space<vmem>>, vector<16xf32>,
        %bitcast3A_646 = vector.bitcast %get3A_645 : vector<16xf32> to vector<16xi32>
        %shift_right_arithmetic3A_647 = arith.constant 16 : i32
        %shift_right_arithmetic3A_648 = vector.broadcast %shift_right_arithmetic3A_647 : i32 to vector<16xi32>
        %shift_right_arithmetic3A_649 = arith.shrsi %bitcast3A_646, %shift_right_arithmetic3A_648 : vector<16xi32>
        %and3A_650 = arith.constant 1 : i32
        %and3A_651 = vector.broadcast %and3A_650 : i32 to vector<16xi32>
        %and3A_652 = arith.andi %shift_right_arithmetic3A_649, %and3A_651 : vector<16xi32>
        %add3A_653 = arith.constant 32767 : i32
        %add3A_654 = vector.broadcast %add3A_653 : i32 to vector<16xi32>
        %add3A_655 = arith.addi %bitcast3A_646, %add3A_654 : vector<16xi32>
        %add3A_656 = arith.addi %add3A_655, %and3A_652 : vector<16xi32>
        %and3A_657 = arith.constant -65536 : i32
        %and3A_658 = vector.broadcast %and3A_657 : i32 to vector<16xi32>
        %and3A_659 = arith.andi %add3A_656, %and3A_658 : vector<16xi32>
        %bitcast3A_660 = vector.bitcast %and3A_659 : vector<16xi32> to vector<16xf32>
        %add3A_661 = arith.constant 1536 : i32
        %add3A_662 = arith.addi %add3A_661, %mul3A_625 : i32
        %get3A_663 = arith.index_cast %add3A_662 : i32 to index
        %get3A_664 = tpu.vector_load %arg7[%get3A_663] {strides = array<i32>} : memref<6144xf32, #tpu.memory_space<vmem>>, vector<16xf32>,
        %bitcast3A_665 = vector.bitcast %get3A_664 : vector<16xf32> to vector<16xi32>
        %shift_right_arithmetic3A_666 = arith.constant 16 : i32
        %shift_right_arithmetic3A_667 = vector.broadcast %shift_right_arithmetic3A_666 : i32 to vector<16xi32>
        %shift_right_arithmetic3A_668 = arith.shrsi %bitcast3A_665, %shift_right_arithmetic3A_667 : vector<16xi32>
        %and3A_669 = arith.constant 1 : i32
        %and3A_670 = vector.broadcast %and3A_669 : i32 to vector<16xi32>
        %and3A_671 = arith.andi %shift_right_arithmetic3A_668, %and3A_670 : vector<16xi32>
        %add3A_672 = arith.constant 32767 : i32
        %add3A_673 = vector.broadcast %add3A_672 : i32 to vector<16xi32>
        %add3A_674 = arith.addi %bitcast3A_665, %add3A_673 : vector<16xi32>
        %add3A_675 = arith.addi %add3A_674, %and3A_671 : vector<16xi32>
        %and3A_676 = arith.constant -65536 : i32
        %and3A_677 = vector.broadcast %and3A_676 : i32 to vector<16xi32>
        %and3A_678 = arith.andi %add3A_675, %and3A_677 : vector<16xi32>
        %bitcast3A_679 = vector.bitcast %and3A_678 : vector<16xi32> to vector<16xf32>
        %add3A_680 = arith.constant 2304 : i32
        %add3A_681 = arith.addi %add3A_680, %mul3A_625 : i32
        %get3A_682 = arith.index_cast %add3A_681 : i32 to index
        %get3A_683 = tpu.vector_load %arg7[%get3A_682] {strides = array<i32>} : memref<6144xf32, #tpu.memory_space<vmem>>, vector<16xf32>,
        %bitcast3A_684 = vector.bitcast %get3A_683 : vector<16xf32> to vector<16xi32>
        %shift_right_arithmetic3A_685 = arith.constant 16 : i32
        %shift_right_arithmetic3A_686 = vector.broadcast %shift_right_arithmetic3A_685 : i32 to vector<16xi32>
        %shift_right_arithmetic3A_687 = arith.shrsi %bitcast3A_684, %shift_right_arithmetic3A_686 : vector<16xi32>
        %and3A_688 = arith.constant 1 : i32
        %and3A_689 = vector.broadcast %and3A_688 : i32 to vector<16xi32>
        %and3A_690 = arith.andi %shift_right_arithmetic3A_687, %and3A_689 : vector<16xi32>
        %add3A_691 = arith.constant 32767 : i32
        %add3A_692 = vector.broadcast %add3A_691 : i32 to vector<16xi32>
        %add3A_693 = arith.addi %bitcast3A_684, %add3A_692 : vector<16xi32>
        %add3A_694 = arith.addi %add3A_693, %and3A_690 : vector<16xi32>
        %and3A_695 = arith.constant -65536 : i32
        %and3A_696 = vector.broadcast %and3A_695 : i32 to vector<16xi32>
        %and3A_697 = arith.andi %add3A_694, %and3A_696 : vector<16xi32>
        %bitcast3A_698 = vector.bitcast %and3A_697 : vector<16xi32> to vector<16xf32>
        %add3A_699 = arith.constant 3072 : i32
        %add3A_700 = arith.addi %add3A_699, %mul3A_625 : i32
        %get3A_701 = arith.index_cast %add3A_700 : i32 to index
        %get3A_702 = tpu.vector_load %arg7[%get3A_701] {strides = array<i32>} : memref<6144xf32, #tpu.memory_space<vmem>>, vector<16xf32>,
        %bitcast3A_703 = vector.bitcast %get3A_702 : vector<16xf32> to vector<16xi32>
        %shift_right_arithmetic3A_704 = arith.constant 16 : i32
        %shift_right_arithmetic3A_705 = vector.broadcast %shift_right_arithmetic3A_704 : i32 to vector<16xi32>
        %shift_right_arithmetic3A_706 = arith.shrsi %bitcast3A_703, %shift_right_arithmetic3A_705 : vector<16xi32>
        %and3A_707 = arith.constant 1 : i32
        %and3A_708 = vector.broadcast %and3A_707 : i32 to vector<16xi32>
        %and3A_709 = arith.andi %shift_right_arithmetic3A_706, %and3A_708 : vector<16xi32>
        %add3A_710 = arith.constant 32767 : i32
        %add3A_711 = vector.broadcast %add3A_710 : i32 to vector<16xi32>
        %add3A_712 = arith.addi %bitcast3A_703, %add3A_711 : vector<16xi32>
        %add3A_713 = arith.addi %add3A_712, %and3A_709 : vector<16xi32>
        %and3A_714 = arith.constant -65536 : i32
        %and3A_715 = vector.broadcast %and3A_714 : i32 to vector<16xi32>
        %and3A_716 = arith.andi %add3A_713, %and3A_715 : vector<16xi32>
        %bitcast3A_717 = vector.bitcast %and3A_716 : vector<16xi32> to vector<16xf32>
        %add3A_718 = arith.constant 3840 : i32
        %add3A_719 = arith.addi %add3A_718, %mul3A_625 : i32
        %get3A_720 = arith.index_cast %add3A_719 : i32 to index
        %get3A_721 = tpu.vector_load %arg7[%get3A_720] {strides = array<i32>} : memref<6144xf32, #tpu.memory_space<vmem>>, vector<16xf32>,
        %bitcast3A_722 = vector.bitcast %get3A_721 : vector<16xf32> to vector<16xi32>
        %shift_right_arithmetic3A_723 = arith.constant 16 : i32
        %shift_right_arithmetic3A_724 = vector.broadcast %shift_right_arithmetic3A_723 : i32 to vector<16xi32>
        %shift_right_arithmetic3A_725 = arith.shrsi %bitcast3A_722, %shift_right_arithmetic3A_724 : vector<16xi32>
        %and3A_726 = arith.constant 1 : i32
        %and3A_727 = vector.broadcast %and3A_726 : i32 to vector<16xi32>
        %and3A_728 = arith.andi %shift_right_arithmetic3A_725, %and3A_727 : vector<16xi32>
        %add3A_729 = arith.constant 32767 : i32
        %add3A_730 = vector.broadcast %add3A_729 : i32 to vector<16xi32>
        %add3A_731 = arith.addi %bitcast3A_722, %add3A_730 : vector<16xi32>
        %add3A_732 = arith.addi %add3A_731, %and3A_728 : vector<16xi32>
        %and3A_733 = arith.constant -65536 : i32
        %and3A_734 = vector.broadcast %and3A_733 : i32 to vector<16xi32>
        %and3A_735 = arith.andi %add3A_732, %and3A_734 : vector<16xi32>
        %bitcast3A_736 = vector.bitcast %and3A_735 : vector<16xi32> to vector<16xf32>
        %add3A_737 = arith.constant 4608 : i32
        %add3A_738 = arith.addi %add3A_737, %mul3A_625 : i32
        %get3A_739 = arith.index_cast %add3A_738 : i32 to index
        %get3A_740 = tpu.vector_load %arg7[%get3A_739] {strides = array<i32>} : memref<6144xf32, #tpu.memory_space<vmem>>, vector<16xf32>,
        %bitcast3A_741 = vector.bitcast %get3A_740 : vector<16xf32> to vector<16xi32>
        %shift_right_arithmetic3A_742 = arith.constant 16 : i32
        %shift_right_arithmetic3A_743 = vector.broadcast %shift_right_arithmetic3A_742 : i32 to vector<16xi32>
        %shift_right_arithmetic3A_744 = arith.shrsi %bitcast3A_741, %shift_right_arithmetic3A_743 : vector<16xi32>
        %and3A_745 = arith.constant 1 : i32
        %and3A_746 = vector.broadcast %and3A_745 : i32 to vector<16xi32>
        %and3A_747 = arith.andi %shift_right_arithmetic3A_744, %and3A_746 : vector<16xi32>
        %add3A_748 = arith.constant 32767 : i32
        %add3A_749 = vector.broadcast %add3A_748 : i32 to vector<16xi32>
        %add3A_750 = arith.addi %bitcast3A_741, %add3A_749 : vector<16xi32>
        %add3A_751 = arith.addi %add3A_750, %and3A_747 : vector<16xi32>
        %and3A_752 = arith.constant -65536 : i32
        %and3A_753 = vector.broadcast %and3A_752 : i32 to vector<16xi32>
        %and3A_754 = arith.andi %add3A_751, %and3A_753 : vector<16xi32>
        %bitcast3A_755 = vector.bitcast %and3A_754 : vector<16xi32> to vector<16xf32>
        %add3A_756 = arith.constant 5376 : i32
        %add3A_757 = arith.addi %add3A_756, %mul3A_625 : i32
        %get3A_758 = arith.index_cast %add3A_757 : i32 to index
        %get3A_759 = tpu.vector_load %arg7[%get3A_758] {strides = array<i32>} : memref<6144xf32, #tpu.memory_space<vmem>>, vector<16xf32>,
        %bitcast3A_760 = vector.bitcast %get3A_759 : vector<16xf32> to vector<16xi32>
        %shift_right_arithmetic3A_761 = arith.constant 16 : i32
        %shift_right_arithmetic3A_762 = vector.broadcast %shift_right_arithmetic3A_761 : i32 to vector<16xi32>
        %shift_right_arithmetic3A_763 = arith.shrsi %bitcast3A_760, %shift_right_arithmetic3A_762 : vector<16xi32>
        %and3A_764 = arith.constant 1 : i32
        %and3A_765 = vector.broadcast %and3A_764 : i32 to vector<16xi32>
        %and3A_766 = arith.andi %shift_right_arithmetic3A_763, %and3A_765 : vector<16xi32>
        %add3A_767 = arith.constant 32767 : i32
        %add3A_768 = vector.broadcast %add3A_767 : i32 to vector<16xi32>
        %add3A_769 = arith.addi %bitcast3A_760, %add3A_768 : vector<16xi32>
        %add3A_770 = arith.addi %add3A_769, %and3A_766 : vector<16xi32>
        %and3A_771 = arith.constant -65536 : i32
        %and3A_772 = vector.broadcast %and3A_771 : i32 to vector<16xi32>
        %and3A_773 = arith.andi %add3A_770, %and3A_772 : vector<16xi32>
        %bitcast3A_774 = vector.bitcast %and3A_773 : vector<16xi32> to vector<16xf32>
        %broadcast_in_dim3A_775 = arith.constant 0 : i32
        %broadcast_in_dim3A_776 = vector.broadcast %broadcast_in_dim3A_775 : i32 to vector<16xi32>
        %add3A_777 = arith.constant 0 : i32
        %add3A_778 = arith.addi %mul3A_625, %add3A_777 : i32
        %add3A_779 = vector.broadcast %add3A_778 : i32 to vector<16xi32>
        %add3A_780 = arith.addi %broadcast_in_dim3A_776, %add3A_779 : vector<16xi32>
        %gather3A = tpu.vector_load_idx %arg8[%add3A_5, %add3A_780] : memref<32x769xf32, #tpu.memory_space<vmem>>[vector<16xi32>, vector<16xi32>], vector<16xf32>,
        %bitcast3A_781 = vector.bitcast %gather3A : vector<16xf32> to vector<16xi32>
        %shift_right_arithmetic3A_782 = arith.constant 16 : i32
        %shift_right_arithmetic3A_783 = vector.broadcast %shift_right_arithmetic3A_782 : i32 to vector<16xi32>
        %shift_right_arithmetic3A_784 = arith.shrsi %bitcast3A_781, %shift_right_arithmetic3A_783 : vector<16xi32>
        %and3A_785 = arith.constant 1 : i32
        %and3A_786 = vector.broadcast %and3A_785 : i32 to vector<16xi32>
        %and3A_787 = arith.andi %shift_right_arithmetic3A_784, %and3A_786 : vector<16xi32>
        %add3A_788 = arith.constant 32767 : i32
        %add3A_789 = vector.broadcast %add3A_788 : i32 to vector<16xi32>
        %add3A_790 = arith.addi %bitcast3A_781, %add3A_789 : vector<16xi32>
        %add3A_791 = arith.addi %add3A_790, %and3A_787 : vector<16xi32>
        %and3A_792 = arith.constant -65536 : i32
        %and3A_793 = vector.broadcast %and3A_792 : i32 to vector<16xi32>
        %and3A_794 = arith.andi %add3A_791, %and3A_793 : vector<16xi32>
        %bitcast3A_795 = vector.bitcast %and3A_794 : vector<16xi32> to vector<16xf32>
        %gather3A_796 = tpu.vector_load_idx %arg8[%add3A_8, %add3A_780] : memref<32x769xf32, #tpu.memory_space<vmem>>[vector<16xi32>, vector<16xi32>], vector<16xf32>,
        %bitcast3A_797 = vector.bitcast %gather3A_796 : vector<16xf32> to vector<16xi32>
        %shift_right_arithmetic3A_798 = arith.constant 16 : i32
        %shift_right_arithmetic3A_799 = vector.broadcast %shift_right_arithmetic3A_798 : i32 to vector<16xi32>
        %shift_right_arithmetic3A_800 = arith.shrsi %bitcast3A_797, %shift_right_arithmetic3A_799 : vector<16xi32>
        %and3A_801 = arith.constant 1 : i32
        %and3A_802 = vector.broadcast %and3A_801 : i32 to vector<16xi32>
        %and3A_803 = arith.andi %shift_right_arithmetic3A_800, %and3A_802 : vector<16xi32>
        %add3A_804 = arith.constant 32767 : i32
        %add3A_805 = vector.broadcast %add3A_804 : i32 to vector<16xi32>
        %add3A_806 = arith.addi %bitcast3A_797, %add3A_805 : vector<16xi32>
        %add3A_807 = arith.addi %add3A_806, %and3A_803 : vector<16xi32>
        %and3A_808 = arith.constant -65536 : i32
        %and3A_809 = vector.broadcast %and3A_808 : i32 to vector<16xi32>
        %and3A_810 = arith.andi %add3A_807, %and3A_809 : vector<16xi32>
        %bitcast3A_811 = vector.bitcast %and3A_810 : vector<16xi32> to vector<16xf32>
        %slice3A = vector.extract_strided_slice %bitcast3A_641 {offsets = [0], sizes = [1], strides = [1]} : vector<16xf32> to vector<1xf32>
        %squeeze3A = vector.extract %slice3A[0] : f32 from vector<1xf32>
        %mul3A_812 = vector.broadcast %squeeze3A : f32 to vector<16xf32>
        %mul3A_813 = arith.mulf %bitcast3A_795, %mul3A_812 : vector<16xf32>
        %add3A_814 = arith.addf %scan3A_608, %mul3A_813 : vector<16xf32>
        %mul3A_815 = vector.broadcast %squeeze3A : f32 to vector<16xf32>
        %mul3A_816 = arith.mulf %bitcast3A_811, %mul3A_815 : vector<16xf32>
        %add3A_817 = arith.addf %scan3A_609, %mul3A_816 : vector<16xf32>
        %slice3A_818 = vector.extract_strided_slice %bitcast3A_660 {offsets = [0], sizes = [1], strides = [1]} : vector<16xf32> to vector<1xf32>
        %squeeze3A_819 = vector.extract %slice3A_818[0] : f32 from vector<1xf32>
        %mul3A_820 = vector.broadcast %squeeze3A_819 : f32 to vector<16xf32>
        %mul3A_821 = arith.mulf %bitcast3A_795, %mul3A_820 : vector<16xf32>
        %add3A_822 = arith.addf %scan3A_610, %mul3A_821 : vector<16xf32>
        %mul3A_823 = vector.broadcast %squeeze3A_819 : f32 to vector<16xf32>
        %mul3A_824 = arith.mulf %bitcast3A_811, %mul3A_823 : vector<16xf32>
        %add3A_825 = arith.addf %scan3A_611, %mul3A_824 : vector<16xf32>
        %slice3A_826 = vector.extract_strided_slice %bitcast3A_679 {offsets = [0], sizes = [1], strides = [1]} : vector<16xf32> to vector<1xf32>
        %squeeze3A_827 = vector.extract %slice3A_826[0] : f32 from vector<1xf32>
        %mul3A_828 = vector.broadcast %squeeze3A_827 : f32 to vector<16xf32>
        %mul3A_829 = arith.mulf %bitcast3A_795, %mul3A_828 : vector<16xf32>
        %add3A_830 = arith.addf %scan3A_612, %mul3A_829 : vector<16xf32>
        %mul3A_831 = vector.broadcast %squeeze3A_827 : f32 to vector<16xf32>
        %mul3A_832 = arith.mulf %bitcast3A_811, %mul3A_831 : vector<16xf32>
        %add3A_833 = arith.addf %scan3A_613, %mul3A_832 : vector<16xf32>
        %slice3A_834 = vector.extract_strided_slice %bitcast3A_698 {offsets = [0], sizes = [1], strides = [1]} : vector<16xf32> to vector<1xf32>
        %squeeze3A_835 = vector.extract %slice3A_834[0] : f32 from vector<1xf32>
        %mul3A_836 = vector.broadcast %squeeze3A_835 : f32 to vector<16xf32>
        %mul3A_837 = arith.mulf %bitcast3A_795, %mul3A_836 : vector<16xf32>
        %add3A_838 = arith.addf %scan3A_614, %mul3A_837 : vector<16xf32>
        %mul3A_839 = vector.broadcast %squeeze3A_835 : f32 to vector<16xf32>
        %mul3A_840 = arith.mulf %bitcast3A_811, %mul3A_839 : vector<16xf32>
        %add3A_841 = arith.addf %scan3A_615, %mul3A_840 : vector<16xf32>
        %slice3A_842 = vector.extract_strided_slice %bitcast3A_717 {offsets = [0], sizes = [1], strides = [1]} : vector<16xf32> to vector<1xf32>
        %squeeze3A_843 = vector.extract %slice3A_842[0] : f32 from vector<1xf32>
        %mul3A_844 = vector.broadcast %squeeze3A_843 : f32 to vector<16xf32>
        %mul3A_845 = arith.mulf %bitcast3A_795, %mul3A_844 : vector<16xf32>
        %add3A_846 = arith.addf %scan3A_616, %mul3A_845 : vector<16xf32>
        %mul3A_847 = vector.broadcast %squeeze3A_843 : f32 to vector<16xf32>
        %mul3A_848 = arith.mulf %bitcast3A_811, %mul3A_847 : vector<16xf32>
        %add3A_849 = arith.addf %scan3A_617, %mul3A_848 : vector<16xf32>
        %slice3A_850 = vector.extract_strided_slice %bitcast3A_736 {offsets = [0], sizes = [1], strides = [1]} : vector<16xf32> to vector<1xf32>
        %squeeze3A_851 = vector.extract %slice3A_850[0] : f32 from vector<1xf32>
        %mul3A_852 = vector.broadcast %squeeze3A_851 : f32 to vector<16xf32>
        %mul3A_853 = arith.mulf %bitcast3A_795, %mul3A_852 : vector<16xf32>
        %add3A_854 = arith.addf %scan3A_618, %mul3A_853 : vector<16xf32>
        %mul3A_855 = vector.broadcast %squeeze3A_851 : f32 to vector<16xf32>
        %mul3A_856 = arith.mulf %bitcast3A_811, %mul3A_855 : vector<16xf32>
        %add3A_857 = arith.addf %scan3A_619, %mul3A_856 : vector<16xf32>
        %slice3A_858 = vector.extract_strided_slice %bitcast3A_755 {offsets = [0], sizes = [1], strides = [1]} : vector<16xf32> to vector<1xf32>
        %squeeze3A_859 = vector.extract %slice3A_858[0] : f32 from vector<1xf32>
        %mul3A_860 = vector.broadcast %squeeze3A_859 : f32 to vector<16xf32>
        %mul3A_861 = arith.mulf %bitcast3A_795, %mul3A_860 : vector<16xf32>
        %add3A_862 = arith.addf %scan3A_620, %mul3A_861 : vector<16xf32>
        %mul3A_863 = vector.broadcast %squeeze3A_859 : f32 to vector<16xf32>
        %mul3A_864 = arith.mulf %bitcast3A_811, %mul3A_863 : vector<16xf32>
        %add3A_865 = arith.addf %scan3A_621, %mul3A_864 : vector<16xf32>
        %slice3A_866 = vector.extract_strided_slice %bitcast3A_774 {offsets = [0], sizes = [1], strides = [1]} : vector<16xf32> to vector<1xf32>
        %squeeze3A_867 = vector.extract %slice3A_866[0] : f32 from vector<1xf32>
        %mul3A_868 = vector.broadcast %squeeze3A_867 : f32 to vector<16xf32>
        %mul3A_869 = arith.mulf %bitcast3A_795, %mul3A_868 : vector<16xf32>
        %add3A_870 = arith.addf %scan3A_622, %mul3A_869 : vector<16xf32>
        %mul3A_871 = vector.broadcast %squeeze3A_867 : f32 to vector<16xf32>
        %mul3A_872 = arith.mulf %bitcast3A_811, %mul3A_871 : vector<16xf32>
        %add3A_873 = arith.addf %scan3A_623, %mul3A_872 : vector<16xf32>
        %broadcast_in_dim3A_874 = arith.constant 0 : i32
        %broadcast_in_dim3A_875 = vector.broadcast %broadcast_in_dim3A_874 : i32 to vector<16xi32>
        %add3A_876 = arith.constant 1 : i32
        %add3A_877 = arith.addi %mul3A_625, %add3A_876 : i32
        %add3A_878 = vector.broadcast %add3A_877 : i32 to vector<16xi32>
        %add3A_879 = arith.addi %broadcast_in_dim3A_875, %add3A_878 : vector<16xi32>
        %gather3A_880 = tpu.vector_load_idx %arg8[%add3A_5, %add3A_879] : memref<32x769xf32, #tpu.memory_space<vmem>>[vector<16xi32>, vector<16xi32>], vector<16xf32>,
        %bitcast3A_881 = vector.bitcast %gather3A_880 : vector<16xf32> to vector<16xi32>
        %shift_right_arithmetic3A_882 = arith.constant 16 : i32
        %shift_right_arithmetic3A_883 = vector.broadcast %shift_right_arithmetic3A_882 : i32 to vector<16xi32>
        %shift_right_arithmetic3A_884 = arith.shrsi %bitcast3A_881, %shift_right_arithmetic3A_883 : vector<16xi32>
        %and3A_885 = arith.constant 1 : i32
        %and3A_886 = vector.broadcast %and3A_885 : i32 to vector<16xi32>
        %and3A_887 = arith.andi %shift_right_arithmetic3A_884, %and3A_886 : vector<16xi32>
        %add3A_888 = arith.constant 32767 : i32
        %add3A_889 = vector.broadcast %add3A_888 : i32 to vector<16xi32>
        %add3A_890 = arith.addi %bitcast3A_881, %add3A_889 : vector<16xi32>
        %add3A_891 = arith.addi %add3A_890, %and3A_887 : vector<16xi32>
        %and3A_892 = arith.constant -65536 : i32
        %and3A_893 = vector.broadcast %and3A_892 : i32 to vector<16xi32>
        %and3A_894 = arith.andi %add3A_891, %and3A_893 : vector<16xi32>
        %bitcast3A_895 = vector.bitcast %and3A_894 : vector<16xi32> to vector<16xf32>
        %gather3A_896 = tpu.vector_load_idx %arg8[%add3A_8, %add3A_879] : memref<32x769xf32, #tpu.memory_space<vmem>>[vector<16xi32>, vector<16xi32>], vector<16xf32>,
        %bitcast3A_897 = vector.bitcast %gather3A_896 : vector<16xf32> to vector<16xi32>
        %shift_right_arithmetic3A_898 = arith.constant 16 : i32
        %shift_right_arithmetic3A_899 = vector.broadcast %shift_right_arithmetic3A_898 : i32 to vector<16xi32>
        %shift_right_arithmetic3A_900 = arith.shrsi %bitcast3A_897, %shift_right_arithmetic3A_899 : vector<16xi32>
        %and3A_901 = arith.constant 1 : i32
        %and3A_902 = vector.broadcast %and3A_901 : i32 to vector<16xi32>
        %and3A_903 = arith.andi %shift_right_arithmetic3A_900, %and3A_902 : vector<16xi32>
        %add3A_904 = arith.constant 32767 : i32
        %add3A_905 = vector.broadcast %add3A_904 : i32 to vector<16xi32>
        %add3A_906 = arith.addi %bitcast3A_897, %add3A_905 : vector<16xi32>
        %add3A_907 = arith.addi %add3A_906, %and3A_903 : vector<16xi32>
        %and3A_908 = arith.constant -65536 : i32
        %and3A_909 = vector.broadcast %and3A_908 : i32 to vector<16xi32>
        %and3A_910 = arith.andi %add3A_907, %and3A_909 : vector<16xi32>
        %bitcast3A_911 = vector.bitcast %and3A_910 : vector<16xi32> to vector<16xf32>
        %slice3A_912 = vector.extract_strided_slice %bitcast3A_641 {offsets = [1], sizes = [1], strides = [1]} : vector<16xf32> to vector<1xf32>
        %squeeze3A_913 = vector.extract %slice3A_912[0] : f32 from vector<1xf32>
        %mul3A_914 = vector.broadcast %squeeze3A_913 : f32 to vector<16xf32>
        %mul3A_915 = arith.mulf %bitcast3A_895, %mul3A_914 : vector<16xf32>
        %add3A_916 = arith.addf %add3A_814, %mul3A_915 : vector<16xf32>
        %mul3A_917 = vector.broadcast %squeeze3A_913 : f32 to vector<16xf32>
        %mul3A_918 = arith.mulf %bitcast3A_911, %mul3A_917 : vector<16xf32>
        %add3A_919 = arith.addf %add3A_817, %mul3A_918 : vector<16xf32>
        %slice3A_920 = vector.extract_strided_slice %bitcast3A_660 {offsets = [1], sizes = [1], strides = [1]} : vector<16xf32> to vector<1xf32>
        %squeeze3A_921 = vector.extract %slice3A_920[0] : f32 from vector<1xf32>
        %mul3A_922 = vector.broadcast %squeeze3A_921 : f32 to vector<16xf32>
        %mul3A_923 = arith.mulf %bitcast3A_895, %mul3A_922 : vector<16xf32>
        %add3A_924 = arith.addf %add3A_822, %mul3A_923 : vector<16xf32>
        %mul3A_925 = vector.broadcast %squeeze3A_921 : f32 to vector<16xf32>
        %mul3A_926 = arith.mulf %bitcast3A_911, %mul3A_925 : vector<16xf32>
        %add3A_927 = arith.addf %add3A_825, %mul3A_926 : vector<16xf32>
        %slice3A_928 = vector.extract_strided_slice %bitcast3A_679 {offsets = [1], sizes = [1], strides = [1]} : vector<16xf32> to vector<1xf32>
        %squeeze3A_929 = vector.extract %slice3A_928[0] : f32 from vector<1xf32>
        %mul3A_930 = vector.broadcast %squeeze3A_929 : f32 to vector<16xf32>
        %mul3A_931 = arith.mulf %bitcast3A_895, %mul3A_930 : vector<16xf32>
        %add3A_932 = arith.addf %add3A_830, %mul3A_931 : vector<16xf32>
        %mul3A_933 = vector.broadcast %squeeze3A_929 : f32 to vector<16xf32>
        %mul3A_934 = arith.mulf %bitcast3A_911, %mul3A_933 : vector<16xf32>
        %add3A_935 = arith.addf %add3A_833, %mul3A_934 : vector<16xf32>
        %slice3A_936 = vector.extract_strided_slice %bitcast3A_698 {offsets = [1], sizes = [1], strides = [1]} : vector<16xf32> to vector<1xf32>
        %squeeze3A_937 = vector.extract %slice3A_936[0] : f32 from vector<1xf32>
        %mul3A_938 = vector.broadcast %squeeze3A_937 : f32 to vector<16xf32>
        %mul3A_939 = arith.mulf %bitcast3A_895, %mul3A_938 : vector<16xf32>
        %add3A_940 = arith.addf %add3A_838, %mul3A_939 : vector<16xf32>
        %mul3A_941 = vector.broadcast %squeeze3A_937 : f32 to vector<16xf32>
        %mul3A_942 = arith.mulf %bitcast3A_911, %mul3A_941 : vector<16xf32>
        %add3A_943 = arith.addf %add3A_841, %mul3A_942 : vector<16xf32>
        %slice3A_944 = vector.extract_strided_slice %bitcast3A_717 {offsets = [1], sizes = [1], strides = [1]} : vector<16xf32> to vector<1xf32>
        %squeeze3A_945 = vector.extract %slice3A_944[0] : f32 from vector<1xf32>
        %mul3A_946 = vector.broadcast %squeeze3A_945 : f32 to vector<16xf32>
        %mul3A_947 = arith.mulf %bitcast3A_895, %mul3A_946 : vector<16xf32>
        %add3A_948 = arith.addf %add3A_846, %mul3A_947 : vector<16xf32>
        %mul3A_949 = vector.broadcast %squeeze3A_945 : f32 to vector<16xf32>
        %mul3A_950 = arith.mulf %bitcast3A_911, %mul3A_949 : vector<16xf32>
        %add3A_951 = arith.addf %add3A_849, %mul3A_950 : vector<16xf32>
        %slice3A_952 = vector.extract_strided_slice %bitcast3A_736 {offsets = [1], sizes = [1], strides = [1]} : vector<16xf32> to vector<1xf32>
        %squeeze3A_953 = vector.extract %slice3A_952[0] : f32 from vector<1xf32>
        %mul3A_954 = vector.broadcast %squeeze3A_953 : f32 to vector<16xf32>
        %mul3A_955 = arith.mulf %bitcast3A_895, %mul3A_954 : vector<16xf32>
        %add3A_956 = arith.addf %add3A_854, %mul3A_955 : vector<16xf32>
        %mul3A_957 = vector.broadcast %squeeze3A_953 : f32 to vector<16xf32>
        %mul3A_958 = arith.mulf %bitcast3A_911, %mul3A_957 : vector<16xf32>
        %add3A_959 = arith.addf %add3A_857, %mul3A_958 : vector<16xf32>
        %slice3A_960 = vector.extract_strided_slice %bitcast3A_755 {offsets = [1], sizes = [1], strides = [1]} : vector<16xf32> to vector<1xf32>
        %squeeze3A_961 = vector.extract %slice3A_960[0] : f32 from vector<1xf32>
        %mul3A_962 = vector.broadcast %squeeze3A_961 : f32 to vector<16xf32>
        %mul3A_963 = arith.mulf %bitcast3A_895, %mul3A_962 : vector<16xf32>
        %add3A_964 = arith.addf %add3A_862, %mul3A_963 : vector<16xf32>
        %mul3A_965 = vector.broadcast %squeeze3A_961 : f32 to vector<16xf32>
        %mul3A_966 = arith.mulf %bitcast3A_911, %mul3A_965 : vector<16xf32>
        %add3A_967 = arith.addf %add3A_865, %mul3A_966 : vector<16xf32>
        %slice3A_968 = vector.extract_strided_slice %bitcast3A_774 {offsets = [1], sizes = [1], strides = [1]} : vector<16xf32> to vector<1xf32>
        %squeeze3A_969 = vector.extract %slice3A_968[0] : f32 from vector<1xf32>
        %mul3A_970 = vector.broadcast %squeeze3A_969 : f32 to vector<16xf32>
        %mul3A_971 = arith.mulf %bitcast3A_895, %mul3A_970 : vector<16xf32>
        %add3A_972 = arith.addf %add3A_870, %mul3A_971 : vector<16xf32>
        %mul3A_973 = vector.broadcast %squeeze3A_969 : f32 to vector<16xf32>
        %mul3A_974 = arith.mulf %bitcast3A_911, %mul3A_973 : vector<16xf32>
        %add3A_975 = arith.addf %add3A_873, %mul3A_974 : vector<16xf32>
        %broadcast_in_dim3A_976 = arith.constant 0 : i32
        %broadcast_in_dim3A_977 = vector.broadcast %broadcast_in_dim3A_976 : i32 to vector<16xi32>
        %add3A_978 = arith.constant 2 : i32
        %add3A_979 = arith.addi %mul3A_625, %add3A_978 : i32
        %add3A_980 = vector.broadcast %add3A_979 : i32 to vector<16xi32>
        %add3A_981 = arith.addi %broadcast_in_dim3A_977, %add3A_980 : vector<16xi32>
        %gather3A_982 = tpu.vector_load_idx %arg8[%add3A_5, %add3A_981] : memref<32x769xf32, #tpu.memory_space<vmem>>[vector<16xi32>, vector<16xi32>], vector<16xf32>,
        %bitcast3A_983 = vector.bitcast %gather3A_982 : vector<16xf32> to vector<16xi32>
        %shift_right_arithmetic3A_984 = arith.constant 16 : i32
        %shift_right_arithmetic3A_985 = vector.broadcast %shift_right_arithmetic3A_984 : i32 to vector<16xi32>
        %shift_right_arithmetic3A_986 = arith.shrsi %bitcast3A_983, %shift_right_arithmetic3A_985 : vector<16xi32>
        %and3A_987 = arith.constant 1 : i32
        %and3A_988 = vector.broadcast %and3A_987 : i32 to vector<16xi32>
        %and3A_989 = arith.andi %shift_right_arithmetic3A_986, %and3A_988 : vector<16xi32>
        %add3A_990 = arith.constant 32767 : i32
        %add3A_991 = vector.broadcast %add3A_990 : i32 to vector<16xi32>
        %add3A_992 = arith.addi %bitcast3A_983, %add3A_991 : vector<16xi32>
        %add3A_993 = arith.addi %add3A_992, %and3A_989 : vector<16xi32>
        %and3A_994 = arith.constant -65536 : i32
        %and3A_995 = vector.broadcast %and3A_994 : i32 to vector<16xi32>
        %and3A_996 = arith.andi %add3A_993, %and3A_995 : vector<16xi32>
        %bitcast3A_997 = vector.bitcast %and3A_996 : vector<16xi32> to vector<16xf32>
        %gather3A_998 = tpu.vector_load_idx %arg8[%add3A_8, %add3A_981] : memref<32x769xf32, #tpu.memory_space<vmem>>[vector<16xi32>, vector<16xi32>], vector<16xf32>,
        %bitcast3A_999 = vector.bitcast %gather3A_998 : vector<16xf32> to vector<16xi32>
        %shift_right_arithmetic3A_1000 = arith.constant 16 : i32
        %shift_right_arithmetic3A_1001 = vector.broadcast %shift_right_arithmetic3A_1000 : i32 to vector<16xi32>
        %shift_right_arithmetic3A_1002 = arith.shrsi %bitcast3A_999, %shift_right_arithmetic3A_1001 : vector<16xi32>
        %and3A_1003 = arith.constant 1 : i32
        %and3A_1004 = vector.broadcast %and3A_1003 : i32 to vector<16xi32>
        %and3A_1005 = arith.andi %shift_right_arithmetic3A_1002, %and3A_1004 : vector<16xi32>
        %add3A_1006 = arith.constant 32767 : i32
        %add3A_1007 = vector.broadcast %add3A_1006 : i32 to vector<16xi32>
        %add3A_1008 = arith.addi %bitcast3A_999, %add3A_1007 : vector<16xi32>
        %add3A_1009 = arith.addi %add3A_1008, %and3A_1005 : vector<16xi32>
        %and3A_1010 = arith.constant -65536 : i32
        %and3A_1011 = vector.broadcast %and3A_1010 : i32 to vector<16xi32>
        %and3A_1012 = arith.andi %add3A_1009, %and3A_1011 : vector<16xi32>
        %bitcast3A_1013 = vector.bitcast %and3A_1012 : vector<16xi32> to vector<16xf32>
        %slice3A_1014 = vector.extract_strided_slice %bitcast3A_641 {offsets = [2], sizes = [1], strides = [1]} : vector<16xf32> to vector<1xf32>
        %squeeze3A_1015 = vector.extract %slice3A_1014[0] : f32 from vector<1xf32>
        %mul3A_1016 = vector.broadcast %squeeze3A_1015 : f32 to vector<16xf32>
        %mul3A_1017 = arith.mulf %bitcast3A_997, %mul3A_1016 : vector<16xf32>
        %add3A_1018 = arith.addf %add3A_916, %mul3A_1017 : vector<16xf32>
        %mul3A_1019 = vector.broadcast %squeeze3A_1015 : f32 to vector<16xf32>
        %mul3A_1020 = arith.mulf %bitcast3A_1013, %mul3A_1019 : vector<16xf32>
        %add3A_1021 = arith.addf %add3A_919, %mul3A_1020 : vector<16xf32>
        %slice3A_1022 = vector.extract_strided_slice %bitcast3A_660 {offsets = [2], sizes = [1], strides = [1]} : vector<16xf32> to vector<1xf32>
        %squeeze3A_1023 = vector.extract %slice3A_1022[0] : f32 from vector<1xf32>
        %mul3A_1024 = vector.broadcast %squeeze3A_1023 : f32 to vector<16xf32>
        %mul3A_1025 = arith.mulf %bitcast3A_997, %mul3A_1024 : vector<16xf32>
        %add3A_1026 = arith.addf %add3A_924, %mul3A_1025 : vector<16xf32>
        %mul3A_1027 = vector.broadcast %squeeze3A_1023 : f32 to vector<16xf32>
        %mul3A_1028 = arith.mulf %bitcast3A_1013, %mul3A_1027 : vector<16xf32>
        %add3A_1029 = arith.addf %add3A_927, %mul3A_1028 : vector<16xf32>
        %slice3A_1030 = vector.extract_strided_slice %bitcast3A_679 {offsets = [2], sizes = [1], strides = [1]} : vector<16xf32> to vector<1xf32>
        %squeeze3A_1031 = vector.extract %slice3A_1030[0] : f32 from vector<1xf32>
        %mul3A_1032 = vector.broadcast %squeeze3A_1031 : f32 to vector<16xf32>
        %mul3A_1033 = arith.mulf %bitcast3A_997, %mul3A_1032 : vector<16xf32>
        %add3A_1034 = arith.addf %add3A_932, %mul3A_1033 : vector<16xf32>
        %mul3A_1035 = vector.broadcast %squeeze3A_1031 : f32 to vector<16xf32>
        %mul3A_1036 = arith.mulf %bitcast3A_1013, %mul3A_1035 : vector<16xf32>
        %add3A_1037 = arith.addf %add3A_935, %mul3A_1036 : vector<16xf32>
        %slice3A_1038 = vector.extract_strided_slice %bitcast3A_698 {offsets = [2], sizes = [1], strides = [1]} : vector<16xf32> to vector<1xf32>
        %squeeze3A_1039 = vector.extract %slice3A_1038[0] : f32 from vector<1xf32>
        %mul3A_1040 = vector.broadcast %squeeze3A_1039 : f32 to vector<16xf32>
        %mul3A_1041 = arith.mulf %bitcast3A_997, %mul3A_1040 : vector<16xf32>
        %add3A_1042 = arith.addf %add3A_940, %mul3A_1041 : vector<16xf32>
        %mul3A_1043 = vector.broadcast %squeeze3A_1039 : f32 to vector<16xf32>
        %mul3A_1044 = arith.mulf %bitcast3A_1013, %mul3A_1043 : vector<16xf32>
        %add3A_1045 = arith.addf %add3A_943, %mul3A_1044 : vector<16xf32>
        %slice3A_1046 = vector.extract_strided_slice %bitcast3A_717 {offsets = [2], sizes = [1], strides = [1]} : vector<16xf32> to vector<1xf32>
        %squeeze3A_1047 = vector.extract %slice3A_1046[0] : f32 from vector<1xf32>
        %mul3A_1048 = vector.broadcast %squeeze3A_1047 : f32 to vector<16xf32>
        %mul3A_1049 = arith.mulf %bitcast3A_997, %mul3A_1048 : vector<16xf32>
        %add3A_1050 = arith.addf %add3A_948, %mul3A_1049 : vector<16xf32>
        %mul3A_1051 = vector.broadcast %squeeze3A_1047 : f32 to vector<16xf32>
        %mul3A_1052 = arith.mulf %bitcast3A_1013, %mul3A_1051 : vector<16xf32>
        %add3A_1053 = arith.addf %add3A_951, %mul3A_1052 : vector<16xf32>
        %slice3A_1054 = vector.extract_strided_slice %bitcast3A_736 {offsets = [2], sizes = [1], strides = [1]} : vector<16xf32> to vector<1xf32>
        %squeeze3A_1055 = vector.extract %slice3A_1054[0] : f32 from vector<1xf32>
        %mul3A_1056 = vector.broadcast %squeeze3A_1055 : f32 to vector<16xf32>
        %mul3A_1057 = arith.mulf %bitcast3A_997, %mul3A_1056 : vector<16xf32>
        %add3A_1058 = arith.addf %add3A_956, %mul3A_1057 : vector<16xf32>
        %mul3A_1059 = vector.broadcast %squeeze3A_1055 : f32 to vector<16xf32>
        %mul3A_1060 = arith.mulf %bitcast3A_1013, %mul3A_1059 : vector<16xf32>
        %add3A_1061 = arith.addf %add3A_959, %mul3A_1060 : vector<16xf32>
        %slice3A_1062 = vector.extract_strided_slice %bitcast3A_755 {offsets = [2], sizes = [1], strides = [1]} : vector<16xf32> to vector<1xf32>
        %squeeze3A_1063 = vector.extract %slice3A_1062[0] : f32 from vector<1xf32>
        %mul3A_1064 = vector.broadcast %squeeze3A_1063 : f32 to vector<16xf32>
        %mul3A_1065 = arith.mulf %bitcast3A_997, %mul3A_1064 : vector<16xf32>
        %add3A_1066 = arith.addf %add3A_964, %mul3A_1065 : vector<16xf32>
        %mul3A_1067 = vector.broadcast %squeeze3A_1063 : f32 to vector<16xf32>
        %mul3A_1068 = arith.mulf %bitcast3A_1013, %mul3A_1067 : vector<16xf32>
        %add3A_1069 = arith.addf %add3A_967, %mul3A_1068 : vector<16xf32>
        %slice3A_1070 = vector.extract_strided_slice %bitcast3A_774 {offsets = [2], sizes = [1], strides = [1]} : vector<16xf32> to vector<1xf32>
        %squeeze3A_1071 = vector.extract %slice3A_1070[0] : f32 from vector<1xf32>
        %mul3A_1072 = vector.broadcast %squeeze3A_1071 : f32 to vector<16xf32>
        %mul3A_1073 = arith.mulf %bitcast3A_997, %mul3A_1072 : vector<16xf32>
        %add3A_1074 = arith.addf %add3A_972, %mul3A_1073 : vector<16xf32>
        %mul3A_1075 = vector.broadcast %squeeze3A_1071 : f32 to vector<16xf32>
        %mul3A_1076 = arith.mulf %bitcast3A_1013, %mul3A_1075 : vector<16xf32>
        %add3A_1077 = arith.addf %add3A_975, %mul3A_1076 : vector<16xf32>
        %broadcast_in_dim3A_1078 = arith.constant 0 : i32
        %broadcast_in_dim3A_1079 = vector.broadcast %broadcast_in_dim3A_1078 : i32 to vector<16xi32>
        %add3A_1080 = arith.constant 3 : i32
        %add3A_1081 = arith.addi %mul3A_625, %add3A_1080 : i32
        %add3A_1082 = vector.broadcast %add3A_1081 : i32 to vector<16xi32>
        %add3A_1083 = arith.addi %broadcast_in_dim3A_1079, %add3A_1082 : vector<16xi32>
        %gather3A_1084 = tpu.vector_load_idx %arg8[%add3A_5, %add3A_1083] : memref<32x769xf32, #tpu.memory_space<vmem>>[vector<16xi32>, vector<16xi32>], vector<16xf32>,
        %bitcast3A_1085 = vector.bitcast %gather3A_1084 : vector<16xf32> to vector<16xi32>
        %shift_right_arithmetic3A_1086 = arith.constant 16 : i32
        %shift_right_arithmetic3A_1087 = vector.broadcast %shift_right_arithmetic3A_1086 : i32 to vector<16xi32>
        %shift_right_arithmetic3A_1088 = arith.shrsi %bitcast3A_1085, %shift_right_arithmetic3A_1087 : vector<16xi32>
        %and3A_1089 = arith.constant 1 : i32
        %and3A_1090 = vector.broadcast %and3A_1089 : i32 to vector<16xi32>
        %and3A_1091 = arith.andi %shift_right_arithmetic3A_1088, %and3A_1090 : vector<16xi32>
        %add3A_1092 = arith.constant 32767 : i32
        %add3A_1093 = vector.broadcast %add3A_1092 : i32 to vector<16xi32>
        %add3A_1094 = arith.addi %bitcast3A_1085, %add3A_1093 : vector<16xi32>
        %add3A_1095 = arith.addi %add3A_1094, %and3A_1091 : vector<16xi32>
        %and3A_1096 = arith.constant -65536 : i32
        %and3A_1097 = vector.broadcast %and3A_1096 : i32 to vector<16xi32>
        %and3A_1098 = arith.andi %add3A_1095, %and3A_1097 : vector<16xi32>
        %bitcast3A_1099 = vector.bitcast %and3A_1098 : vector<16xi32> to vector<16xf32>
        %gather3A_1100 = tpu.vector_load_idx %arg8[%add3A_8, %add3A_1083] : memref<32x769xf32, #tpu.memory_space<vmem>>[vector<16xi32>, vector<16xi32>], vector<16xf32>,
        %bitcast3A_1101 = vector.bitcast %gather3A_1100 : vector<16xf32> to vector<16xi32>
        %shift_right_arithmetic3A_1102 = arith.constant 16 : i32
        %shift_right_arithmetic3A_1103 = vector.broadcast %shift_right_arithmetic3A_1102 : i32 to vector<16xi32>
        %shift_right_arithmetic3A_1104 = arith.shrsi %bitcast3A_1101, %shift_right_arithmetic3A_1103 : vector<16xi32>
        %and3A_1105 = arith.constant 1 : i32
        %and3A_1106 = vector.broadcast %and3A_1105 : i32 to vector<16xi32>
        %and3A_1107 = arith.andi %shift_right_arithmetic3A_1104, %and3A_1106 : vector<16xi32>
        %add3A_1108 = arith.constant 32767 : i32
        %add3A_1109 = vector.broadcast %add3A_1108 : i32 to vector<16xi32>
        %add3A_1110 = arith.addi %bitcast3A_1101, %add3A_1109 : vector<16xi32>
        %add3A_1111 = arith.addi %add3A_1110, %and3A_1107 : vector<16xi32>
        %and3A_1112 = arith.constant -65536 : i32
        %and3A_1113 = vector.broadcast %and3A_1112 : i32 to vector<16xi32>
        %and3A_1114 = arith.andi %add3A_1111, %and3A_1113 : vector<16xi32>
        %bitcast3A_1115 = vector.bitcast %and3A_1114 : vector<16xi32> to vector<16xf32>
        %slice3A_1116 = vector.extract_strided_slice %bitcast3A_641 {offsets = [3], sizes = [1], strides = [1]} : vector<16xf32> to vector<1xf32>
        %squeeze3A_1117 = vector.extract %slice3A_1116[0] : f32 from vector<1xf32>
        %mul3A_1118 = vector.broadcast %squeeze3A_1117 : f32 to vector<16xf32>
        %mul3A_1119 = arith.mulf %bitcast3A_1099, %mul3A_1118 : vector<16xf32>
        %add3A_1120 = arith.addf %add3A_1018, %mul3A_1119 : vector<16xf32>
        %mul3A_1121 = vector.broadcast %squeeze3A_1117 : f32 to vector<16xf32>
        %mul3A_1122 = arith.mulf %bitcast3A_1115, %mul3A_1121 : vector<16xf32>
        %add3A_1123 = arith.addf %add3A_1021, %mul3A_1122 : vector<16xf32>
        %slice3A_1124 = vector.extract_strided_slice %bitcast3A_660 {offsets = [3], sizes = [1], strides = [1]} : vector<16xf32> to vector<1xf32>
        %squeeze3A_1125 = vector.extract %slice3A_1124[0] : f32 from vector<1xf32>
        %mul3A_1126 = vector.broadcast %squeeze3A_1125 : f32 to vector<16xf32>
        %mul3A_1127 = arith.mulf %bitcast3A_1099, %mul3A_1126 : vector<16xf32>
        %add3A_1128 = arith.addf %add3A_1026, %mul3A_1127 : vector<16xf32>
        %mul3A_1129 = vector.broadcast %squeeze3A_1125 : f32 to vector<16xf32>
        %mul3A_1130 = arith.mulf %bitcast3A_1115, %mul3A_1129 : vector<16xf32>
        %add3A_1131 = arith.addf %add3A_1029, %mul3A_1130 : vector<16xf32>
        %slice3A_1132 = vector.extract_strided_slice %bitcast3A_679 {offsets = [3], sizes = [1], strides = [1]} : vector<16xf32> to vector<1xf32>
        %squeeze3A_1133 = vector.extract %slice3A_1132[0] : f32 from vector<1xf32>
        %mul3A_1134 = vector.broadcast %squeeze3A_1133 : f32 to vector<16xf32>
        %mul3A_1135 = arith.mulf %bitcast3A_1099, %mul3A_1134 : vector<16xf32>
        %add3A_1136 = arith.addf %add3A_1034, %mul3A_1135 : vector<16xf32>
        %mul3A_1137 = vector.broadcast %squeeze3A_1133 : f32 to vector<16xf32>
        %mul3A_1138 = arith.mulf %bitcast3A_1115, %mul3A_1137 : vector<16xf32>
        %add3A_1139 = arith.addf %add3A_1037, %mul3A_1138 : vector<16xf32>
        %slice3A_1140 = vector.extract_strided_slice %bitcast3A_698 {offsets = [3], sizes = [1], strides = [1]} : vector<16xf32> to vector<1xf32>
        %squeeze3A_1141 = vector.extract %slice3A_1140[0] : f32 from vector<1xf32>
        %mul3A_1142 = vector.broadcast %squeeze3A_1141 : f32 to vector<16xf32>
        %mul3A_1143 = arith.mulf %bitcast3A_1099, %mul3A_1142 : vector<16xf32>
        %add3A_1144 = arith.addf %add3A_1042, %mul3A_1143 : vector<16xf32>
        %mul3A_1145 = vector.broadcast %squeeze3A_1141 : f32 to vector<16xf32>
        %mul3A_1146 = arith.mulf %bitcast3A_1115, %mul3A_1145 : vector<16xf32>
        %add3A_1147 = arith.addf %add3A_1045, %mul3A_1146 : vector<16xf32>
        %slice3A_1148 = vector.extract_strided_slice %bitcast3A_717 {offsets = [3], sizes = [1], strides = [1]} : vector<16xf32> to vector<1xf32>
        %squeeze3A_1149 = vector.extract %slice3A_1148[0] : f32 from vector<1xf32>
        %mul3A_1150 = vector.broadcast %squeeze3A_1149 : f32 to vector<16xf32>
        %mul3A_1151 = arith.mulf %bitcast3A_1099, %mul3A_1150 : vector<16xf32>
        %add3A_1152 = arith.addf %add3A_1050, %mul3A_1151 : vector<16xf32>
        %mul3A_1153 = vector.broadcast %squeeze3A_1149 : f32 to vector<16xf32>
        %mul3A_1154 = arith.mulf %bitcast3A_1115, %mul3A_1153 : vector<16xf32>
        %add3A_1155 = arith.addf %add3A_1053, %mul3A_1154 : vector<16xf32>
        %slice3A_1156 = vector.extract_strided_slice %bitcast3A_736 {offsets = [3], sizes = [1], strides = [1]} : vector<16xf32> to vector<1xf32>
        %squeeze3A_1157 = vector.extract %slice3A_1156[0] : f32 from vector<1xf32>
        %mul3A_1158 = vector.broadcast %squeeze3A_1157 : f32 to vector<16xf32>
        %mul3A_1159 = arith.mulf %bitcast3A_1099, %mul3A_1158 : vector<16xf32>
        %add3A_1160 = arith.addf %add3A_1058, %mul3A_1159 : vector<16xf32>
        %mul3A_1161 = vector.broadcast %squeeze3A_1157 : f32 to vector<16xf32>
        %mul3A_1162 = arith.mulf %bitcast3A_1115, %mul3A_1161 : vector<16xf32>
        %add3A_1163 = arith.addf %add3A_1061, %mul3A_1162 : vector<16xf32>
        %slice3A_1164 = vector.extract_strided_slice %bitcast3A_755 {offsets = [3], sizes = [1], strides = [1]} : vector<16xf32> to vector<1xf32>
        %squeeze3A_1165 = vector.extract %slice3A_1164[0] : f32 from vector<1xf32>
        %mul3A_1166 = vector.broadcast %squeeze3A_1165 : f32 to vector<16xf32>
        %mul3A_1167 = arith.mulf %bitcast3A_1099, %mul3A_1166 : vector<16xf32>
        %add3A_1168 = arith.addf %add3A_1066, %mul3A_1167 : vector<16xf32>
        %mul3A_1169 = vector.broadcast %squeeze3A_1165 : f32 to vector<16xf32>
        %mul3A_1170 = arith.mulf %bitcast3A_1115, %mul3A_1169 : vector<16xf32>
        %add3A_1171 = arith.addf %add3A_1069, %mul3A_1170 : vector<16xf32>
        %slice3A_1172 = vector.extract_strided_slice %bitcast3A_774 {offsets = [3], sizes = [1], strides = [1]} : vector<16xf32> to vector<1xf32>
        %squeeze3A_1173 = vector.extract %slice3A_1172[0] : f32 from vector<1xf32>
        %mul3A_1174 = vector.broadcast %squeeze3A_1173 : f32 to vector<16xf32>
        %mul3A_1175 = arith.mulf %bitcast3A_1099, %mul3A_1174 : vector<16xf32>
        %add3A_1176 = arith.addf %add3A_1074, %mul3A_1175 : vector<16xf32>
        %mul3A_1177 = vector.broadcast %squeeze3A_1173 : f32 to vector<16xf32>
        %mul3A_1178 = arith.mulf %bitcast3A_1115, %mul3A_1177 : vector<16xf32>
        %add3A_1179 = arith.addf %add3A_1077, %mul3A_1178 : vector<16xf32>
        %broadcast_in_dim3A_1180 = arith.constant 0 : i32
        %broadcast_in_dim3A_1181 = vector.broadcast %broadcast_in_dim3A_1180 : i32 to vector<16xi32>
        %add3A_1182 = arith.constant 4 : i32
        %add3A_1183 = arith.addi %mul3A_625, %add3A_1182 : i32
        %add3A_1184 = vector.broadcast %add3A_1183 : i32 to vector<16xi32>
        %add3A_1185 = arith.addi %broadcast_in_dim3A_1181, %add3A_1184 : vector<16xi32>
        %gather3A_1186 = tpu.vector_load_idx %arg8[%add3A_5, %add3A_1185] : memref<32x769xf32, #tpu.memory_space<vmem>>[vector<16xi32>, vector<16xi32>], vector<16xf32>,
        %bitcast3A_1187 = vector.bitcast %gather3A_1186 : vector<16xf32> to vector<16xi32>
        %shift_right_arithmetic3A_1188 = arith.constant 16 : i32
        %shift_right_arithmetic3A_1189 = vector.broadcast %shift_right_arithmetic3A_1188 : i32 to vector<16xi32>
        %shift_right_arithmetic3A_1190 = arith.shrsi %bitcast3A_1187, %shift_right_arithmetic3A_1189 : vector<16xi32>
        %and3A_1191 = arith.constant 1 : i32
        %and3A_1192 = vector.broadcast %and3A_1191 : i32 to vector<16xi32>
        %and3A_1193 = arith.andi %shift_right_arithmetic3A_1190, %and3A_1192 : vector<16xi32>
        %add3A_1194 = arith.constant 32767 : i32
        %add3A_1195 = vector.broadcast %add3A_1194 : i32 to vector<16xi32>
        %add3A_1196 = arith.addi %bitcast3A_1187, %add3A_1195 : vector<16xi32>
        %add3A_1197 = arith.addi %add3A_1196, %and3A_1193 : vector<16xi32>
        %and3A_1198 = arith.constant -65536 : i32
        %and3A_1199 = vector.broadcast %and3A_1198 : i32 to vector<16xi32>
        %and3A_1200 = arith.andi %add3A_1197, %and3A_1199 : vector<16xi32>
        %bitcast3A_1201 = vector.bitcast %and3A_1200 : vector<16xi32> to vector<16xf32>
        %gather3A_1202 = tpu.vector_load_idx %arg8[%add3A_8, %add3A_1185] : memref<32x769xf32, #tpu.memory_space<vmem>>[vector<16xi32>, vector<16xi32>], vector<16xf32>,
        %bitcast3A_1203 = vector.bitcast %gather3A_1202 : vector<16xf32> to vector<16xi32>
        %shift_right_arithmetic3A_1204 = arith.constant 16 : i32
        %shift_right_arithmetic3A_1205 = vector.broadcast %shift_right_arithmetic3A_1204 : i32 to vector<16xi32>
        %shift_right_arithmetic3A_1206 = arith.shrsi %bitcast3A_1203, %shift_right_arithmetic3A_1205 : vector<16xi32>
        %and3A_1207 = arith.constant 1 : i32
        %and3A_1208 = vector.broadcast %and3A_1207 : i32 to vector<16xi32>
        %and3A_1209 = arith.andi %shift_right_arithmetic3A_1206, %and3A_1208 : vector<16xi32>
        %add3A_1210 = arith.constant 32767 : i32
        %add3A_1211 = vector.broadcast %add3A_1210 : i32 to vector<16xi32>
        %add3A_1212 = arith.addi %bitcast3A_1203, %add3A_1211 : vector<16xi32>
        %add3A_1213 = arith.addi %add3A_1212, %and3A_1209 : vector<16xi32>
        %and3A_1214 = arith.constant -65536 : i32
        %and3A_1215 = vector.broadcast %and3A_1214 : i32 to vector<16xi32>
        %and3A_1216 = arith.andi %add3A_1213, %and3A_1215 : vector<16xi32>
        %bitcast3A_1217 = vector.bitcast %and3A_1216 : vector<16xi32> to vector<16xf32>
        %slice3A_1218 = vector.extract_strided_slice %bitcast3A_641 {offsets = [4], sizes = [1], strides = [1]} : vector<16xf32> to vector<1xf32>
        %squeeze3A_1219 = vector.extract %slice3A_1218[0] : f32 from vector<1xf32>
        %mul3A_1220 = vector.broadcast %squeeze3A_1219 : f32 to vector<16xf32>
        %mul3A_1221 = arith.mulf %bitcast3A_1201, %mul3A_1220 : vector<16xf32>
        %add3A_1222 = arith.addf %add3A_1120, %mul3A_1221 : vector<16xf32>
        %mul3A_1223 = vector.broadcast %squeeze3A_1219 : f32 to vector<16xf32>
        %mul3A_1224 = arith.mulf %bitcast3A_1217, %mul3A_1223 : vector<16xf32>
        %add3A_1225 = arith.addf %add3A_1123, %mul3A_1224 : vector<16xf32>
        %slice3A_1226 = vector.extract_strided_slice %bitcast3A_660 {offsets = [4], sizes = [1], strides = [1]} : vector<16xf32> to vector<1xf32>
        %squeeze3A_1227 = vector.extract %slice3A_1226[0] : f32 from vector<1xf32>
        %mul3A_1228 = vector.broadcast %squeeze3A_1227 : f32 to vector<16xf32>
        %mul3A_1229 = arith.mulf %bitcast3A_1201, %mul3A_1228 : vector<16xf32>
        %add3A_1230 = arith.addf %add3A_1128, %mul3A_1229 : vector<16xf32>
        %mul3A_1231 = vector.broadcast %squeeze3A_1227 : f32 to vector<16xf32>
        %mul3A_1232 = arith.mulf %bitcast3A_1217, %mul3A_1231 : vector<16xf32>
        %add3A_1233 = arith.addf %add3A_1131, %mul3A_1232 : vector<16xf32>
        %slice3A_1234 = vector.extract_strided_slice %bitcast3A_679 {offsets = [4], sizes = [1], strides = [1]} : vector<16xf32> to vector<1xf32>
        %squeeze3A_1235 = vector.extract %slice3A_1234[0] : f32 from vector<1xf32>
        %mul3A_1236 = vector.broadcast %squeeze3A_1235 : f32 to vector<16xf32>
        %mul3A_1237 = arith.mulf %bitcast3A_1201, %mul3A_1236 : vector<16xf32>
        %add3A_1238 = arith.addf %add3A_1136, %mul3A_1237 : vector<16xf32>
        %mul3A_1239 = vector.broadcast %squeeze3A_1235 : f32 to vector<16xf32>
        %mul3A_1240 = arith.mulf %bitcast3A_1217, %mul3A_1239 : vector<16xf32>
        %add3A_1241 = arith.addf %add3A_1139, %mul3A_1240 : vector<16xf32>
        %slice3A_1242 = vector.extract_strided_slice %bitcast3A_698 {offsets = [4], sizes = [1], strides = [1]} : vector<16xf32> to vector<1xf32>
        %squeeze3A_1243 = vector.extract %slice3A_1242[0] : f32 from vector<1xf32>
        %mul3A_1244 = vector.broadcast %squeeze3A_1243 : f32 to vector<16xf32>
        %mul3A_1245 = arith.mulf %bitcast3A_1201, %mul3A_1244 : vector<16xf32>
        %add3A_1246 = arith.addf %add3A_1144, %mul3A_1245 : vector<16xf32>
        %mul3A_1247 = vector.broadcast %squeeze3A_1243 : f32 to vector<16xf32>
        %mul3A_1248 = arith.mulf %bitcast3A_1217, %mul3A_1247 : vector<16xf32>
        %add3A_1249 = arith.addf %add3A_1147, %mul3A_1248 : vector<16xf32>
        %slice3A_1250 = vector.extract_strided_slice %bitcast3A_717 {offsets = [4], sizes = [1], strides = [1]} : vector<16xf32> to vector<1xf32>
        %squeeze3A_1251 = vector.extract %slice3A_1250[0] : f32 from vector<1xf32>
        %mul3A_1252 = vector.broadcast %squeeze3A_1251 : f32 to vector<16xf32>
        %mul3A_1253 = arith.mulf %bitcast3A_1201, %mul3A_1252 : vector<16xf32>
        %add3A_1254 = arith.addf %add3A_1152, %mul3A_1253 : vector<16xf32>
        %mul3A_1255 = vector.broadcast %squeeze3A_1251 : f32 to vector<16xf32>
        %mul3A_1256 = arith.mulf %bitcast3A_1217, %mul3A_1255 : vector<16xf32>
        %add3A_1257 = arith.addf %add3A_1155, %mul3A_1256 : vector<16xf32>
        %slice3A_1258 = vector.extract_strided_slice %bitcast3A_736 {offsets = [4], sizes = [1], strides = [1]} : vector<16xf32> to vector<1xf32>
        %squeeze3A_1259 = vector.extract %slice3A_1258[0] : f32 from vector<1xf32>
        %mul3A_1260 = vector.broadcast %squeeze3A_1259 : f32 to vector<16xf32>
        %mul3A_1261 = arith.mulf %bitcast3A_1201, %mul3A_1260 : vector<16xf32>
        %add3A_1262 = arith.addf %add3A_1160, %mul3A_1261 : vector<16xf32>
        %mul3A_1263 = vector.broadcast %squeeze3A_1259 : f32 to vector<16xf32>
        %mul3A_1264 = arith.mulf %bitcast3A_1217, %mul3A_1263 : vector<16xf32>
        %add3A_1265 = arith.addf %add3A_1163, %mul3A_1264 : vector<16xf32>
        %slice3A_1266 = vector.extract_strided_slice %bitcast3A_755 {offsets = [4], sizes = [1], strides = [1]} : vector<16xf32> to vector<1xf32>
        %squeeze3A_1267 = vector.extract %slice3A_1266[0] : f32 from vector<1xf32>
        %mul3A_1268 = vector.broadcast %squeeze3A_1267 : f32 to vector<16xf32>
        %mul3A_1269 = arith.mulf %bitcast3A_1201, %mul3A_1268 : vector<16xf32>
        %add3A_1270 = arith.addf %add3A_1168, %mul3A_1269 : vector<16xf32>
        %mul3A_1271 = vector.broadcast %squeeze3A_1267 : f32 to vector<16xf32>
        %mul3A_1272 = arith.mulf %bitcast3A_1217, %mul3A_1271 : vector<16xf32>
        %add3A_1273 = arith.addf %add3A_1171, %mul3A_1272 : vector<16xf32>
        %slice3A_1274 = vector.extract_strided_slice %bitcast3A_774 {offsets = [4], sizes = [1], strides = [1]} : vector<16xf32> to vector<1xf32>
        %squeeze3A_1275 = vector.extract %slice3A_1274[0] : f32 from vector<1xf32>
        %mul3A_1276 = vector.broadcast %squeeze3A_1275 : f32 to vector<16xf32>
        %mul3A_1277 = arith.mulf %bitcast3A_1201, %mul3A_1276 : vector<16xf32>
        %add3A_1278 = arith.addf %add3A_1176, %mul3A_1277 : vector<16xf32>
        %mul3A_1279 = vector.broadcast %squeeze3A_1275 : f32 to vector<16xf32>
        %mul3A_1280 = arith.mulf %bitcast3A_1217, %mul3A_1279 : vector<16xf32>
        %add3A_1281 = arith.addf %add3A_1179, %mul3A_1280 : vector<16xf32>
        %broadcast_in_dim3A_1282 = arith.constant 0 : i32
        %broadcast_in_dim3A_1283 = vector.broadcast %broadcast_in_dim3A_1282 : i32 to vector<16xi32>
        %add3A_1284 = arith.constant 5 : i32
        %add3A_1285 = arith.addi %mul3A_625, %add3A_1284 : i32
        %add3A_1286 = vector.broadcast %add3A_1285 : i32 to vector<16xi32>
        %add3A_1287 = arith.addi %broadcast_in_dim3A_1283, %add3A_1286 : vector<16xi32>
        %gather3A_1288 = tpu.vector_load_idx %arg8[%add3A_5, %add3A_1287] : memref<32x769xf32, #tpu.memory_space<vmem>>[vector<16xi32>, vector<16xi32>], vector<16xf32>,
        %bitcast3A_1289 = vector.bitcast %gather3A_1288 : vector<16xf32> to vector<16xi32>
        %shift_right_arithmetic3A_1290 = arith.constant 16 : i32
        %shift_right_arithmetic3A_1291 = vector.broadcast %shift_right_arithmetic3A_1290 : i32 to vector<16xi32>
        %shift_right_arithmetic3A_1292 = arith.shrsi %bitcast3A_1289, %shift_right_arithmetic3A_1291 : vector<16xi32>
        %and3A_1293 = arith.constant 1 : i32
        %and3A_1294 = vector.broadcast %and3A_1293 : i32 to vector<16xi32>
        %and3A_1295 = arith.andi %shift_right_arithmetic3A_1292, %and3A_1294 : vector<16xi32>
        %add3A_1296 = arith.constant 32767 : i32
        %add3A_1297 = vector.broadcast %add3A_1296 : i32 to vector<16xi32>
        %add3A_1298 = arith.addi %bitcast3A_1289, %add3A_1297 : vector<16xi32>
        %add3A_1299 = arith.addi %add3A_1298, %and3A_1295 : vector<16xi32>
        %and3A_1300 = arith.constant -65536 : i32
        %and3A_1301 = vector.broadcast %and3A_1300 : i32 to vector<16xi32>
        %and3A_1302 = arith.andi %add3A_1299, %and3A_1301 : vector<16xi32>
        %bitcast3A_1303 = vector.bitcast %and3A_1302 : vector<16xi32> to vector<16xf32>
        %gather3A_1304 = tpu.vector_load_idx %arg8[%add3A_8, %add3A_1287] : memref<32x769xf32, #tpu.memory_space<vmem>>[vector<16xi32>, vector<16xi32>], vector<16xf32>,
        %bitcast3A_1305 = vector.bitcast %gather3A_1304 : vector<16xf32> to vector<16xi32>
        %shift_right_arithmetic3A_1306 = arith.constant 16 : i32
        %shift_right_arithmetic3A_1307 = vector.broadcast %shift_right_arithmetic3A_1306 : i32 to vector<16xi32>
        %shift_right_arithmetic3A_1308 = arith.shrsi %bitcast3A_1305, %shift_right_arithmetic3A_1307 : vector<16xi32>
        %and3A_1309 = arith.constant 1 : i32
        %and3A_1310 = vector.broadcast %and3A_1309 : i32 to vector<16xi32>
        %and3A_1311 = arith.andi %shift_right_arithmetic3A_1308, %and3A_1310 : vector<16xi32>
        %add3A_1312 = arith.constant 32767 : i32
        %add3A_1313 = vector.broadcast %add3A_1312 : i32 to vector<16xi32>
        %add3A_1314 = arith.addi %bitcast3A_1305, %add3A_1313 : vector<16xi32>
        %add3A_1315 = arith.addi %add3A_1314, %and3A_1311 : vector<16xi32>
        %and3A_1316 = arith.constant -65536 : i32
        %and3A_1317 = vector.broadcast %and3A_1316 : i32 to vector<16xi32>
        %and3A_1318 = arith.andi %add3A_1315, %and3A_1317 : vector<16xi32>
        %bitcast3A_1319 = vector.bitcast %and3A_1318 : vector<16xi32> to vector<16xf32>
        %slice3A_1320 = vector.extract_strided_slice %bitcast3A_641 {offsets = [5], sizes = [1], strides = [1]} : vector<16xf32> to vector<1xf32>
        %squeeze3A_1321 = vector.extract %slice3A_1320[0] : f32 from vector<1xf32>
        %mul3A_1322 = vector.broadcast %squeeze3A_1321 : f32 to vector<16xf32>
        %mul3A_1323 = arith.mulf %bitcast3A_1303, %mul3A_1322 : vector<16xf32>
        %add3A_1324 = arith.addf %add3A_1222, %mul3A_1323 : vector<16xf32>
        %mul3A_1325 = vector.broadcast %squeeze3A_1321 : f32 to vector<16xf32>
        %mul3A_1326 = arith.mulf %bitcast3A_1319, %mul3A_1325 : vector<16xf32>
        %add3A_1327 = arith.addf %add3A_1225, %mul3A_1326 : vector<16xf32>
        %slice3A_1328 = vector.extract_strided_slice %bitcast3A_660 {offsets = [5], sizes = [1], strides = [1]} : vector<16xf32> to vector<1xf32>
        %squeeze3A_1329 = vector.extract %slice3A_1328[0] : f32 from vector<1xf32>
        %mul3A_1330 = vector.broadcast %squeeze3A_1329 : f32 to vector<16xf32>
        %mul3A_1331 = arith.mulf %bitcast3A_1303, %mul3A_1330 : vector<16xf32>
        %add3A_1332 = arith.addf %add3A_1230, %mul3A_1331 : vector<16xf32>
        %mul3A_1333 = vector.broadcast %squeeze3A_1329 : f32 to vector<16xf32>
        %mul3A_1334 = arith.mulf %bitcast3A_1319, %mul3A_1333 : vector<16xf32>
        %add3A_1335 = arith.addf %add3A_1233, %mul3A_1334 : vector<16xf32>
        %slice3A_1336 = vector.extract_strided_slice %bitcast3A_679 {offsets = [5], sizes = [1], strides = [1]} : vector<16xf32> to vector<1xf32>
        %squeeze3A_1337 = vector.extract %slice3A_1336[0] : f32 from vector<1xf32>
        %mul3A_1338 = vector.broadcast %squeeze3A_1337 : f32 to vector<16xf32>
        %mul3A_1339 = arith.mulf %bitcast3A_1303, %mul3A_1338 : vector<16xf32>
        %add3A_1340 = arith.addf %add3A_1238, %mul3A_1339 : vector<16xf32>
        %mul3A_1341 = vector.broadcast %squeeze3A_1337 : f32 to vector<16xf32>
        %mul3A_1342 = arith.mulf %bitcast3A_1319, %mul3A_1341 : vector<16xf32>
        %add3A_1343 = arith.addf %add3A_1241, %mul3A_1342 : vector<16xf32>
        %slice3A_1344 = vector.extract_strided_slice %bitcast3A_698 {offsets = [5], sizes = [1], strides = [1]} : vector<16xf32> to vector<1xf32>
        %squeeze3A_1345 = vector.extract %slice3A_1344[0] : f32 from vector<1xf32>
        %mul3A_1346 = vector.broadcast %squeeze3A_1345 : f32 to vector<16xf32>
        %mul3A_1347 = arith.mulf %bitcast3A_1303, %mul3A_1346 : vector<16xf32>
        %add3A_1348 = arith.addf %add3A_1246, %mul3A_1347 : vector<16xf32>
        %mul3A_1349 = vector.broadcast %squeeze3A_1345 : f32 to vector<16xf32>
        %mul3A_1350 = arith.mulf %bitcast3A_1319, %mul3A_1349 : vector<16xf32>
        %add3A_1351 = arith.addf %add3A_1249, %mul3A_1350 : vector<16xf32>
        %slice3A_1352 = vector.extract_strided_slice %bitcast3A_717 {offsets = [5], sizes = [1], strides = [1]} : vector<16xf32> to vector<1xf32>
        %squeeze3A_1353 = vector.extract %slice3A_1352[0] : f32 from vector<1xf32>
        %mul3A_1354 = vector.broadcast %squeeze3A_1353 : f32 to vector<16xf32>
        %mul3A_1355 = arith.mulf %bitcast3A_1303, %mul3A_1354 : vector<16xf32>
        %add3A_1356 = arith.addf %add3A_1254, %mul3A_1355 : vector<16xf32>
        %mul3A_1357 = vector.broadcast %squeeze3A_1353 : f32 to vector<16xf32>
        %mul3A_1358 = arith.mulf %bitcast3A_1319, %mul3A_1357 : vector<16xf32>
        %add3A_1359 = arith.addf %add3A_1257, %mul3A_1358 : vector<16xf32>
        %slice3A_1360 = vector.extract_strided_slice %bitcast3A_736 {offsets = [5], sizes = [1], strides = [1]} : vector<16xf32> to vector<1xf32>
        %squeeze3A_1361 = vector.extract %slice3A_1360[0] : f32 from vector<1xf32>
        %mul3A_1362 = vector.broadcast %squeeze3A_1361 : f32 to vector<16xf32>
        %mul3A_1363 = arith.mulf %bitcast3A_1303, %mul3A_1362 : vector<16xf32>
        %add3A_1364 = arith.addf %add3A_1262, %mul3A_1363 : vector<16xf32>
        %mul3A_1365 = vector.broadcast %squeeze3A_1361 : f32 to vector<16xf32>
        %mul3A_1366 = arith.mulf %bitcast3A_1319, %mul3A_1365 : vector<16xf32>
        %add3A_1367 = arith.addf %add3A_1265, %mul3A_1366 : vector<16xf32>
        %slice3A_1368 = vector.extract_strided_slice %bitcast3A_755 {offsets = [5], sizes = [1], strides = [1]} : vector<16xf32> to vector<1xf32>
        %squeeze3A_1369 = vector.extract %slice3A_1368[0] : f32 from vector<1xf32>
        %mul3A_1370 = vector.broadcast %squeeze3A_1369 : f32 to vector<16xf32>
        %mul3A_1371 = arith.mulf %bitcast3A_1303, %mul3A_1370 : vector<16xf32>
        %add3A_1372 = arith.addf %add3A_1270, %mul3A_1371 : vector<16xf32>
        %mul3A_1373 = vector.broadcast %squeeze3A_1369 : f32 to vector<16xf32>
        %mul3A_1374 = arith.mulf %bitcast3A_1319, %mul3A_1373 : vector<16xf32>
        %add3A_1375 = arith.addf %add3A_1273, %mul3A_1374 : vector<16xf32>
        %slice3A_1376 = vector.extract_strided_slice %bitcast3A_774 {offsets = [5], sizes = [1], strides = [1]} : vector<16xf32> to vector<1xf32>
        %squeeze3A_1377 = vector.extract %slice3A_1376[0] : f32 from vector<1xf32>
        %mul3A_1378 = vector.broadcast %squeeze3A_1377 : f32 to vector<16xf32>
        %mul3A_1379 = arith.mulf %bitcast3A_1303, %mul3A_1378 : vector<16xf32>
        %add3A_1380 = arith.addf %add3A_1278, %mul3A_1379 : vector<16xf32>
        %mul3A_1381 = vector.broadcast %squeeze3A_1377 : f32 to vector<16xf32>
        %mul3A_1382 = arith.mulf %bitcast3A_1319, %mul3A_1381 : vector<16xf32>
        %add3A_1383 = arith.addf %add3A_1281, %mul3A_1382 : vector<16xf32>
        %broadcast_in_dim3A_1384 = arith.constant 0 : i32
        %broadcast_in_dim3A_1385 = vector.broadcast %broadcast_in_dim3A_1384 : i32 to vector<16xi32>
        %add3A_1386 = arith.constant 6 : i32
        %add3A_1387 = arith.addi %mul3A_625, %add3A_1386 : i32
        %add3A_1388 = vector.broadcast %add3A_1387 : i32 to vector<16xi32>
        %add3A_1389 = arith.addi %broadcast_in_dim3A_1385, %add3A_1388 : vector<16xi32>
        %gather3A_1390 = tpu.vector_load_idx %arg8[%add3A_5, %add3A_1389] : memref<32x769xf32, #tpu.memory_space<vmem>>[vector<16xi32>, vector<16xi32>], vector<16xf32>,
        %bitcast3A_1391 = vector.bitcast %gather3A_1390 : vector<16xf32> to vector<16xi32>
        %shift_right_arithmetic3A_1392 = arith.constant 16 : i32
        %shift_right_arithmetic3A_1393 = vector.broadcast %shift_right_arithmetic3A_1392 : i32 to vector<16xi32>
        %shift_right_arithmetic3A_1394 = arith.shrsi %bitcast3A_1391, %shift_right_arithmetic3A_1393 : vector<16xi32>
        %and3A_1395 = arith.constant 1 : i32
        %and3A_1396 = vector.broadcast %and3A_1395 : i32 to vector<16xi32>
        %and3A_1397 = arith.andi %shift_right_arithmetic3A_1394, %and3A_1396 : vector<16xi32>
        %add3A_1398 = arith.constant 32767 : i32
        %add3A_1399 = vector.broadcast %add3A_1398 : i32 to vector<16xi32>
        %add3A_1400 = arith.addi %bitcast3A_1391, %add3A_1399 : vector<16xi32>
        %add3A_1401 = arith.addi %add3A_1400, %and3A_1397 : vector<16xi32>
        %and3A_1402 = arith.constant -65536 : i32
        %and3A_1403 = vector.broadcast %and3A_1402 : i32 to vector<16xi32>
        %and3A_1404 = arith.andi %add3A_1401, %and3A_1403 : vector<16xi32>
        %bitcast3A_1405 = vector.bitcast %and3A_1404 : vector<16xi32> to vector<16xf32>
        %gather3A_1406 = tpu.vector_load_idx %arg8[%add3A_8, %add3A_1389] : memref<32x769xf32, #tpu.memory_space<vmem>>[vector<16xi32>, vector<16xi32>], vector<16xf32>,
        %bitcast3A_1407 = vector.bitcast %gather3A_1406 : vector<16xf32> to vector<16xi32>
        %shift_right_arithmetic3A_1408 = arith.constant 16 : i32
        %shift_right_arithmetic3A_1409 = vector.broadcast %shift_right_arithmetic3A_1408 : i32 to vector<16xi32>
        %shift_right_arithmetic3A_1410 = arith.shrsi %bitcast3A_1407, %shift_right_arithmetic3A_1409 : vector<16xi32>
        %and3A_1411 = arith.constant 1 : i32
        %and3A_1412 = vector.broadcast %and3A_1411 : i32 to vector<16xi32>
        %and3A_1413 = arith.andi %shift_right_arithmetic3A_1410, %and3A_1412 : vector<16xi32>
        %add3A_1414 = arith.constant 32767 : i32
        %add3A_1415 = vector.broadcast %add3A_1414 : i32 to vector<16xi32>
        %add3A_1416 = arith.addi %bitcast3A_1407, %add3A_1415 : vector<16xi32>
        %add3A_1417 = arith.addi %add3A_1416, %and3A_1413 : vector<16xi32>
        %and3A_1418 = arith.constant -65536 : i32
        %and3A_1419 = vector.broadcast %and3A_1418 : i32 to vector<16xi32>
        %and3A_1420 = arith.andi %add3A_1417, %and3A_1419 : vector<16xi32>
        %bitcast3A_1421 = vector.bitcast %and3A_1420 : vector<16xi32> to vector<16xf32>
        %slice3A_1422 = vector.extract_strided_slice %bitcast3A_641 {offsets = [6], sizes = [1], strides = [1]} : vector<16xf32> to vector<1xf32>
        %squeeze3A_1423 = vector.extract %slice3A_1422[0] : f32 from vector<1xf32>
        %mul3A_1424 = vector.broadcast %squeeze3A_1423 : f32 to vector<16xf32>
        %mul3A_1425 = arith.mulf %bitcast3A_1405, %mul3A_1424 : vector<16xf32>
        %add3A_1426 = arith.addf %add3A_1324, %mul3A_1425 : vector<16xf32>
        %mul3A_1427 = vector.broadcast %squeeze3A_1423 : f32 to vector<16xf32>
        %mul3A_1428 = arith.mulf %bitcast3A_1421, %mul3A_1427 : vector<16xf32>
        %add3A_1429 = arith.addf %add3A_1327, %mul3A_1428 : vector<16xf32>
        %slice3A_1430 = vector.extract_strided_slice %bitcast3A_660 {offsets = [6], sizes = [1], strides = [1]} : vector<16xf32> to vector<1xf32>
        %squeeze3A_1431 = vector.extract %slice3A_1430[0] : f32 from vector<1xf32>
        %mul3A_1432 = vector.broadcast %squeeze3A_1431 : f32 to vector<16xf32>
        %mul3A_1433 = arith.mulf %bitcast3A_1405, %mul3A_1432 : vector<16xf32>
        %add3A_1434 = arith.addf %add3A_1332, %mul3A_1433 : vector<16xf32>
        %mul3A_1435 = vector.broadcast %squeeze3A_1431 : f32 to vector<16xf32>
        %mul3A_1436 = arith.mulf %bitcast3A_1421, %mul3A_1435 : vector<16xf32>
        %add3A_1437 = arith.addf %add3A_1335, %mul3A_1436 : vector<16xf32>
        %slice3A_1438 = vector.extract_strided_slice %bitcast3A_679 {offsets = [6], sizes = [1], strides = [1]} : vector<16xf32> to vector<1xf32>
        %squeeze3A_1439 = vector.extract %slice3A_1438[0] : f32 from vector<1xf32>
        %mul3A_1440 = vector.broadcast %squeeze3A_1439 : f32 to vector<16xf32>
        %mul3A_1441 = arith.mulf %bitcast3A_1405, %mul3A_1440 : vector<16xf32>
        %add3A_1442 = arith.addf %add3A_1340, %mul3A_1441 : vector<16xf32>
        %mul3A_1443 = vector.broadcast %squeeze3A_1439 : f32 to vector<16xf32>
        %mul3A_1444 = arith.mulf %bitcast3A_1421, %mul3A_1443 : vector<16xf32>
        %add3A_1445 = arith.addf %add3A_1343, %mul3A_1444 : vector<16xf32>
        %slice3A_1446 = vector.extract_strided_slice %bitcast3A_698 {offsets = [6], sizes = [1], strides = [1]} : vector<16xf32> to vector<1xf32>
        %squeeze3A_1447 = vector.extract %slice3A_1446[0] : f32 from vector<1xf32>
        %mul3A_1448 = vector.broadcast %squeeze3A_1447 : f32 to vector<16xf32>
        %mul3A_1449 = arith.mulf %bitcast3A_1405, %mul3A_1448 : vector<16xf32>
        %add3A_1450 = arith.addf %add3A_1348, %mul3A_1449 : vector<16xf32>
        %mul3A_1451 = vector.broadcast %squeeze3A_1447 : f32 to vector<16xf32>
        %mul3A_1452 = arith.mulf %bitcast3A_1421, %mul3A_1451 : vector<16xf32>
        %add3A_1453 = arith.addf %add3A_1351, %mul3A_1452 : vector<16xf32>
        %slice3A_1454 = vector.extract_strided_slice %bitcast3A_717 {offsets = [6], sizes = [1], strides = [1]} : vector<16xf32> to vector<1xf32>
        %squeeze3A_1455 = vector.extract %slice3A_1454[0] : f32 from vector<1xf32>
        %mul3A_1456 = vector.broadcast %squeeze3A_1455 : f32 to vector<16xf32>
        %mul3A_1457 = arith.mulf %bitcast3A_1405, %mul3A_1456 : vector<16xf32>
        %add3A_1458 = arith.addf %add3A_1356, %mul3A_1457 : vector<16xf32>
        %mul3A_1459 = vector.broadcast %squeeze3A_1455 : f32 to vector<16xf32>
        %mul3A_1460 = arith.mulf %bitcast3A_1421, %mul3A_1459 : vector<16xf32>
        %add3A_1461 = arith.addf %add3A_1359, %mul3A_1460 : vector<16xf32>
        %slice3A_1462 = vector.extract_strided_slice %bitcast3A_736 {offsets = [6], sizes = [1], strides = [1]} : vector<16xf32> to vector<1xf32>
        %squeeze3A_1463 = vector.extract %slice3A_1462[0] : f32 from vector<1xf32>
        %mul3A_1464 = vector.broadcast %squeeze3A_1463 : f32 to vector<16xf32>
        %mul3A_1465 = arith.mulf %bitcast3A_1405, %mul3A_1464 : vector<16xf32>
        %add3A_1466 = arith.addf %add3A_1364, %mul3A_1465 : vector<16xf32>
        %mul3A_1467 = vector.broadcast %squeeze3A_1463 : f32 to vector<16xf32>
        %mul3A_1468 = arith.mulf %bitcast3A_1421, %mul3A_1467 : vector<16xf32>
        %add3A_1469 = arith.addf %add3A_1367, %mul3A_1468 : vector<16xf32>
        %slice3A_1470 = vector.extract_strided_slice %bitcast3A_755 {offsets = [6], sizes = [1], strides = [1]} : vector<16xf32> to vector<1xf32>
        %squeeze3A_1471 = vector.extract %slice3A_1470[0] : f32 from vector<1xf32>
        %mul3A_1472 = vector.broadcast %squeeze3A_1471 : f32 to vector<16xf32>
        %mul3A_1473 = arith.mulf %bitcast3A_1405, %mul3A_1472 : vector<16xf32>
        %add3A_1474 = arith.addf %add3A_1372, %mul3A_1473 : vector<16xf32>
        %mul3A_1475 = vector.broadcast %squeeze3A_1471 : f32 to vector<16xf32>
        %mul3A_1476 = arith.mulf %bitcast3A_1421, %mul3A_1475 : vector<16xf32>
        %add3A_1477 = arith.addf %add3A_1375, %mul3A_1476 : vector<16xf32>
        %slice3A_1478 = vector.extract_strided_slice %bitcast3A_774 {offsets = [6], sizes = [1], strides = [1]} : vector<16xf32> to vector<1xf32>
        %squeeze3A_1479 = vector.extract %slice3A_1478[0] : f32 from vector<1xf32>
        %mul3A_1480 = vector.broadcast %squeeze3A_1479 : f32 to vector<16xf32>
        %mul3A_1481 = arith.mulf %bitcast3A_1405, %mul3A_1480 : vector<16xf32>
        %add3A_1482 = arith.addf %add3A_1380, %mul3A_1481 : vector<16xf32>
        %mul3A_1483 = vector.broadcast %squeeze3A_1479 : f32 to vector<16xf32>
        %mul3A_1484 = arith.mulf %bitcast3A_1421, %mul3A_1483 : vector<16xf32>
        %add3A_1485 = arith.addf %add3A_1383, %mul3A_1484 : vector<16xf32>
        %broadcast_in_dim3A_1486 = arith.constant 0 : i32
        %broadcast_in_dim3A_1487 = vector.broadcast %broadcast_in_dim3A_1486 : i32 to vector<16xi32>
        %add3A_1488 = arith.constant 7 : i32
        %add3A_1489 = arith.addi %mul3A_625, %add3A_1488 : i32
        %add3A_1490 = vector.broadcast %add3A_1489 : i32 to vector<16xi32>
        %add3A_1491 = arith.addi %broadcast_in_dim3A_1487, %add3A_1490 : vector<16xi32>
        %gather3A_1492 = tpu.vector_load_idx %arg8[%add3A_5, %add3A_1491] : memref<32x769xf32, #tpu.memory_space<vmem>>[vector<16xi32>, vector<16xi32>], vector<16xf32>,
        %bitcast3A_1493 = vector.bitcast %gather3A_1492 : vector<16xf32> to vector<16xi32>
        %shift_right_arithmetic3A_1494 = arith.constant 16 : i32
        %shift_right_arithmetic3A_1495 = vector.broadcast %shift_right_arithmetic3A_1494 : i32 to vector<16xi32>
        %shift_right_arithmetic3A_1496 = arith.shrsi %bitcast3A_1493, %shift_right_arithmetic3A_1495 : vector<16xi32>
        %and3A_1497 = arith.constant 1 : i32
        %and3A_1498 = vector.broadcast %and3A_1497 : i32 to vector<16xi32>
        %and3A_1499 = arith.andi %shift_right_arithmetic3A_1496, %and3A_1498 : vector<16xi32>
        %add3A_1500 = arith.constant 32767 : i32
        %add3A_1501 = vector.broadcast %add3A_1500 : i32 to vector<16xi32>
        %add3A_1502 = arith.addi %bitcast3A_1493, %add3A_1501 : vector<16xi32>
        %add3A_1503 = arith.addi %add3A_1502, %and3A_1499 : vector<16xi32>
        %and3A_1504 = arith.constant -65536 : i32
        %and3A_1505 = vector.broadcast %and3A_1504 : i32 to vector<16xi32>
        %and3A_1506 = arith.andi %add3A_1503, %and3A_1505 : vector<16xi32>
        %bitcast3A_1507 = vector.bitcast %and3A_1506 : vector<16xi32> to vector<16xf32>
        %gather3A_1508 = tpu.vector_load_idx %arg8[%add3A_8, %add3A_1491] : memref<32x769xf32, #tpu.memory_space<vmem>>[vector<16xi32>, vector<16xi32>], vector<16xf32>,
        %bitcast3A_1509 = vector.bitcast %gather3A_1508 : vector<16xf32> to vector<16xi32>
        %shift_right_arithmetic3A_1510 = arith.constant 16 : i32
        %shift_right_arithmetic3A_1511 = vector.broadcast %shift_right_arithmetic3A_1510 : i32 to vector<16xi32>
        %shift_right_arithmetic3A_1512 = arith.shrsi %bitcast3A_1509, %shift_right_arithmetic3A_1511 : vector<16xi32>
        %and3A_1513 = arith.constant 1 : i32
        %and3A_1514 = vector.broadcast %and3A_1513 : i32 to vector<16xi32>
        %and3A_1515 = arith.andi %shift_right_arithmetic3A_1512, %and3A_1514 : vector<16xi32>
        %add3A_1516 = arith.constant 32767 : i32
        %add3A_1517 = vector.broadcast %add3A_1516 : i32 to vector<16xi32>
        %add3A_1518 = arith.addi %bitcast3A_1509, %add3A_1517 : vector<16xi32>
        %add3A_1519 = arith.addi %add3A_1518, %and3A_1515 : vector<16xi32>
        %and3A_1520 = arith.constant -65536 : i32
        %and3A_1521 = vector.broadcast %and3A_1520 : i32 to vector<16xi32>
        %and3A_1522 = arith.andi %add3A_1519, %and3A_1521 : vector<16xi32>
        %bitcast3A_1523 = vector.bitcast %and3A_1522 : vector<16xi32> to vector<16xf32>
        %slice3A_1524 = vector.extract_strided_slice %bitcast3A_641 {offsets = [7], sizes = [1], strides = [1]} : vector<16xf32> to vector<1xf32>
        %squeeze3A_1525 = vector.extract %slice3A_1524[0] : f32 from vector<1xf32>
        %mul3A_1526 = vector.broadcast %squeeze3A_1525 : f32 to vector<16xf32>
        %mul3A_1527 = arith.mulf %bitcast3A_1507, %mul3A_1526 : vector<16xf32>
        %add3A_1528 = arith.addf %add3A_1426, %mul3A_1527 : vector<16xf32>
        %mul3A_1529 = vector.broadcast %squeeze3A_1525 : f32 to vector<16xf32>
        %mul3A_1530 = arith.mulf %bitcast3A_1523, %mul3A_1529 : vector<16xf32>
        %add3A_1531 = arith.addf %add3A_1429, %mul3A_1530 : vector<16xf32>
        %slice3A_1532 = vector.extract_strided_slice %bitcast3A_660 {offsets = [7], sizes = [1], strides = [1]} : vector<16xf32> to vector<1xf32>
        %squeeze3A_1533 = vector.extract %slice3A_1532[0] : f32 from vector<1xf32>
        %mul3A_1534 = vector.broadcast %squeeze3A_1533 : f32 to vector<16xf32>
        %mul3A_1535 = arith.mulf %bitcast3A_1507, %mul3A_1534 : vector<16xf32>
        %add3A_1536 = arith.addf %add3A_1434, %mul3A_1535 : vector<16xf32>
        %mul3A_1537 = vector.broadcast %squeeze3A_1533 : f32 to vector<16xf32>
        %mul3A_1538 = arith.mulf %bitcast3A_1523, %mul3A_1537 : vector<16xf32>
        %add3A_1539 = arith.addf %add3A_1437, %mul3A_1538 : vector<16xf32>
        %slice3A_1540 = vector.extract_strided_slice %bitcast3A_679 {offsets = [7], sizes = [1], strides = [1]} : vector<16xf32> to vector<1xf32>
        %squeeze3A_1541 = vector.extract %slice3A_1540[0] : f32 from vector<1xf32>
        %mul3A_1542 = vector.broadcast %squeeze3A_1541 : f32 to vector<16xf32>
        %mul3A_1543 = arith.mulf %bitcast3A_1507, %mul3A_1542 : vector<16xf32>
        %add3A_1544 = arith.addf %add3A_1442, %mul3A_1543 : vector<16xf32>
        %mul3A_1545 = vector.broadcast %squeeze3A_1541 : f32 to vector<16xf32>
        %mul3A_1546 = arith.mulf %bitcast3A_1523, %mul3A_1545 : vector<16xf32>
        %add3A_1547 = arith.addf %add3A_1445, %mul3A_1546 : vector<16xf32>
        %slice3A_1548 = vector.extract_strided_slice %bitcast3A_698 {offsets = [7], sizes = [1], strides = [1]} : vector<16xf32> to vector<1xf32>
        %squeeze3A_1549 = vector.extract %slice3A_1548[0] : f32 from vector<1xf32>
        %mul3A_1550 = vector.broadcast %squeeze3A_1549 : f32 to vector<16xf32>
        %mul3A_1551 = arith.mulf %bitcast3A_1507, %mul3A_1550 : vector<16xf32>
        %add3A_1552 = arith.addf %add3A_1450, %mul3A_1551 : vector<16xf32>
        %mul3A_1553 = vector.broadcast %squeeze3A_1549 : f32 to vector<16xf32>
        %mul3A_1554 = arith.mulf %bitcast3A_1523, %mul3A_1553 : vector<16xf32>
        %add3A_1555 = arith.addf %add3A_1453, %mul3A_1554 : vector<16xf32>
        %slice3A_1556 = vector.extract_strided_slice %bitcast3A_717 {offsets = [7], sizes = [1], strides = [1]} : vector<16xf32> to vector<1xf32>
        %squeeze3A_1557 = vector.extract %slice3A_1556[0] : f32 from vector<1xf32>
        %mul3A_1558 = vector.broadcast %squeeze3A_1557 : f32 to vector<16xf32>
        %mul3A_1559 = arith.mulf %bitcast3A_1507, %mul3A_1558 : vector<16xf32>
        %add3A_1560 = arith.addf %add3A_1458, %mul3A_1559 : vector<16xf32>
        %mul3A_1561 = vector.broadcast %squeeze3A_1557 : f32 to vector<16xf32>
        %mul3A_1562 = arith.mulf %bitcast3A_1523, %mul3A_1561 : vector<16xf32>
        %add3A_1563 = arith.addf %add3A_1461, %mul3A_1562 : vector<16xf32>
        %slice3A_1564 = vector.extract_strided_slice %bitcast3A_736 {offsets = [7], sizes = [1], strides = [1]} : vector<16xf32> to vector<1xf32>
        %squeeze3A_1565 = vector.extract %slice3A_1564[0] : f32 from vector<1xf32>
        %mul3A_1566 = vector.broadcast %squeeze3A_1565 : f32 to vector<16xf32>
        %mul3A_1567 = arith.mulf %bitcast3A_1507, %mul3A_1566 : vector<16xf32>
        %add3A_1568 = arith.addf %add3A_1466, %mul3A_1567 : vector<16xf32>
        %mul3A_1569 = vector.broadcast %squeeze3A_1565 : f32 to vector<16xf32>
        %mul3A_1570 = arith.mulf %bitcast3A_1523, %mul3A_1569 : vector<16xf32>
        %add3A_1571 = arith.addf %add3A_1469, %mul3A_1570 : vector<16xf32>
        %slice3A_1572 = vector.extract_strided_slice %bitcast3A_755 {offsets = [7], sizes = [1], strides = [1]} : vector<16xf32> to vector<1xf32>
        %squeeze3A_1573 = vector.extract %slice3A_1572[0] : f32 from vector<1xf32>
        %mul3A_1574 = vector.broadcast %squeeze3A_1573 : f32 to vector<16xf32>
        %mul3A_1575 = arith.mulf %bitcast3A_1507, %mul3A_1574 : vector<16xf32>
        %add3A_1576 = arith.addf %add3A_1474, %mul3A_1575 : vector<16xf32>
        %mul3A_1577 = vector.broadcast %squeeze3A_1573 : f32 to vector<16xf32>
        %mul3A_1578 = arith.mulf %bitcast3A_1523, %mul3A_1577 : vector<16xf32>
        %add3A_1579 = arith.addf %add3A_1477, %mul3A_1578 : vector<16xf32>
        %slice3A_1580 = vector.extract_strided_slice %bitcast3A_774 {offsets = [7], sizes = [1], strides = [1]} : vector<16xf32> to vector<1xf32>
        %squeeze3A_1581 = vector.extract %slice3A_1580[0] : f32 from vector<1xf32>
        %mul3A_1582 = vector.broadcast %squeeze3A_1581 : f32 to vector<16xf32>
        %mul3A_1583 = arith.mulf %bitcast3A_1507, %mul3A_1582 : vector<16xf32>
        %add3A_1584 = arith.addf %add3A_1482, %mul3A_1583 : vector<16xf32>
        %mul3A_1585 = vector.broadcast %squeeze3A_1581 : f32 to vector<16xf32>
        %mul3A_1586 = arith.mulf %bitcast3A_1523, %mul3A_1585 : vector<16xf32>
        %add3A_1587 = arith.addf %add3A_1485, %mul3A_1586 : vector<16xf32>
        %broadcast_in_dim3A_1588 = arith.constant 0 : i32
        %broadcast_in_dim3A_1589 = vector.broadcast %broadcast_in_dim3A_1588 : i32 to vector<16xi32>
        %add3A_1590 = arith.constant 8 : i32
        %add3A_1591 = arith.addi %mul3A_625, %add3A_1590 : i32
        %add3A_1592 = vector.broadcast %add3A_1591 : i32 to vector<16xi32>
        %add3A_1593 = arith.addi %broadcast_in_dim3A_1589, %add3A_1592 : vector<16xi32>
        %gather3A_1594 = tpu.vector_load_idx %arg8[%add3A_5, %add3A_1593] : memref<32x769xf32, #tpu.memory_space<vmem>>[vector<16xi32>, vector<16xi32>], vector<16xf32>,
        %bitcast3A_1595 = vector.bitcast %gather3A_1594 : vector<16xf32> to vector<16xi32>
        %shift_right_arithmetic3A_1596 = arith.constant 16 : i32
        %shift_right_arithmetic3A_1597 = vector.broadcast %shift_right_arithmetic3A_1596 : i32 to vector<16xi32>
        %shift_right_arithmetic3A_1598 = arith.shrsi %bitcast3A_1595, %shift_right_arithmetic3A_1597 : vector<16xi32>
        %and3A_1599 = arith.constant 1 : i32
        %and3A_1600 = vector.broadcast %and3A_1599 : i32 to vector<16xi32>
        %and3A_1601 = arith.andi %shift_right_arithmetic3A_1598, %and3A_1600 : vector<16xi32>
        %add3A_1602 = arith.constant 32767 : i32
        %add3A_1603 = vector.broadcast %add3A_1602 : i32 to vector<16xi32>
        %add3A_1604 = arith.addi %bitcast3A_1595, %add3A_1603 : vector<16xi32>
        %add3A_1605 = arith.addi %add3A_1604, %and3A_1601 : vector<16xi32>
        %and3A_1606 = arith.constant -65536 : i32
        %and3A_1607 = vector.broadcast %and3A_1606 : i32 to vector<16xi32>
        %and3A_1608 = arith.andi %add3A_1605, %and3A_1607 : vector<16xi32>
        %bitcast3A_1609 = vector.bitcast %and3A_1608 : vector<16xi32> to vector<16xf32>
        %gather3A_1610 = tpu.vector_load_idx %arg8[%add3A_8, %add3A_1593] : memref<32x769xf32, #tpu.memory_space<vmem>>[vector<16xi32>, vector<16xi32>], vector<16xf32>,
        %bitcast3A_1611 = vector.bitcast %gather3A_1610 : vector<16xf32> to vector<16xi32>
        %shift_right_arithmetic3A_1612 = arith.constant 16 : i32
        %shift_right_arithmetic3A_1613 = vector.broadcast %shift_right_arithmetic3A_1612 : i32 to vector<16xi32>
        %shift_right_arithmetic3A_1614 = arith.shrsi %bitcast3A_1611, %shift_right_arithmetic3A_1613 : vector<16xi32>
        %and3A_1615 = arith.constant 1 : i32
        %and3A_1616 = vector.broadcast %and3A_1615 : i32 to vector<16xi32>
        %and3A_1617 = arith.andi %shift_right_arithmetic3A_1614, %and3A_1616 : vector<16xi32>
        %add3A_1618 = arith.constant 32767 : i32
        %add3A_1619 = vector.broadcast %add3A_1618 : i32 to vector<16xi32>
        %add3A_1620 = arith.addi %bitcast3A_1611, %add3A_1619 : vector<16xi32>
        %add3A_1621 = arith.addi %add3A_1620, %and3A_1617 : vector<16xi32>
        %and3A_1622 = arith.constant -65536 : i32
        %and3A_1623 = vector.broadcast %and3A_1622 : i32 to vector<16xi32>
        %and3A_1624 = arith.andi %add3A_1621, %and3A_1623 : vector<16xi32>
        %bitcast3A_1625 = vector.bitcast %and3A_1624 : vector<16xi32> to vector<16xf32>
        %slice3A_1626 = vector.extract_strided_slice %bitcast3A_641 {offsets = [8], sizes = [1], strides = [1]} : vector<16xf32> to vector<1xf32>
        %squeeze3A_1627 = vector.extract %slice3A_1626[0] : f32 from vector<1xf32>
        %mul3A_1628 = vector.broadcast %squeeze3A_1627 : f32 to vector<16xf32>
        %mul3A_1629 = arith.mulf %bitcast3A_1609, %mul3A_1628 : vector<16xf32>
        %add3A_1630 = arith.addf %add3A_1528, %mul3A_1629 : vector<16xf32>
        %mul3A_1631 = vector.broadcast %squeeze3A_1627 : f32 to vector<16xf32>
        %mul3A_1632 = arith.mulf %bitcast3A_1625, %mul3A_1631 : vector<16xf32>
        %add3A_1633 = arith.addf %add3A_1531, %mul3A_1632 : vector<16xf32>
        %slice3A_1634 = vector.extract_strided_slice %bitcast3A_660 {offsets = [8], sizes = [1], strides = [1]} : vector<16xf32> to vector<1xf32>
        %squeeze3A_1635 = vector.extract %slice3A_1634[0] : f32 from vector<1xf32>
        %mul3A_1636 = vector.broadcast %squeeze3A_1635 : f32 to vector<16xf32>
        %mul3A_1637 = arith.mulf %bitcast3A_1609, %mul3A_1636 : vector<16xf32>
        %add3A_1638 = arith.addf %add3A_1536, %mul3A_1637 : vector<16xf32>
        %mul3A_1639 = vector.broadcast %squeeze3A_1635 : f32 to vector<16xf32>
        %mul3A_1640 = arith.mulf %bitcast3A_1625, %mul3A_1639 : vector<16xf32>
        %add3A_1641 = arith.addf %add3A_1539, %mul3A_1640 : vector<16xf32>
        %slice3A_1642 = vector.extract_strided_slice %bitcast3A_679 {offsets = [8], sizes = [1], strides = [1]} : vector<16xf32> to vector<1xf32>
        %squeeze3A_1643 = vector.extract %slice3A_1642[0] : f32 from vector<1xf32>
        %mul3A_1644 = vector.broadcast %squeeze3A_1643 : f32 to vector<16xf32>
        %mul3A_1645 = arith.mulf %bitcast3A_1609, %mul3A_1644 : vector<16xf32>
        %add3A_1646 = arith.addf %add3A_1544, %mul3A_1645 : vector<16xf32>
        %mul3A_1647 = vector.broadcast %squeeze3A_1643 : f32 to vector<16xf32>
        %mul3A_1648 = arith.mulf %bitcast3A_1625, %mul3A_1647 : vector<16xf32>
        %add3A_1649 = arith.addf %add3A_1547, %mul3A_1648 : vector<16xf32>
        %slice3A_1650 = vector.extract_strided_slice %bitcast3A_698 {offsets = [8], sizes = [1], strides = [1]} : vector<16xf32> to vector<1xf32>
        %squeeze3A_1651 = vector.extract %slice3A_1650[0] : f32 from vector<1xf32>
        %mul3A_1652 = vector.broadcast %squeeze3A_1651 : f32 to vector<16xf32>
        %mul3A_1653 = arith.mulf %bitcast3A_1609, %mul3A_1652 : vector<16xf32>
        %add3A_1654 = arith.addf %add3A_1552, %mul3A_1653 : vector<16xf32>
        %mul3A_1655 = vector.broadcast %squeeze3A_1651 : f32 to vector<16xf32>
        %mul3A_1656 = arith.mulf %bitcast3A_1625, %mul3A_1655 : vector<16xf32>
        %add3A_1657 = arith.addf %add3A_1555, %mul3A_1656 : vector<16xf32>
        %slice3A_1658 = vector.extract_strided_slice %bitcast3A_717 {offsets = [8], sizes = [1], strides = [1]} : vector<16xf32> to vector<1xf32>
        %squeeze3A_1659 = vector.extract %slice3A_1658[0] : f32 from vector<1xf32>
        %mul3A_1660 = vector.broadcast %squeeze3A_1659 : f32 to vector<16xf32>
        %mul3A_1661 = arith.mulf %bitcast3A_1609, %mul3A_1660 : vector<16xf32>
        %add3A_1662 = arith.addf %add3A_1560, %mul3A_1661 : vector<16xf32>
        %mul3A_1663 = vector.broadcast %squeeze3A_1659 : f32 to vector<16xf32>
        %mul3A_1664 = arith.mulf %bitcast3A_1625, %mul3A_1663 : vector<16xf32>
        %add3A_1665 = arith.addf %add3A_1563, %mul3A_1664 : vector<16xf32>
        %slice3A_1666 = vector.extract_strided_slice %bitcast3A_736 {offsets = [8], sizes = [1], strides = [1]} : vector<16xf32> to vector<1xf32>
        %squeeze3A_1667 = vector.extract %slice3A_1666[0] : f32 from vector<1xf32>
        %mul3A_1668 = vector.broadcast %squeeze3A_1667 : f32 to vector<16xf32>
        %mul3A_1669 = arith.mulf %bitcast3A_1609, %mul3A_1668 : vector<16xf32>
        %add3A_1670 = arith.addf %add3A_1568, %mul3A_1669 : vector<16xf32>
        %mul3A_1671 = vector.broadcast %squeeze3A_1667 : f32 to vector<16xf32>
        %mul3A_1672 = arith.mulf %bitcast3A_1625, %mul3A_1671 : vector<16xf32>
        %add3A_1673 = arith.addf %add3A_1571, %mul3A_1672 : vector<16xf32>
        %slice3A_1674 = vector.extract_strided_slice %bitcast3A_755 {offsets = [8], sizes = [1], strides = [1]} : vector<16xf32> to vector<1xf32>
        %squeeze3A_1675 = vector.extract %slice3A_1674[0] : f32 from vector<1xf32>
        %mul3A_1676 = vector.broadcast %squeeze3A_1675 : f32 to vector<16xf32>
        %mul3A_1677 = arith.mulf %bitcast3A_1609, %mul3A_1676 : vector<16xf32>
        %add3A_1678 = arith.addf %add3A_1576, %mul3A_1677 : vector<16xf32>
        %mul3A_1679 = vector.broadcast %squeeze3A_1675 : f32 to vector<16xf32>
        %mul3A_1680 = arith.mulf %bitcast3A_1625, %mul3A_1679 : vector<16xf32>
        %add3A_1681 = arith.addf %add3A_1579, %mul3A_1680 : vector<16xf32>
        %slice3A_1682 = vector.extract_strided_slice %bitcast3A_774 {offsets = [8], sizes = [1], strides = [1]} : vector<16xf32> to vector<1xf32>
        %squeeze3A_1683 = vector.extract %slice3A_1682[0] : f32 from vector<1xf32>
        %mul3A_1684 = vector.broadcast %squeeze3A_1683 : f32 to vector<16xf32>
        %mul3A_1685 = arith.mulf %bitcast3A_1609, %mul3A_1684 : vector<16xf32>
        %add3A_1686 = arith.addf %add3A_1584, %mul3A_1685 : vector<16xf32>
        %mul3A_1687 = vector.broadcast %squeeze3A_1683 : f32 to vector<16xf32>
        %mul3A_1688 = arith.mulf %bitcast3A_1625, %mul3A_1687 : vector<16xf32>
        %add3A_1689 = arith.addf %add3A_1587, %mul3A_1688 : vector<16xf32>
        %broadcast_in_dim3A_1690 = arith.constant 0 : i32
        %broadcast_in_dim3A_1691 = vector.broadcast %broadcast_in_dim3A_1690 : i32 to vector<16xi32>
        %add3A_1692 = arith.constant 9 : i32
        %add3A_1693 = arith.addi %mul3A_625, %add3A_1692 : i32
        %add3A_1694 = vector.broadcast %add3A_1693 : i32 to vector<16xi32>
        %add3A_1695 = arith.addi %broadcast_in_dim3A_1691, %add3A_1694 : vector<16xi32>
        %gather3A_1696 = tpu.vector_load_idx %arg8[%add3A_5, %add3A_1695] : memref<32x769xf32, #tpu.memory_space<vmem>>[vector<16xi32>, vector<16xi32>], vector<16xf32>,
        %bitcast3A_1697 = vector.bitcast %gather3A_1696 : vector<16xf32> to vector<16xi32>
        %shift_right_arithmetic3A_1698 = arith.constant 16 : i32
        %shift_right_arithmetic3A_1699 = vector.broadcast %shift_right_arithmetic3A_1698 : i32 to vector<16xi32>
        %shift_right_arithmetic3A_1700 = arith.shrsi %bitcast3A_1697, %shift_right_arithmetic3A_1699 : vector<16xi32>
        %and3A_1701 = arith.constant 1 : i32
        %and3A_1702 = vector.broadcast %and3A_1701 : i32 to vector<16xi32>
        %and3A_1703 = arith.andi %shift_right_arithmetic3A_1700, %and3A_1702 : vector<16xi32>
        %add3A_1704 = arith.constant 32767 : i32
        %add3A_1705 = vector.broadcast %add3A_1704 : i32 to vector<16xi32>
        %add3A_1706 = arith.addi %bitcast3A_1697, %add3A_1705 : vector<16xi32>
        %add3A_1707 = arith.addi %add3A_1706, %and3A_1703 : vector<16xi32>
        %and3A_1708 = arith.constant -65536 : i32
        %and3A_1709 = vector.broadcast %and3A_1708 : i32 to vector<16xi32>
        %and3A_1710 = arith.andi %add3A_1707, %and3A_1709 : vector<16xi32>
        %bitcast3A_1711 = vector.bitcast %and3A_1710 : vector<16xi32> to vector<16xf32>
        %gather3A_1712 = tpu.vector_load_idx %arg8[%add3A_8, %add3A_1695] : memref<32x769xf32, #tpu.memory_space<vmem>>[vector<16xi32>, vector<16xi32>], vector<16xf32>,
        %bitcast3A_1713 = vector.bitcast %gather3A_1712 : vector<16xf32> to vector<16xi32>
        %shift_right_arithmetic3A_1714 = arith.constant 16 : i32
        %shift_right_arithmetic3A_1715 = vector.broadcast %shift_right_arithmetic3A_1714 : i32 to vector<16xi32>
        %shift_right_arithmetic3A_1716 = arith.shrsi %bitcast3A_1713, %shift_right_arithmetic3A_1715 : vector<16xi32>
        %and3A_1717 = arith.constant 1 : i32
        %and3A_1718 = vector.broadcast %and3A_1717 : i32 to vector<16xi32>
        %and3A_1719 = arith.andi %shift_right_arithmetic3A_1716, %and3A_1718 : vector<16xi32>
        %add3A_1720 = arith.constant 32767 : i32
        %add3A_1721 = vector.broadcast %add3A_1720 : i32 to vector<16xi32>
        %add3A_1722 = arith.addi %bitcast3A_1713, %add3A_1721 : vector<16xi32>
        %add3A_1723 = arith.addi %add3A_1722, %and3A_1719 : vector<16xi32>
        %and3A_1724 = arith.constant -65536 : i32
        %and3A_1725 = vector.broadcast %and3A_1724 : i32 to vector<16xi32>
        %and3A_1726 = arith.andi %add3A_1723, %and3A_1725 : vector<16xi32>
        %bitcast3A_1727 = vector.bitcast %and3A_1726 : vector<16xi32> to vector<16xf32>
        %slice3A_1728 = vector.extract_strided_slice %bitcast3A_641 {offsets = [9], sizes = [1], strides = [1]} : vector<16xf32> to vector<1xf32>
        %squeeze3A_1729 = vector.extract %slice3A_1728[0] : f32 from vector<1xf32>
        %mul3A_1730 = vector.broadcast %squeeze3A_1729 : f32 to vector<16xf32>
        %mul3A_1731 = arith.mulf %bitcast3A_1711, %mul3A_1730 : vector<16xf32>
        %add3A_1732 = arith.addf %add3A_1630, %mul3A_1731 : vector<16xf32>
        %mul3A_1733 = vector.broadcast %squeeze3A_1729 : f32 to vector<16xf32>
        %mul3A_1734 = arith.mulf %bitcast3A_1727, %mul3A_1733 : vector<16xf32>
        %add3A_1735 = arith.addf %add3A_1633, %mul3A_1734 : vector<16xf32>
        %slice3A_1736 = vector.extract_strided_slice %bitcast3A_660 {offsets = [9], sizes = [1], strides = [1]} : vector<16xf32> to vector<1xf32>
        %squeeze3A_1737 = vector.extract %slice3A_1736[0] : f32 from vector<1xf32>
        %mul3A_1738 = vector.broadcast %squeeze3A_1737 : f32 to vector<16xf32>
        %mul3A_1739 = arith.mulf %bitcast3A_1711, %mul3A_1738 : vector<16xf32>
        %add3A_1740 = arith.addf %add3A_1638, %mul3A_1739 : vector<16xf32>
        %mul3A_1741 = vector.broadcast %squeeze3A_1737 : f32 to vector<16xf32>
        %mul3A_1742 = arith.mulf %bitcast3A_1727, %mul3A_1741 : vector<16xf32>
        %add3A_1743 = arith.addf %add3A_1641, %mul3A_1742 : vector<16xf32>
        %slice3A_1744 = vector.extract_strided_slice %bitcast3A_679 {offsets = [9], sizes = [1], strides = [1]} : vector<16xf32> to vector<1xf32>
        %squeeze3A_1745 = vector.extract %slice3A_1744[0] : f32 from vector<1xf32>
        %mul3A_1746 = vector.broadcast %squeeze3A_1745 : f32 to vector<16xf32>
        %mul3A_1747 = arith.mulf %bitcast3A_1711, %mul3A_1746 : vector<16xf32>
        %add3A_1748 = arith.addf %add3A_1646, %mul3A_1747 : vector<16xf32>
        %mul3A_1749 = vector.broadcast %squeeze3A_1745 : f32 to vector<16xf32>
        %mul3A_1750 = arith.mulf %bitcast3A_1727, %mul3A_1749 : vector<16xf32>
        %add3A_1751 = arith.addf %add3A_1649, %mul3A_1750 : vector<16xf32>
        %slice3A_1752 = vector.extract_strided_slice %bitcast3A_698 {offsets = [9], sizes = [1], strides = [1]} : vector<16xf32> to vector<1xf32>
        %squeeze3A_1753 = vector.extract %slice3A_1752[0] : f32 from vector<1xf32>
        %mul3A_1754 = vector.broadcast %squeeze3A_1753 : f32 to vector<16xf32>
        %mul3A_1755 = arith.mulf %bitcast3A_1711, %mul3A_1754 : vector<16xf32>
        %add3A_1756 = arith.addf %add3A_1654, %mul3A_1755 : vector<16xf32>
        %mul3A_1757 = vector.broadcast %squeeze3A_1753 : f32 to vector<16xf32>
        %mul3A_1758 = arith.mulf %bitcast3A_1727, %mul3A_1757 : vector<16xf32>
        %add3A_1759 = arith.addf %add3A_1657, %mul3A_1758 : vector<16xf32>
        %slice3A_1760 = vector.extract_strided_slice %bitcast3A_717 {offsets = [9], sizes = [1], strides = [1]} : vector<16xf32> to vector<1xf32>
        %squeeze3A_1761 = vector.extract %slice3A_1760[0] : f32 from vector<1xf32>
        %mul3A_1762 = vector.broadcast %squeeze3A_1761 : f32 to vector<16xf32>
        %mul3A_1763 = arith.mulf %bitcast3A_1711, %mul3A_1762 : vector<16xf32>
        %add3A_1764 = arith.addf %add3A_1662, %mul3A_1763 : vector<16xf32>
        %mul3A_1765 = vector.broadcast %squeeze3A_1761 : f32 to vector<16xf32>
        %mul3A_1766 = arith.mulf %bitcast3A_1727, %mul3A_1765 : vector<16xf32>
        %add3A_1767 = arith.addf %add3A_1665, %mul3A_1766 : vector<16xf32>
        %slice3A_1768 = vector.extract_strided_slice %bitcast3A_736 {offsets = [9], sizes = [1], strides = [1]} : vector<16xf32> to vector<1xf32>
        %squeeze3A_1769 = vector.extract %slice3A_1768[0] : f32 from vector<1xf32>
        %mul3A_1770 = vector.broadcast %squeeze3A_1769 : f32 to vector<16xf32>
        %mul3A_1771 = arith.mulf %bitcast3A_1711, %mul3A_1770 : vector<16xf32>
        %add3A_1772 = arith.addf %add3A_1670, %mul3A_1771 : vector<16xf32>
        %mul3A_1773 = vector.broadcast %squeeze3A_1769 : f32 to vector<16xf32>
        %mul3A_1774 = arith.mulf %bitcast3A_1727, %mul3A_1773 : vector<16xf32>
        %add3A_1775 = arith.addf %add3A_1673, %mul3A_1774 : vector<16xf32>
        %slice3A_1776 = vector.extract_strided_slice %bitcast3A_755 {offsets = [9], sizes = [1], strides = [1]} : vector<16xf32> to vector<1xf32>
        %squeeze3A_1777 = vector.extract %slice3A_1776[0] : f32 from vector<1xf32>
        %mul3A_1778 = vector.broadcast %squeeze3A_1777 : f32 to vector<16xf32>
        %mul3A_1779 = arith.mulf %bitcast3A_1711, %mul3A_1778 : vector<16xf32>
        %add3A_1780 = arith.addf %add3A_1678, %mul3A_1779 : vector<16xf32>
        %mul3A_1781 = vector.broadcast %squeeze3A_1777 : f32 to vector<16xf32>
        %mul3A_1782 = arith.mulf %bitcast3A_1727, %mul3A_1781 : vector<16xf32>
        %add3A_1783 = arith.addf %add3A_1681, %mul3A_1782 : vector<16xf32>
        %slice3A_1784 = vector.extract_strided_slice %bitcast3A_774 {offsets = [9], sizes = [1], strides = [1]} : vector<16xf32> to vector<1xf32>
        %squeeze3A_1785 = vector.extract %slice3A_1784[0] : f32 from vector<1xf32>
        %mul3A_1786 = vector.broadcast %squeeze3A_1785 : f32 to vector<16xf32>
        %mul3A_1787 = arith.mulf %bitcast3A_1711, %mul3A_1786 : vector<16xf32>
        %add3A_1788 = arith.addf %add3A_1686, %mul3A_1787 : vector<16xf32>
        %mul3A_1789 = vector.broadcast %squeeze3A_1785 : f32 to vector<16xf32>
        %mul3A_1790 = arith.mulf %bitcast3A_1727, %mul3A_1789 : vector<16xf32>
        %add3A_1791 = arith.addf %add3A_1689, %mul3A_1790 : vector<16xf32>
        %broadcast_in_dim3A_1792 = arith.constant 0 : i32
        %broadcast_in_dim3A_1793 = vector.broadcast %broadcast_in_dim3A_1792 : i32 to vector<16xi32>
        %add3A_1794 = arith.constant 10 : i32
        %add3A_1795 = arith.addi %mul3A_625, %add3A_1794 : i32
        %add3A_1796 = vector.broadcast %add3A_1795 : i32 to vector<16xi32>
        %add3A_1797 = arith.addi %broadcast_in_dim3A_1793, %add3A_1796 : vector<16xi32>
        %gather3A_1798 = tpu.vector_load_idx %arg8[%add3A_5, %add3A_1797] : memref<32x769xf32, #tpu.memory_space<vmem>>[vector<16xi32>, vector<16xi32>], vector<16xf32>,
        %bitcast3A_1799 = vector.bitcast %gather3A_1798 : vector<16xf32> to vector<16xi32>
        %shift_right_arithmetic3A_1800 = arith.constant 16 : i32
        %shift_right_arithmetic3A_1801 = vector.broadcast %shift_right_arithmetic3A_1800 : i32 to vector<16xi32>
        %shift_right_arithmetic3A_1802 = arith.shrsi %bitcast3A_1799, %shift_right_arithmetic3A_1801 : vector<16xi32>
        %and3A_1803 = arith.constant 1 : i32
        %and3A_1804 = vector.broadcast %and3A_1803 : i32 to vector<16xi32>
        %and3A_1805 = arith.andi %shift_right_arithmetic3A_1802, %and3A_1804 : vector<16xi32>
        %add3A_1806 = arith.constant 32767 : i32
        %add3A_1807 = vector.broadcast %add3A_1806 : i32 to vector<16xi32>
        %add3A_1808 = arith.addi %bitcast3A_1799, %add3A_1807 : vector<16xi32>
        %add3A_1809 = arith.addi %add3A_1808, %and3A_1805 : vector<16xi32>
        %and3A_1810 = arith.constant -65536 : i32
        %and3A_1811 = vector.broadcast %and3A_1810 : i32 to vector<16xi32>
        %and3A_1812 = arith.andi %add3A_1809, %and3A_1811 : vector<16xi32>
        %bitcast3A_1813 = vector.bitcast %and3A_1812 : vector<16xi32> to vector<16xf32>
        %gather3A_1814 = tpu.vector_load_idx %arg8[%add3A_8, %add3A_1797] : memref<32x769xf32, #tpu.memory_space<vmem>>[vector<16xi32>, vector<16xi32>], vector<16xf32>,
        %bitcast3A_1815 = vector.bitcast %gather3A_1814 : vector<16xf32> to vector<16xi32>
        %shift_right_arithmetic3A_1816 = arith.constant 16 : i32
        %shift_right_arithmetic3A_1817 = vector.broadcast %shift_right_arithmetic3A_1816 : i32 to vector<16xi32>
        %shift_right_arithmetic3A_1818 = arith.shrsi %bitcast3A_1815, %shift_right_arithmetic3A_1817 : vector<16xi32>
        %and3A_1819 = arith.constant 1 : i32
        %and3A_1820 = vector.broadcast %and3A_1819 : i32 to vector<16xi32>
        %and3A_1821 = arith.andi %shift_right_arithmetic3A_1818, %and3A_1820 : vector<16xi32>
        %add3A_1822 = arith.constant 32767 : i32
        %add3A_1823 = vector.broadcast %add3A_1822 : i32 to vector<16xi32>
        %add3A_1824 = arith.addi %bitcast3A_1815, %add3A_1823 : vector<16xi32>
        %add3A_1825 = arith.addi %add3A_1824, %and3A_1821 : vector<16xi32>
        %and3A_1826 = arith.constant -65536 : i32
        %and3A_1827 = vector.broadcast %and3A_1826 : i32 to vector<16xi32>
        %and3A_1828 = arith.andi %add3A_1825, %and3A_1827 : vector<16xi32>
        %bitcast3A_1829 = vector.bitcast %and3A_1828 : vector<16xi32> to vector<16xf32>
        %slice3A_1830 = vector.extract_strided_slice %bitcast3A_641 {offsets = [10], sizes = [1], strides = [1]} : vector<16xf32> to vector<1xf32>
        %squeeze3A_1831 = vector.extract %slice3A_1830[0] : f32 from vector<1xf32>
        %mul3A_1832 = vector.broadcast %squeeze3A_1831 : f32 to vector<16xf32>
        %mul3A_1833 = arith.mulf %bitcast3A_1813, %mul3A_1832 : vector<16xf32>
        %add3A_1834 = arith.addf %add3A_1732, %mul3A_1833 : vector<16xf32>
        %mul3A_1835 = vector.broadcast %squeeze3A_1831 : f32 to vector<16xf32>
        %mul3A_1836 = arith.mulf %bitcast3A_1829, %mul3A_1835 : vector<16xf32>
        %add3A_1837 = arith.addf %add3A_1735, %mul3A_1836 : vector<16xf32>
        %slice3A_1838 = vector.extract_strided_slice %bitcast3A_660 {offsets = [10], sizes = [1], strides = [1]} : vector<16xf32> to vector<1xf32>
        %squeeze3A_1839 = vector.extract %slice3A_1838[0] : f32 from vector<1xf32>
        %mul3A_1840 = vector.broadcast %squeeze3A_1839 : f32 to vector<16xf32>
        %mul3A_1841 = arith.mulf %bitcast3A_1813, %mul3A_1840 : vector<16xf32>
        %add3A_1842 = arith.addf %add3A_1740, %mul3A_1841 : vector<16xf32>
        %mul3A_1843 = vector.broadcast %squeeze3A_1839 : f32 to vector<16xf32>
        %mul3A_1844 = arith.mulf %bitcast3A_1829, %mul3A_1843 : vector<16xf32>
        %add3A_1845 = arith.addf %add3A_1743, %mul3A_1844 : vector<16xf32>
        %slice3A_1846 = vector.extract_strided_slice %bitcast3A_679 {offsets = [10], sizes = [1], strides = [1]} : vector<16xf32> to vector<1xf32>
        %squeeze3A_1847 = vector.extract %slice3A_1846[0] : f32 from vector<1xf32>
        %mul3A_1848 = vector.broadcast %squeeze3A_1847 : f32 to vector<16xf32>
        %mul3A_1849 = arith.mulf %bitcast3A_1813, %mul3A_1848 : vector<16xf32>
        %add3A_1850 = arith.addf %add3A_1748, %mul3A_1849 : vector<16xf32>
        %mul3A_1851 = vector.broadcast %squeeze3A_1847 : f32 to vector<16xf32>
        %mul3A_1852 = arith.mulf %bitcast3A_1829, %mul3A_1851 : vector<16xf32>
        %add3A_1853 = arith.addf %add3A_1751, %mul3A_1852 : vector<16xf32>
        %slice3A_1854 = vector.extract_strided_slice %bitcast3A_698 {offsets = [10], sizes = [1], strides = [1]} : vector<16xf32> to vector<1xf32>
        %squeeze3A_1855 = vector.extract %slice3A_1854[0] : f32 from vector<1xf32>
        %mul3A_1856 = vector.broadcast %squeeze3A_1855 : f32 to vector<16xf32>
        %mul3A_1857 = arith.mulf %bitcast3A_1813, %mul3A_1856 : vector<16xf32>
        %add3A_1858 = arith.addf %add3A_1756, %mul3A_1857 : vector<16xf32>
        %mul3A_1859 = vector.broadcast %squeeze3A_1855 : f32 to vector<16xf32>
        %mul3A_1860 = arith.mulf %bitcast3A_1829, %mul3A_1859 : vector<16xf32>
        %add3A_1861 = arith.addf %add3A_1759, %mul3A_1860 : vector<16xf32>
        %slice3A_1862 = vector.extract_strided_slice %bitcast3A_717 {offsets = [10], sizes = [1], strides = [1]} : vector<16xf32> to vector<1xf32>
        %squeeze3A_1863 = vector.extract %slice3A_1862[0] : f32 from vector<1xf32>
        %mul3A_1864 = vector.broadcast %squeeze3A_1863 : f32 to vector<16xf32>
        %mul3A_1865 = arith.mulf %bitcast3A_1813, %mul3A_1864 : vector<16xf32>
        %add3A_1866 = arith.addf %add3A_1764, %mul3A_1865 : vector<16xf32>
        %mul3A_1867 = vector.broadcast %squeeze3A_1863 : f32 to vector<16xf32>
        %mul3A_1868 = arith.mulf %bitcast3A_1829, %mul3A_1867 : vector<16xf32>
        %add3A_1869 = arith.addf %add3A_1767, %mul3A_1868 : vector<16xf32>
        %slice3A_1870 = vector.extract_strided_slice %bitcast3A_736 {offsets = [10], sizes = [1], strides = [1]} : vector<16xf32> to vector<1xf32>
        %squeeze3A_1871 = vector.extract %slice3A_1870[0] : f32 from vector<1xf32>
        %mul3A_1872 = vector.broadcast %squeeze3A_1871 : f32 to vector<16xf32>
        %mul3A_1873 = arith.mulf %bitcast3A_1813, %mul3A_1872 : vector<16xf32>
        %add3A_1874 = arith.addf %add3A_1772, %mul3A_1873 : vector<16xf32>
        %mul3A_1875 = vector.broadcast %squeeze3A_1871 : f32 to vector<16xf32>
        %mul3A_1876 = arith.mulf %bitcast3A_1829, %mul3A_1875 : vector<16xf32>
        %add3A_1877 = arith.addf %add3A_1775, %mul3A_1876 : vector<16xf32>
        %slice3A_1878 = vector.extract_strided_slice %bitcast3A_755 {offsets = [10], sizes = [1], strides = [1]} : vector<16xf32> to vector<1xf32>
        %squeeze3A_1879 = vector.extract %slice3A_1878[0] : f32 from vector<1xf32>
        %mul3A_1880 = vector.broadcast %squeeze3A_1879 : f32 to vector<16xf32>
        %mul3A_1881 = arith.mulf %bitcast3A_1813, %mul3A_1880 : vector<16xf32>
        %add3A_1882 = arith.addf %add3A_1780, %mul3A_1881 : vector<16xf32>
        %mul3A_1883 = vector.broadcast %squeeze3A_1879 : f32 to vector<16xf32>
        %mul3A_1884 = arith.mulf %bitcast3A_1829, %mul3A_1883 : vector<16xf32>
        %add3A_1885 = arith.addf %add3A_1783, %mul3A_1884 : vector<16xf32>
        %slice3A_1886 = vector.extract_strided_slice %bitcast3A_774 {offsets = [10], sizes = [1], strides = [1]} : vector<16xf32> to vector<1xf32>
        %squeeze3A_1887 = vector.extract %slice3A_1886[0] : f32 from vector<1xf32>
        %mul3A_1888 = vector.broadcast %squeeze3A_1887 : f32 to vector<16xf32>
        %mul3A_1889 = arith.mulf %bitcast3A_1813, %mul3A_1888 : vector<16xf32>
        %add3A_1890 = arith.addf %add3A_1788, %mul3A_1889 : vector<16xf32>
        %mul3A_1891 = vector.broadcast %squeeze3A_1887 : f32 to vector<16xf32>
        %mul3A_1892 = arith.mulf %bitcast3A_1829, %mul3A_1891 : vector<16xf32>
        %add3A_1893 = arith.addf %add3A_1791, %mul3A_1892 : vector<16xf32>
        %broadcast_in_dim3A_1894 = arith.constant 0 : i32
        %broadcast_in_dim3A_1895 = vector.broadcast %broadcast_in_dim3A_1894 : i32 to vector<16xi32>
        %add3A_1896 = arith.constant 11 : i32
        %add3A_1897 = arith.addi %mul3A_625, %add3A_1896 : i32
        %add3A_1898 = vector.broadcast %add3A_1897 : i32 to vector<16xi32>
        %add3A_1899 = arith.addi %broadcast_in_dim3A_1895, %add3A_1898 : vector<16xi32>
        %gather3A_1900 = tpu.vector_load_idx %arg8[%add3A_5, %add3A_1899] : memref<32x769xf32, #tpu.memory_space<vmem>>[vector<16xi32>, vector<16xi32>], vector<16xf32>,
        %bitcast3A_1901 = vector.bitcast %gather3A_1900 : vector<16xf32> to vector<16xi32>
        %shift_right_arithmetic3A_1902 = arith.constant 16 : i32
        %shift_right_arithmetic3A_1903 = vector.broadcast %shift_right_arithmetic3A_1902 : i32 to vector<16xi32>
        %shift_right_arithmetic3A_1904 = arith.shrsi %bitcast3A_1901, %shift_right_arithmetic3A_1903 : vector<16xi32>
        %and3A_1905 = arith.constant 1 : i32
        %and3A_1906 = vector.broadcast %and3A_1905 : i32 to vector<16xi32>
        %and3A_1907 = arith.andi %shift_right_arithmetic3A_1904, %and3A_1906 : vector<16xi32>
        %add3A_1908 = arith.constant 32767 : i32
        %add3A_1909 = vector.broadcast %add3A_1908 : i32 to vector<16xi32>
        %add3A_1910 = arith.addi %bitcast3A_1901, %add3A_1909 : vector<16xi32>
        %add3A_1911 = arith.addi %add3A_1910, %and3A_1907 : vector<16xi32>
        %and3A_1912 = arith.constant -65536 : i32
        %and3A_1913 = vector.broadcast %and3A_1912 : i32 to vector<16xi32>
        %and3A_1914 = arith.andi %add3A_1911, %and3A_1913 : vector<16xi32>
        %bitcast3A_1915 = vector.bitcast %and3A_1914 : vector<16xi32> to vector<16xf32>
        %gather3A_1916 = tpu.vector_load_idx %arg8[%add3A_8, %add3A_1899] : memref<32x769xf32, #tpu.memory_space<vmem>>[vector<16xi32>, vector<16xi32>], vector<16xf32>,
        %bitcast3A_1917 = vector.bitcast %gather3A_1916 : vector<16xf32> to vector<16xi32>
        %shift_right_arithmetic3A_1918 = arith.constant 16 : i32
        %shift_right_arithmetic3A_1919 = vector.broadcast %shift_right_arithmetic3A_1918 : i32 to vector<16xi32>
        %shift_right_arithmetic3A_1920 = arith.shrsi %bitcast3A_1917, %shift_right_arithmetic3A_1919 : vector<16xi32>
        %and3A_1921 = arith.constant 1 : i32
        %and3A_1922 = vector.broadcast %and3A_1921 : i32 to vector<16xi32>
        %and3A_1923 = arith.andi %shift_right_arithmetic3A_1920, %and3A_1922 : vector<16xi32>
        %add3A_1924 = arith.constant 32767 : i32
        %add3A_1925 = vector.broadcast %add3A_1924 : i32 to vector<16xi32>
        %add3A_1926 = arith.addi %bitcast3A_1917, %add3A_1925 : vector<16xi32>
        %add3A_1927 = arith.addi %add3A_1926, %and3A_1923 : vector<16xi32>
        %and3A_1928 = arith.constant -65536 : i32
        %and3A_1929 = vector.broadcast %and3A_1928 : i32 to vector<16xi32>
        %and3A_1930 = arith.andi %add3A_1927, %and3A_1929 : vector<16xi32>
        %bitcast3A_1931 = vector.bitcast %and3A_1930 : vector<16xi32> to vector<16xf32>
        %slice3A_1932 = vector.extract_strided_slice %bitcast3A_641 {offsets = [11], sizes = [1], strides = [1]} : vector<16xf32> to vector<1xf32>
        %squeeze3A_1933 = vector.extract %slice3A_1932[0] : f32 from vector<1xf32>
        %mul3A_1934 = vector.broadcast %squeeze3A_1933 : f32 to vector<16xf32>
        %mul3A_1935 = arith.mulf %bitcast3A_1915, %mul3A_1934 : vector<16xf32>
        %add3A_1936 = arith.addf %add3A_1834, %mul3A_1935 : vector<16xf32>
        %mul3A_1937 = vector.broadcast %squeeze3A_1933 : f32 to vector<16xf32>
        %mul3A_1938 = arith.mulf %bitcast3A_1931, %mul3A_1937 : vector<16xf32>
        %add3A_1939 = arith.addf %add3A_1837, %mul3A_1938 : vector<16xf32>
        %slice3A_1940 = vector.extract_strided_slice %bitcast3A_660 {offsets = [11], sizes = [1], strides = [1]} : vector<16xf32> to vector<1xf32>
        %squeeze3A_1941 = vector.extract %slice3A_1940[0] : f32 from vector<1xf32>
        %mul3A_1942 = vector.broadcast %squeeze3A_1941 : f32 to vector<16xf32>
        %mul3A_1943 = arith.mulf %bitcast3A_1915, %mul3A_1942 : vector<16xf32>
        %add3A_1944 = arith.addf %add3A_1842, %mul3A_1943 : vector<16xf32>
        %mul3A_1945 = vector.broadcast %squeeze3A_1941 : f32 to vector<16xf32>
        %mul3A_1946 = arith.mulf %bitcast3A_1931, %mul3A_1945 : vector<16xf32>
        %add3A_1947 = arith.addf %add3A_1845, %mul3A_1946 : vector<16xf32>
        %slice3A_1948 = vector.extract_strided_slice %bitcast3A_679 {offsets = [11], sizes = [1], strides = [1]} : vector<16xf32> to vector<1xf32>
        %squeeze3A_1949 = vector.extract %slice3A_1948[0] : f32 from vector<1xf32>
        %mul3A_1950 = vector.broadcast %squeeze3A_1949 : f32 to vector<16xf32>
        %mul3A_1951 = arith.mulf %bitcast3A_1915, %mul3A_1950 : vector<16xf32>
        %add3A_1952 = arith.addf %add3A_1850, %mul3A_1951 : vector<16xf32>
        %mul3A_1953 = vector.broadcast %squeeze3A_1949 : f32 to vector<16xf32>
        %mul3A_1954 = arith.mulf %bitcast3A_1931, %mul3A_1953 : vector<16xf32>
        %add3A_1955 = arith.addf %add3A_1853, %mul3A_1954 : vector<16xf32>
        %slice3A_1956 = vector.extract_strided_slice %bitcast3A_698 {offsets = [11], sizes = [1], strides = [1]} : vector<16xf32> to vector<1xf32>
        %squeeze3A_1957 = vector.extract %slice3A_1956[0] : f32 from vector<1xf32>
        %mul3A_1958 = vector.broadcast %squeeze3A_1957 : f32 to vector<16xf32>
        %mul3A_1959 = arith.mulf %bitcast3A_1915, %mul3A_1958 : vector<16xf32>
        %add3A_1960 = arith.addf %add3A_1858, %mul3A_1959 : vector<16xf32>
        %mul3A_1961 = vector.broadcast %squeeze3A_1957 : f32 to vector<16xf32>
        %mul3A_1962 = arith.mulf %bitcast3A_1931, %mul3A_1961 : vector<16xf32>
        %add3A_1963 = arith.addf %add3A_1861, %mul3A_1962 : vector<16xf32>
        %slice3A_1964 = vector.extract_strided_slice %bitcast3A_717 {offsets = [11], sizes = [1], strides = [1]} : vector<16xf32> to vector<1xf32>
        %squeeze3A_1965 = vector.extract %slice3A_1964[0] : f32 from vector<1xf32>
        %mul3A_1966 = vector.broadcast %squeeze3A_1965 : f32 to vector<16xf32>
        %mul3A_1967 = arith.mulf %bitcast3A_1915, %mul3A_1966 : vector<16xf32>
        %add3A_1968 = arith.addf %add3A_1866, %mul3A_1967 : vector<16xf32>
        %mul3A_1969 = vector.broadcast %squeeze3A_1965 : f32 to vector<16xf32>
        %mul3A_1970 = arith.mulf %bitcast3A_1931, %mul3A_1969 : vector<16xf32>
        %add3A_1971 = arith.addf %add3A_1869, %mul3A_1970 : vector<16xf32>
        %slice3A_1972 = vector.extract_strided_slice %bitcast3A_736 {offsets = [11], sizes = [1], strides = [1]} : vector<16xf32> to vector<1xf32>
        %squeeze3A_1973 = vector.extract %slice3A_1972[0] : f32 from vector<1xf32>
        %mul3A_1974 = vector.broadcast %squeeze3A_1973 : f32 to vector<16xf32>
        %mul3A_1975 = arith.mulf %bitcast3A_1915, %mul3A_1974 : vector<16xf32>
        %add3A_1976 = arith.addf %add3A_1874, %mul3A_1975 : vector<16xf32>
        %mul3A_1977 = vector.broadcast %squeeze3A_1973 : f32 to vector<16xf32>
        %mul3A_1978 = arith.mulf %bitcast3A_1931, %mul3A_1977 : vector<16xf32>
        %add3A_1979 = arith.addf %add3A_1877, %mul3A_1978 : vector<16xf32>
        %slice3A_1980 = vector.extract_strided_slice %bitcast3A_755 {offsets = [11], sizes = [1], strides = [1]} : vector<16xf32> to vector<1xf32>
        %squeeze3A_1981 = vector.extract %slice3A_1980[0] : f32 from vector<1xf32>
        %mul3A_1982 = vector.broadcast %squeeze3A_1981 : f32 to vector<16xf32>
        %mul3A_1983 = arith.mulf %bitcast3A_1915, %mul3A_1982 : vector<16xf32>
        %add3A_1984 = arith.addf %add3A_1882, %mul3A_1983 : vector<16xf32>
        %mul3A_1985 = vector.broadcast %squeeze3A_1981 : f32 to vector<16xf32>
        %mul3A_1986 = arith.mulf %bitcast3A_1931, %mul3A_1985 : vector<16xf32>
        %add3A_1987 = arith.addf %add3A_1885, %mul3A_1986 : vector<16xf32>
        %slice3A_1988 = vector.extract_strided_slice %bitcast3A_774 {offsets = [11], sizes = [1], strides = [1]} : vector<16xf32> to vector<1xf32>
        %squeeze3A_1989 = vector.extract %slice3A_1988[0] : f32 from vector<1xf32>
        %mul3A_1990 = vector.broadcast %squeeze3A_1989 : f32 to vector<16xf32>
        %mul3A_1991 = arith.mulf %bitcast3A_1915, %mul3A_1990 : vector<16xf32>
        %add3A_1992 = arith.addf %add3A_1890, %mul3A_1991 : vector<16xf32>
        %mul3A_1993 = vector.broadcast %squeeze3A_1989 : f32 to vector<16xf32>
        %mul3A_1994 = arith.mulf %bitcast3A_1931, %mul3A_1993 : vector<16xf32>
        %add3A_1995 = arith.addf %add3A_1893, %mul3A_1994 : vector<16xf32>
        %broadcast_in_dim3A_1996 = arith.constant 0 : i32
        %broadcast_in_dim3A_1997 = vector.broadcast %broadcast_in_dim3A_1996 : i32 to vector<16xi32>
        %add3A_1998 = arith.constant 12 : i32
        %add3A_1999 = arith.addi %mul3A_625, %add3A_1998 : i32
        %add3A_2000 = vector.broadcast %add3A_1999 : i32 to vector<16xi32>
        %add3A_2001 = arith.addi %broadcast_in_dim3A_1997, %add3A_2000 : vector<16xi32>
        %gather3A_2002 = tpu.vector_load_idx %arg8[%add3A_5, %add3A_2001] : memref<32x769xf32, #tpu.memory_space<vmem>>[vector<16xi32>, vector<16xi32>], vector<16xf32>,
        %bitcast3A_2003 = vector.bitcast %gather3A_2002 : vector<16xf32> to vector<16xi32>
        %shift_right_arithmetic3A_2004 = arith.constant 16 : i32
        %shift_right_arithmetic3A_2005 = vector.broadcast %shift_right_arithmetic3A_2004 : i32 to vector<16xi32>
        %shift_right_arithmetic3A_2006 = arith.shrsi %bitcast3A_2003, %shift_right_arithmetic3A_2005 : vector<16xi32>
        %and3A_2007 = arith.constant 1 : i32
        %and3A_2008 = vector.broadcast %and3A_2007 : i32 to vector<16xi32>
        %and3A_2009 = arith.andi %shift_right_arithmetic3A_2006, %and3A_2008 : vector<16xi32>
        %add3A_2010 = arith.constant 32767 : i32
        %add3A_2011 = vector.broadcast %add3A_2010 : i32 to vector<16xi32>
        %add3A_2012 = arith.addi %bitcast3A_2003, %add3A_2011 : vector<16xi32>
        %add3A_2013 = arith.addi %add3A_2012, %and3A_2009 : vector<16xi32>
        %and3A_2014 = arith.constant -65536 : i32
        %and3A_2015 = vector.broadcast %and3A_2014 : i32 to vector<16xi32>
        %and3A_2016 = arith.andi %add3A_2013, %and3A_2015 : vector<16xi32>
        %bitcast3A_2017 = vector.bitcast %and3A_2016 : vector<16xi32> to vector<16xf32>
        %gather3A_2018 = tpu.vector_load_idx %arg8[%add3A_8, %add3A_2001] : memref<32x769xf32, #tpu.memory_space<vmem>>[vector<16xi32>, vector<16xi32>], vector<16xf32>,
        %bitcast3A_2019 = vector.bitcast %gather3A_2018 : vector<16xf32> to vector<16xi32>
        %shift_right_arithmetic3A_2020 = arith.constant 16 : i32
        %shift_right_arithmetic3A_2021 = vector.broadcast %shift_right_arithmetic3A_2020 : i32 to vector<16xi32>
        %shift_right_arithmetic3A_2022 = arith.shrsi %bitcast3A_2019, %shift_right_arithmetic3A_2021 : vector<16xi32>
        %and3A_2023 = arith.constant 1 : i32
        %and3A_2024 = vector.broadcast %and3A_2023 : i32 to vector<16xi32>
        %and3A_2025 = arith.andi %shift_right_arithmetic3A_2022, %and3A_2024 : vector<16xi32>
        %add3A_2026 = arith.constant 32767 : i32
        %add3A_2027 = vector.broadcast %add3A_2026 : i32 to vector<16xi32>
        %add3A_2028 = arith.addi %bitcast3A_2019, %add3A_2027 : vector<16xi32>
        %add3A_2029 = arith.addi %add3A_2028, %and3A_2025 : vector<16xi32>
        %and3A_2030 = arith.constant -65536 : i32
        %and3A_2031 = vector.broadcast %and3A_2030 : i32 to vector<16xi32>
        %and3A_2032 = arith.andi %add3A_2029, %and3A_2031 : vector<16xi32>
        %bitcast3A_2033 = vector.bitcast %and3A_2032 : vector<16xi32> to vector<16xf32>
        %slice3A_2034 = vector.extract_strided_slice %bitcast3A_641 {offsets = [12], sizes = [1], strides = [1]} : vector<16xf32> to vector<1xf32>
        %squeeze3A_2035 = vector.extract %slice3A_2034[0] : f32 from vector<1xf32>
        %mul3A_2036 = vector.broadcast %squeeze3A_2035 : f32 to vector<16xf32>
        %mul3A_2037 = arith.mulf %bitcast3A_2017, %mul3A_2036 : vector<16xf32>
        %add3A_2038 = arith.addf %add3A_1936, %mul3A_2037 : vector<16xf32>
        %mul3A_2039 = vector.broadcast %squeeze3A_2035 : f32 to vector<16xf32>
        %mul3A_2040 = arith.mulf %bitcast3A_2033, %mul3A_2039 : vector<16xf32>
        %add3A_2041 = arith.addf %add3A_1939, %mul3A_2040 : vector<16xf32>
        %slice3A_2042 = vector.extract_strided_slice %bitcast3A_660 {offsets = [12], sizes = [1], strides = [1]} : vector<16xf32> to vector<1xf32>
        %squeeze3A_2043 = vector.extract %slice3A_2042[0] : f32 from vector<1xf32>
        %mul3A_2044 = vector.broadcast %squeeze3A_2043 : f32 to vector<16xf32>
        %mul3A_2045 = arith.mulf %bitcast3A_2017, %mul3A_2044 : vector<16xf32>
        %add3A_2046 = arith.addf %add3A_1944, %mul3A_2045 : vector<16xf32>
        %mul3A_2047 = vector.broadcast %squeeze3A_2043 : f32 to vector<16xf32>
        %mul3A_2048 = arith.mulf %bitcast3A_2033, %mul3A_2047 : vector<16xf32>
        %add3A_2049 = arith.addf %add3A_1947, %mul3A_2048 : vector<16xf32>
        %slice3A_2050 = vector.extract_strided_slice %bitcast3A_679 {offsets = [12], sizes = [1], strides = [1]} : vector<16xf32> to vector<1xf32>
        %squeeze3A_2051 = vector.extract %slice3A_2050[0] : f32 from vector<1xf32>
        %mul3A_2052 = vector.broadcast %squeeze3A_2051 : f32 to vector<16xf32>
        %mul3A_2053 = arith.mulf %bitcast3A_2017, %mul3A_2052 : vector<16xf32>
        %add3A_2054 = arith.addf %add3A_1952, %mul3A_2053 : vector<16xf32>
        %mul3A_2055 = vector.broadcast %squeeze3A_2051 : f32 to vector<16xf32>
        %mul3A_2056 = arith.mulf %bitcast3A_2033, %mul3A_2055 : vector<16xf32>
        %add3A_2057 = arith.addf %add3A_1955, %mul3A_2056 : vector<16xf32>
        %slice3A_2058 = vector.extract_strided_slice %bitcast3A_698 {offsets = [12], sizes = [1], strides = [1]} : vector<16xf32> to vector<1xf32>
        %squeeze3A_2059 = vector.extract %slice3A_2058[0] : f32 from vector<1xf32>
        %mul3A_2060 = vector.broadcast %squeeze3A_2059 : f32 to vector<16xf32>
        %mul3A_2061 = arith.mulf %bitcast3A_2017, %mul3A_2060 : vector<16xf32>
        %add3A_2062 = arith.addf %add3A_1960, %mul3A_2061 : vector<16xf32>
        %mul3A_2063 = vector.broadcast %squeeze3A_2059 : f32 to vector<16xf32>
        %mul3A_2064 = arith.mulf %bitcast3A_2033, %mul3A_2063 : vector<16xf32>
        %add3A_2065 = arith.addf %add3A_1963, %mul3A_2064 : vector<16xf32>
        %slice3A_2066 = vector.extract_strided_slice %bitcast3A_717 {offsets = [12], sizes = [1], strides = [1]} : vector<16xf32> to vector<1xf32>
        %squeeze3A_2067 = vector.extract %slice3A_2066[0] : f32 from vector<1xf32>
        %mul3A_2068 = vector.broadcast %squeeze3A_2067 : f32 to vector<16xf32>
        %mul3A_2069 = arith.mulf %bitcast3A_2017, %mul3A_2068 : vector<16xf32>
        %add3A_2070 = arith.addf %add3A_1968, %mul3A_2069 : vector<16xf32>
        %mul3A_2071 = vector.broadcast %squeeze3A_2067 : f32 to vector<16xf32>
        %mul3A_2072 = arith.mulf %bitcast3A_2033, %mul3A_2071 : vector<16xf32>
        %add3A_2073 = arith.addf %add3A_1971, %mul3A_2072 : vector<16xf32>
        %slice3A_2074 = vector.extract_strided_slice %bitcast3A_736 {offsets = [12], sizes = [1], strides = [1]} : vector<16xf32> to vector<1xf32>
        %squeeze3A_2075 = vector.extract %slice3A_2074[0] : f32 from vector<1xf32>
        %mul3A_2076 = vector.broadcast %squeeze3A_2075 : f32 to vector<16xf32>
        %mul3A_2077 = arith.mulf %bitcast3A_2017, %mul3A_2076 : vector<16xf32>
        %add3A_2078 = arith.addf %add3A_1976, %mul3A_2077 : vector<16xf32>
        %mul3A_2079 = vector.broadcast %squeeze3A_2075 : f32 to vector<16xf32>
        %mul3A_2080 = arith.mulf %bitcast3A_2033, %mul3A_2079 : vector<16xf32>
        %add3A_2081 = arith.addf %add3A_1979, %mul3A_2080 : vector<16xf32>
        %slice3A_2082 = vector.extract_strided_slice %bitcast3A_755 {offsets = [12], sizes = [1], strides = [1]} : vector<16xf32> to vector<1xf32>
        %squeeze3A_2083 = vector.extract %slice3A_2082[0] : f32 from vector<1xf32>
        %mul3A_2084 = vector.broadcast %squeeze3A_2083 : f32 to vector<16xf32>
        %mul3A_2085 = arith.mulf %bitcast3A_2017, %mul3A_2084 : vector<16xf32>
        %add3A_2086 = arith.addf %add3A_1984, %mul3A_2085 : vector<16xf32>
        %mul3A_2087 = vector.broadcast %squeeze3A_2083 : f32 to vector<16xf32>
        %mul3A_2088 = arith.mulf %bitcast3A_2033, %mul3A_2087 : vector<16xf32>
        %add3A_2089 = arith.addf %add3A_1987, %mul3A_2088 : vector<16xf32>
        %slice3A_2090 = vector.extract_strided_slice %bitcast3A_774 {offsets = [12], sizes = [1], strides = [1]} : vector<16xf32> to vector<1xf32>
        %squeeze3A_2091 = vector.extract %slice3A_2090[0] : f32 from vector<1xf32>
        %mul3A_2092 = vector.broadcast %squeeze3A_2091 : f32 to vector<16xf32>
        %mul3A_2093 = arith.mulf %bitcast3A_2017, %mul3A_2092 : vector<16xf32>
        %add3A_2094 = arith.addf %add3A_1992, %mul3A_2093 : vector<16xf32>
        %mul3A_2095 = vector.broadcast %squeeze3A_2091 : f32 to vector<16xf32>
        %mul3A_2096 = arith.mulf %bitcast3A_2033, %mul3A_2095 : vector<16xf32>
        %add3A_2097 = arith.addf %add3A_1995, %mul3A_2096 : vector<16xf32>
        %broadcast_in_dim3A_2098 = arith.constant 0 : i32
        %broadcast_in_dim3A_2099 = vector.broadcast %broadcast_in_dim3A_2098 : i32 to vector<16xi32>
        %add3A_2100 = arith.constant 13 : i32
        %add3A_2101 = arith.addi %mul3A_625, %add3A_2100 : i32
        %add3A_2102 = vector.broadcast %add3A_2101 : i32 to vector<16xi32>
        %add3A_2103 = arith.addi %broadcast_in_dim3A_2099, %add3A_2102 : vector<16xi32>
        %gather3A_2104 = tpu.vector_load_idx %arg8[%add3A_5, %add3A_2103] : memref<32x769xf32, #tpu.memory_space<vmem>>[vector<16xi32>, vector<16xi32>], vector<16xf32>,
        %bitcast3A_2105 = vector.bitcast %gather3A_2104 : vector<16xf32> to vector<16xi32>
        %shift_right_arithmetic3A_2106 = arith.constant 16 : i32
        %shift_right_arithmetic3A_2107 = vector.broadcast %shift_right_arithmetic3A_2106 : i32 to vector<16xi32>
        %shift_right_arithmetic3A_2108 = arith.shrsi %bitcast3A_2105, %shift_right_arithmetic3A_2107 : vector<16xi32>
        %and3A_2109 = arith.constant 1 : i32
        %and3A_2110 = vector.broadcast %and3A_2109 : i32 to vector<16xi32>
        %and3A_2111 = arith.andi %shift_right_arithmetic3A_2108, %and3A_2110 : vector<16xi32>
        %add3A_2112 = arith.constant 32767 : i32
        %add3A_2113 = vector.broadcast %add3A_2112 : i32 to vector<16xi32>
        %add3A_2114 = arith.addi %bitcast3A_2105, %add3A_2113 : vector<16xi32>
        %add3A_2115 = arith.addi %add3A_2114, %and3A_2111 : vector<16xi32>
        %and3A_2116 = arith.constant -65536 : i32
        %and3A_2117 = vector.broadcast %and3A_2116 : i32 to vector<16xi32>
        %and3A_2118 = arith.andi %add3A_2115, %and3A_2117 : vector<16xi32>
        %bitcast3A_2119 = vector.bitcast %and3A_2118 : vector<16xi32> to vector<16xf32>
        %gather3A_2120 = tpu.vector_load_idx %arg8[%add3A_8, %add3A_2103] : memref<32x769xf32, #tpu.memory_space<vmem>>[vector<16xi32>, vector<16xi32>], vector<16xf32>,
        %bitcast3A_2121 = vector.bitcast %gather3A_2120 : vector<16xf32> to vector<16xi32>
        %shift_right_arithmetic3A_2122 = arith.constant 16 : i32
        %shift_right_arithmetic3A_2123 = vector.broadcast %shift_right_arithmetic3A_2122 : i32 to vector<16xi32>
        %shift_right_arithmetic3A_2124 = arith.shrsi %bitcast3A_2121, %shift_right_arithmetic3A_2123 : vector<16xi32>
        %and3A_2125 = arith.constant 1 : i32
        %and3A_2126 = vector.broadcast %and3A_2125 : i32 to vector<16xi32>
        %and3A_2127 = arith.andi %shift_right_arithmetic3A_2124, %and3A_2126 : vector<16xi32>
        %add3A_2128 = arith.constant 32767 : i32
        %add3A_2129 = vector.broadcast %add3A_2128 : i32 to vector<16xi32>
        %add3A_2130 = arith.addi %bitcast3A_2121, %add3A_2129 : vector<16xi32>
        %add3A_2131 = arith.addi %add3A_2130, %and3A_2127 : vector<16xi32>
        %and3A_2132 = arith.constant -65536 : i32
        %and3A_2133 = vector.broadcast %and3A_2132 : i32 to vector<16xi32>
        %and3A_2134 = arith.andi %add3A_2131, %and3A_2133 : vector<16xi32>
        %bitcast3A_2135 = vector.bitcast %and3A_2134 : vector<16xi32> to vector<16xf32>
        %slice3A_2136 = vector.extract_strided_slice %bitcast3A_641 {offsets = [13], sizes = [1], strides = [1]} : vector<16xf32> to vector<1xf32>
        %squeeze3A_2137 = vector.extract %slice3A_2136[0] : f32 from vector<1xf32>
        %mul3A_2138 = vector.broadcast %squeeze3A_2137 : f32 to vector<16xf32>
        %mul3A_2139 = arith.mulf %bitcast3A_2119, %mul3A_2138 : vector<16xf32>
        %add3A_2140 = arith.addf %add3A_2038, %mul3A_2139 : vector<16xf32>
        %mul3A_2141 = vector.broadcast %squeeze3A_2137 : f32 to vector<16xf32>
        %mul3A_2142 = arith.mulf %bitcast3A_2135, %mul3A_2141 : vector<16xf32>
        %add3A_2143 = arith.addf %add3A_2041, %mul3A_2142 : vector<16xf32>
        %slice3A_2144 = vector.extract_strided_slice %bitcast3A_660 {offsets = [13], sizes = [1], strides = [1]} : vector<16xf32> to vector<1xf32>
        %squeeze3A_2145 = vector.extract %slice3A_2144[0] : f32 from vector<1xf32>
        %mul3A_2146 = vector.broadcast %squeeze3A_2145 : f32 to vector<16xf32>
        %mul3A_2147 = arith.mulf %bitcast3A_2119, %mul3A_2146 : vector<16xf32>
        %add3A_2148 = arith.addf %add3A_2046, %mul3A_2147 : vector<16xf32>
        %mul3A_2149 = vector.broadcast %squeeze3A_2145 : f32 to vector<16xf32>
        %mul3A_2150 = arith.mulf %bitcast3A_2135, %mul3A_2149 : vector<16xf32>
        %add3A_2151 = arith.addf %add3A_2049, %mul3A_2150 : vector<16xf32>
        %slice3A_2152 = vector.extract_strided_slice %bitcast3A_679 {offsets = [13], sizes = [1], strides = [1]} : vector<16xf32> to vector<1xf32>
        %squeeze3A_2153 = vector.extract %slice3A_2152[0] : f32 from vector<1xf32>
        %mul3A_2154 = vector.broadcast %squeeze3A_2153 : f32 to vector<16xf32>
        %mul3A_2155 = arith.mulf %bitcast3A_2119, %mul3A_2154 : vector<16xf32>
        %add3A_2156 = arith.addf %add3A_2054, %mul3A_2155 : vector<16xf32>
        %mul3A_2157 = vector.broadcast %squeeze3A_2153 : f32 to vector<16xf32>
        %mul3A_2158 = arith.mulf %bitcast3A_2135, %mul3A_2157 : vector<16xf32>
        %add3A_2159 = arith.addf %add3A_2057, %mul3A_2158 : vector<16xf32>
        %slice3A_2160 = vector.extract_strided_slice %bitcast3A_698 {offsets = [13], sizes = [1], strides = [1]} : vector<16xf32> to vector<1xf32>
        %squeeze3A_2161 = vector.extract %slice3A_2160[0] : f32 from vector<1xf32>
        %mul3A_2162 = vector.broadcast %squeeze3A_2161 : f32 to vector<16xf32>
        %mul3A_2163 = arith.mulf %bitcast3A_2119, %mul3A_2162 : vector<16xf32>
        %add3A_2164 = arith.addf %add3A_2062, %mul3A_2163 : vector<16xf32>
        %mul3A_2165 = vector.broadcast %squeeze3A_2161 : f32 to vector<16xf32>
        %mul3A_2166 = arith.mulf %bitcast3A_2135, %mul3A_2165 : vector<16xf32>
        %add3A_2167 = arith.addf %add3A_2065, %mul3A_2166 : vector<16xf32>
        %slice3A_2168 = vector.extract_strided_slice %bitcast3A_717 {offsets = [13], sizes = [1], strides = [1]} : vector<16xf32> to vector<1xf32>
        %squeeze3A_2169 = vector.extract %slice3A_2168[0] : f32 from vector<1xf32>
        %mul3A_2170 = vector.broadcast %squeeze3A_2169 : f32 to vector<16xf32>
        %mul3A_2171 = arith.mulf %bitcast3A_2119, %mul3A_2170 : vector<16xf32>
        %add3A_2172 = arith.addf %add3A_2070, %mul3A_2171 : vector<16xf32>
        %mul3A_2173 = vector.broadcast %squeeze3A_2169 : f32 to vector<16xf32>
        %mul3A_2174 = arith.mulf %bitcast3A_2135, %mul3A_2173 : vector<16xf32>
        %add3A_2175 = arith.addf %add3A_2073, %mul3A_2174 : vector<16xf32>
        %slice3A_2176 = vector.extract_strided_slice %bitcast3A_736 {offsets = [13], sizes = [1], strides = [1]} : vector<16xf32> to vector<1xf32>
        %squeeze3A_2177 = vector.extract %slice3A_2176[0] : f32 from vector<1xf32>
        %mul3A_2178 = vector.broadcast %squeeze3A_2177 : f32 to vector<16xf32>
        %mul3A_2179 = arith.mulf %bitcast3A_2119, %mul3A_2178 : vector<16xf32>
        %add3A_2180 = arith.addf %add3A_2078, %mul3A_2179 : vector<16xf32>
        %mul3A_2181 = vector.broadcast %squeeze3A_2177 : f32 to vector<16xf32>
        %mul3A_2182 = arith.mulf %bitcast3A_2135, %mul3A_2181 : vector<16xf32>
        %add3A_2183 = arith.addf %add3A_2081, %mul3A_2182 : vector<16xf32>
        %slice3A_2184 = vector.extract_strided_slice %bitcast3A_755 {offsets = [13], sizes = [1], strides = [1]} : vector<16xf32> to vector<1xf32>
        %squeeze3A_2185 = vector.extract %slice3A_2184[0] : f32 from vector<1xf32>
        %mul3A_2186 = vector.broadcast %squeeze3A_2185 : f32 to vector<16xf32>
        %mul3A_2187 = arith.mulf %bitcast3A_2119, %mul3A_2186 : vector<16xf32>
        %add3A_2188 = arith.addf %add3A_2086, %mul3A_2187 : vector<16xf32>
        %mul3A_2189 = vector.broadcast %squeeze3A_2185 : f32 to vector<16xf32>
        %mul3A_2190 = arith.mulf %bitcast3A_2135, %mul3A_2189 : vector<16xf32>
        %add3A_2191 = arith.addf %add3A_2089, %mul3A_2190 : vector<16xf32>
        %slice3A_2192 = vector.extract_strided_slice %bitcast3A_774 {offsets = [13], sizes = [1], strides = [1]} : vector<16xf32> to vector<1xf32>
        %squeeze3A_2193 = vector.extract %slice3A_2192[0] : f32 from vector<1xf32>
        %mul3A_2194 = vector.broadcast %squeeze3A_2193 : f32 to vector<16xf32>
        %mul3A_2195 = arith.mulf %bitcast3A_2119, %mul3A_2194 : vector<16xf32>
        %add3A_2196 = arith.addf %add3A_2094, %mul3A_2195 : vector<16xf32>
        %mul3A_2197 = vector.broadcast %squeeze3A_2193 : f32 to vector<16xf32>
        %mul3A_2198 = arith.mulf %bitcast3A_2135, %mul3A_2197 : vector<16xf32>
        %add3A_2199 = arith.addf %add3A_2097, %mul3A_2198 : vector<16xf32>
        %broadcast_in_dim3A_2200 = arith.constant 0 : i32
        %broadcast_in_dim3A_2201 = vector.broadcast %broadcast_in_dim3A_2200 : i32 to vector<16xi32>
        %add3A_2202 = arith.constant 14 : i32
        %add3A_2203 = arith.addi %mul3A_625, %add3A_2202 : i32
        %add3A_2204 = vector.broadcast %add3A_2203 : i32 to vector<16xi32>
        %add3A_2205 = arith.addi %broadcast_in_dim3A_2201, %add3A_2204 : vector<16xi32>
        %gather3A_2206 = tpu.vector_load_idx %arg8[%add3A_5, %add3A_2205] : memref<32x769xf32, #tpu.memory_space<vmem>>[vector<16xi32>, vector<16xi32>], vector<16xf32>,
        %bitcast3A_2207 = vector.bitcast %gather3A_2206 : vector<16xf32> to vector<16xi32>
        %shift_right_arithmetic3A_2208 = arith.constant 16 : i32
        %shift_right_arithmetic3A_2209 = vector.broadcast %shift_right_arithmetic3A_2208 : i32 to vector<16xi32>
        %shift_right_arithmetic3A_2210 = arith.shrsi %bitcast3A_2207, %shift_right_arithmetic3A_2209 : vector<16xi32>
        %and3A_2211 = arith.constant 1 : i32
        %and3A_2212 = vector.broadcast %and3A_2211 : i32 to vector<16xi32>
        %and3A_2213 = arith.andi %shift_right_arithmetic3A_2210, %and3A_2212 : vector<16xi32>
        %add3A_2214 = arith.constant 32767 : i32
        %add3A_2215 = vector.broadcast %add3A_2214 : i32 to vector<16xi32>
        %add3A_2216 = arith.addi %bitcast3A_2207, %add3A_2215 : vector<16xi32>
        %add3A_2217 = arith.addi %add3A_2216, %and3A_2213 : vector<16xi32>
        %and3A_2218 = arith.constant -65536 : i32
        %and3A_2219 = vector.broadcast %and3A_2218 : i32 to vector<16xi32>
        %and3A_2220 = arith.andi %add3A_2217, %and3A_2219 : vector<16xi32>
        %bitcast3A_2221 = vector.bitcast %and3A_2220 : vector<16xi32> to vector<16xf32>
        %gather3A_2222 = tpu.vector_load_idx %arg8[%add3A_8, %add3A_2205] : memref<32x769xf32, #tpu.memory_space<vmem>>[vector<16xi32>, vector<16xi32>], vector<16xf32>,
        %bitcast3A_2223 = vector.bitcast %gather3A_2222 : vector<16xf32> to vector<16xi32>
        %shift_right_arithmetic3A_2224 = arith.constant 16 : i32
        %shift_right_arithmetic3A_2225 = vector.broadcast %shift_right_arithmetic3A_2224 : i32 to vector<16xi32>
        %shift_right_arithmetic3A_2226 = arith.shrsi %bitcast3A_2223, %shift_right_arithmetic3A_2225 : vector<16xi32>
        %and3A_2227 = arith.constant 1 : i32
        %and3A_2228 = vector.broadcast %and3A_2227 : i32 to vector<16xi32>
        %and3A_2229 = arith.andi %shift_right_arithmetic3A_2226, %and3A_2228 : vector<16xi32>
        %add3A_2230 = arith.constant 32767 : i32
        %add3A_2231 = vector.broadcast %add3A_2230 : i32 to vector<16xi32>
        %add3A_2232 = arith.addi %bitcast3A_2223, %add3A_2231 : vector<16xi32>
        %add3A_2233 = arith.addi %add3A_2232, %and3A_2229 : vector<16xi32>
        %and3A_2234 = arith.constant -65536 : i32
        %and3A_2235 = vector.broadcast %and3A_2234 : i32 to vector<16xi32>
        %and3A_2236 = arith.andi %add3A_2233, %and3A_2235 : vector<16xi32>
        %bitcast3A_2237 = vector.bitcast %and3A_2236 : vector<16xi32> to vector<16xf32>
        %slice3A_2238 = vector.extract_strided_slice %bitcast3A_641 {offsets = [14], sizes = [1], strides = [1]} : vector<16xf32> to vector<1xf32>
        %squeeze3A_2239 = vector.extract %slice3A_2238[0] : f32 from vector<1xf32>
        %mul3A_2240 = vector.broadcast %squeeze3A_2239 : f32 to vector<16xf32>
        %mul3A_2241 = arith.mulf %bitcast3A_2221, %mul3A_2240 : vector<16xf32>
        %add3A_2242 = arith.addf %add3A_2140, %mul3A_2241 : vector<16xf32>
        %mul3A_2243 = vector.broadcast %squeeze3A_2239 : f32 to vector<16xf32>
        %mul3A_2244 = arith.mulf %bitcast3A_2237, %mul3A_2243 : vector<16xf32>
        %add3A_2245 = arith.addf %add3A_2143, %mul3A_2244 : vector<16xf32>
        %slice3A_2246 = vector.extract_strided_slice %bitcast3A_660 {offsets = [14], sizes = [1], strides = [1]} : vector<16xf32> to vector<1xf32>
        %squeeze3A_2247 = vector.extract %slice3A_2246[0] : f32 from vector<1xf32>
        %mul3A_2248 = vector.broadcast %squeeze3A_2247 : f32 to vector<16xf32>
        %mul3A_2249 = arith.mulf %bitcast3A_2221, %mul3A_2248 : vector<16xf32>
        %add3A_2250 = arith.addf %add3A_2148, %mul3A_2249 : vector<16xf32>
        %mul3A_2251 = vector.broadcast %squeeze3A_2247 : f32 to vector<16xf32>
        %mul3A_2252 = arith.mulf %bitcast3A_2237, %mul3A_2251 : vector<16xf32>
        %add3A_2253 = arith.addf %add3A_2151, %mul3A_2252 : vector<16xf32>
        %slice3A_2254 = vector.extract_strided_slice %bitcast3A_679 {offsets = [14], sizes = [1], strides = [1]} : vector<16xf32> to vector<1xf32>
        %squeeze3A_2255 = vector.extract %slice3A_2254[0] : f32 from vector<1xf32>
        %mul3A_2256 = vector.broadcast %squeeze3A_2255 : f32 to vector<16xf32>
        %mul3A_2257 = arith.mulf %bitcast3A_2221, %mul3A_2256 : vector<16xf32>
        %add3A_2258 = arith.addf %add3A_2156, %mul3A_2257 : vector<16xf32>
        %mul3A_2259 = vector.broadcast %squeeze3A_2255 : f32 to vector<16xf32>
        %mul3A_2260 = arith.mulf %bitcast3A_2237, %mul3A_2259 : vector<16xf32>
        %add3A_2261 = arith.addf %add3A_2159, %mul3A_2260 : vector<16xf32>
        %slice3A_2262 = vector.extract_strided_slice %bitcast3A_698 {offsets = [14], sizes = [1], strides = [1]} : vector<16xf32> to vector<1xf32>
        %squeeze3A_2263 = vector.extract %slice3A_2262[0] : f32 from vector<1xf32>
        %mul3A_2264 = vector.broadcast %squeeze3A_2263 : f32 to vector<16xf32>
        %mul3A_2265 = arith.mulf %bitcast3A_2221, %mul3A_2264 : vector<16xf32>
        %add3A_2266 = arith.addf %add3A_2164, %mul3A_2265 : vector<16xf32>
        %mul3A_2267 = vector.broadcast %squeeze3A_2263 : f32 to vector<16xf32>
        %mul3A_2268 = arith.mulf %bitcast3A_2237, %mul3A_2267 : vector<16xf32>
        %add3A_2269 = arith.addf %add3A_2167, %mul3A_2268 : vector<16xf32>
        %slice3A_2270 = vector.extract_strided_slice %bitcast3A_717 {offsets = [14], sizes = [1], strides = [1]} : vector<16xf32> to vector<1xf32>
        %squeeze3A_2271 = vector.extract %slice3A_2270[0] : f32 from vector<1xf32>
        %mul3A_2272 = vector.broadcast %squeeze3A_2271 : f32 to vector<16xf32>
        %mul3A_2273 = arith.mulf %bitcast3A_2221, %mul3A_2272 : vector<16xf32>
        %add3A_2274 = arith.addf %add3A_2172, %mul3A_2273 : vector<16xf32>
        %mul3A_2275 = vector.broadcast %squeeze3A_2271 : f32 to vector<16xf32>
        %mul3A_2276 = arith.mulf %bitcast3A_2237, %mul3A_2275 : vector<16xf32>
        %add3A_2277 = arith.addf %add3A_2175, %mul3A_2276 : vector<16xf32>
        %slice3A_2278 = vector.extract_strided_slice %bitcast3A_736 {offsets = [14], sizes = [1], strides = [1]} : vector<16xf32> to vector<1xf32>
        %squeeze3A_2279 = vector.extract %slice3A_2278[0] : f32 from vector<1xf32>
        %mul3A_2280 = vector.broadcast %squeeze3A_2279 : f32 to vector<16xf32>
        %mul3A_2281 = arith.mulf %bitcast3A_2221, %mul3A_2280 : vector<16xf32>
        %add3A_2282 = arith.addf %add3A_2180, %mul3A_2281 : vector<16xf32>
        %mul3A_2283 = vector.broadcast %squeeze3A_2279 : f32 to vector<16xf32>
        %mul3A_2284 = arith.mulf %bitcast3A_2237, %mul3A_2283 : vector<16xf32>
        %add3A_2285 = arith.addf %add3A_2183, %mul3A_2284 : vector<16xf32>
        %slice3A_2286 = vector.extract_strided_slice %bitcast3A_755 {offsets = [14], sizes = [1], strides = [1]} : vector<16xf32> to vector<1xf32>
        %squeeze3A_2287 = vector.extract %slice3A_2286[0] : f32 from vector<1xf32>
        %mul3A_2288 = vector.broadcast %squeeze3A_2287 : f32 to vector<16xf32>
        %mul3A_2289 = arith.mulf %bitcast3A_2221, %mul3A_2288 : vector<16xf32>
        %add3A_2290 = arith.addf %add3A_2188, %mul3A_2289 : vector<16xf32>
        %mul3A_2291 = vector.broadcast %squeeze3A_2287 : f32 to vector<16xf32>
        %mul3A_2292 = arith.mulf %bitcast3A_2237, %mul3A_2291 : vector<16xf32>
        %add3A_2293 = arith.addf %add3A_2191, %mul3A_2292 : vector<16xf32>
        %slice3A_2294 = vector.extract_strided_slice %bitcast3A_774 {offsets = [14], sizes = [1], strides = [1]} : vector<16xf32> to vector<1xf32>
        %squeeze3A_2295 = vector.extract %slice3A_2294[0] : f32 from vector<1xf32>
        %mul3A_2296 = vector.broadcast %squeeze3A_2295 : f32 to vector<16xf32>
        %mul3A_2297 = arith.mulf %bitcast3A_2221, %mul3A_2296 : vector<16xf32>
        %add3A_2298 = arith.addf %add3A_2196, %mul3A_2297 : vector<16xf32>
        %mul3A_2299 = vector.broadcast %squeeze3A_2295 : f32 to vector<16xf32>
        %mul3A_2300 = arith.mulf %bitcast3A_2237, %mul3A_2299 : vector<16xf32>
        %add3A_2301 = arith.addf %add3A_2199, %mul3A_2300 : vector<16xf32>
        %broadcast_in_dim3A_2302 = arith.constant 0 : i32
        %broadcast_in_dim3A_2303 = vector.broadcast %broadcast_in_dim3A_2302 : i32 to vector<16xi32>
        %add3A_2304 = arith.constant 15 : i32
        %add3A_2305 = arith.addi %mul3A_625, %add3A_2304 : i32
        %add3A_2306 = vector.broadcast %add3A_2305 : i32 to vector<16xi32>
        %add3A_2307 = arith.addi %broadcast_in_dim3A_2303, %add3A_2306 : vector<16xi32>
        %gather3A_2308 = tpu.vector_load_idx %arg8[%add3A_5, %add3A_2307] : memref<32x769xf32, #tpu.memory_space<vmem>>[vector<16xi32>, vector<16xi32>], vector<16xf32>,
        %bitcast3A_2309 = vector.bitcast %gather3A_2308 : vector<16xf32> to vector<16xi32>
        %shift_right_arithmetic3A_2310 = arith.constant 16 : i32
        %shift_right_arithmetic3A_2311 = vector.broadcast %shift_right_arithmetic3A_2310 : i32 to vector<16xi32>
        %shift_right_arithmetic3A_2312 = arith.shrsi %bitcast3A_2309, %shift_right_arithmetic3A_2311 : vector<16xi32>
        %and3A_2313 = arith.constant 1 : i32
        %and3A_2314 = vector.broadcast %and3A_2313 : i32 to vector<16xi32>
        %and3A_2315 = arith.andi %shift_right_arithmetic3A_2312, %and3A_2314 : vector<16xi32>
        %add3A_2316 = arith.constant 32767 : i32
        %add3A_2317 = vector.broadcast %add3A_2316 : i32 to vector<16xi32>
        %add3A_2318 = arith.addi %bitcast3A_2309, %add3A_2317 : vector<16xi32>
        %add3A_2319 = arith.addi %add3A_2318, %and3A_2315 : vector<16xi32>
        %and3A_2320 = arith.constant -65536 : i32
        %and3A_2321 = vector.broadcast %and3A_2320 : i32 to vector<16xi32>
        %and3A_2322 = arith.andi %add3A_2319, %and3A_2321 : vector<16xi32>
        %bitcast3A_2323 = vector.bitcast %and3A_2322 : vector<16xi32> to vector<16xf32>
        %gather3A_2324 = tpu.vector_load_idx %arg8[%add3A_8, %add3A_2307] : memref<32x769xf32, #tpu.memory_space<vmem>>[vector<16xi32>, vector<16xi32>], vector<16xf32>,
        %bitcast3A_2325 = vector.bitcast %gather3A_2324 : vector<16xf32> to vector<16xi32>
        %shift_right_arithmetic3A_2326 = arith.constant 16 : i32
        %shift_right_arithmetic3A_2327 = vector.broadcast %shift_right_arithmetic3A_2326 : i32 to vector<16xi32>
        %shift_right_arithmetic3A_2328 = arith.shrsi %bitcast3A_2325, %shift_right_arithmetic3A_2327 : vector<16xi32>
        %and3A_2329 = arith.constant 1 : i32
        %and3A_2330 = vector.broadcast %and3A_2329 : i32 to vector<16xi32>
        %and3A_2331 = arith.andi %shift_right_arithmetic3A_2328, %and3A_2330 : vector<16xi32>
        %add3A_2332 = arith.constant 32767 : i32
        %add3A_2333 = vector.broadcast %add3A_2332 : i32 to vector<16xi32>
        %add3A_2334 = arith.addi %bitcast3A_2325, %add3A_2333 : vector<16xi32>
        %add3A_2335 = arith.addi %add3A_2334, %and3A_2331 : vector<16xi32>
        %and3A_2336 = arith.constant -65536 : i32
        %and3A_2337 = vector.broadcast %and3A_2336 : i32 to vector<16xi32>
        %and3A_2338 = arith.andi %add3A_2335, %and3A_2337 : vector<16xi32>
        %bitcast3A_2339 = vector.bitcast %and3A_2338 : vector<16xi32> to vector<16xf32>
        %slice3A_2340 = vector.extract_strided_slice %bitcast3A_641 {offsets = [15], sizes = [1], strides = [1]} : vector<16xf32> to vector<1xf32>
        %squeeze3A_2341 = vector.extract %slice3A_2340[0] : f32 from vector<1xf32>
        %mul3A_2342 = vector.broadcast %squeeze3A_2341 : f32 to vector<16xf32>
        %mul3A_2343 = arith.mulf %bitcast3A_2323, %mul3A_2342 : vector<16xf32>
        %add3A_2344 = arith.addf %add3A_2242, %mul3A_2343 : vector<16xf32>
        %mul3A_2345 = vector.broadcast %squeeze3A_2341 : f32 to vector<16xf32>
        %mul3A_2346 = arith.mulf %bitcast3A_2339, %mul3A_2345 : vector<16xf32>
        %add3A_2347 = arith.addf %add3A_2245, %mul3A_2346 : vector<16xf32>
        %slice3A_2348 = vector.extract_strided_slice %bitcast3A_660 {offsets = [15], sizes = [1], strides = [1]} : vector<16xf32> to vector<1xf32>
        %squeeze3A_2349 = vector.extract %slice3A_2348[0] : f32 from vector<1xf32>
        %mul3A_2350 = vector.broadcast %squeeze3A_2349 : f32 to vector<16xf32>
        %mul3A_2351 = arith.mulf %bitcast3A_2323, %mul3A_2350 : vector<16xf32>
        %add3A_2352 = arith.addf %add3A_2250, %mul3A_2351 : vector<16xf32>
        %mul3A_2353 = vector.broadcast %squeeze3A_2349 : f32 to vector<16xf32>
        %mul3A_2354 = arith.mulf %bitcast3A_2339, %mul3A_2353 : vector<16xf32>
        %add3A_2355 = arith.addf %add3A_2253, %mul3A_2354 : vector<16xf32>
        %slice3A_2356 = vector.extract_strided_slice %bitcast3A_679 {offsets = [15], sizes = [1], strides = [1]} : vector<16xf32> to vector<1xf32>
        %squeeze3A_2357 = vector.extract %slice3A_2356[0] : f32 from vector<1xf32>
        %mul3A_2358 = vector.broadcast %squeeze3A_2357 : f32 to vector<16xf32>
        %mul3A_2359 = arith.mulf %bitcast3A_2323, %mul3A_2358 : vector<16xf32>
        %add3A_2360 = arith.addf %add3A_2258, %mul3A_2359 : vector<16xf32>
        %mul3A_2361 = vector.broadcast %squeeze3A_2357 : f32 to vector<16xf32>
        %mul3A_2362 = arith.mulf %bitcast3A_2339, %mul3A_2361 : vector<16xf32>
        %add3A_2363 = arith.addf %add3A_2261, %mul3A_2362 : vector<16xf32>
        %slice3A_2364 = vector.extract_strided_slice %bitcast3A_698 {offsets = [15], sizes = [1], strides = [1]} : vector<16xf32> to vector<1xf32>
        %squeeze3A_2365 = vector.extract %slice3A_2364[0] : f32 from vector<1xf32>
        %mul3A_2366 = vector.broadcast %squeeze3A_2365 : f32 to vector<16xf32>
        %mul3A_2367 = arith.mulf %bitcast3A_2323, %mul3A_2366 : vector<16xf32>
        %add3A_2368 = arith.addf %add3A_2266, %mul3A_2367 : vector<16xf32>
        %mul3A_2369 = vector.broadcast %squeeze3A_2365 : f32 to vector<16xf32>
        %mul3A_2370 = arith.mulf %bitcast3A_2339, %mul3A_2369 : vector<16xf32>
        %add3A_2371 = arith.addf %add3A_2269, %mul3A_2370 : vector<16xf32>
        %slice3A_2372 = vector.extract_strided_slice %bitcast3A_717 {offsets = [15], sizes = [1], strides = [1]} : vector<16xf32> to vector<1xf32>
        %squeeze3A_2373 = vector.extract %slice3A_2372[0] : f32 from vector<1xf32>
        %mul3A_2374 = vector.broadcast %squeeze3A_2373 : f32 to vector<16xf32>
        %mul3A_2375 = arith.mulf %bitcast3A_2323, %mul3A_2374 : vector<16xf32>
        %add3A_2376 = arith.addf %add3A_2274, %mul3A_2375 : vector<16xf32>
        %mul3A_2377 = vector.broadcast %squeeze3A_2373 : f32 to vector<16xf32>
        %mul3A_2378 = arith.mulf %bitcast3A_2339, %mul3A_2377 : vector<16xf32>
        %add3A_2379 = arith.addf %add3A_2277, %mul3A_2378 : vector<16xf32>
        %slice3A_2380 = vector.extract_strided_slice %bitcast3A_736 {offsets = [15], sizes = [1], strides = [1]} : vector<16xf32> to vector<1xf32>
        %squeeze3A_2381 = vector.extract %slice3A_2380[0] : f32 from vector<1xf32>
        %mul3A_2382 = vector.broadcast %squeeze3A_2381 : f32 to vector<16xf32>
        %mul3A_2383 = arith.mulf %bitcast3A_2323, %mul3A_2382 : vector<16xf32>
        %add3A_2384 = arith.addf %add3A_2282, %mul3A_2383 : vector<16xf32>
        %mul3A_2385 = vector.broadcast %squeeze3A_2381 : f32 to vector<16xf32>
        %mul3A_2386 = arith.mulf %bitcast3A_2339, %mul3A_2385 : vector<16xf32>
        %add3A_2387 = arith.addf %add3A_2285, %mul3A_2386 : vector<16xf32>
        %slice3A_2388 = vector.extract_strided_slice %bitcast3A_755 {offsets = [15], sizes = [1], strides = [1]} : vector<16xf32> to vector<1xf32>
        %squeeze3A_2389 = vector.extract %slice3A_2388[0] : f32 from vector<1xf32>
        %mul3A_2390 = vector.broadcast %squeeze3A_2389 : f32 to vector<16xf32>
        %mul3A_2391 = arith.mulf %bitcast3A_2323, %mul3A_2390 : vector<16xf32>
        %add3A_2392 = arith.addf %add3A_2290, %mul3A_2391 : vector<16xf32>
        %mul3A_2393 = vector.broadcast %squeeze3A_2389 : f32 to vector<16xf32>
        %mul3A_2394 = arith.mulf %bitcast3A_2339, %mul3A_2393 : vector<16xf32>
        %add3A_2395 = arith.addf %add3A_2293, %mul3A_2394 : vector<16xf32>
        %slice3A_2396 = vector.extract_strided_slice %bitcast3A_774 {offsets = [15], sizes = [1], strides = [1]} : vector<16xf32> to vector<1xf32>
        %squeeze3A_2397 = vector.extract %slice3A_2396[0] : f32 from vector<1xf32>
        %mul3A_2398 = vector.broadcast %squeeze3A_2397 : f32 to vector<16xf32>
        %mul3A_2399 = arith.mulf %bitcast3A_2323, %mul3A_2398 : vector<16xf32>
        %add3A_2400 = arith.addf %add3A_2298, %mul3A_2399 : vector<16xf32>
        %mul3A_2401 = vector.broadcast %squeeze3A_2397 : f32 to vector<16xf32>
        %mul3A_2402 = arith.mulf %bitcast3A_2339, %mul3A_2401 : vector<16xf32>
        %add3A_2403 = arith.addf %add3A_2301, %mul3A_2402 : vector<16xf32>
        scf.yield %add3A_2344, %add3A_2347, %add3A_2352, %add3A_2355, %add3A_2360, %add3A_2363, %add3A_2368, %add3A_2371, %add3A_2376, %add3A_2379, %add3A_2384, %add3A_2387, %add3A_2392, %add3A_2395, %add3A_2400, %add3A_2403 : vector<16xf32>, vector<16xf32>, vector<16xf32>, vector<16xf32>, vector<16xf32>, vector<16xf32>, vector<16xf32>, vector<16xf32>, vector<16xf32>, vector<16xf32>, vector<16xf32>, vector<16xf32>, vector<16xf32>, vector<16xf32>, vector<16xf32>, vector<16xf32>
      }
      %scan3A_53 = arith.constant 48 : i32
      %max3A = arith.maximumf %scan3A_52#0, %scan3A_52#2 : vector<16xf32>
      %max3A_54 = arith.maximumf %max3A, %scan3A_52#4 : vector<16xf32>
      %max3A_55 = arith.maximumf %max3A_54, %scan3A_52#6 : vector<16xf32>
      %max3A_56 = arith.maximumf %max3A_55, %scan3A_52#8 : vector<16xf32>
      %max3A_57 = arith.maximumf %max3A_56, %scan3A_52#10 : vector<16xf32>
      %max3A_58 = arith.maximumf %max3A_57, %scan3A_52#12 : vector<16xf32>
      %max3A_59 = arith.maximumf %max3A_58, %scan3A_52#14 : vector<16xf32>
      %broadcast_in_dim3A_60 = arith.constant 8 : i32
      %broadcast_in_dim3A_61 = vector.broadcast %broadcast_in_dim3A_60 : i32 to vector<16xi32>
      %eq3A = arith.cmpf oeq, %scan3A_52#14, %max3A_59 : vector<16xf32>
      %jit3A = arith.constant 7 : i32
      %broadcast_in_dim3A_62 = vector.broadcast %jit3A : i32 to vector<16xi32>
      %select_n3A = arith.select %eq3A, %broadcast_in_dim3A_62, %broadcast_in_dim3A_61 : vector<16xi1>, vector<16xi32>
      %eq3A_63 = arith.cmpf oeq, %scan3A_52#12, %max3A_59 : vector<16xf32>
      %jit3A_64 = arith.constant 6 : i32
      %broadcast_in_dim3A_65 = vector.broadcast %jit3A_64 : i32 to vector<16xi32>
      %select_n3A_66 = arith.select %eq3A_63, %broadcast_in_dim3A_65, %select_n3A : vector<16xi1>, vector<16xi32>
      %eq3A_67 = arith.cmpf oeq, %scan3A_52#10, %max3A_59 : vector<16xf32>
      %jit3A_68 = arith.constant 5 : i32
      %broadcast_in_dim3A_69 = vector.broadcast %jit3A_68 : i32 to vector<16xi32>
      %select_n3A_70 = arith.select %eq3A_67, %broadcast_in_dim3A_69, %select_n3A_66 : vector<16xi1>, vector<16xi32>
      %eq3A_71 = arith.cmpf oeq, %scan3A_52#8, %max3A_59 : vector<16xf32>
      %jit3A_72 = arith.constant 4 : i32
      %broadcast_in_dim3A_73 = vector.broadcast %jit3A_72 : i32 to vector<16xi32>
      %select_n3A_74 = arith.select %eq3A_71, %broadcast_in_dim3A_73, %select_n3A_70 : vector<16xi1>, vector<16xi32>
      %eq3A_75 = arith.cmpf oeq, %scan3A_52#6, %max3A_59 : vector<16xf32>
      %jit3A_76 = arith.constant 3 : i32
      %broadcast_in_dim3A_77 = vector.broadcast %jit3A_76 : i32 to vector<16xi32>
      %select_n3A_78 = arith.select %eq3A_75, %broadcast_in_dim3A_77, %select_n3A_74 : vector<16xi1>, vector<16xi32>
      %eq3A_79 = arith.cmpf oeq, %scan3A_52#4, %max3A_59 : vector<16xf32>
      %jit3A_80 = arith.constant 2 : i32
      %broadcast_in_dim3A_81 = vector.broadcast %jit3A_80 : i32 to vector<16xi32>
      %select_n3A_82 = arith.select %eq3A_79, %broadcast_in_dim3A_81, %select_n3A_78 : vector<16xi1>, vector<16xi32>
      %eq3A_83 = arith.cmpf oeq, %scan3A_52#2, %max3A_59 : vector<16xf32>
      %jit3A_84 = arith.constant 1 : i32
      %broadcast_in_dim3A_85 = vector.broadcast %jit3A_84 : i32 to vector<16xi32>
      %select_n3A_86 = arith.select %eq3A_83, %broadcast_in_dim3A_85, %select_n3A_82 : vector<16xi1>, vector<16xi32>
      %eq3A_87 = arith.cmpf oeq, %scan3A_52#0, %max3A_59 : vector<16xf32>
      %jit3A_88 = arith.constant 0 : i32
      %broadcast_in_dim3A_89 = vector.broadcast %jit3A_88 : i32 to vector<16xi32>
      %select_n3A_90 = arith.select %eq3A_87, %broadcast_in_dim3A_89, %select_n3A_86 : vector<16xi1>, vector<16xi32>
      %broadcast_in_dim3A_91 = arith.constant 0xFF800000 : f32
      %broadcast_in_dim3A_92 = vector.broadcast %broadcast_in_dim3A_91 : f32 to vector<16xf32>
      %eq3A_93 = arith.constant 0 : i32
      %eq3A_94 = vector.broadcast %eq3A_93 : i32 to vector<16xi32>
      %eq3A_95 = arith.cmpi eq, %select_n3A_90, %eq3A_94 : vector<16xi32>
      %select_n3A_96 = arith.select %eq3A_95, %broadcast_in_dim3A_92, %scan3A_52#0 : vector<16xi1>, vector<16xf32>
      %max3A_97 = arith.maximumf %broadcast_in_dim3A_92, %select_n3A_96 : vector<16xf32>
      %eq3A_98 = arith.constant 1 : i32
      %eq3A_99 = vector.broadcast %eq3A_98 : i32 to vector<16xi32>
      %eq3A_100 = arith.cmpi eq, %select_n3A_90, %eq3A_99 : vector<16xi32>
      %select_n3A_101 = arith.select %eq3A_100, %broadcast_in_dim3A_92, %scan3A_52#2 : vector<16xi1>, vector<16xf32>
      %max3A_102 = arith.maximumf %max3A_97, %select_n3A_101 : vector<16xf32>
      %eq3A_103 = arith.constant 2 : i32
      %eq3A_104 = vector.broadcast %eq3A_103 : i32 to vector<16xi32>
      %eq3A_105 = arith.cmpi eq, %select_n3A_90, %eq3A_104 : vector<16xi32>
      %select_n3A_106 = arith.select %eq3A_105, %broadcast_in_dim3A_92, %scan3A_52#4 : vector<16xi1>, vector<16xf32>
      %max3A_107 = arith.maximumf %max3A_102, %select_n3A_106 : vector<16xf32>
      %eq3A_108 = arith.constant 3 : i32
      %eq3A_109 = vector.broadcast %eq3A_108 : i32 to vector<16xi32>
      %eq3A_110 = arith.cmpi eq, %select_n3A_90, %eq3A_109 : vector<16xi32>
      %select_n3A_111 = arith.select %eq3A_110, %broadcast_in_dim3A_92, %scan3A_52#6 : vector<16xi1>, vector<16xf32>
      %max3A_112 = arith.maximumf %max3A_107, %select_n3A_111 : vector<16xf32>
      %eq3A_113 = arith.constant 4 : i32
      %eq3A_114 = vector.broadcast %eq3A_113 : i32 to vector<16xi32>
      %eq3A_115 = arith.cmpi eq, %select_n3A_90, %eq3A_114 : vector<16xi32>
      %select_n3A_116 = arith.select %eq3A_115, %broadcast_in_dim3A_92, %scan3A_52#8 : vector<16xi1>, vector<16xf32>
      %max3A_117 = arith.maximumf %max3A_112, %select_n3A_116 : vector<16xf32>
      %eq3A_118 = arith.constant 5 : i32
      %eq3A_119 = vector.broadcast %eq3A_118 : i32 to vector<16xi32>
      %eq3A_120 = arith.cmpi eq, %select_n3A_90, %eq3A_119 : vector<16xi32>
      %select_n3A_121 = arith.select %eq3A_120, %broadcast_in_dim3A_92, %scan3A_52#10 : vector<16xi1>, vector<16xf32>
      %max3A_122 = arith.maximumf %max3A_117, %select_n3A_121 : vector<16xf32>
      %eq3A_123 = arith.constant 6 : i32
      %eq3A_124 = vector.broadcast %eq3A_123 : i32 to vector<16xi32>
      %eq3A_125 = arith.cmpi eq, %select_n3A_90, %eq3A_124 : vector<16xi32>
      %select_n3A_126 = arith.select %eq3A_125, %broadcast_in_dim3A_92, %scan3A_52#12 : vector<16xi1>, vector<16xf32>
      %max3A_127 = arith.maximumf %max3A_122, %select_n3A_126 : vector<16xf32>
      %eq3A_128 = arith.constant 7 : i32
      %eq3A_129 = vector.broadcast %eq3A_128 : i32 to vector<16xi32>
      %eq3A_130 = arith.cmpi eq, %select_n3A_90, %eq3A_129 : vector<16xi32>
      %select_n3A_131 = arith.select %eq3A_130, %broadcast_in_dim3A_92, %scan3A_52#14 : vector<16xi1>, vector<16xf32>
      %max3A_132 = arith.maximumf %max3A_127, %select_n3A_131 : vector<16xf32>
      %broadcast_in_dim3A_133 = arith.constant 8 : i32
      %broadcast_in_dim3A_134 = vector.broadcast %broadcast_in_dim3A_133 : i32 to vector<16xi32>
      %eq3A_135 = arith.cmpf oeq, %scan3A_52#14, %max3A_132 : vector<16xf32>
      %ne3A = arith.constant 7 : i32
      %ne3A_136 = vector.broadcast %ne3A : i32 to vector<16xi32>
      %ne3A_137 = arith.cmpi ne, %select_n3A_90, %ne3A_136 : vector<16xi32>
      %and3A = arith.andi %eq3A_135, %ne3A_137 : vector<16xi1>
      %jit3A_138 = arith.constant 7 : i32
      %broadcast_in_dim3A_139 = vector.broadcast %jit3A_138 : i32 to vector<16xi32>
      %select_n3A_140 = arith.select %and3A, %broadcast_in_dim3A_139, %broadcast_in_dim3A_134 : vector<16xi1>, vector<16xi32>
      %eq3A_141 = arith.cmpf oeq, %scan3A_52#12, %max3A_132 : vector<16xf32>
      %ne3A_142 = arith.constant 6 : i32
      %ne3A_143 = vector.broadcast %ne3A_142 : i32 to vector<16xi32>
      %ne3A_144 = arith.cmpi ne, %select_n3A_90, %ne3A_143 : vector<16xi32>
      %and3A_145 = arith.andi %eq3A_141, %ne3A_144 : vector<16xi1>
      %jit3A_146 = arith.constant 6 : i32
      %broadcast_in_dim3A_147 = vector.broadcast %jit3A_146 : i32 to vector<16xi32>
      %select_n3A_148 = arith.select %and3A_145, %broadcast_in_dim3A_147, %select_n3A_140 : vector<16xi1>, vector<16xi32>
      %eq3A_149 = arith.cmpf oeq, %scan3A_52#10, %max3A_132 : vector<16xf32>
      %ne3A_150 = arith.constant 5 : i32
      %ne3A_151 = vector.broadcast %ne3A_150 : i32 to vector<16xi32>
      %ne3A_152 = arith.cmpi ne, %select_n3A_90, %ne3A_151 : vector<16xi32>
      %and3A_153 = arith.andi %eq3A_149, %ne3A_152 : vector<16xi1>
      %jit3A_154 = arith.constant 5 : i32
      %broadcast_in_dim3A_155 = vector.broadcast %jit3A_154 : i32 to vector<16xi32>
      %select_n3A_156 = arith.select %and3A_153, %broadcast_in_dim3A_155, %select_n3A_148 : vector<16xi1>, vector<16xi32>
      %eq3A_157 = arith.cmpf oeq, %scan3A_52#8, %max3A_132 : vector<16xf32>
      %ne3A_158 = arith.constant 4 : i32
      %ne3A_159 = vector.broadcast %ne3A_158 : i32 to vector<16xi32>
      %ne3A_160 = arith.cmpi ne, %select_n3A_90, %ne3A_159 : vector<16xi32>
      %and3A_161 = arith.andi %eq3A_157, %ne3A_160 : vector<16xi1>
      %jit3A_162 = arith.constant 4 : i32
      %broadcast_in_dim3A_163 = vector.broadcast %jit3A_162 : i32 to vector<16xi32>
      %select_n3A_164 = arith.select %and3A_161, %broadcast_in_dim3A_163, %select_n3A_156 : vector<16xi1>, vector<16xi32>
      %eq3A_165 = arith.cmpf oeq, %scan3A_52#6, %max3A_132 : vector<16xf32>
      %ne3A_166 = arith.constant 3 : i32
      %ne3A_167 = vector.broadcast %ne3A_166 : i32 to vector<16xi32>
      %ne3A_168 = arith.cmpi ne, %select_n3A_90, %ne3A_167 : vector<16xi32>
      %and3A_169 = arith.andi %eq3A_165, %ne3A_168 : vector<16xi1>
      %jit3A_170 = arith.constant 3 : i32
      %broadcast_in_dim3A_171 = vector.broadcast %jit3A_170 : i32 to vector<16xi32>
      %select_n3A_172 = arith.select %and3A_169, %broadcast_in_dim3A_171, %select_n3A_164 : vector<16xi1>, vector<16xi32>
      %eq3A_173 = arith.cmpf oeq, %scan3A_52#4, %max3A_132 : vector<16xf32>
      %ne3A_174 = arith.constant 2 : i32
      %ne3A_175 = vector.broadcast %ne3A_174 : i32 to vector<16xi32>
      %ne3A_176 = arith.cmpi ne, %select_n3A_90, %ne3A_175 : vector<16xi32>
      %and3A_177 = arith.andi %eq3A_173, %ne3A_176 : vector<16xi1>
      %jit3A_178 = arith.constant 2 : i32
      %broadcast_in_dim3A_179 = vector.broadcast %jit3A_178 : i32 to vector<16xi32>
      %select_n3A_180 = arith.select %and3A_177, %broadcast_in_dim3A_179, %select_n3A_172 : vector<16xi1>, vector<16xi32>
      %eq3A_181 = arith.cmpf oeq, %scan3A_52#2, %max3A_132 : vector<16xf32>
      %ne3A_182 = arith.constant 1 : i32
      %ne3A_183 = vector.broadcast %ne3A_182 : i32 to vector<16xi32>
      %ne3A_184 = arith.cmpi ne, %select_n3A_90, %ne3A_183 : vector<16xi32>
      %and3A_185 = arith.andi %eq3A_181, %ne3A_184 : vector<16xi1>
      %jit3A_186 = arith.constant 1 : i32
      %broadcast_in_dim3A_187 = vector.broadcast %jit3A_186 : i32 to vector<16xi32>
      %select_n3A_188 = arith.select %and3A_185, %broadcast_in_dim3A_187, %select_n3A_180 : vector<16xi1>, vector<16xi32>
      %eq3A_189 = arith.cmpf oeq, %scan3A_52#0, %max3A_132 : vector<16xf32>
      %ne3A_190 = arith.constant 0 : i32
      %ne3A_191 = vector.broadcast %ne3A_190 : i32 to vector<16xi32>
      %ne3A_192 = arith.cmpi ne, %select_n3A_90, %ne3A_191 : vector<16xi32>
      %and3A_193 = arith.andi %eq3A_189, %ne3A_192 : vector<16xi1>
      %jit3A_194 = arith.constant 0 : i32
      %broadcast_in_dim3A_195 = vector.broadcast %jit3A_194 : i32 to vector<16xi32>
      %select_n3A_196 = arith.select %and3A_193, %broadcast_in_dim3A_195, %select_n3A_188 : vector<16xi1>, vector<16xi32>
      %sub3A = arith.subf %max3A_132, %max3A_59 : vector<16xf32>
      %exp3A = math.exp %sub3A : vector<16xf32>
      %add3A_197 = arith.constant 1.000000e+00 : f32
      %add3A_198 = vector.broadcast %add3A_197 : f32 to vector<16xf32>
      %add3A_199 = arith.addf %add3A_198, %exp3A : vector<16xf32>
      %div3A = arith.divf %exp3A, %add3A_199 : vector<16xf32>
      %sub3A_200 = arith.constant 1.000000e+00 : f32
      %sub3A_201 = vector.broadcast %sub3A_200 : f32 to vector<16xf32>
      %sub3A_202 = arith.subf %sub3A_201, %div3A : vector<16xf32>
      %mul3A_203 = arith.constant 8 : i32
      %mul3A_204 = vector.broadcast %mul3A_203 : i32 to vector<16xi32>
      %mul3A_205 = arith.muli %add3A_5, %mul3A_204 : vector<16xi32>
      %eq3A_206 = arith.constant 0 : i32
      %eq3A_207 = vector.broadcast %eq3A_206 : i32 to vector<16xi32>
      %eq3A_208 = arith.cmpi eq, %select_n3A_90, %eq3A_207 : vector<16xi32>
      %eq3A_209 = arith.constant 0 : i32
      %eq3A_210 = vector.broadcast %eq3A_209 : i32 to vector<16xi32>
      %eq3A_211 = arith.cmpi eq, %select_n3A_196, %eq3A_210 : vector<16xi32>
      %jit3A_212 = arith.constant 0.000000e+00 : f32
      %broadcast_in_dim3A_213 = vector.broadcast %jit3A_212 : f32 to vector<16xf32>
      %select_n3A_214 = arith.select %eq3A_211, %div3A, %broadcast_in_dim3A_213 : vector<16xi1>, vector<16xf32>
      %select_n3A_215 = arith.select %eq3A_208, %sub3A_202, %select_n3A_214 : vector<16xi1>, vector<16xf32>
      %add3A_216 = arith.constant 0 : i32
      %add3A_217 = vector.broadcast %add3A_216 : i32 to vector<16xi32>
      %add3A_218 = arith.addi %mul3A_205, %add3A_217 : vector<16xi32>
      tpu.vector_store_idx %arg9[%add3A_218], %select_n3A_215 : memref<256xf32, #tpu.memory_space<vmem>>[vector<16xi32>], vector<16xf32>,
      %add3A_219 = arith.addf %scan3A_35, %select_n3A_215 : vector<16xf32>
      %eq3A_220 = arith.constant 1 : i32
      %eq3A_221 = vector.broadcast %eq3A_220 : i32 to vector<16xi32>
      %eq3A_222 = arith.cmpi eq, %select_n3A_90, %eq3A_221 : vector<16xi32>
      %eq3A_223 = arith.constant 1 : i32
      %eq3A_224 = vector.broadcast %eq3A_223 : i32 to vector<16xi32>
      %eq3A_225 = arith.cmpi eq, %select_n3A_196, %eq3A_224 : vector<16xi32>
      %jit3A_226 = arith.constant 0.000000e+00 : f32
      %broadcast_in_dim3A_227 = vector.broadcast %jit3A_226 : f32 to vector<16xf32>
      %select_n3A_228 = arith.select %eq3A_225, %div3A, %broadcast_in_dim3A_227 : vector<16xi1>, vector<16xf32>
      %select_n3A_229 = arith.select %eq3A_222, %sub3A_202, %select_n3A_228 : vector<16xi1>, vector<16xf32>
      %add3A_230 = arith.constant 1 : i32
      %add3A_231 = vector.broadcast %add3A_230 : i32 to vector<16xi32>
      %add3A_232 = arith.addi %mul3A_205, %add3A_231 : vector<16xi32>
      tpu.vector_store_idx %arg9[%add3A_232], %select_n3A_229 : memref<256xf32, #tpu.memory_space<vmem>>[vector<16xi32>], vector<16xf32>,
      %add3A_233 = arith.addf %scan3A_36, %select_n3A_229 : vector<16xf32>
      %eq3A_234 = arith.constant 2 : i32
      %eq3A_235 = vector.broadcast %eq3A_234 : i32 to vector<16xi32>
      %eq3A_236 = arith.cmpi eq, %select_n3A_90, %eq3A_235 : vector<16xi32>
      %eq3A_237 = arith.constant 2 : i32
      %eq3A_238 = vector.broadcast %eq3A_237 : i32 to vector<16xi32>
      %eq3A_239 = arith.cmpi eq, %select_n3A_196, %eq3A_238 : vector<16xi32>
      %jit3A_240 = arith.constant 0.000000e+00 : f32
      %broadcast_in_dim3A_241 = vector.broadcast %jit3A_240 : f32 to vector<16xf32>
      %select_n3A_242 = arith.select %eq3A_239, %div3A, %broadcast_in_dim3A_241 : vector<16xi1>, vector<16xf32>
      %select_n3A_243 = arith.select %eq3A_236, %sub3A_202, %select_n3A_242 : vector<16xi1>, vector<16xf32>
      %add3A_244 = arith.constant 2 : i32
      %add3A_245 = vector.broadcast %add3A_244 : i32 to vector<16xi32>
      %add3A_246 = arith.addi %mul3A_205, %add3A_245 : vector<16xi32>
      tpu.vector_store_idx %arg9[%add3A_246], %select_n3A_243 : memref<256xf32, #tpu.memory_space<vmem>>[vector<16xi32>], vector<16xf32>,
      %add3A_247 = arith.addf %scan3A_37, %select_n3A_243 : vector<16xf32>
      %eq3A_248 = arith.constant 3 : i32
      %eq3A_249 = vector.broadcast %eq3A_248 : i32 to vector<16xi32>
      %eq3A_250 = arith.cmpi eq, %select_n3A_90, %eq3A_249 : vector<16xi32>
      %eq3A_251 = arith.constant 3 : i32
      %eq3A_252 = vector.broadcast %eq3A_251 : i32 to vector<16xi32>
      %eq3A_253 = arith.cmpi eq, %select_n3A_196, %eq3A_252 : vector<16xi32>
      %jit3A_254 = arith.constant 0.000000e+00 : f32
      %broadcast_in_dim3A_255 = vector.broadcast %jit3A_254 : f32 to vector<16xf32>
      %select_n3A_256 = arith.select %eq3A_253, %div3A, %broadcast_in_dim3A_255 : vector<16xi1>, vector<16xf32>
      %select_n3A_257 = arith.select %eq3A_250, %sub3A_202, %select_n3A_256 : vector<16xi1>, vector<16xf32>
      %add3A_258 = arith.constant 3 : i32
      %add3A_259 = vector.broadcast %add3A_258 : i32 to vector<16xi32>
      %add3A_260 = arith.addi %mul3A_205, %add3A_259 : vector<16xi32>
      tpu.vector_store_idx %arg9[%add3A_260], %select_n3A_257 : memref<256xf32, #tpu.memory_space<vmem>>[vector<16xi32>], vector<16xf32>,
      %add3A_261 = arith.addf %scan3A_38, %select_n3A_257 : vector<16xf32>
      %eq3A_262 = arith.constant 4 : i32
      %eq3A_263 = vector.broadcast %eq3A_262 : i32 to vector<16xi32>
      %eq3A_264 = arith.cmpi eq, %select_n3A_90, %eq3A_263 : vector<16xi32>
      %eq3A_265 = arith.constant 4 : i32
      %eq3A_266 = vector.broadcast %eq3A_265 : i32 to vector<16xi32>
      %eq3A_267 = arith.cmpi eq, %select_n3A_196, %eq3A_266 : vector<16xi32>
      %jit3A_268 = arith.constant 0.000000e+00 : f32
      %broadcast_in_dim3A_269 = vector.broadcast %jit3A_268 : f32 to vector<16xf32>
      %select_n3A_270 = arith.select %eq3A_267, %div3A, %broadcast_in_dim3A_269 : vector<16xi1>, vector<16xf32>
      %select_n3A_271 = arith.select %eq3A_264, %sub3A_202, %select_n3A_270 : vector<16xi1>, vector<16xf32>
      %add3A_272 = arith.constant 4 : i32
      %add3A_273 = vector.broadcast %add3A_272 : i32 to vector<16xi32>
      %add3A_274 = arith.addi %mul3A_205, %add3A_273 : vector<16xi32>
      tpu.vector_store_idx %arg9[%add3A_274], %select_n3A_271 : memref<256xf32, #tpu.memory_space<vmem>>[vector<16xi32>], vector<16xf32>,
      %add3A_275 = arith.addf %scan3A_39, %select_n3A_271 : vector<16xf32>
      %eq3A_276 = arith.constant 5 : i32
      %eq3A_277 = vector.broadcast %eq3A_276 : i32 to vector<16xi32>
      %eq3A_278 = arith.cmpi eq, %select_n3A_90, %eq3A_277 : vector<16xi32>
      %eq3A_279 = arith.constant 5 : i32
      %eq3A_280 = vector.broadcast %eq3A_279 : i32 to vector<16xi32>
      %eq3A_281 = arith.cmpi eq, %select_n3A_196, %eq3A_280 : vector<16xi32>
      %jit3A_282 = arith.constant 0.000000e+00 : f32
      %broadcast_in_dim3A_283 = vector.broadcast %jit3A_282 : f32 to vector<16xf32>
      %select_n3A_284 = arith.select %eq3A_281, %div3A, %broadcast_in_dim3A_283 : vector<16xi1>, vector<16xf32>
      %select_n3A_285 = arith.select %eq3A_278, %sub3A_202, %select_n3A_284 : vector<16xi1>, vector<16xf32>
      %add3A_286 = arith.constant 5 : i32
      %add3A_287 = vector.broadcast %add3A_286 : i32 to vector<16xi32>
      %add3A_288 = arith.addi %mul3A_205, %add3A_287 : vector<16xi32>
      tpu.vector_store_idx %arg9[%add3A_288], %select_n3A_285 : memref<256xf32, #tpu.memory_space<vmem>>[vector<16xi32>], vector<16xf32>,
      %add3A_289 = arith.addf %scan3A_40, %select_n3A_285 : vector<16xf32>
      %eq3A_290 = arith.constant 6 : i32
      %eq3A_291 = vector.broadcast %eq3A_290 : i32 to vector<16xi32>
      %eq3A_292 = arith.cmpi eq, %select_n3A_90, %eq3A_291 : vector<16xi32>
      %eq3A_293 = arith.constant 6 : i32
      %eq3A_294 = vector.broadcast %eq3A_293 : i32 to vector<16xi32>
      %eq3A_295 = arith.cmpi eq, %select_n3A_196, %eq3A_294 : vector<16xi32>
      %jit3A_296 = arith.constant 0.000000e+00 : f32
      %broadcast_in_dim3A_297 = vector.broadcast %jit3A_296 : f32 to vector<16xf32>
      %select_n3A_298 = arith.select %eq3A_295, %div3A, %broadcast_in_dim3A_297 : vector<16xi1>, vector<16xf32>
      %select_n3A_299 = arith.select %eq3A_292, %sub3A_202, %select_n3A_298 : vector<16xi1>, vector<16xf32>
      %add3A_300 = arith.constant 6 : i32
      %add3A_301 = vector.broadcast %add3A_300 : i32 to vector<16xi32>
      %add3A_302 = arith.addi %mul3A_205, %add3A_301 : vector<16xi32>
      tpu.vector_store_idx %arg9[%add3A_302], %select_n3A_299 : memref<256xf32, #tpu.memory_space<vmem>>[vector<16xi32>], vector<16xf32>,
      %add3A_303 = arith.addf %scan3A_41, %select_n3A_299 : vector<16xf32>
      %eq3A_304 = arith.constant 7 : i32
      %eq3A_305 = vector.broadcast %eq3A_304 : i32 to vector<16xi32>
      %eq3A_306 = arith.cmpi eq, %select_n3A_90, %eq3A_305 : vector<16xi32>
      %eq3A_307 = arith.constant 7 : i32
      %eq3A_308 = vector.broadcast %eq3A_307 : i32 to vector<16xi32>
      %eq3A_309 = arith.cmpi eq, %select_n3A_196, %eq3A_308 : vector<16xi32>
      %jit3A_310 = arith.constant 0.000000e+00 : f32
      %broadcast_in_dim3A_311 = vector.broadcast %jit3A_310 : f32 to vector<16xf32>
      %select_n3A_312 = arith.select %eq3A_309, %div3A, %broadcast_in_dim3A_311 : vector<16xi1>, vector<16xf32>
      %select_n3A_313 = arith.select %eq3A_306, %sub3A_202, %select_n3A_312 : vector<16xi1>, vector<16xf32>
      %add3A_314 = arith.constant 7 : i32
      %add3A_315 = vector.broadcast %add3A_314 : i32 to vector<16xi32>
      %add3A_316 = arith.addi %mul3A_205, %add3A_315 : vector<16xi32>
      tpu.vector_store_idx %arg9[%add3A_316], %select_n3A_313 : memref<256xf32, #tpu.memory_space<vmem>>[vector<16xi32>], vector<16xf32>,
      %add3A_317 = arith.addf %scan3A_42, %select_n3A_313 : vector<16xf32>
      %mul3A_318 = arith.constant 2 : i32
      %mul3A_319 = vector.broadcast %mul3A_318 : i32 to vector<16xi32>
      %mul3A_320 = arith.muli %add3A_5, %mul3A_319 : vector<16xi32>
      tpu.vector_store_idx %arg10[%mul3A_320], %select_n3A_90 : memref<64xi32, #tpu.memory_space<vmem>>[vector<16xi32>], vector<16xi32>,
      %add3A_321 = arith.constant 1 : i32
      %add3A_322 = vector.broadcast %add3A_321 : i32 to vector<16xi32>
      %add3A_323 = arith.addi %mul3A_320, %add3A_322 : vector<16xi32>
      tpu.vector_store_idx %arg10[%add3A_323], %select_n3A_196 : memref<64xi32, #tpu.memory_space<vmem>>[vector<16xi32>], vector<16xi32>,
      %max3A_324 = arith.maximumf %scan3A_52#1, %scan3A_52#3 : vector<16xf32>
      %max3A_325 = arith.maximumf %max3A_324, %scan3A_52#5 : vector<16xf32>
      %max3A_326 = arith.maximumf %max3A_325, %scan3A_52#7 : vector<16xf32>
      %max3A_327 = arith.maximumf %max3A_326, %scan3A_52#9 : vector<16xf32>
      %max3A_328 = arith.maximumf %max3A_327, %scan3A_52#11 : vector<16xf32>
      %max3A_329 = arith.maximumf %max3A_328, %scan3A_52#13 : vector<16xf32>
      %max3A_330 = arith.maximumf %max3A_329, %scan3A_52#15 : vector<16xf32>
      %broadcast_in_dim3A_331 = arith.constant 8 : i32
      %broadcast_in_dim3A_332 = vector.broadcast %broadcast_in_dim3A_331 : i32 to vector<16xi32>
      %eq3A_333 = arith.cmpf oeq, %scan3A_52#15, %max3A_330 : vector<16xf32>
      %jit3A_334 = arith.constant 7 : i32
      %broadcast_in_dim3A_335 = vector.broadcast %jit3A_334 : i32 to vector<16xi32>
      %select_n3A_336 = arith.select %eq3A_333, %broadcast_in_dim3A_335, %broadcast_in_dim3A_332 : vector<16xi1>, vector<16xi32>
      %eq3A_337 = arith.cmpf oeq, %scan3A_52#13, %max3A_330 : vector<16xf32>
      %jit3A_338 = arith.constant 6 : i32
      %broadcast_in_dim3A_339 = vector.broadcast %jit3A_338 : i32 to vector<16xi32>
      %select_n3A_340 = arith.select %eq3A_337, %broadcast_in_dim3A_339, %select_n3A_336 : vector<16xi1>, vector<16xi32>
      %eq3A_341 = arith.cmpf oeq, %scan3A_52#11, %max3A_330 : vector<16xf32>
      %jit3A_342 = arith.constant 5 : i32
      %broadcast_in_dim3A_343 = vector.broadcast %jit3A_342 : i32 to vector<16xi32>
      %select_n3A_344 = arith.select %eq3A_341, %broadcast_in_dim3A_343, %select_n3A_340 : vector<16xi1>, vector<16xi32>
      %eq3A_345 = arith.cmpf oeq, %scan3A_52#9, %max3A_330 : vector<16xf32>
      %jit3A_346 = arith.constant 4 : i32
      %broadcast_in_dim3A_347 = vector.broadcast %jit3A_346 : i32 to vector<16xi32>
      %select_n3A_348 = arith.select %eq3A_345, %broadcast_in_dim3A_347, %select_n3A_344 : vector<16xi1>, vector<16xi32>
      %eq3A_349 = arith.cmpf oeq, %scan3A_52#7, %max3A_330 : vector<16xf32>
      %jit3A_350 = arith.constant 3 : i32
      %broadcast_in_dim3A_351 = vector.broadcast %jit3A_350 : i32 to vector<16xi32>
      %select_n3A_352 = arith.select %eq3A_349, %broadcast_in_dim3A_351, %select_n3A_348 : vector<16xi1>, vector<16xi32>
      %eq3A_353 = arith.cmpf oeq, %scan3A_52#5, %max3A_330 : vector<16xf32>
      %jit3A_354 = arith.constant 2 : i32
      %broadcast_in_dim3A_355 = vector.broadcast %jit3A_354 : i32 to vector<16xi32>
      %select_n3A_356 = arith.select %eq3A_353, %broadcast_in_dim3A_355, %select_n3A_352 : vector<16xi1>, vector<16xi32>
      %eq3A_357 = arith.cmpf oeq, %scan3A_52#3, %max3A_330 : vector<16xf32>
      %jit3A_358 = arith.constant 1 : i32
      %broadcast_in_dim3A_359 = vector.broadcast %jit3A_358 : i32 to vector<16xi32>
      %select_n3A_360 = arith.select %eq3A_357, %broadcast_in_dim3A_359, %select_n3A_356 : vector<16xi1>, vector<16xi32>
      %eq3A_361 = arith.cmpf oeq, %scan3A_52#1, %max3A_330 : vector<16xf32>
      %jit3A_362 = arith.constant 0 : i32
      %broadcast_in_dim3A_363 = vector.broadcast %jit3A_362 : i32 to vector<16xi32>
      %select_n3A_364 = arith.select %eq3A_361, %broadcast_in_dim3A_363, %select_n3A_360 : vector<16xi1>, vector<16xi32>
      %broadcast_in_dim3A_365 = arith.constant 0xFF800000 : f32
      %broadcast_in_dim3A_366 = vector.broadcast %broadcast_in_dim3A_365 : f32 to vector<16xf32>
      %eq3A_367 = arith.constant 0 : i32
      %eq3A_368 = vector.broadcast %eq3A_367 : i32 to vector<16xi32>
      %eq3A_369 = arith.cmpi eq, %select_n3A_364, %eq3A_368 : vector<16xi32>
      %select_n3A_370 = arith.select %eq3A_369, %broadcast_in_dim3A_366, %scan3A_52#1 : vector<16xi1>, vector<16xf32>
      %max3A_371 = arith.maximumf %broadcast_in_dim3A_366, %select_n3A_370 : vector<16xf32>
      %eq3A_372 = arith.constant 1 : i32
      %eq3A_373 = vector.broadcast %eq3A_372 : i32 to vector<16xi32>
      %eq3A_374 = arith.cmpi eq, %select_n3A_364, %eq3A_373 : vector<16xi32>
      %select_n3A_375 = arith.select %eq3A_374, %broadcast_in_dim3A_366, %scan3A_52#3 : vector<16xi1>, vector<16xf32>
      %max3A_376 = arith.maximumf %max3A_371, %select_n3A_375 : vector<16xf32>
      %eq3A_377 = arith.constant 2 : i32
      %eq3A_378 = vector.broadcast %eq3A_377 : i32 to vector<16xi32>
      %eq3A_379 = arith.cmpi eq, %select_n3A_364, %eq3A_378 : vector<16xi32>
      %select_n3A_380 = arith.select %eq3A_379, %broadcast_in_dim3A_366, %scan3A_52#5 : vector<16xi1>, vector<16xf32>
      %max3A_381 = arith.maximumf %max3A_376, %select_n3A_380 : vector<16xf32>
      %eq3A_382 = arith.constant 3 : i32
      %eq3A_383 = vector.broadcast %eq3A_382 : i32 to vector<16xi32>
      %eq3A_384 = arith.cmpi eq, %select_n3A_364, %eq3A_383 : vector<16xi32>
      %select_n3A_385 = arith.select %eq3A_384, %broadcast_in_dim3A_366, %scan3A_52#7 : vector<16xi1>, vector<16xf32>
      %max3A_386 = arith.maximumf %max3A_381, %select_n3A_385 : vector<16xf32>
      %eq3A_387 = arith.constant 4 : i32
      %eq3A_388 = vector.broadcast %eq3A_387 : i32 to vector<16xi32>
      %eq3A_389 = arith.cmpi eq, %select_n3A_364, %eq3A_388 : vector<16xi32>
      %select_n3A_390 = arith.select %eq3A_389, %broadcast_in_dim3A_366, %scan3A_52#9 : vector<16xi1>, vector<16xf32>
      %max3A_391 = arith.maximumf %max3A_386, %select_n3A_390 : vector<16xf32>
      %eq3A_392 = arith.constant 5 : i32
      %eq3A_393 = vector.broadcast %eq3A_392 : i32 to vector<16xi32>
      %eq3A_394 = arith.cmpi eq, %select_n3A_364, %eq3A_393 : vector<16xi32>
      %select_n3A_395 = arith.select %eq3A_394, %broadcast_in_dim3A_366, %scan3A_52#11 : vector<16xi1>, vector<16xf32>
      %max3A_396 = arith.maximumf %max3A_391, %select_n3A_395 : vector<16xf32>
      %eq3A_397 = arith.constant 6 : i32
      %eq3A_398 = vector.broadcast %eq3A_397 : i32 to vector<16xi32>
      %eq3A_399 = arith.cmpi eq, %select_n3A_364, %eq3A_398 : vector<16xi32>
      %select_n3A_400 = arith.select %eq3A_399, %broadcast_in_dim3A_366, %scan3A_52#13 : vector<16xi1>, vector<16xf32>
      %max3A_401 = arith.maximumf %max3A_396, %select_n3A_400 : vector<16xf32>
      %eq3A_402 = arith.constant 7 : i32
      %eq3A_403 = vector.broadcast %eq3A_402 : i32 to vector<16xi32>
      %eq3A_404 = arith.cmpi eq, %select_n3A_364, %eq3A_403 : vector<16xi32>
      %select_n3A_405 = arith.select %eq3A_404, %broadcast_in_dim3A_366, %scan3A_52#15 : vector<16xi1>, vector<16xf32>
      %max3A_406 = arith.maximumf %max3A_401, %select_n3A_405 : vector<16xf32>
      %broadcast_in_dim3A_407 = arith.constant 8 : i32
      %broadcast_in_dim3A_408 = vector.broadcast %broadcast_in_dim3A_407 : i32 to vector<16xi32>
      %eq3A_409 = arith.cmpf oeq, %scan3A_52#15, %max3A_406 : vector<16xf32>
      %ne3A_410 = arith.constant 7 : i32
      %ne3A_411 = vector.broadcast %ne3A_410 : i32 to vector<16xi32>
      %ne3A_412 = arith.cmpi ne, %select_n3A_364, %ne3A_411 : vector<16xi32>
      %and3A_413 = arith.andi %eq3A_409, %ne3A_412 : vector<16xi1>
      %jit3A_414 = arith.constant 7 : i32
      %broadcast_in_dim3A_415 = vector.broadcast %jit3A_414 : i32 to vector<16xi32>
      %select_n3A_416 = arith.select %and3A_413, %broadcast_in_dim3A_415, %broadcast_in_dim3A_408 : vector<16xi1>, vector<16xi32>
      %eq3A_417 = arith.cmpf oeq, %scan3A_52#13, %max3A_406 : vector<16xf32>
      %ne3A_418 = arith.constant 6 : i32
      %ne3A_419 = vector.broadcast %ne3A_418 : i32 to vector<16xi32>
      %ne3A_420 = arith.cmpi ne, %select_n3A_364, %ne3A_419 : vector<16xi32>
      %and3A_421 = arith.andi %eq3A_417, %ne3A_420 : vector<16xi1>
      %jit3A_422 = arith.constant 6 : i32
      %broadcast_in_dim3A_423 = vector.broadcast %jit3A_422 : i32 to vector<16xi32>
      %select_n3A_424 = arith.select %and3A_421, %broadcast_in_dim3A_423, %select_n3A_416 : vector<16xi1>, vector<16xi32>
      %eq3A_425 = arith.cmpf oeq, %scan3A_52#11, %max3A_406 : vector<16xf32>
      %ne3A_426 = arith.constant 5 : i32
      %ne3A_427 = vector.broadcast %ne3A_426 : i32 to vector<16xi32>
      %ne3A_428 = arith.cmpi ne, %select_n3A_364, %ne3A_427 : vector<16xi32>
      %and3A_429 = arith.andi %eq3A_425, %ne3A_428 : vector<16xi1>
      %jit3A_430 = arith.constant 5 : i32
      %broadcast_in_dim3A_431 = vector.broadcast %jit3A_430 : i32 to vector<16xi32>
      %select_n3A_432 = arith.select %and3A_429, %broadcast_in_dim3A_431, %select_n3A_424 : vector<16xi1>, vector<16xi32>
      %eq3A_433 = arith.cmpf oeq, %scan3A_52#9, %max3A_406 : vector<16xf32>
      %ne3A_434 = arith.constant 4 : i32
      %ne3A_435 = vector.broadcast %ne3A_434 : i32 to vector<16xi32>
      %ne3A_436 = arith.cmpi ne, %select_n3A_364, %ne3A_435 : vector<16xi32>
      %and3A_437 = arith.andi %eq3A_433, %ne3A_436 : vector<16xi1>
      %jit3A_438 = arith.constant 4 : i32
      %broadcast_in_dim3A_439 = vector.broadcast %jit3A_438 : i32 to vector<16xi32>
      %select_n3A_440 = arith.select %and3A_437, %broadcast_in_dim3A_439, %select_n3A_432 : vector<16xi1>, vector<16xi32>
      %eq3A_441 = arith.cmpf oeq, %scan3A_52#7, %max3A_406 : vector<16xf32>
      %ne3A_442 = arith.constant 3 : i32
      %ne3A_443 = vector.broadcast %ne3A_442 : i32 to vector<16xi32>
      %ne3A_444 = arith.cmpi ne, %select_n3A_364, %ne3A_443 : vector<16xi32>
      %and3A_445 = arith.andi %eq3A_441, %ne3A_444 : vector<16xi1>
      %jit3A_446 = arith.constant 3 : i32
      %broadcast_in_dim3A_447 = vector.broadcast %jit3A_446 : i32 to vector<16xi32>
      %select_n3A_448 = arith.select %and3A_445, %broadcast_in_dim3A_447, %select_n3A_440 : vector<16xi1>, vector<16xi32>
      %eq3A_449 = arith.cmpf oeq, %scan3A_52#5, %max3A_406 : vector<16xf32>
      %ne3A_450 = arith.constant 2 : i32
      %ne3A_451 = vector.broadcast %ne3A_450 : i32 to vector<16xi32>
      %ne3A_452 = arith.cmpi ne, %select_n3A_364, %ne3A_451 : vector<16xi32>
      %and3A_453 = arith.andi %eq3A_449, %ne3A_452 : vector<16xi1>
      %jit3A_454 = arith.constant 2 : i32
      %broadcast_in_dim3A_455 = vector.broadcast %jit3A_454 : i32 to vector<16xi32>
      %select_n3A_456 = arith.select %and3A_453, %broadcast_in_dim3A_455, %select_n3A_448 : vector<16xi1>, vector<16xi32>
      %eq3A_457 = arith.cmpf oeq, %scan3A_52#3, %max3A_406 : vector<16xf32>
      %ne3A_458 = arith.constant 1 : i32
      %ne3A_459 = vector.broadcast %ne3A_458 : i32 to vector<16xi32>
      %ne3A_460 = arith.cmpi ne, %select_n3A_364, %ne3A_459 : vector<16xi32>
      %and3A_461 = arith.andi %eq3A_457, %ne3A_460 : vector<16xi1>
      %jit3A_462 = arith.constant 1 : i32
      %broadcast_in_dim3A_463 = vector.broadcast %jit3A_462 : i32 to vector<16xi32>
      %select_n3A_464 = arith.select %and3A_461, %broadcast_in_dim3A_463, %select_n3A_456 : vector<16xi1>, vector<16xi32>
      %eq3A_465 = arith.cmpf oeq, %scan3A_52#1, %max3A_406 : vector<16xf32>
      %ne3A_466 = arith.constant 0 : i32
      %ne3A_467 = vector.broadcast %ne3A_466 : i32 to vector<16xi32>
      %ne3A_468 = arith.cmpi ne, %select_n3A_364, %ne3A_467 : vector<16xi32>
      %and3A_469 = arith.andi %eq3A_465, %ne3A_468 : vector<16xi1>
      %jit3A_470 = arith.constant 0 : i32
      %broadcast_in_dim3A_471 = vector.broadcast %jit3A_470 : i32 to vector<16xi32>
      %select_n3A_472 = arith.select %and3A_469, %broadcast_in_dim3A_471, %select_n3A_464 : vector<16xi1>, vector<16xi32>
      %sub3A_473 = arith.subf %max3A_406, %max3A_330 : vector<16xf32>
      %exp3A_474 = math.exp %sub3A_473 : vector<16xf32>
      %add3A_475 = arith.constant 1.000000e+00 : f32
      %add3A_476 = vector.broadcast %add3A_475 : f32 to vector<16xf32>
      %add3A_477 = arith.addf %add3A_476, %exp3A_474 : vector<16xf32>
      %div3A_478 = arith.divf %exp3A_474, %add3A_477 : vector<16xf32>
      %sub3A_479 = arith.constant 1.000000e+00 : f32
      %sub3A_480 = vector.broadcast %sub3A_479 : f32 to vector<16xf32>
      %sub3A_481 = arith.subf %sub3A_480, %div3A_478 : vector<16xf32>
      %mul3A_482 = arith.constant 8 : i32
      %mul3A_483 = vector.broadcast %mul3A_482 : i32 to vector<16xi32>
      %mul3A_484 = arith.muli %add3A_8, %mul3A_483 : vector<16xi32>
      %eq3A_485 = arith.constant 0 : i32
      %eq3A_486 = vector.broadcast %eq3A_485 : i32 to vector<16xi32>
      %eq3A_487 = arith.cmpi eq, %select_n3A_364, %eq3A_486 : vector<16xi32>
      %eq3A_488 = arith.constant 0 : i32
      %eq3A_489 = vector.broadcast %eq3A_488 : i32 to vector<16xi32>
      %eq3A_490 = arith.cmpi eq, %select_n3A_472, %eq3A_489 : vector<16xi32>
      %jit3A_491 = arith.constant 0.000000e+00 : f32
      %broadcast_in_dim3A_492 = vector.broadcast %jit3A_491 : f32 to vector<16xf32>
      %select_n3A_493 = arith.select %eq3A_490, %div3A_478, %broadcast_in_dim3A_492 : vector<16xi1>, vector<16xf32>
      %select_n3A_494 = arith.select %eq3A_487, %sub3A_481, %select_n3A_493 : vector<16xi1>, vector<16xf32>
      %add3A_495 = arith.constant 0 : i32
      %add3A_496 = vector.broadcast %add3A_495 : i32 to vector<16xi32>
      %add3A_497 = arith.addi %mul3A_484, %add3A_496 : vector<16xi32>
      tpu.vector_store_idx %arg9[%add3A_497], %select_n3A_494 : memref<256xf32, #tpu.memory_space<vmem>>[vector<16xi32>], vector<16xf32>,
      %add3A_498 = arith.addf %add3A_219, %select_n3A_494 : vector<16xf32>
      %eq3A_499 = arith.constant 1 : i32
      %eq3A_500 = vector.broadcast %eq3A_499 : i32 to vector<16xi32>
      %eq3A_501 = arith.cmpi eq, %select_n3A_364, %eq3A_500 : vector<16xi32>
      %eq3A_502 = arith.constant 1 : i32
      %eq3A_503 = vector.broadcast %eq3A_502 : i32 to vector<16xi32>
      %eq3A_504 = arith.cmpi eq, %select_n3A_472, %eq3A_503 : vector<16xi32>
      %jit3A_505 = arith.constant 0.000000e+00 : f32
      %broadcast_in_dim3A_506 = vector.broadcast %jit3A_505 : f32 to vector<16xf32>
      %select_n3A_507 = arith.select %eq3A_504, %div3A_478, %broadcast_in_dim3A_506 : vector<16xi1>, vector<16xf32>
      %select_n3A_508 = arith.select %eq3A_501, %sub3A_481, %select_n3A_507 : vector<16xi1>, vector<16xf32>
      %add3A_509 = arith.constant 1 : i32
      %add3A_510 = vector.broadcast %add3A_509 : i32 to vector<16xi32>
      %add3A_511 = arith.addi %mul3A_484, %add3A_510 : vector<16xi32>
      tpu.vector_store_idx %arg9[%add3A_511], %select_n3A_508 : memref<256xf32, #tpu.memory_space<vmem>>[vector<16xi32>], vector<16xf32>,
      %add3A_512 = arith.addf %add3A_233, %select_n3A_508 : vector<16xf32>
      %eq3A_513 = arith.constant 2 : i32
      %eq3A_514 = vector.broadcast %eq3A_513 : i32 to vector<16xi32>
      %eq3A_515 = arith.cmpi eq, %select_n3A_364, %eq3A_514 : vector<16xi32>
      %eq3A_516 = arith.constant 2 : i32
      %eq3A_517 = vector.broadcast %eq3A_516 : i32 to vector<16xi32>
      %eq3A_518 = arith.cmpi eq, %select_n3A_472, %eq3A_517 : vector<16xi32>
      %jit3A_519 = arith.constant 0.000000e+00 : f32
      %broadcast_in_dim3A_520 = vector.broadcast %jit3A_519 : f32 to vector<16xf32>
      %select_n3A_521 = arith.select %eq3A_518, %div3A_478, %broadcast_in_dim3A_520 : vector<16xi1>, vector<16xf32>
      %select_n3A_522 = arith.select %eq3A_515, %sub3A_481, %select_n3A_521 : vector<16xi1>, vector<16xf32>
      %add3A_523 = arith.constant 2 : i32
      %add3A_524 = vector.broadcast %add3A_523 : i32 to vector<16xi32>
      %add3A_525 = arith.addi %mul3A_484, %add3A_524 : vector<16xi32>
      tpu.vector_store_idx %arg9[%add3A_525], %select_n3A_522 : memref<256xf32, #tpu.memory_space<vmem>>[vector<16xi32>], vector<16xf32>,
      %add3A_526 = arith.addf %add3A_247, %select_n3A_522 : vector<16xf32>
      %eq3A_527 = arith.constant 3 : i32
      %eq3A_528 = vector.broadcast %eq3A_527 : i32 to vector<16xi32>
      %eq3A_529 = arith.cmpi eq, %select_n3A_364, %eq3A_528 : vector<16xi32>
      %eq3A_530 = arith.constant 3 : i32
      %eq3A_531 = vector.broadcast %eq3A_530 : i32 to vector<16xi32>
      %eq3A_532 = arith.cmpi eq, %select_n3A_472, %eq3A_531 : vector<16xi32>
      %jit3A_533 = arith.constant 0.000000e+00 : f32
      %broadcast_in_dim3A_534 = vector.broadcast %jit3A_533 : f32 to vector<16xf32>
      %select_n3A_535 = arith.select %eq3A_532, %div3A_478, %broadcast_in_dim3A_534 : vector<16xi1>, vector<16xf32>
      %select_n3A_536 = arith.select %eq3A_529, %sub3A_481, %select_n3A_535 : vector<16xi1>, vector<16xf32>
      %add3A_537 = arith.constant 3 : i32
      %add3A_538 = vector.broadcast %add3A_537 : i32 to vector<16xi32>
      %add3A_539 = arith.addi %mul3A_484, %add3A_538 : vector<16xi32>
      tpu.vector_store_idx %arg9[%add3A_539], %select_n3A_536 : memref<256xf32, #tpu.memory_space<vmem>>[vector<16xi32>], vector<16xf32>,
      %add3A_540 = arith.addf %add3A_261, %select_n3A_536 : vector<16xf32>
      %eq3A_541 = arith.constant 4 : i32
      %eq3A_542 = vector.broadcast %eq3A_541 : i32 to vector<16xi32>
      %eq3A_543 = arith.cmpi eq, %select_n3A_364, %eq3A_542 : vector<16xi32>
      %eq3A_544 = arith.constant 4 : i32
      %eq3A_545 = vector.broadcast %eq3A_544 : i32 to vector<16xi32>
      %eq3A_546 = arith.cmpi eq, %select_n3A_472, %eq3A_545 : vector<16xi32>
      %jit3A_547 = arith.constant 0.000000e+00 : f32
      %broadcast_in_dim3A_548 = vector.broadcast %jit3A_547 : f32 to vector<16xf32>
      %select_n3A_549 = arith.select %eq3A_546, %div3A_478, %broadcast_in_dim3A_548 : vector<16xi1>, vector<16xf32>
      %select_n3A_550 = arith.select %eq3A_543, %sub3A_481, %select_n3A_549 : vector<16xi1>, vector<16xf32>
      %add3A_551 = arith.constant 4 : i32
      %add3A_552 = vector.broadcast %add3A_551 : i32 to vector<16xi32>
      %add3A_553 = arith.addi %mul3A_484, %add3A_552 : vector<16xi32>
      tpu.vector_store_idx %arg9[%add3A_553], %select_n3A_550 : memref<256xf32, #tpu.memory_space<vmem>>[vector<16xi32>], vector<16xf32>,
      %add3A_554 = arith.addf %add3A_275, %select_n3A_550 : vector<16xf32>
      %eq3A_555 = arith.constant 5 : i32
      %eq3A_556 = vector.broadcast %eq3A_555 : i32 to vector<16xi32>
      %eq3A_557 = arith.cmpi eq, %select_n3A_364, %eq3A_556 : vector<16xi32>
      %eq3A_558 = arith.constant 5 : i32
      %eq3A_559 = vector.broadcast %eq3A_558 : i32 to vector<16xi32>
      %eq3A_560 = arith.cmpi eq, %select_n3A_472, %eq3A_559 : vector<16xi32>
      %jit3A_561 = arith.constant 0.000000e+00 : f32
      %broadcast_in_dim3A_562 = vector.broadcast %jit3A_561 : f32 to vector<16xf32>
      %select_n3A_563 = arith.select %eq3A_560, %div3A_478, %broadcast_in_dim3A_562 : vector<16xi1>, vector<16xf32>
      %select_n3A_564 = arith.select %eq3A_557, %sub3A_481, %select_n3A_563 : vector<16xi1>, vector<16xf32>
      %add3A_565 = arith.constant 5 : i32
      %add3A_566 = vector.broadcast %add3A_565 : i32 to vector<16xi32>
      %add3A_567 = arith.addi %mul3A_484, %add3A_566 : vector<16xi32>
      tpu.vector_store_idx %arg9[%add3A_567], %select_n3A_564 : memref<256xf32, #tpu.memory_space<vmem>>[vector<16xi32>], vector<16xf32>,
      %add3A_568 = arith.addf %add3A_289, %select_n3A_564 : vector<16xf32>
      %eq3A_569 = arith.constant 6 : i32
      %eq3A_570 = vector.broadcast %eq3A_569 : i32 to vector<16xi32>
      %eq3A_571 = arith.cmpi eq, %select_n3A_364, %eq3A_570 : vector<16xi32>
      %eq3A_572 = arith.constant 6 : i32
      %eq3A_573 = vector.broadcast %eq3A_572 : i32 to vector<16xi32>
      %eq3A_574 = arith.cmpi eq, %select_n3A_472, %eq3A_573 : vector<16xi32>
      %jit3A_575 = arith.constant 0.000000e+00 : f32
      %broadcast_in_dim3A_576 = vector.broadcast %jit3A_575 : f32 to vector<16xf32>
      %select_n3A_577 = arith.select %eq3A_574, %div3A_478, %broadcast_in_dim3A_576 : vector<16xi1>, vector<16xf32>
      %select_n3A_578 = arith.select %eq3A_571, %sub3A_481, %select_n3A_577 : vector<16xi1>, vector<16xf32>
      %add3A_579 = arith.constant 6 : i32
      %add3A_580 = vector.broadcast %add3A_579 : i32 to vector<16xi32>
      %add3A_581 = arith.addi %mul3A_484, %add3A_580 : vector<16xi32>
      tpu.vector_store_idx %arg9[%add3A_581], %select_n3A_578 : memref<256xf32, #tpu.memory_space<vmem>>[vector<16xi32>], vector<16xf32>,
      %add3A_582 = arith.addf %add3A_303, %select_n3A_578 : vector<16xf32>
      %eq3A_583 = arith.constant 7 : i32
      %eq3A_584 = vector.broadcast %eq3A_583 : i32 to vector<16xi32>
      %eq3A_585 = arith.cmpi eq, %select_n3A_364, %eq3A_584 : vector<16xi32>
      %eq3A_586 = arith.constant 7 : i32
      %eq3A_587 = vector.broadcast %eq3A_586 : i32 to vector<16xi32>
      %eq3A_588 = arith.cmpi eq, %select_n3A_472, %eq3A_587 : vector<16xi32>
      %jit3A_589 = arith.constant 0.000000e+00 : f32
      %broadcast_in_dim3A_590 = vector.broadcast %jit3A_589 : f32 to vector<16xf32>
      %select_n3A_591 = arith.select %eq3A_588, %div3A_478, %broadcast_in_dim3A_590 : vector<16xi1>, vector<16xf32>
      %select_n3A_592 = arith.select %eq3A_585, %sub3A_481, %select_n3A_591 : vector<16xi1>, vector<16xf32>
      %add3A_593 = arith.constant 7 : i32
      %add3A_594 = vector.broadcast %add3A_593 : i32 to vector<16xi32>
      %add3A_595 = arith.addi %mul3A_484, %add3A_594 : vector<16xi32>
      tpu.vector_store_idx %arg9[%add3A_595], %select_n3A_592 : memref<256xf32, #tpu.memory_space<vmem>>[vector<16xi32>], vector<16xf32>,
      %add3A_596 = arith.addf %add3A_317, %select_n3A_592 : vector<16xf32>
      %mul3A_597 = arith.constant 2 : i32
      %mul3A_598 = vector.broadcast %mul3A_597 : i32 to vector<16xi32>
      %mul3A_599 = arith.muli %add3A_8, %mul3A_598 : vector<16xi32>
      tpu.vector_store_idx %arg10[%mul3A_599], %select_n3A_364 : memref<64xi32, #tpu.memory_space<vmem>>[vector<16xi32>], vector<16xi32>,
      %add3A_600 = arith.constant 1 : i32
      %add3A_601 = vector.broadcast %add3A_600 : i32 to vector<16xi32>
      %add3A_602 = arith.addi %mul3A_599, %add3A_601 : vector<16xi32>
      tpu.vector_store_idx %arg10[%add3A_602], %select_n3A_472 : memref<64xi32, #tpu.memory_space<vmem>>[vector<16xi32>], vector<16xi32>,
      %mul3A_603 = arith.constant 8 : i32
      %mul3A_604 = arith.muli %add3A_45, %mul3A_603 : i32
      "tpu.region"() ({
        %run_scoped3A = tpu.sem_alloc : memref<!tpu.dma_semaphore, #tpu.memory_space<semaphore_mem>>
        %dma_start3A = tpu.memref_slice %arg4[%mul3A_604] : memref<65536xf32, #tpu.memory_space<hbm>> -> memref<256xf32, #tpu.memory_space<hbm>>
        %dma_start3A_607 = tpu.memref_slice %arg4[%mul3A_604] : memref<65536xf32, #tpu.memory_space<hbm>> -> memref<256xf32, #tpu.memory_space<hbm>>
        tpu.enqueue_dma source(%arg9 : memref<256xf32, #tpu.memory_space<vmem>>) target(%dma_start3A_607 : memref<256xf32, #tpu.memory_space<hbm>>) target_semaphore(%run_scoped3A : memref<!tpu.dma_semaphore, #tpu.memory_space<semaphore_mem>>)
        %dma_wait3A = tpu.memref_slice %arg4[%mul3A_604] : memref<65536xf32, #tpu.memory_space<hbm>> -> memref<256xf32, #tpu.memory_space<hbm>>
        %dma_wait3A_608 = tpu.memref_slice %arg4[%mul3A_604] : memref<65536xf32, #tpu.memory_space<hbm>> -> memref<256xf32, #tpu.memory_space<hbm>>
        tpu.wait_dma2 semaphore(%run_scoped3A : memref<!tpu.dma_semaphore, #tpu.memory_space<semaphore_mem>>) src(%arg9 : memref<256xf32, #tpu.memory_space<vmem>>) dst(%dma_wait3A_608 : memref<256xf32, #tpu.memory_space<hbm>>)
        tpu.yield
      }) : () -> ()
      %mul3A_605 = arith.constant 2 : i32
      %mul3A_606 = arith.muli %add3A_45, %mul3A_605 : i32
      "tpu.region"() ({
        %run_scoped3A = tpu.sem_alloc : memref<!tpu.dma_semaphore, #tpu.memory_space<semaphore_mem>>
        %dma_start3A = tpu.memref_slice %arg5[%mul3A_606] : memref<16384xi32, #tpu.memory_space<hbm>> -> memref<64xi32, #tpu.memory_space<hbm>>
        %dma_start3A_607 = tpu.memref_slice %arg5[%mul3A_606] : memref<16384xi32, #tpu.memory_space<hbm>> -> memref<64xi32, #tpu.memory_space<hbm>>
        tpu.enqueue_dma source(%arg10 : memref<64xi32, #tpu.memory_space<vmem>>) target(%dma_start3A_607 : memref<64xi32, #tpu.memory_space<hbm>>) target_semaphore(%run_scoped3A : memref<!tpu.dma_semaphore, #tpu.memory_space<semaphore_mem>>)
        %dma_wait3A = tpu.memref_slice %arg5[%mul3A_606] : memref<16384xi32, #tpu.memory_space<hbm>> -> memref<64xi32, #tpu.memory_space<hbm>>
        %dma_wait3A_608 = tpu.memref_slice %arg5[%mul3A_606] : memref<16384xi32, #tpu.memory_space<hbm>> -> memref<64xi32, #tpu.memory_space<hbm>>
        tpu.wait_dma2 semaphore(%run_scoped3A : memref<!tpu.dma_semaphore, #tpu.memory_space<semaphore_mem>>) src(%arg10 : memref<64xi32, #tpu.memory_space<vmem>>) dst(%dma_wait3A_608 : memref<64xi32, #tpu.memory_space<hbm>>)
        tpu.yield
      }) : () -> ()
      scf.yield %add3A_498, %add3A_512, %add3A_526, %add3A_540, %add3A_554, %add3A_568, %add3A_582, %add3A_596 : vector<16xf32>, vector<16xf32>, vector<16xf32>, vector<16xf32>, vector<16xf32>, vector<16xf32>, vector<16xf32>, vector<16xf32>
    }
    %scan3A_14 = arith.constant 8 : i32
    %swap3A = arith.constant 0 : index
    %swap3A_15 = tpu.vector_load %arg11[%swap3A] {strides = array<i32>} : memref<128xf32, #tpu.memory_space<vmem>>, vector<16xf32>,
    tpu.vector_store %arg11[%swap3A], %scan3A_13#0 {strides = array<i32>} : memref<128xf32, #tpu.memory_space<vmem>>, vector<16xf32>,
    %swap3A_16 = arith.constant 16 : index
    %swap3A_17 = tpu.vector_load %arg11[%swap3A_16] {strides = array<i32>} : memref<128xf32, #tpu.memory_space<vmem>>, vector<16xf32>,
    tpu.vector_store %arg11[%swap3A_16], %scan3A_13#1 {strides = array<i32>} : memref<128xf32, #tpu.memory_space<vmem>>, vector<16xf32>,
    %swap3A_18 = arith.constant 32 : index
    %swap3A_19 = tpu.vector_load %arg11[%swap3A_18] {strides = array<i32>} : memref<128xf32, #tpu.memory_space<vmem>>, vector<16xf32>,
    tpu.vector_store %arg11[%swap3A_18], %scan3A_13#2 {strides = array<i32>} : memref<128xf32, #tpu.memory_space<vmem>>, vector<16xf32>,
    %swap3A_20 = arith.constant 48 : index
    %swap3A_21 = tpu.vector_load %arg11[%swap3A_20] {strides = array<i32>} : memref<128xf32, #tpu.memory_space<vmem>>, vector<16xf32>,
    tpu.vector_store %arg11[%swap3A_20], %scan3A_13#3 {strides = array<i32>} : memref<128xf32, #tpu.memory_space<vmem>>, vector<16xf32>,
    %swap3A_22 = arith.constant 64 : index
    %swap3A_23 = tpu.vector_load %arg11[%swap3A_22] {strides = array<i32>} : memref<128xf32, #tpu.memory_space<vmem>>, vector<16xf32>,
    tpu.vector_store %arg11[%swap3A_22], %scan3A_13#4 {strides = array<i32>} : memref<128xf32, #tpu.memory_space<vmem>>, vector<16xf32>,
    %swap3A_24 = arith.constant 80 : index
    %swap3A_25 = tpu.vector_load %arg11[%swap3A_24] {strides = array<i32>} : memref<128xf32, #tpu.memory_space<vmem>>, vector<16xf32>,
    tpu.vector_store %arg11[%swap3A_24], %scan3A_13#5 {strides = array<i32>} : memref<128xf32, #tpu.memory_space<vmem>>, vector<16xf32>,
    %swap3A_26 = arith.constant 96 : index
    %swap3A_27 = tpu.vector_load %arg11[%swap3A_26] {strides = array<i32>} : memref<128xf32, #tpu.memory_space<vmem>>, vector<16xf32>,
    tpu.vector_store %arg11[%swap3A_26], %scan3A_13#6 {strides = array<i32>} : memref<128xf32, #tpu.memory_space<vmem>>, vector<16xf32>,
    %swap3A_28 = arith.constant 112 : index
    %swap3A_29 = tpu.vector_load %arg11[%swap3A_28] {strides = array<i32>} : memref<128xf32, #tpu.memory_space<vmem>>, vector<16xf32>,
    tpu.vector_store %arg11[%swap3A_28], %scan3A_13#7 {strides = array<i32>} : memref<128xf32, #tpu.memory_space<vmem>>, vector<16xf32>,
    %mul3A_30 = arith.constant 8 : i32
    %mul3A_31 = arith.muli %add3A, %mul3A_30 : i32
    %mul3A_32 = arith.constant 16 : i32
    %mul3A_33 = arith.muli %mul3A_31, %mul3A_32 : i32
    "tpu.region"() ({
      %run_scoped3A = tpu.sem_alloc : memref<!tpu.dma_semaphore, #tpu.memory_space<semaphore_mem>>
      %dma_start3A = tpu.memref_slice %arg6[%mul3A_33] : memref<4096xf32, #tpu.memory_space<hbm>> -> memref<128xf32, #tpu.memory_space<hbm>>
      %dma_start3A_34 = tpu.memref_slice %arg6[%mul3A_33] : memref<4096xf32, #tpu.memory_space<hbm>> -> memref<128xf32, #tpu.memory_space<hbm>>
      tpu.enqueue_dma source(%arg11 : memref<128xf32, #tpu.memory_space<vmem>>) target(%dma_start3A_34 : memref<128xf32, #tpu.memory_space<hbm>>) target_semaphore(%run_scoped3A : memref<!tpu.dma_semaphore, #tpu.memory_space<semaphore_mem>>)
      %dma_wait3A = tpu.memref_slice %arg6[%mul3A_33] : memref<4096xf32, #tpu.memory_space<hbm>> -> memref<128xf32, #tpu.memory_space<hbm>>
      %dma_wait3A_35 = tpu.memref_slice %arg6[%mul3A_33] : memref<4096xf32, #tpu.memory_space<hbm>> -> memref<128xf32, #tpu.memory_space<hbm>>
      tpu.wait_dma2 semaphore(%run_scoped3A : memref<!tpu.dma_semaphore, #tpu.memory_space<semaphore_mem>>) src(%arg11 : memref<128xf32, #tpu.memory_space<vmem>>) dst(%dma_wait3A_35 : memref<128xf32, #tpu.memory_space<hbm>>)
      tpu.yield
    }) : () -> ()
    return
  }
}

module attributes {stable_mosaic.version = 14 : i64} {
  func.func @_tc_kernel(%arg0: i32, %arg1: memref<4096x768xf32, #tpu.memory_space<vmem>>, %arg2: memref<768x8xf32, #tpu.memory_space<vmem>>, %arg3: memref<4096x8xf32, #tpu.memory_space<vmem>>, %arg4: memref<4096x2xi32, #tpu.memory_space<vmem>>, %arg5: memref<8x1xf32, #tpu.memory_space<vmem>>, %arg6: memref<8x1xf32, #tpu.memory_space<vmem>>) attributes {dimension_semantics = [#tpu.dimension_semantics<arbitrary>], iteration_bounds = array<i64: 6>, scalar_prefetch = 0 : i64, scratch_operands = 1 : i64, tpu.core_type = #tpu.core_type<tc>, window_params = [{transform_indices = @transform_0, window_bounds = array<i64: 4096, 768>}, {pipeline_mode = #tpu.pipeline_mode<synchronous>, transform_indices = @transform_1, window_bounds = array<i64: 768, 8>}, {transform_indices = @transform_2, window_bounds = array<i64: 4096, 8>}, {transform_indices = @transform_3, window_bounds = array<i64: 4096, 2>}, {pipeline_mode = #tpu.pipeline_mode<synchronous>, transform_indices = @transform_4, window_bounds = array<i64: 8, 1>}]} {
    %get3A = arith.constant 0 : index
    %get3A_0 = arith.constant 0 : index
    %get3A_1 = vector.load %arg1[%get3A, %get3A_0] : memref<4096x768xf32, #tpu.memory_space<vmem>>, vector<4096x768xf32>
    %get3A_2 = arith.constant 0 : index
    %get3A_3 = arith.constant 0 : index
    %get3A_4 = vector.load %arg2[%get3A_2, %get3A_3] : memref<768x8xf32, #tpu.memory_space<vmem>>, vector<768x8xf32>
    %dot_general3A = arith.constant dense<0.000000e+00> : vector<4096x8xf32>
    %dot_general3A_5 = tpu.matmul %get3A_1, %get3A_4, %dot_general3A {dimension_numbers = #tpu.dot_dimension_numbers<[1], [0], [0], [1], [0, 0, 1, 1], [], []>, transpose_lhs_hint = false} : vector<4096x768xf32>, vector<768x8xf32>, vector<4096x8xf32> -> vector<4096x8xf32>
    %transpose3A = tpu.transpose %dot_general3A_5, [1, 0] : vector<4096x8xf32> -> vector<8x4096xf32>
    %iota3A = tpu.iota {dimensions = array<i32: 0>} : vector<8x4096xi32>
    %reduce_max3A = arith.constant dense<0xFF800000> : vector<4096xf32>
    %reduce_max3A_6 = vector.multi_reduction <maximumf>, %transpose3A, %reduce_max3A [0] : vector<8x4096xf32> to vector<4096xf32>
    %broadcast_in_dim3A = vector.shape_cast %reduce_max3A_6 : vector<4096xf32> to vector<1x4096xf32>
    %eq3A = vector.broadcast %broadcast_in_dim3A : vector<1x4096xf32> to vector<8x4096xf32>
    %eq3A_7 = arith.cmpf oeq, %transpose3A, %eq3A : vector<8x4096xf32>
    %jit3A = arith.constant 8 : i32
    %broadcast_in_dim3A_8 = vector.broadcast %jit3A : i32 to vector<8x4096xi32>
    %select_n3A = arith.select %eq3A_7, %iota3A, %broadcast_in_dim3A_8 : vector<8x4096xi1>, vector<8x4096xi32>
    %reduce_min3A = arith.constant dense<2147483647> : vector<4096xi32>
    %reduce_min3A_9 = vector.multi_reduction <minsi>, %select_n3A, %reduce_min3A [0] : vector<8x4096xi32> to vector<4096xi32>
    %broadcast_in_dim3A_10 = vector.shape_cast %reduce_min3A_9 : vector<4096xi32> to vector<1x4096xi32>
    %eq3A_11 = vector.broadcast %broadcast_in_dim3A_10 : vector<1x4096xi32> to vector<8x4096xi32>
    %eq3A_12 = arith.cmpi eq, %iota3A, %eq3A_11 : vector<8x4096xi32>
    %jit3A_13 = arith.constant 0xFF800000 : f32
    %broadcast_in_dim3A_14 = vector.broadcast %jit3A_13 : f32 to vector<8x4096xf32>
    %select_n3A_15 = arith.select %eq3A_12, %broadcast_in_dim3A_14, %transpose3A : vector<8x4096xi1>, vector<8x4096xf32>
    %reduce_max3A_16 = arith.constant dense<0xFF800000> : vector<4096xf32>
    %reduce_max3A_17 = vector.multi_reduction <maximumf>, %select_n3A_15, %reduce_max3A_16 [0] : vector<8x4096xf32> to vector<4096xf32>
    %broadcast_in_dim3A_18 = vector.shape_cast %reduce_max3A_17 : vector<4096xf32> to vector<1x4096xf32>
    %eq3A_19 = vector.broadcast %broadcast_in_dim3A_18 : vector<1x4096xf32> to vector<8x4096xf32>
    %eq3A_20 = arith.cmpf oeq, %select_n3A_15, %eq3A_19 : vector<8x4096xf32>
    %jit3A_21 = arith.constant 8 : i32
    %broadcast_in_dim3A_22 = vector.broadcast %jit3A_21 : i32 to vector<8x4096xi32>
    %select_n3A_23 = arith.select %eq3A_20, %iota3A, %broadcast_in_dim3A_22 : vector<8x4096xi1>, vector<8x4096xi32>
    %reduce_min3A_24 = arith.constant dense<2147483647> : vector<4096xi32>
    %reduce_min3A_25 = vector.multi_reduction <minsi>, %select_n3A_23, %reduce_min3A_24 [0] : vector<8x4096xi32> to vector<4096xi32>
    %broadcast_in_dim3A_26 = vector.shape_cast %reduce_min3A_25 : vector<4096xi32> to vector<1x4096xi32>
    %sub3A = arith.subf %broadcast_in_dim3A_18, %broadcast_in_dim3A : vector<1x4096xf32>
    %exp3A = math.exp %sub3A : vector<1x4096xf32>
    %add3A = arith.constant 1.000000e+00 : f32
    %add3A_27 = vector.broadcast %add3A : f32 to vector<1x4096xf32>
    %add3A_28 = arith.addf %add3A_27, %exp3A : vector<1x4096xf32>
    %div3A = arith.divf %exp3A, %add3A_28 : vector<1x4096xf32>
    %sub3A_29 = arith.constant 1.000000e+00 : f32
    %sub3A_30 = vector.broadcast %sub3A_29 : f32 to vector<1x4096xf32>
    %sub3A_31 = arith.subf %sub3A_30, %div3A : vector<1x4096xf32>
    %eq3A_32 = vector.broadcast %broadcast_in_dim3A_10 : vector<1x4096xi32> to vector<8x4096xi32>
    %eq3A_33 = arith.cmpi eq, %iota3A, %eq3A_32 : vector<8x4096xi32>
    %eq3A_34 = vector.broadcast %broadcast_in_dim3A_26 : vector<1x4096xi32> to vector<8x4096xi32>
    %eq3A_35 = arith.cmpi eq, %iota3A, %eq3A_34 : vector<8x4096xi32>
    %jit3A_36 = arith.constant 0.000000e+00 : f32
    %broadcast_in_dim3A_37 = vector.shape_cast %div3A : vector<1x4096xf32> to vector<1x4096xf32>
    %broadcast_in_dim3A_38 = vector.broadcast %broadcast_in_dim3A_37 : vector<1x4096xf32> to vector<8x4096xf32>
    %broadcast_in_dim3A_39 = vector.broadcast %jit3A_36 : f32 to vector<8x4096xf32>
    %select_n3A_40 = arith.select %eq3A_35, %broadcast_in_dim3A_38, %broadcast_in_dim3A_39 : vector<8x4096xi1>, vector<8x4096xf32>
    %broadcast_in_dim3A_41 = vector.shape_cast %sub3A_31 : vector<1x4096xf32> to vector<1x4096xf32>
    %broadcast_in_dim3A_42 = vector.broadcast %broadcast_in_dim3A_41 : vector<1x4096xf32> to vector<8x4096xf32>
    %select_n3A_43 = arith.select %eq3A_33, %broadcast_in_dim3A_42, %select_n3A_40 : vector<8x4096xi1>, vector<8x4096xf32>
    %transpose3A_44 = tpu.transpose %select_n3A_43, [1, 0] : vector<8x4096xf32> -> vector<4096x8xf32>
    %swap3A = arith.constant 0 : index
    %swap3A_45 = arith.constant 0 : index
    %swap3A_46 = vector.load %arg3[%swap3A, %swap3A_45] : memref<4096x8xf32, #tpu.memory_space<vmem>>, vector<4096x8xf32>
    tpu.vector_store %arg3[%swap3A, %swap3A_45], %transpose3A_44 {strides = array<i32>} : memref<4096x8xf32, #tpu.memory_space<vmem>>, vector<4096x8xf32>,
    %concatenate3A = tpu.concatenate %broadcast_in_dim3A_10, %broadcast_in_dim3A_26 in 0 : vector<1x4096xi32>, vector<1x4096xi32> -> vector<2x4096xi32>
    %transpose3A_47 = tpu.transpose %concatenate3A, [1, 0] : vector<2x4096xi32> -> vector<4096x2xi32>
    %swap3A_48 = arith.constant 0 : index
    %swap3A_49 = arith.constant 0 : index
    %swap3A_50 = vector.load %arg4[%swap3A_48, %swap3A_49] : memref<4096x2xi32, #tpu.memory_space<vmem>>, vector<4096x2xi32>
    tpu.vector_store %arg4[%swap3A_48, %swap3A_49], %transpose3A_47 {strides = array<i32>} : memref<4096x2xi32, #tpu.memory_space<vmem>>, vector<4096x2xi32>,
    %eq3A_51 = arith.constant 0 : i32
    %eq3A_52 = arith.cmpi eq, %arg0, %eq3A_51 : i32
    %convert_element_type3A = arith.extui %eq3A_52 : i1 to i32
    %cond3A = arith.constant 0 : i32
    %cond3A_53 = arith.cmpi ne, %convert_element_type3A, %cond3A : i32
    scf.if %cond3A_53 {
      %broadcast_in_dim3A_68 = arith.constant 0.000000e+00 : f32
      %broadcast_in_dim3A_69 = vector.broadcast %broadcast_in_dim3A_68 : f32 to vector<8x1xf32>
      %swap3A_70 = arith.constant 0 : index
      %swap3A_71 = arith.constant 0 : index
      %swap3A_72 = vector.load %arg6[%swap3A_70, %swap3A_71] : memref<8x1xf32, #tpu.memory_space<vmem>>, vector<8x1xf32>
      tpu.vector_store %arg6[%swap3A_70, %swap3A_71], %broadcast_in_dim3A_69 {strides = array<i32>} : memref<8x1xf32, #tpu.memory_space<vmem>>, vector<8x1xf32>,
    } else {
    }
    %get3A_54 = arith.constant 0 : index
    %get3A_55 = arith.constant 0 : index
    %get3A_56 = vector.load %arg6[%get3A_54, %get3A_55] : memref<8x1xf32, #tpu.memory_space<vmem>>, vector<8x1xf32>
    %reduce_sum3A = arith.constant dense<0.000000e+00> : vector<8xf32>
    %reduce_sum3A_57 = vector.multi_reduction <add>, %select_n3A_43, %reduce_sum3A [1] : vector<8x4096xf32> to vector<8xf32>
    %broadcast_in_dim3A_58 = vector.shape_cast %reduce_sum3A_57 : vector<8xf32> to vector<8x1xf32>
    %add3A_59 = arith.addf %get3A_56, %broadcast_in_dim3A_58 : vector<8x1xf32>
    %swap3A_60 = arith.constant 0 : index
    %swap3A_61 = arith.constant 0 : index
    %swap3A_62 = vector.load %arg6[%swap3A_60, %swap3A_61] : memref<8x1xf32, #tpu.memory_space<vmem>>, vector<8x1xf32>
    tpu.vector_store %arg6[%swap3A_60, %swap3A_61], %add3A_59 {strides = array<i32>} : memref<8x1xf32, #tpu.memory_space<vmem>>, vector<8x1xf32>,
    %eq3A_63 = arith.constant 5 : i32
    %eq3A_64 = arith.cmpi eq, %arg0, %eq3A_63 : i32
    %convert_element_type3A_65 = arith.extui %eq3A_64 : i1 to i32
    %cond3A_66 = arith.constant 0 : i32
    %cond3A_67 = arith.cmpi ne, %convert_element_type3A_65, %cond3A_66 : i32
    scf.if %cond3A_67 {
      %get3A_68 = arith.constant 0 : index
      %get3A_69 = arith.constant 0 : index
      %get3A_70 = vector.load %arg6[%get3A_68, %get3A_69] : memref<8x1xf32, #tpu.memory_space<vmem>>, vector<8x1xf32>
      %swap3A_71 = arith.constant 0 : index
      %swap3A_72 = arith.constant 0 : index
      %swap3A_73 = vector.load %arg5[%swap3A_71, %swap3A_72] : memref<8x1xf32, #tpu.memory_space<vmem>>, vector<8x1xf32>
      tpu.vector_store %arg5[%swap3A_71, %swap3A_72], %get3A_70 {strides = array<i32>} : memref<8x1xf32, #tpu.memory_space<vmem>>, vector<8x1xf32>,
    } else {
    }
    return
  }
  func.func @transform_0(%arg0: i32) -> (i32, i32) {
    %c0_i32 = arith.constant 0 : i32
    %c0_i32_0 = arith.constant 0 : i32
    return %arg0, %c0_i32 : i32, i32
  }
  func.func @transform_1(%arg0: i32) -> (i32, i32) {
    %c0_i32 = arith.constant 0 : i32
    %c0_i32_0 = arith.constant 0 : i32
    %c0_i32_1 = arith.constant 0 : i32
    return %c0_i32, %c0_i32_0 : i32, i32
  }
  func.func @transform_2(%arg0: i32) -> (i32, i32) {
    %c0_i32 = arith.constant 0 : i32
    %c0_i32_0 = arith.constant 0 : i32
    return %arg0, %c0_i32 : i32, i32
  }
  func.func @transform_3(%arg0: i32) -> (i32, i32) {
    %c0_i32 = arith.constant 0 : i32
    %c0_i32_0 = arith.constant 0 : i32
    return %arg0, %c0_i32 : i32, i32
  }
  func.func @transform_4(%arg0: i32) -> (i32, i32) {
    %c0_i32 = arith.constant 0 : i32
    %c0_i32_0 = arith.constant 0 : i32
    %c0_i32_1 = arith.constant 0 : i32
    return %c0_i32, %c0_i32_0 : i32, i32
  }
}

module attributes {stable_mosaic.version = 14 : i64} {
  func.func @_loss_kernel(%arg0: memref<8x1xf32, #tpu.memory_space<vmem>>, %arg1: memref<32x8x16xf32, #tpu.memory_space<vmem>>, %arg2: memref<1x1xf32, #tpu.memory_space<vmem>>) attributes {dimension_semantics = [], scalar_prefetch = 0 : i64, scratch_operands = 0 : i64, tpu.core_type = #tpu.core_type<tc>} {
    %get3A = arith.constant 0 : index
    %get3A_0 = arith.constant 0 : index
    %get3A_1 = vector.load %arg0[%get3A, %get3A_0] : memref<8x1xf32, #tpu.memory_space<vmem>>, vector<8x1xf32>
    %get3A_2 = arith.constant 0 : index
    %get3A_3 = arith.constant 0 : index
    %get3A_4 = arith.constant 0 : index
    %get3A_5 = vector.load %arg1[%get3A_2, %get3A_3, %get3A_4] : memref<32x8x16xf32, #tpu.memory_space<vmem>>, vector<32x8x16xf32>
    %reduce_sum3A = arith.constant dense<0.000000e+00> : vector<8xf32>
    %reduce_sum3A_6 = vector.multi_reduction <add>, %get3A_5, %reduce_sum3A [0, 2] : vector<32x8x16xf32> to vector<8xf32>
    %reshape3A = vector.shape_cast %reduce_sum3A_6 : vector<8xf32> to vector<8x1xf32>
    %add3A = arith.addf %get3A_1, %reshape3A : vector<8x1xf32>
    %div3A = arith.constant 3.276800e+04 : f32
    %div3A_7 = vector.broadcast %div3A : f32 to vector<8x1xf32>
    %div3A_8 = arith.divf %add3A, %div3A_7 : vector<8x1xf32>
    %log3A = math.log %div3A_8 : vector<8x1xf32>
    %max3A = arith.constant -1.000000e+09 : f32
    %max3A_9 = vector.broadcast %max3A : f32 to vector<8x1xf32>
    %max3A_10 = arith.maximumf %log3A, %max3A_9 : vector<8x1xf32>
    %log3A_11 = arith.constant 1.250000e-01 : f32
    %log3A_12 = math.log %log3A_11 : f32
    %sub3A = vector.broadcast %log3A_12 : f32 to vector<8x1xf32>
    %sub3A_13 = arith.subf %sub3A, %max3A_10 : vector<8x1xf32>
    %mul3A = arith.constant 1.250000e-01 : f32
    %mul3A_14 = vector.broadcast %mul3A : f32 to vector<8x1xf32>
    %mul3A_15 = arith.mulf %mul3A_14, %sub3A_13 : vector<8x1xf32>
    %reduce_sum3A_16 = vector.shape_cast %mul3A_15 : vector<8x1xf32> to vector<1x8x1xf32>
    %reduce_sum3A_17 = arith.constant dense<0.000000e+00> : vector<1xf32>
    %reduce_sum3A_18 = vector.multi_reduction <add>, %reduce_sum3A_16, %reduce_sum3A_17 [1, 2] : vector<1x8x1xf32> to vector<1xf32>
    %reduce_sum3A_19 = vector.shape_cast %reduce_sum3A_18 : vector<1xf32> to vector<1x1x1xf32>
    %reduce_sum3A_20 = vector.extract %reduce_sum3A_19[0, 0, 0] : f32 from vector<1x1x1xf32>
    %reshape3A_21 = vector.broadcast %reduce_sum3A_20 : f32 to vector<1x1xf32>
    %swap3A = arith.constant 0 : index
    %swap3A_22 = arith.constant 0 : index
    %swap3A_23 = vector.load %arg2[%swap3A, %swap3A_22] : memref<1x1xf32, #tpu.memory_space<vmem>>, vector<1x1xf32>
    tpu.vector_store %arg2[%swap3A, %swap3A_22], %reshape3A_21 {strides = array<i32>} : memref<1x1xf32, #tpu.memory_space<vmem>>, vector<1x1xf32>,
    return
  }
}

</mosaic_0001>

<sc_bundles>
// kernel: kernel.5.cloned.1.call-start
scs
__scs_entry_jumppad:
0x0: {  	(pc) =	sbr.rel $0x88, $3  }
0x1: {  	(tag) =	ssettag $0x0;
	lr =	simm.s32 $0x1  }
0x2: {  	[smem:$0x3F9F] =	sst lr;
	_ =	strace $0xD0000000  }
0x3: {  	_ = 	snop  }
0x4: {  	_ = 	snop  }
0x5: {  	_ = 	snop  }
0x6: {  	_ = 	snop  }
0x7: {  	_ = 	snop  }
__scs_overlays_trampoline_lowered:
0x8: {  	[smem:$0x3FAE] =	sst s0  }
0x9: {  	[smem:$0x3FAF] =	sst s1  }
0xa: {  	[smem:$0x3FB0] =	sst s2  }
0xb: {  	[smem:$0x3FB1] =	sst s3  }
0xc: {  	[smem:$0x3FB2] =	sst s4  }
0xd: {  	[smem:$0x3FB3] =	sst s5  }
0xe: {  	[smem:$0x3FB4] =	sst s6  }
0xf: {  	[smem:$0x3FB5] =	sst s7  }
0x10: {  	[smem:$0x3FB6] =	sst s8  }
0x11: {  	[smem:$0x3FB7] =	sst s9;
	s0 =	simm.s32 @!p0 $0x0  }
0x12: {  	s1 =	sld [smem:$0x3F9D];
	s0 =	simm.s32 @p0 $0x1  }
0x13: {  	[smem:$0x3FB8] =	sst s0;
	s0 =	simm.s32 @!p1 $0x0  }
0x14: {  	s2 =	sld [smem:$0x3F9C];
	s0 =	simm.s32 @p1 $0x1  }
0x15: {  	[smem:$0x3FB9] =	sst s0;
	s0 =	simm.s32 @!p2 $0x0  }
0x16: {  	s3 =	sld [smem:$0x3FDB];
	s0 =	simm.s32 @p2 $0x1  }
0x17: {  	s4 =	simm.s32 $0x1BF5;
	[smem:$0x3FBB] =	sst s0  }
0x18: {  	s0 =	sld [smem:$0x3F9E];
	_ =	swait.ge [sflag:s4], $0x0  }
0x19: {  	s7 =	sld [smem:$0x3F9F]  }
0x1a: {  	s8 =	sadd.s32 $0xFFFFE003, lr  }
0x1b: {  	s9 =	sadd.s32 $0xFFFFFEF7, lr;
	s5 =	simm.s32 $0xFFFFFFFF;
	p2 =	slt.u32 s8, $0xFFFFF086  }
0x1c: {  	p1 =	slt.u32 s9, $0xF7A;
	s5 =	simm.s32 @!p2 $0x0  }
0x1d: {  	s5 =	simm.s32 @p1 $0x1;
	p0 =	seq.s32 s7, s2  }
0x1e: {  	s7 =	smul.u32 @!p0 $0xF7A, s2;
	p2 =	seq.s32 @!p0 s5, $0x0  }
0x1f: {  	s9 =	smul.u32 $0xF7A, s1;
	s8 =	simm.s32 @!p0 $0x1BF5;
	p2 =	por !p2, p0  }
0x20: {  	[sflag:s8] =	ssyncset.s32 @!p0 $0xFFFFF086;
	s6 =	sadd.s32 @!p0 s3, s7;
	s7 =	simm.s32 @!p0 $0x108  }
0x21: {  	s3 =	sadd.s32 s3, s9;
	s6 =	sadd.s32 @!p0 $0x88, s6;
	s7 =	simm.s32 @p2 $0x1082  }
0x22: {  	[simem:s7], [sflag:s8] =	dma.local @!p0 [hbm:s6], $0xF7A  }
0x23: {  	s9 =	sor.u32 $0xD0000000, s2;
	s6 =	simm.s32 $0x108;
	_ =	swait.ge @!p0 [sflag:s8], $0x0  }
0x24: {  	s3 =	sadd.s32 $0x88, s3;
	s6 =	simm.s32 @!p1 $0x1082;
	[sflag:s4] =	ssyncset.s32 $0xFFFFF086  }
0x25: {  	[simem:s6], [sflag:s4] =	dma.local [hbm:s3], $0xF7A  }
0x26: {  	[smem:$0x3F9F] =	sst s1;
	(tag) =	ssettag s2;
	_ =	strace s9  }
0x27: {  	s1 =	sld [smem:$0x3FAF]  }
0x28: {  	s2 =	sld [smem:$0x3FB0]  }
0x29: {  	s4 =	sld [smem:$0x3FB2]  }
0x2a: {  	p0 =	seq.s32 s5, $0x0;
	s5 =	sld [smem:$0x3FB3]  }
0x2b: {  	s6 =	sld [smem:$0x3FB4]  }
0x2c: {  	s7 =	sld [smem:$0x3FB5]  }
0x2d: {  	s3 =	simm.s32 $0x108;
	s8 =	sld [smem:$0x3FB6]  }
0x2e: {  	s3 =	simm.s32 @!p0 $0x1082;
	s9 =	sld [smem:$0x3FB7]  }
0x2f: {  	lr =	sadd.s32 s0, s3;
	s0 =	sld [smem:$0x3FAE]  }
0x30: {  	s3 =	sld [smem:$0x3FB1]  }
0x31: {  	[smem:$0x3FBA] =	sst s10  }
0x32: {  	s10 =	sld [smem:$0x3FB8];
	_ =	sdelay $0x3  }
0x33: {  	p0 =	seq.s32 s10, $0x1;
	s10 =	sld [smem:$0x3FBA];
	_ =	sdelay $0x3  }
0x34: {  	[smem:$0x3FBA] =	sst s10  }
0x35: {  	s10 =	sld [smem:$0x3FB9];
	_ =	sdelay $0x3  }
0x36: {  	p1 =	seq.s32 s10, $0x1;
	s10 =	sld [smem:$0x3FBA];
	_ =	sdelay $0x3  }
0x37: {  	[smem:$0x3FBA] =	sst s10  }
0x38: {  	s10 =	sld [smem:$0x3FBB]  }
0x39: {  	_ = 	snop;
	(pc) =	sbr.ind lr, $3  }
0x3a: {  	_ = 	snop  }
0x3b: {  	_ = 	snop  }
0x3c: {  	p2 =	seq.s32 s10, $0x1;
	s10 =	sld [smem:$0x3FBA]  }
0x3d: {  	_ =	shalt  }
0x3e: {  	_ =	shalt  }
0x3f: {  	_ =	shalt  }
0x40: {  	_ =	shalt  }
0x41: {  	_ =	shalt  }
0x42: {  	_ =	shalt  }
0x43: {  	_ =	shalt  }
0x44: {  	_ =	shalt  }
0x45: {  	_ =	shalt  }
0x46: {  	_ =	shalt  }
0x47: {  	_ =	shalt  }
0x48: {  	_ =	shalt  }
0x49: {  	_ =	shalt  }
0x4a: {  	_ =	shalt  }
0x4b: {  	_ =	shalt  }
0x4c: {  	_ =	shalt  }
0x4d: {  	_ =	shalt  }
0x4e: {  	_ =	shalt  }
0x4f: {  	_ =	shalt  }
0x50: {  	_ =	shalt  }
0x51: {  	_ =	shalt  }
0x52: {  	_ =	shalt  }
0x53: {  	_ =	shalt  }
0x54: {  	_ =	shalt  }
0x55: {  	_ =	shalt  }
0x56: {  	_ =	shalt  }
0x57: {  	_ =	shalt  }
0x58: {  	_ =	shalt  }
0x59: {  	_ =	shalt  }
0x5a: {  	_ =	shalt  }
0x5b: {  	_ =	shalt  }
0x5c: {  	_ =	shalt  }
0x5d: {  	_ =	shalt  }
0x5e: {  	_ =	shalt  }
0x5f: {  	_ =	shalt  }
0x60: {  	_ =	shalt  }
0x61: {  	_ =	shalt  }
0x62: {  	_ =	shalt  }
0x63: {  	_ =	shalt  }
0x64: {  	_ =	shalt  }
0x65: {  	_ =	shalt  }
0x66: {  	_ =	shalt  }
0x67: {  	_ =	shalt  }
0x68: {  	_ =	shalt  }
0x69: {  	_ =	shalt  }
0x6a: {  	_ =	shalt  }
0x6b: {  	_ =	shalt  }
0x6c: {  	_ =	shalt  }
0x6d: {  	_ =	shalt  }
0x6e: {  	_ =	shalt  }
0x6f: {  	_ =	shalt  }
0x70: {  	_ =	shalt  }
0x71: {  	_ =	shalt  }
0x72: {  	_ =	shalt  }
0x73: {  	_ =	shalt  }
0x74: {  	_ =	shalt  }
0x75: {  	_ =	shalt  }
0x76: {  	_ =	shalt  }
0x77: {  	_ =	shalt  }
0x78: {  	_ =	shalt  }
0x79: {  	_ =	shalt  }
0x7a: {  	_ =	shalt  }
0x7b: {  	_ =	shalt  }
0x7c: {  	_ =	shalt  }
0x7d: {  	_ =	shalt  }
0x7e: {  	_ =	shalt  }
0x7f: {  	_ =	shalt  }
0x80: {  	_ =	shalt  }
0x81: {  	_ =	shalt  }
0x82: {  	_ =	shalt  }
0x83: {  	_ =	shalt  }
0x84: {  	_ =	shalt  }
0x85: {  	_ =	shalt  }
0x86: {  	_ =	shalt  }
0x87: {  	_ =	shalt  }
.Lfunc_end0:
.L_simem_size_0:
called_computation_lowered:
.L_overlay_start_0:
0x88: {  	s2 =	sld [smem:$0x3FD9]  }
0x89: {  	s3 =	sld [smem:$0x3FFE];
	_ =	sdelay $0x1  }
0x8a: {  	s1 =	srdreg.scid  }
0x8b: {  	s0 =	sand.u32 $0x1, s1  }
0x8c: {  	s14 =	sshll.u32 s0, $0xA;
	s2 =	sadd.s32 s3, s2  }
0x8d: {  	s2 =	sadd.s32 s2, s14  }
0x8e: {  	[smem:$0x3FC6] =	sst s2  }
0x8f: {  	_ = 	snop  }
0x90: {  	s2 =	sld [smem:$0x3FD0];
	_ =	sdelay $0x2  }
0x91: {  	s15 =	simm.s32 $0xA;
	s4 =	simm.s32 $0x10  }
0x92: {  	[smem:s4], [sflag:s15] =	dma.local [hbm:s2], $0x1  }
0x93: {  	_ =	swait.eq [sflag:s15], $0x1  }
0x94: {  	[sflag:s15] =	ssyncset.done $0x0  }
0x95: {  	s16 =	sld [smem:$0x10];
	[sflag:s15] =	ssyncadd.s32 $0xFFFFFFFF  }
0x96: {  	s17 =	sld [smem:$0x11];
	(tm) =	ssettm $0x1  }
0x97: {  	s18 =	sld [smem:$0x3FFB];
	_ =	sdelay $0x3  }
0x98: {  	_ =	strace s18  }
0x99: {  	s4 =	sld [smem:$0x3FFC];
	_ =	sdelay $0x3  }
0x9a: {  	_ =	strace s4  }
0x9b: {  	s4 =	sld [smem:$0x3FFD];
	_ =	sdelay $0x3  }
0x9c: {  	_ =	strace s4  }
0x9d: {  	_ =	strace $0x8FFFFFFF  }
0x9e: {  	s19 =	sld [smem:$0x3FDB];
	_ =	sdelay $0x1  }
0x9f: {  	s5 =	simm.s32 $_scs_section_size  }
0xa0: {  	s6 =	simm.s32 $_size__tile_overlayer_lowered;
	s7 =	simm.s32 $_tile_overlayer_lowered  }
0xa1: {  	s22 =	simm.s32 $0x1BFF;
	s21 =	sshll.u32 s7, $0x1;
	s4 =	sadd.s32 s5, s19  }
0xa2: {  	s8 =	simm.s32 $0x0;
	s20 =	sshll.u32 s6, $0x1;
	s6 =	sadd.s32 s21, s4  }
0xa3: {  	[timem:s8], [sflag:s22] =	dma.local [hbm:s6], s20  }
0xa4: {  	_ =	swait.ge [sflag:s22], s20  }
0xa5: {  	s5 =	ssub.s32 $0x0, s20;
	[sflag:s22] =	ssyncset.done $0x0  }
0xa6: {  	[sflag:s22] =	ssyncadd.s32 s5;
	_ =	sdelay $0x1  }
0xa7: {  	s23 =	simm.s32 $0x1B8B  }
0xa8: {  	_ =	swait.ge [sflag:s23], $0x1  }
0xa9: {  	[sflag:s23] =	ssyncset.done $0x0  }
0xaa: {  	s25 =	simm.s32 $0x1B8E;
	s24 =	sld [smem:$0x3FFE];
	[sflag:s23] =	ssyncadd.s32 $0xFFFFFFFF  }
0xab: {  	s26 =	simm.s32 $execute0_lowered;
	[smem:$0x3FD2] =	sst s25  }
0xac: {  	s6 =	sshll.u32 s26, $0x1;
	_ =	strace $0x80000046;
	[dreg:$0x1] =	wrdreg $0xFFFFFFFF  }
0xad: {  	s28 =	simm.s32 $_size_execute0_lowered;
	s4 =	sadd.s32 s4, s6;
	[dreg:$0x0] =	wrdreg $0x0  }
0xae: {  	s6 =	sshll.u32 s28, $0x1;
	[dreg:$0x2] =	wrdreg s4  }
0xaf: {  	[dreg:$0x3] =	wrdreg s6  }
0xb0: {  	[dreg:$0x4] =	wrdreg $0xC0  }
0xb1: {  	_ =	task [dreg:s8], $0x5FFFF  }
0xb2: {  	[dreg:$0x1] =	wrdreg $0xFFFFFFFF  }
0xb3: {  	[dreg:$0x0] =	wrdreg $0x60  }
0xb4: {  	[dreg:$0x2] =	wrdreg s24  }
0xb5: {  	[dreg:$0x3] =	wrdreg s17  }
0xb6: {  	[dreg:$0x4] =	wrdreg s16  }
0xb7: {  	[dreg:$0x5] =	wrdreg $0x9  }
0xb8: {  	_ =	task.clear_ibuf [dreg:s8], $0x6FFFF;
	_ =	strace $0x90000046  }
0xb9: {  	s29 =	simm.s32 $0x9;
	_ =	strace $0x80000048  }
0xba: {  	_ =	swait.ge [sflag:s29], $0x1  }
0xbb: {  	[sflag:s29] =	ssyncadd.s32 $0xFFFFFFFF  }
0xbc: {  	_ =	strace $0x90000048  }
0xbd: {  	_ =	sfence  }
0xbe: {  	s30 =	sld [smem:$0x0];
	_ =	sdelay $0x2  }
0xbf: {  	s31 =	sshll.u32 s1, $0xD;
	s1 =	sshrl.u32 s1, $0x2  }
0xc0: {  	s3 =	sand.u32 $0x4000, s31;
	s1 =	sadd.s32 s1, s30  }
0xc1: {  	s0 =	sor.u32 s3, s0;
	s1 =	sshll.u32 s1, $0x11  }
0xc2: {  	s0 =	sor.u32 s1, s0  }
0xc3: {  	s0 =	sadd.s32 $0x8F2B, s0  }
0xc4: {  	[sflag:s0] =	ssyncadd.remote.s32 $0x1  }
0xc5: {  	_ =	sfence.sel $0xFFFF  }
0xc6: {  	[dreg:$0x0] =	wrdreg $0xFFFFFFFF;
	(pc) =	sbr.abs _section_cstart, $3  }
0xc7: {  	[dreg:$0x1] =	wrdreg $0xFFFFFFFF  }
0xc8: {  	_ =	task.clear_ibuf [dreg:s8], $0x2FFFF;
	_ =	strace $0x9FFFFFFF  }
0xc9: {  	(tm) =	ssettm $0x7FFFFFFF  }
tec
execute0_lowered:
.L_overlay_start_1:
0x0: {  	(tag) =	ssettag $0x1  }
0x1: {  	v0 =	vimm.s32 $0x1F80;
	vm0 =	vcmask $0x300  }
0x2: {  	vm1 =	vcmask $0x704;
	v1 =	vimm.s32 $0x5780;
	v0 =	vsel vm0, $0x0, v0  }
0x3: {  	vm2 =	vcmask $0xB08;
	v1 =	vsel vm0, $0x3800, v1;
	v0 =	vsel vm1, $0x80, v0  }
0x4: {  	vm4 =	vcmask $0xF0C;
	v1 =	vsel vm1, $0x3880, v1;
	v0 =	vsel vm2, $0x100, v0  }
0x5: {  	vm5 =	vcmask $0x1310;
	v1 =	vsel vm2, $0x3900, v1;
	v0 =	vsel vm4, $0x180, v0  }
0x6: {  	s7 =	rddreg [dreg:$0x0];
	vm6 =	vcmask $0x1714;
	v1 =	vsel vm4, $0x3980, v1;
	v0 =	vsel vm5, $0x200, v0  }
0x7: {  	s0 =	rddreg [dreg:$0x1];
	vm7 =	vcmask $0x1B18;
	v1 =	vsel vm5, $0x3A00, v1;
	v0 =	vsel vm6, $0x280, v0  }
0x8: {  	s2 =	rddreg [dreg:$0x2];
	vm8 =	vcmask $0x1F1C;
	v1 =	vsel vm6, $0x3A80, v1;
	v0 =	vsel vm7, $0x300, v0  }
0x9: {  	s1 =	rddreg [dreg:$0x3];
	vm9 =	vcmask $0x2320;
	v1 =	vsel vm7, $0x3B00, v1;
	v0 =	vsel vm8, $0x380, v0  }
0xa: {  	s4 =	simm.s32 $0x0;
	s5 =	srdreg.scid;
	s3 =	stileid.u32;
	vm10 =	vcmask $0x2724;
	v1 =	vsel vm8, $0x3B80, v1;
	v0 =	vsel vm9, $0x1C00, v0  }
0xb: {  	vm11 =	vcmask $0x2B28;
	s12 =	simm.s32 $0x3400;
	s13 =	simm.s32 $0x5000;
	s14 =	simm.s32 $0x6C00;
	v1 =	vsel vm9, $0x5400, v1;
	v0 =	vsel vm10, $0x1C80, v0  }
0xc: {  	vm12 =	vcmask $0x2F2C;
	s15 =	simm.s32 $0x8800;
	s16 =	simm.s32 $0x8900;
	s17 =	simm.s32 $0x8980;
	v1 =	vsel vm10, $0x5480, v1;
	v0 =	vsel vm11, $0x1D00, v0  }
0xd: {  	vm13 =	vcmask $0x3330;
	[smem:$0x7FF] =	sst s4;
	s5 =	sand.u32 $0x1, s5;
	s6 =	sshll.u32 s3, $0x1;
	v1 =	vsel vm11, $0x5500, v1;
	v0 =	vsel vm12, $0x1D80, v0  }
0xe: {  	vm14 =	vcmask $0x3734;
	s18 =	simm.s32 $0x0;
	_ =	strace $0x80000047;
	s8 =	sor.u32 s5, s6;
	v1 =	vsel vm12, $0x5580, v1;
	v0 =	vsel vm13, $0x1E00, v0  }
0xf: {  	vm15 =	vcmask $0x3B38;
	s9 =	ssub.s32 $0x2, s5;
	s5 =	sadd.s32 $0x1000, s7;
	s10 =	sshll.u32 s8, $0x4;
	v1 =	vsel vm13, $0x5600, v1;
	v0 =	vsel vm14, $0x1E80, v0  }
0x10: {  	s6 =	sadd.s32 $0xC1000, s7;
	s11 =	sshrl.u32 s9, $0x1;
	s10 =	sadd.s32 s10, s7;
	v63 =	vsel vm14, $0x5680, v1;
	v61 =	vsel vm15, $0x1F00, v0  }
0x11: {  	s9 =	ssub.s32 s9, s11;
	s7 =	sshll.u32 s8, $0x8;
	s11 =	simm.s32 $0x1800;
	v34 =	vsel vm15, $0x5700, v63;
	[tilespmem:$0x1FFE0] =	vst v61  }
0x12: {  	s8 =	sadd.s32 $0xC1400, s10;
	s9 =	smax.u32 s9, $0x1;
	s10 =	simm.s32 $0x1;
	[tilespmem:$0x1FFF0] =	vst v34  }
.LBB2_1:
0x13: {  	[tilespmem:s4], [sflag:$0x1] =	stream.linear.gather [hbm4b:s6+s4], $0x1800, $0x38;
	[tilespmem:$0x8A00] =	vst v63  }
0x14: {  	v0 =	vimm.f32 $0.0e+00;
	v1 =	vimm.f32 $0.0e+00;
	_ =	swait.ge [sflag:s10], $0x1800  }
0x15: {  	v2 =	vimm.f32 $0.0e+00;
	v3 =	vimm.f32 $0.0e+00;
	v4 =	vimm.f32 $0.0e+00;
	[sflag:s10] =	ssyncset.done $0x0  }
0x16: {  	v5 =	vimm.f32 $0.0e+00;
	v6 =	vimm.f32 $0.0e+00;
	v13 =	vimm.f32 $0.0e+00;
	s19 =	simm.s32 $0x0;
	[sflag:s10] =	ssyncadd.s32 $0xFFFFE800  }
.LBB2_2:
0x17: {  	[tilespmem:$0x1F800] =	vst v5  }
0x18: {  	[tilespmem:$0x1F810] =	vst v4  }
0x19: {  	[tilespmem:$0x1F830] =	vst v2;
	s20 =	simm.s32 $0xF;
	s31 =	simm.s32 $0xD  }
0x1a: {  	[tilespmem:$0x1F850] =	vst v0;
	s21 =	simm.s32 $0xE;
	s22 =	simm.s32 $0xA;
	s23 =	simm.s32 $0xB;
	v0 =	vmov s20;
	v2 =	vmov s31  }
0x1b: {  	[tilespmem:$0x1F820] =	vst v3;
	s25 =	simm.s32 $0x7;
	s24 =	simm.s32 $0x8;
	s26 =	simm.s32 $0x9;
	v3 =	vmov s21;
	v4 =	vmov s22;
	v5 =	vmov s23  }
0x1c: {  	s28 =	simm.s32 $0x4;
	s29 =	simm.s32 $0x5;
	s30 =	simm.s32 $0x6;
	v7 =	vmov s25;
	v8 =	vmov s24;
	v9 =	vmov s26  }
0x1d: {  	[tilespmem:$0x1F7F0] =	vst v6;
	s21 =	simm.s32 $0xC;
	v10 =	vmov s28;
	v11 =	vmov s29;
	v12 =	vmov s30  }
0x1e: {  	[tilespmem:$0x1F840] =	vst v1;
	s31 =	simm.s32 $0x1;
	s25 =	simm.s32 $0x2;
	s23 =	simm.s32 $0x3;
	v1 =	vand.u32 $0x7F, v0;
	v0 =	vshll.u32 v0, $0x3;
	v6 =	vmov s21  }
0x1f: {  	[tilespmem:$0x1F7E0] =	vst v13;
	s22 =	simm.s32 $0x0;
	v13 =	vmov s31;
	v14 =	vmov s25;
	v15 =	vmov s23  }
0x20: {  	v16 =	vmov s22;
	v17 =	vand.u32 $0x7E, v3;
	v18 =	vand.u32 $0x7D, v2  }
0x21: {  	v2 =	vshll.u32 v2, $0x3;
	v3 =	vshll.u32 v3, $0x3;
	v19 =	vand.u32 $0x7B, v5  }
0x22: {  	v21 =	vand.u32 $0x7A, v4;
	v4 =	vshll.u32 v4, $0x3;
	v5 =	vshll.u32 v5, $0x3  }
0x23: {  	v22 =	vand.u32 $0x78, v8;
	v23 =	vand.u32 $0x79, v9;
	v9 =	vshll.u32 v9, $0x3  }
0x24: {  	s26 =	sshll.u32 s19, $0x5;
	v24 =	vand.u32 $0x77, v7;
	v7 =	vshll.u32 v7, $0x3;
	v8 =	vshll.u32 v8, $0x3  }
0x25: {  	v25 =	vand.u32 $0x75, v11;
	v26 =	vand.u32 $0x76, v12;
	v12 =	vshll.u32 v12, $0x3;
	s20 =	sadd.s32 s7, s26  }
0x26: {  	v27 =	vand.u32 $0x74, v10;
	v10 =	vshll.u32 v10, $0x3;
	v11 =	vshll.u32 v11, $0x3;
	s28 =	sshrl.u32 s20, $0x3  }
0x27: {  	v0 =	vand.u32 $0x1C00, v0;
	v20 =	vand.u32 $0x7C, v6;
	v6 =	vshll.u32 v6, $0x3;
	s21 =	smul.u32 $0x300, s28  }
0x28: {  	v28 =	vand.u32 $0x72, v14;
	v29 =	vand.u32 $0x73, v15;
	v15 =	vshll.u32 v15, $0x3  }
0x29: {  	v30 =	vand.u32 $0x71, v13;
	v13 =	vshll.u32 v13, $0x3;
	v14 =	vshll.u32 v14, $0x3;
	s29 =	sadd.s32 s5, s21;
	s21 =	simm.s32 $0x0  }
0x2a: {  	v31 =	vand.u32 $0x70, v16;
	v16 =	vshll.u32 v16, $0x3;
	v2 =	vand.u32 $0x1C00, v2;
	[tilespmem:s11], [sflag:$0x1] =	stream.linear.gather [hbm4b:s29+s21], $0x1800, $0x38;
	[tilespmem:$0x8A00] =	vst v63  }
0x2b: {  	v3 =	vand.u32 $0x1C00, v3;
	v4 =	vand.u32 $0x1C00, v4;
	v5 =	vand.u32 $0x1C00, v5;
	s30 =	sadd.s32 $0x300, s29  }
0x2c: {  	v7 =	vand.u32 $0x1C00, v7;
	v8 =	vand.u32 $0x1C00, v8;
	v10 =	vand.u32 $0x1C00, v10;
	[tilespmem:s12], [sflag:$0x1] =	stream.linear.gather [hbm4b:s30+s21], $0x1800, $0x38;
	[tilespmem:$0x8A00] =	vst v63  }
0x2d: {  	v11 =	vand.u32 $0x1C00, v11;
	v0 =	vor.u32 v1, v0;
	v1 =	vand.u32 $0x1C00, v6;
	s31 =	sadd.s32 $0x600, s29  }
0x2e: {  	v6 =	vand.u32 $0x1C00, v9;
	v9 =	vand.u32 $0x1C00, v12;
	v12 =	vand.u32 $0x1C00, v15;
	[tilespmem:s13], [sflag:$0x1] =	stream.linear.gather [hbm4b:s31+s21], $0x1800, $0x38;
	[tilespmem:$0x8A00] =	vst v63  }
0x2f: {  	v15 =	vand.u32 $0x1C00, v16;
	v13 =	vand.u32 $0x1C00, v13;
	v14 =	vand.u32 $0x1C00, v14;
	s23 =	sadd.s32 $0x900, s29  }
0x30: {  	v3 =	vor.u32 v17, v3;
	v5 =	vor.u32 v19, v5;
	v2 =	vor.u32 v18, v2;
	[tilespmem:s14], [sflag:$0x1] =	stream.linear.gather [hbm4b:s23+s21], $0x1800, $0x38;
	[tilespmem:$0x8A00] =	vst v63  }
0x31: {  	v8 =	vor.u32 v22, v8;
	v4 =	vor.u32 v21, v4;
	v11 =	vor.u32 v25, v11;
	_ =	swait.ge [sflag:s10], $0x6000  }
0x32: {  	v7 =	vor.u32 v24, v7;
	v10 =	vor.u32 v27, v10;
	v32 =	vadd.s32 v61, v0;
	[sflag:s10] =	ssyncset.done $0x0  }
0x33: {  	v0 =	vadd.s32 v34, v0;
	v1 =	vor.u32 v20, v1;
	v6 =	vor.u32 v23, v6;
	[sflag:s10] =	ssyncadd.s32 $0xFFFFA000  }
0x34: {  	s22 =	sand.u32 $0x3F0, s22;
	v9 =	vor.u32 v26, v9;
	v21 =	vadd.s32 v61, v2;
	v22 =	vadd.s32 v34, v2;
	v2 =	vld [tilespmem:s21+$0x0]  }
0x35: {  	v14 =	vor.u32 v28, v14;
	v12 =	vor.u32 v29, v12;
	v20 =	vadd.s32 v61, v3;
	v25 =	vld [tilespmem:s22+$0x300]  }
0x36: {  	v3 =	vadd.s32 v34, v3;
	v24 =	vadd.s32 v61, v1;
	v26 =	vadd.s32 v34, v1;
	v1 =	vld [tilespmem:s22+$0x600]  }
0x37: {  	v15 =	vor.u32 v31, v15;
	v23 =	vadd.s32 v61, v5;
	v33 =	vadd.s32 v34, v5;
	v5 =	vld [tilespmem:s22+$0x900]  }
0x38: {  	v13 =	vor.u32 v30, v13;
	v28 =	vadd.s32 v61, v4;
	v35 =	vadd.s32 v61, v8;
	v27 =	vld [tilespmem:s22+$0xC00]  }
0x39: {  	v4 =	vadd.s32 v34, v4;
	v40 =	vadd.s32 v61, v7;
	v43 =	vadd.s32 v34, v8;
	v8 =	vld [tilespmem:s22+$0xF00]  }
0x3a: {  	v42 =	vadd.s32 v34, v7;
	v44 =	vadd.s32 v61, v11;
	v49 =	vadd.s32 v34, v11;
	v11 =	vld [tilespmem:s22+$0x1500]  }
0x3b: {  	v48 =	vadd.s32 v61, v10;
	v7 =	vadd.s32 v34, v10;
	v36 =	vadd.s32 v61, v6;
	v3 =	vld.idx.msk [tilespmem:v3+s11+$0x0], $0xffff  }
0x3c: {  	v37 =	vadd.s32 v34, v6;
	v46 =	vadd.s32 v61, v9;
	v47 =	vadd.s32 v34, v9;
	v21 =	vld.idx.msk [tilespmem:v21+s11+$0x0], $0xffff  }
0x3d: {  	v17 =	vadd.s32 v61, v14;
	v29 =	vadd.s32 v61, v12;
	v18 =	vadd.s32 v34, v12;
	v35 =	vld.idx.msk [tilespmem:v35+s11+$0x0], $0xffff  }
0x3e: {  	v16 =	vadd.s32 v61, v13;
	v13 =	vadd.s32 v34, v13;
	v19 =	vadd.s32 v34, v14  }
0x3f: {  	v9 =	vadd.s32 v61, v15;
	v6 =	vadd.s32 v34, v15;
	v12 =	vshrl.u32 v2, $0x10  }
0x40: {  	v10 =	vld [tilespmem:s22+$0x1200];
	v14 =	vshrl.u32 v25, $0x10;
	v15 =	vshrl.u32 v1, $0x10;
	v30 =	vshrl.u32 v5, $0x10  }
0x41: {  	v31 =	vshrl.u32 v27, $0x10;
	v60 =	vshrl.u32 v8, $0x10;
	v62 =	vshrl.u32 v11, $0x10  }
0x42: {  	v54 =	vld.idx.msk [tilespmem:v26+s11+$0x0], $0xffff;
	v63 =	vshrl.u32 v3, $0x10;
	v57 =	vshrl.u32 v21, $0x10;
	v59 =	vshrl.u32 v35, $0x10  }
0x43: {  	v12 =	vand.u32 $0x1, v12;
	v14 =	vand.u32 $0x1, v14;
	v15 =	vand.u32 $0x1, v15  }
0x44: {  	v0 =	vld.idx.msk [tilespmem:v0+s11+$0x0], $0xffff;
	v30 =	vand.u32 $0x1, v30;
	v31 =	vand.u32 $0x1, v31;
	v34 =	vand.u32 $0x1, v60  }
0x45: {  	v2 =	vadd.s32 v12, v2;
	v12 =	vshrl.u32 v10, $0x10;
	v14 =	vadd.s32 v14, v25  }
0x46: {  	v25 =	vand.u32 $0x1, v62;
	v1 =	vadd.s32 v15, v1;
	v5 =	vadd.s32 v30, v5  }
0x47: {  	v50 =	vld.idx.msk [tilespmem:v20+s11+$0x0], $0xffff;
	v15 =	vadd.s32 v31, v27;
	v8 =	vadd.s32 v34, v8;
	v62 =	vshrl.u32 v54, $0x10  }
0x48: {  	v45 =	vld.idx.msk [tilespmem:v32+s11+$0x0], $0xffff;
	v12 =	vand.u32 $0x1, v12;
	v2 =	vadd.s32 $0x7FFF, v2;
	[tilespmem:$0x1F8B0] =	vst v15;
	v14 =	vadd.s32 $0x7FFF, v14  }
0x49: {  	[tilespmem:$0x1F8E0] =	vst v8;
	v31 =	vadd.s32 $0x7FFF, v1;
	v8 =	vadd.s32 v12, v10;
	v10 =	vshrl.u32 v0, $0x10  }
0x4a: {  	v41 =	vand.u32 $0xFFFF0000, v14;
	[tilespmem:$0x1F900] =	vst v8;
	v8 =	vadd.s32 v25, v11;
	v25 =	vand.u32 $0xFFFF0000, v2  }
0x4b: {  	v53 =	vld.idx.msk [tilespmem:v22+s11+$0x0], $0xffff;
	v31 =	vand.u32 $0xFFFF0000, v31;
	[tilespmem:$0x1F9B0] =	vst v8;
	v8 =	vbroadcast v25, $0xE;
	v15 =	vbroadcast v25, $0xC  }
0x4c: {  	v22 =	vld.idx.msk [tilespmem:v24+s11+$0x0], $0xffff;
	v14 =	vshrl.u32 v50, $0x10;
	v12 =	vbroadcast v25, $0xD;
	v32 =	vbroadcast v25, $0xA  }
0x4d: {  	v23 =	vld.idx.msk [tilespmem:v23+s11+$0x0], $0xffff;
	v2 =	vshrl.u32 v45, $0x10;
	v20 =	vbroadcast v25, $0xB;
	v38 =	vbroadcast v25, $0x8  }
0x4e: {  	v58 =	vld.idx.msk [tilespmem:v4+s11+$0x0], $0xffff;
	v52 =	vand.u32 $0x1, v10;
	v34 =	vbroadcast v25, $0x9;
	v30 =	vbroadcast v25, $0x6  }
0x4f: {  	v55 =	vld.idx.msk [tilespmem:v33+s11+$0x0], $0xffff;
	v51 =	vand.u32 $0x1, v2;
	v2 =	vbroadcast v25, $0x4;
	v1 =	vbroadcast v25, $0x5  }
0x50: {  	v47 =	vld.idx.msk [tilespmem:v47+s11+$0x0], $0xffff;
	v4 =	vand.u32 $0x1, v14;
	v11 =	vbroadcast v25, $0x2;
	v10 =	vbroadcast v25, $0x3  }
0x51: {  	v28 =	vld.idx.msk [tilespmem:v28+s11+$0x0], $0xffff;
	v27 =	vbroadcast v25, $0x0;
	v24 =	vbroadcast v25, $0x1;
	v0 =	vadd.s32 v52, v0  }
0x52: {  	v19 =	vld.idx.msk [tilespmem:v19+s11+$0x0], $0xffff;
	v4 =	vadd.s32 v4, v50;
	v26 =	vadd.s32 v51, v45;
	v45 =	vshrl.u32 v53, $0x10;
	[tilespmem:$0x1F860] =	vst v0  }
0x53: {  	v36 =	vld.idx.msk [tilespmem:v36+s11+$0x0], $0xffff;
	v0 =	vshrl.u32 v22, $0x10;
	[tilespmem:$0x1F880] =	vst v4;
	v4 =	vand.u32 $0x1, v63;
	v63 =	vshrl.u32 v58, $0x10  }
0x54: {  	v37 =	vld.idx.msk [tilespmem:v37+s11+$0x0], $0xffff;
	[tilespmem:$0x1F8A0] =	vst v8;
	v8 =	vbroadcast v25, $0xF;
	v3 =	vadd.s32 v4, v3;
	v0 =	vand.u32 $0x1, v0  }
0x55: {  	v4 =	vand.u32 $0x1, v57;
	v57 =	vld.idx.msk [tilespmem:v42+s11+$0x0], $0xffff;
	v42 =	vshrl.u32 v47, $0x10;
	[tilespmem:$0x1F890] =	vst v3;
	v3 =	vshrl.u32 v23, $0x10  }
0x56: {  	v52 =	vld.idx.msk [tilespmem:v43+s11+$0x0], $0xffff;
	v33 =	vadd.s32 v0, v22;
	v0 =	vshrl.u32 v55, $0x10;
	v22 =	vadd.s32 v4, v21  }
0x57: {  	v21 =	vshrl.u32 v28, $0x10;
	v4 =	vand.u32 $0x1, v45;
	v45 =	vshrl.u32 v19, $0x10  }
0x58: {  	v50 =	vld.idx.msk [tilespmem:v7+s11+$0x0], $0xffff;
	[tilespmem:$0x1F870] =	vst v8;
	v8 =	vadd.s32 $0x7FFF, v5;
	v5 =	vbroadcast v25, $0x7;
	v25 =	vbroadcast v31, $0xF  }
0x59: {  	v4 =	vadd.s32 v4, v53;
	v3 =	vand.u32 $0x1, v3;
	v0 =	vand.u32 $0x1, v0  }
0x5a: {  	v17 =	vld.idx.msk [tilespmem:v17+s11+$0x0], $0xffff;
	v43 =	vadd.s32 v3, v23;
	v3 =	vshrl.u32 v36, $0x10;
	v39 =	vadd.s32 v0, v55  }
0x5b: {  	v23 =	vld.idx.msk [tilespmem:v46+s11+$0x0], $0xffff;
	v46 =	vshrl.u32 v37, $0x10;
	v0 =	vand.u32 $0x1, v62;
	v62 =	vshrl.u32 v52, $0x10  }
0x5c: {  	v49 =	vld.idx.msk [tilespmem:v49+s11+$0x0], $0xffff;
	[tilespmem:$0x1FAC0] =	vst v25;
	v25 =	vbroadcast v41, $0xE;
	v14 =	vadd.s32 v0, v54;
	v0 =	vand.u32 $0x1, v3  }
0x5d: {  	v51 =	vld.idx.msk [tilespmem:v40+s11+$0x0], $0xffff;
	v7 =	vand.u32 $0x1, v62;
	v46 =	vand.u32 $0x1, v46;
	v62 =	vshrl.u32 v50, $0x10  }
0x5e: {  	v48 =	vld.idx.msk [tilespmem:v48+s11+$0x0], $0xffff;
	v3 =	vadd.s32 v0, v36;
	v0 =	vand.u32 $0x1, v21;
	v21 =	vand.u32 $0x1, v63  }
0x5f: {  	v63 =	vshrl.u32 v57, $0x10;
	v7 =	vadd.s32 v7, v52;
	v52 =	vld.idx.msk [tilespmem:v18+s11+$0x0], $0xffff;
	v18 =	vadd.s32 v46, v37  }
0x60: {  	v36 =	vand.u32 $0x1, v42;
	v42 =	vshrl.u32 v17, $0x10;
	v53 =	vand.u32 $0x1, v62  }
0x61: {  	v9 =	vld.idx.msk [tilespmem:v9+s11+$0x0], $0xffff;
	v62 =	vbroadcast v41, $0x1;
	[tilespmem:$0x1F8C0] =	vst v25;
	v25 =	vbroadcast v31, $0xE;
	v0 =	vadd.s32 v0, v28  }
0x62: {  	v54 =	vld.idx.msk [tilespmem:v44+s11+$0x0], $0xffff;
	v28 =	vshrl.u32 v51, $0x10;
	v44 =	vadd.s32 v21, v58;
	v21 =	vand.u32 $0x1, v59  }
0x63: {  	v29 =	vld.idx.msk [tilespmem:v29+s11+$0x0], $0xffff;
	v58 =	vshrl.u32 v49, $0x10;
	v59 =	vshrl.u32 v48, $0x10;
	v47 =	vadd.s32 v36, v47  }
0x64: {  	v6 =	vld.idx.msk [tilespmem:v6+s11+$0x0], $0xffff;
	v50 =	vadd.s32 v53, v50;
	v36 =	vand.u32 $0x1, v42;
	v53 =	vbroadcast v41, $0x3  }
0x65: {  	v3 =	vadd.s32 $0x7FFF, v3;
	v18 =	vadd.s32 $0x7FFF, v18;
	v7 =	vadd.s32 $0x7FFF, v7  }
0x66: {  	v16 =	vld.idx.msk [tilespmem:v16+s11+$0x0], $0xffff;
	v21 =	vadd.s32 v21, v35;
	v28 =	vand.u32 $0x1, v28;
	v36 =	vadd.s32 v36, v17  }
0x67: {  	v17 =	vshrl.u32 v9, $0x10;
	v50 =	vadd.s32 $0x7FFF, v50;
	v40 =	vshrl.u32 v23, $0x10  }
0x68: {  	v13 =	vld.idx.msk [tilespmem:v13+s11+$0x0], $0xffff;
	v46 =	vadd.s32 v28, v51;
	v28 =	vand.u32 $0x1, v63;
	v63 =	vshrl.u32 v29, $0x10  }
0x69: {  	v51 =	vand.u32 $0x1, v59;
	v59 =	vshrl.u32 v6, $0x10;
	v17 =	vand.u32 $0x1, v17  }
0x6a: {  	[tilespmem:$0x1FBC0] =	vst v25;
	v25 =	vimm.f32 $0.0e+00;
	v56 =	vshrl.u32 v54, $0x10;
	v35 =	vand.u32 $0x1, v40  }
0x6b: {  	v28 =	vadd.s32 v28, v57;
	v48 =	vadd.s32 v51, v48;
	v57 =	vshrl.u32 v16, $0x10  }
0x6c: {  	v9 =	vadd.s32 v17, v9;
	v23 =	vadd.s32 v35, v23;
	v37 =	vand.u32 $0x1, v56  }
0x6d: {  	v35 =	vand.u32 $0x1, v58;
	v40 =	vshrl.u32 v52, $0x10;
	v58 =	vshrl.u32 v13, $0x10  }
0x6e: {  	v9 =	vadd.s32 $0x7FFF, v9;
	v28 =	vadd.s32 $0x7FFF, v28;
	v37 =	vadd.s32 v37, v54  }
0x6f: {  	v35 =	vadd.s32 v35, v49;
	v54 =	vand.u32 $0x1, v63;
	v49 =	vand.u32 $0x1, v40  }
0x70: {  	v63 =	vbroadcast v41, $0x0;
	v29 =	vadd.s32 v54, v29;
	v49 =	vadd.s32 v49, v52  }
0x71: {  	v54 =	vand.u32 $0x1, v45;
	v52 =	vand.u32 $0x1, v59;
	v35 =	vadd.s32 $0x7FFF, v35  }
0x72: {  	v54 =	vadd.s32 v54, v19;
	v19 =	vand.u32 $0x1, v57;
	v6 =	vadd.s32 v52, v6  }
0x73: {  	v57 =	vbroadcast v41, $0x2;
	v29 =	vadd.s32 $0x7FFF, v29;
	v49 =	vadd.s32 $0x7FFF, v49  }
0x74: {  	v16 =	vadd.s32 v19, v16;
	v19 =	vand.u32 $0x1, v58;
	v6 =	vadd.s32 $0x7FFF, v6  }
0x75: {  	v13 =	vadd.s32 v19, v13;
	v16 =	vadd.s32 $0x7FFF, v16;
	v19 =	vand.u32 $0xFFFF0000, v9  }
0x76: {  	v9 =	vadd.s32 $0x7FFF, v13;
	v13 =	vand.u32 $0xFFFF0000, v6;
	v6 =	vmul.f32 v19, v27  }
0x77: {  	v17 =	vand.u32 $0xFFFF0000, v16;
	v40 =	vmul.f32 v19, v63;
	v16 =	vmul.f32 v13, v27  }
0x78: {  	v9 =	vand.u32 $0xFFFF0000, v9;
	v27 =	vmul.f32 v17, v24;
	v51 =	vmul.f32 v13, v63  }
0x79: {  	v63 =	vand.u32 $0xFFFF0000, v49;
	v6 =	vadd.f32 v6, v25;
	v24 =	vmul.f32 v9, v24  }
0x7a: {  	v45 =	vmul.f32 v9, v62;
	v16 =	vadd.f32 v16, v25;
	v42 =	vadd.f32 v51, v25  }
0x7b: {  	v52 =	vadd.f32 v40, v25;
	v27 =	vadd.f32 v27, v6;
	v6 =	vmul.f32 v17, v62  }
0x7c: {  	v24 =	vadd.f32 v24, v16;
	v16 =	vadd.s32 $0x7FFF, v36;
	v58 =	vadd.f32 v45, v42  }
0x7d: {  	v36 =	vand.u32 $0xFFFF0000, v29;
	v42 =	vbroadcast v41, $0x4;
	v45 =	vadd.s32 $0x7FFF, v48  }
0x7e: {  	v52 =	vadd.f32 v6, v52;
	v16 =	vand.u32 $0xFFFF0000, v16;
	v40 =	vmul.f32 v36, v53  }
0x7f: {  	v6 =	vadd.s32 $0x7FFF, v54;
	v54 =	vmul.f32 v63, v53;
	v59 =	vmul.f32 v16, v11  }
0x80: {  	v53 =	vand.u32 $0xFFFF0000, v7;
	v6 =	vand.u32 $0xFFFF0000, v6;
	v29 =	vmul.f32 v16, v57  }
0x81: {  	v11 =	vmul.f32 v6, v11;
	v62 =	vmul.f32 v6, v57;
	v27 =	vadd.f32 v59, v27  }
0x82: {  	v29 =	vadd.f32 v29, v52;
	v52 =	vand.u32 $0xFFFF0000, v28;
	v59 =	vand.u32 $0xFFFF0000, v3  }
0x83: {  	v3 =	vmul.f32 v53, v38;
	v11 =	vadd.f32 v11, v24;
	v24 =	vmul.f32 v36, v10  }
0x84: {  	v10 =	vmul.f32 v63, v10;
	v49 =	vadd.f32 v62, v58;
	v62 =	vand.u32 $0xFFFF0000, v50  }
0x85: {  	v58 =	vand.u32 $0xFFFF0000, v35;
	v50 =	vbroadcast v41, $0x6;
	v24 =	vadd.f32 v24, v27  }
0x86: {  	v11 =	vadd.f32 v10, v11;
	v27 =	vbroadcast v41, $0x5;
	v10 =	vadd.s32 $0x7FFF, v37  }
0x87: {  	v37 =	vand.u32 $0xFFFF0000, v45;
	v48 =	vadd.f32 v54, v49;
	v49 =	vbroadcast v41, $0x7  }
0x88: {  	v29 =	vadd.f32 v40, v29;
	v55 =	vmul.f32 v37, v2;
	v2 =	vmul.f32 v62, v2  }
0x89: {  	v10 =	vand.u32 $0xFFFF0000, v10;
	v40 =	vmul.f32 v37, v42;
	v42 =	vmul.f32 v62, v42  }
0x8a: {  	v24 =	vadd.f32 v55, v24;
	v2 =	vadd.f32 v2, v11;
	v11 =	vmul.f32 v10, v1  }
0x8b: {  	v1 =	vmul.f32 v58, v1;
	v29 =	vadd.f32 v40, v29;
	v40 =	vadd.s32 $0x7FFF, v47  }
0x8c: {  	v45 =	vmul.f32 v10, v27;
	v48 =	vadd.f32 v42, v48;
	v57 =	vand.u32 $0xFFFF0000, v40  }
0x8d: {  	v24 =	vadd.f32 v11, v24;
	v11 =	vbroadcast v31, $0xC;
	v1 =	vadd.f32 v1, v2  }
0x8e: {  	v2 =	vadd.s32 $0x7FFF, v23;
	v23 =	vmul.f32 v58, v27;
	v27 =	vadd.s32 $0x7FFF, v46  }
0x8f: {  	[tilespmem:$0x1FBD0] =	vst v11;
	v11 =	vand.u32 $0xFFFF0000, v2;
	v2 =	vand.u32 $0xFFFF0000, v27;
	v27 =	vmul.f32 v57, v30  }
0x90: {  	v23 =	vadd.f32 v23, v48;
	v42 =	vmul.f32 v11, v30;
	v30 =	vmul.f32 v57, v50  }
0x91: {  	v1 =	vadd.f32 v27, v1;
	v27 =	vmul.f32 v2, v5;
	v5 =	vmul.f32 v52, v5  }
0x92: {  	v47 =	vbroadcast v41, $0x8;
	v24 =	vadd.f32 v42, v24;
	v23 =	vadd.f32 v30, v23  }
0x93: {  	v1 =	vadd.f32 v5, v1;
	v5 =	vadd.s32 $0x7FFF, v21;
	v21 =	vmul.f32 v52, v49  }
0x94: {  	v29 =	vadd.f32 v45, v29;
	v28 =	vmul.f32 v11, v50;
	v5 =	vand.u32 $0xFFFF0000, v5  }
0x95: {  	v24 =	vadd.f32 v27, v24;
	v7 =	vadd.f32 v21, v23;
	v21 =	vmul.f32 v5, v38  }
0x96: {  	v50 =	vand.u32 $0xFFFF0000, v18;
	v28 =	vadd.f32 v28, v29;
	v30 =	vmul.f32 v2, v49  }
0x97: {  	v1 =	vadd.f32 v3, v1;
	v3 =	vmul.f32 v59, v34;
	v18 =	vadd.f32 v21, v24  }
0x98: {  	v28 =	vadd.f32 v30, v28;
	v30 =	vbroadcast v41, $0x9  }
0x99: {  	v21 =	vmul.f32 v5, v47;
	v3 =	vadd.f32 v3, v18;
	v18 =	vbroadcast v31, $0x9  }
0x9a: {  	v4 =	vadd.s32 $0x7FFF, v4;
	v0 =	vadd.s32 $0x7FFF, v0;
	v23 =	vmul.f32 v53, v47  }
0x9b: {  	v21 =	vadd.f32 v21, v28;
	v28 =	vmul.f32 v59, v30;
	[tilespmem:$0x1FAB0] =	vst v18;
	v18 =	vbroadcast v31, $0x8  }
0x9c: {  	v24 =	vmul.f32 v50, v34;
	v7 =	vadd.f32 v23, v7;
	v23 =	vbroadcast v31, $0xA  }
0x9d: {  	v54 =	vand.u32 $0xFFFF0000, v0;
	[tilespmem:$0x1F990] =	vst v18;
	v18 =	vadd.f32 v28, v21;
	v21 =	vbroadcast v31, $0x7  }
0x9e: {  	v55 =	vbroadcast v41, $0xC;
	[tilespmem:$0x1FAF0] =	vst v23;
	v1 =	vadd.f32 v24, v1;
	v24 =	vadd.s32 $0x7FFF, v44  }
0x9f: {  	v23 =	vadd.s32 $0x7FFF, v43;
	v46 =	vand.u32 $0xFFFF0000, v24;
	[tilespmem:$0x1F9A0] =	vst v21;
	v21 =	vmul.f32 v50, v30  }
0xa0: {  	v27 =	vbroadcast v41, $0xA;
	v49 =	vand.u32 $0xFFFF0000, v23;
	v23 =	vmul.f32 v46, v32  }
0xa1: {  	v0 =	vadd.f32 v21, v7;
	v7 =	vmul.f32 v54, v32;
	v21 =	vadd.s32 $0x7FFF, v39  }
0xa2: {  	v29 =	vbroadcast v41, $0xB;
	v24 =	vmul.f32 v46, v27;
	v43 =	vand.u32 $0xFFFF0000, v21  }
0xa3: {  	v21 =	vadd.f32 v23, v1;
	v3 =	vadd.f32 v7, v3;
	v7 =	vmul.f32 v54, v27  }
0xa4: {  	v1 =	vmul.f32 v49, v20;
	v0 =	vadd.f32 v24, v0;
	v28 =	vmul.f32 v43, v29  }
0xa5: {  	v7 =	vadd.f32 v7, v18;
	v18 =	vmul.f32 v43, v20;
	v20 =	vmul.f32 v49, v29  }
0xa6: {  	v24 =	vadd.f32 v1, v3;
	v0 =	vadd.f32 v28, v0;
	v3 =	vand.u32 $0xFFFF0000, v4  }
0xa7: {  	v7 =	vadd.f32 v20, v7;
	v20 =	vadd.s32 $0x7FFF, v22;
	v22 =	vadd.s32 $0x7FFF, v33  }
0xa8: {  	v40 =	vand.u32 $0xFFFF0000, v20;
	v47 =	vand.u32 $0xFFFF0000, v22;
	v20 =	vmul.f32 v3, v12  }
0xa9: {  	v28 =	vadd.s32 $0x7FFF, v14;
	v4 =	vmul.f32 v40, v12;
	v12 =	vmul.f32 v47, v15  }
0xaa: {  	v1 =	vand.u32 $0xFFFF0000, v28  }
0xab: {  	v12 =	vadd.f32 v12, v24;
	v24 =	vmul.f32 v1, v55  }
0xac: {  	v22 =	vand.u32 $0xFFFF0000, v8  }
0xad: {  	v35 =	vadd.f32 v24, v0;
	v0 =	vbroadcast v22, $0xA;
	_ =	sdelay $0x1  }
0xae: {  	[tilespmem:$0x1FB30] =	vst v0;
	v0 =	vbroadcast v22, $0x9;
	_ =	sdelay $0x1  }
0xaf: {  	[tilespmem:$0x1FAD0] =	vst v0;
	v0 =	vbroadcast v22, $0x7;
	_ =	sdelay $0x1  }
0xb0: {  	v25 =	vbroadcast v31, $0xD;
	[tilespmem:$0x1F9C0] =	vst v0;
	v0 =	vld [tilespmem:$0x1F860]  }
0xb1: {  	v60 =	vbroadcast v41, $0xF;
	v18 =	vadd.f32 v18, v21;
	v8 =	vmul.f32 v1, v15  }
0xb2: {  	v51 =	vbroadcast v41, $0xD;
	[tilespmem:$0x1FC40] =	vst v25;
	v25 =	vbroadcast v31, $0xB  }
0xb3: {  	v42 =	vbroadcast v31, $0x6;
	v41 =	vbroadcast v31, $0x4;
	v8 =	vadd.f32 v8, v18  }
0xb4: {  	v38 =	vbroadcast v31, $0x0;
	v30 =	vbroadcast v31, $0x1  }
0xb5: {  	v39 =	vbroadcast v31, $0x5;
	v34 =	vadd.f32 v20, v8;
	v20 =	vadd.s32 $0x7FFF, v0;
	v0 =	vld [tilespmem:$0x1F870]  }
0xb6: {  	v23 =	vbroadcast v31, $0x2;
	v15 =	vmul.f32 v47, v55  }
0xb7: {  	v27 =	vbroadcast v31, $0x3;
	[tilespmem:$0x1FBE0] =	vst v1;
	v1 =	vbroadcast v22, $0xF  }
0xb8: {  	v45 =	vbroadcast v22, $0x8;
	v18 =	vadd.s32 $0x7FFF, v26;
	v55 =	vadd.f32 v15, v7  }
0xb9: {  	v21 =	vand.u32 $0xFFFF0000, v18;
	[tilespmem:$0x1FAE0] =	vst v1;
	v1 =	vbroadcast v22, $0xE;
	v24 =	vand.u32 $0xFFFF0000, v20  }
0xba: {  	v15 =	vadd.f32 v4, v12;
	v18 =	vmul.f32 v21, v0;
	v12 =	vmul.f32 v24, v0;
	v0 =	vld [tilespmem:$0x1F880]  }
0xbb: {  	v56 =	vbroadcast v22, $0x6;
	[tilespmem:$0x1FBF0] =	vst v1;
	v1 =	vbroadcast v22, $0xD  }
0xbc: {  	[tilespmem:$0x1FB60] =	vst v25;
	v31 =	vbroadcast v22, $0x5;
	v25 =	vbroadcast v22, $0x3  }
0xbd: {  	v28 =	vbroadcast v22, $0x2;
	[tilespmem:$0x1FC80] =	vst v1;
	v1 =	vbroadcast v22, $0xC  }
0xbe: {  	v29 =	vbroadcast v22, $0x1;
	v32 =	vbroadcast v22, $0x0  }
0xbf: {  	v26 =	vbroadcast v22, $0x4;
	[tilespmem:$0x1FC00] =	vst v1;
	v1 =	vbroadcast v22, $0xB;
	v22 =	vadd.s32 $0x7FFF, v0;
	v0 =	vld [tilespmem:$0x1F890];
	_ =	sdelay $0x1  }
0xc0: {  	[tilespmem:$0x1FBB0] =	vst v1;
	v1 =	vld [tilespmem:$0x1F8A0];
	_ =	sdelay $0x2  }
0xc1: {  	v48 =	vadd.s32 $0x7FFF, v0  }
0xc2: {  	v44 =	vand.u32 $0xFFFF0000, v22;
	v33 =	vand.u32 $0xFFFF0000, v48  }
0xc3: {  	v20 =	vmul.f32 v44, v1;
	v0 =	vld [tilespmem:$0x1F8B0];
	v7 =	vmul.f32 v33, v1  }
0xc4: {  	[tilespmem:$0x1FC50] =	vst v3;
	v1 =	vmul.f32 v40, v51;
	v51 =	vmul.f32 v3, v51;
	v3 =	vld [tilespmem:$0x1F8C0];
	_ =	sdelay $0x4  }
0xc5: {  	v1 =	vadd.f32 v1, v55;
	v22 =	vadd.s32 $0x7FFF, v0;
	v4 =	vmul.f32 v44, v3  }
0xc6: {  	v0 =	vand.u32 $0xFFFF0000, v22  }
0xc7: {  	v1 =	vadd.f32 v4, v1;
	v4 =	vbroadcast v0, $0x8;
	_ =	sdelay $0x1  }
0xc8: {  	[tilespmem:$0x1FF20] =	vst v4;
	v4 =	vbroadcast v0, $0x7;
	_ =	sdelay $0x1  }
0xc9: {  	[tilespmem:$0x1FFB0] =	vst v4;
	v4 =	vbroadcast v0, $0x6;
	_ =	sdelay $0x1  }
0xca: {  	[tilespmem:$0x1FFC0] =	vst v4;
	v4 =	vbroadcast v0, $0x5;
	_ =	sdelay $0x1  }
0xcb: {  	[tilespmem:$0x1FFA0] =	vst v4;
	v4 =	vbroadcast v0, $0x4;
	_ =	sdelay $0x1  }
0xcc: {  	[tilespmem:$0x1FF40] =	vst v4;
	v4 =	vbroadcast v0, $0x3  }
0xcd: {  	v15 =	vadd.f32 v20, v15;
	v20 =	vbroadcast v0, $0xC  }
0xce: {  	[tilespmem:$0x1FEE0] =	vst v4;
	v4 =	vbroadcast v0, $0x2  }
0xcf: {  	[tilespmem:$0x1FD50] =	vst v20;
	v20 =	vbroadcast v0, $0xB  }
0xd0: {  	[tilespmem:$0x1FE70] =	vst v4;
	v4 =	vbroadcast v0, $0x1  }
0xd1: {  	v8 =	vmul.f32 v21, v60;
	v22 =	vbroadcast v0, $0xE;
	[tilespmem:$0x1FDA0] =	vst v20  }
0xd2: {  	v14 =	vmul.f32 v24, v60;
	v20 =	vbroadcast v0, $0xA;
	[tilespmem:$0x1FE00] =	vst v4;
	v4 =	vld [tilespmem:$0x1F8E0]  }
0xd3: {  	v60 =	vmul.f32 v33, v3;
	v3 =	vbroadcast v0, $0xF;
	[tilespmem:$0x1FC10] =	vst v22  }
0xd4: {  	v22 =	vbroadcast v0, $0xD;
	[tilespmem:$0x1FE10] =	vst v20;
	v20 =	vbroadcast v0, $0x9  }
0xd5: {  	v1 =	vadd.f32 v8, v1;
	v8 =	vmul.f32 v19, v38;
	v0 =	vbroadcast v0, $0x0  }
0xd6: {  	[tilespmem:$0x1FE80] =	vst v20;
	v20 =	vimm.f32 $0.0e+00  }
0xd7: {  	v8 =	vadd.f32 v8, v20;
	[tilespmem:$0x1FDE0] =	vst v0;
	v0 =	vmul.f32 v17, v30;
	v4 =	vadd.s32 $0x7FFF, v4  }
0xd8: {  	v4 =	vand.u32 $0xFFFF0000, v4  }
0xd9: {  	v8 =	vadd.f32 v0, v8;
	v0 =	vbroadcast v4, $0xA;
	_ =	sdelay $0x1  }
0xda: {  	[tilespmem:$0x1FE20] =	vst v0;
	v0 =	vbroadcast v4, $0x9;
	_ =	sdelay $0x1  }
0xdb: {  	[tilespmem:$0x1FEB0] =	vst v0;
	v0 =	vbroadcast v4, $0x8  }
0xdc: {  	v7 =	vadd.f32 v7, v34;
	[tilespmem:$0x1FB00] =	vst v3  }
0xdd: {  	v3 =	vadd.f32 v51, v35;
	[tilespmem:$0x1FF50] =	vst v0;
	v0 =	vbroadcast v4, $0x7  }
0xde: {  	v34 =	vadd.f32 v12, v7;
	v7 =	vmul.f32 v9, v30  }
0xdf: {  	v12 =	vmul.f32 v13, v38;
	v3 =	vadd.f32 v60, v3;
	[tilespmem:$0x1F8F0] =	vst v0;
	v0 =	vbroadcast v4, $0x6  }
0xe0: {  	v60 =	vadd.f32 v18, v15;
	v18 =	vmul.f32 v13, v32;
	v38 =	vmul.f32 v17, v29  }
0xe1: {  	v15 =	vmul.f32 v9, v29;
	[tilespmem:$0x1FD30] =	vst v0;
	v0 =	vbroadcast v4, $0x5  }
0xe2: {  	v29 =	vmul.f32 v6, v28;
	[tilespmem:$0x1F8D0] =	vst v1;
	v1 =	vmul.f32 v16, v23  }
0xe3: {  	v12 =	vadd.f32 v12, v20;
	v18 =	vadd.f32 v18, v20;
	[tilespmem:$0x1FFD0] =	vst v0;
	v0 =	vbroadcast v4, $0x4  }
0xe4: {  	v48 =	vadd.f32 v14, v3;
	v3 =	vmul.f32 v6, v23;
	v14 =	vmul.f32 v19, v32  }
0xe5: {  	v7 =	vadd.f32 v7, v12;
	v18 =	vadd.f32 v15, v18;
	[tilespmem:$0x1FF60] =	vst v0;
	v0 =	vbroadcast v4, $0x3  }
0xe6: {  	[tilespmem:$0x1FCC0] =	vst v22;
	v30 =	vmul.f32 v16, v28;
	v28 =	vadd.f32 v14, v20;
	v22 =	vbroadcast v4, $0xF  }
0xe7: {  	v3 =	vadd.f32 v3, v7;
	v32 =	vbroadcast v4, $0xE;
	[tilespmem:$0x1FF10] =	vst v0;
	v0 =	vbroadcast v4, $0x2  }
0xe8: {  	v28 =	vadd.f32 v38, v28;
	v35 =	vbroadcast v4, $0xD;
	v51 =	vbroadcast v4, $0xC  }
0xe9: {  	v1 =	vadd.f32 v1, v8;
	v55 =	vbroadcast v4, $0xB;
	v38 =	vbroadcast v4, $0x1;
	[tilespmem:$0x1FEA0] =	vst v0;
	v0 =	vld [tilespmem:$0x1F900]  }
0xea: {  	v7 =	vadd.f32 v30, v28;
	v28 =	vbroadcast v4, $0x0;
	v4 =	vmul.f32 v36, v27  }
0xeb: {  	v8 =	vadd.f32 v29, v18;
	v18 =	vmul.f32 v63, v27;
	v29 =	vmul.f32 v10, v39  }
0xec: {  	v30 =	vmul.f32 v58, v39;
	v4 =	vadd.f32 v4, v1;
	v1 =	vmul.f32 v36, v25  }
0xed: {  	v39 =	vmul.f32 v62, v41;
	v18 =	vadd.f32 v18, v3;
	v27 =	vmul.f32 v37, v41  }
0xee: {  	v41 =	vmul.f32 v37, v26;
	v7 =	vadd.f32 v1, v7;
	v3 =	vadd.s32 $0x7FFF, v0  }
0xef: {  	v3 =	vand.u32 $0xFFFF0000, v3  }
0xf0: {  	v41 =	vadd.f32 v41, v7;
	v7 =	vbroadcast v3, $0x8;
	_ =	sdelay $0x1  }
0xf1: {  	[tilespmem:$0x1FF70] =	vst v7;
	v7 =	vbroadcast v3, $0x7;
	_ =	sdelay $0x1  }
0xf2: {  	[tilespmem:$0x1F910] =	vst v7;
	v7 =	vbroadcast v3, $0x6;
	_ =	sdelay $0x1  }
0xf3: {  	[tilespmem:$0x1F920] =	vst v7;
	v7 =	vbroadcast v3, $0x5;
	_ =	sdelay $0x1  }
0xf4: {  	v23 =	vmul.f32 v63, v25;
	[tilespmem:$0x1F930] =	vst v7;
	v7 =	vbroadcast v3, $0x4  }
0xf5: {  	v25 =	vmul.f32 v62, v26;
	v14 =	vbroadcast v3, $0xF  }
0xf6: {  	v15 =	vbroadcast v3, $0xE;
	[tilespmem:$0x1F940] =	vst v7;
	v7 =	vbroadcast v3, $0x3  }
0xf7: {  	v4 =	vadd.f32 v27, v4;
	v20 =	vbroadcast v3, $0xD;
	v27 =	vbroadcast v3, $0xC  }
0xf8: {  	v0 =	vadd.f32 v23, v8;
	v23 =	vbroadcast v3, $0xB;
	[tilespmem:$0x1F950] =	vst v7;
	v7 =	vbroadcast v3, $0x2  }
0xf9: {  	v1 =	vadd.f32 v39, v18;
	v18 =	vbroadcast v3, $0xA;
	v39 =	vbroadcast v3, $0x9  }
0xfa: {  	[tilespmem:$0x1F960] =	vst v7;
	v7 =	vbroadcast v3, $0x1;
	v3 =	vbroadcast v3, $0x0  }
0xfb: {  	v26 =	vmul.f32 v58, v31;
	v4 =	vadd.f32 v29, v4;
	v0 =	vadd.f32 v25, v0  }
0xfc: {  	v1 =	vadd.f32 v30, v1;
	v25 =	vmul.f32 v57, v42;
	[tilespmem:$0x1F980] =	vst v3;
	v3 =	vmul.f32 v11, v42  }
0xfd: {  	v29 =	vmul.f32 v5, v45;
	[tilespmem:$0x1F970] =	vst v7;
	v7 =	vadd.f32 v26, v0;
	v0 =	vld [tilespmem:$0x1F9B0]  }
0xfe: {  	v3 =	vadd.f32 v3, v4;
	v4 =	vadd.f32 v25, v1;
	v25 =	vmul.f32 v53, v45;
	v45 =	vld [tilespmem:$0x1F9A0];
	_ =	sdelay $0x3  }
0xff: {  	v12 =	vmul.f32 v10, v31  }
0x100: {  	v31 =	vadd.s32 $0x7FFF, v0;
	v0 =	vmul.f32 v11, v56;
	v30 =	vmul.f32 v2, v45  }
0x101: {  	v12 =	vadd.f32 v12, v41;
	v41 =	vmul.f32 v52, v45;
	v45 =	vmul.f32 v57, v56;
	v56 =	vld [tilespmem:$0x1F9C0];
	_ =	sdelay $0x3  }
0x102: {  	v42 =	vld [tilespmem:$0x1F990]  }
0x103: {  	v0 =	vadd.f32 v0, v12;
	v1 =	vmul.f32 v2, v56  }
0x104: {  	v31 =	vand.u32 $0xFFFF0000, v31;
	v7 =	vadd.f32 v45, v7  }
0x105: {  	v12 =	vmul.f32 v52, v56;
	v0 =	vadd.f32 v1, v0;
	v1 =	vbroadcast v31, $0x7;
	_ =	sdelay $0x1  }
0x106: {  	v26 =	vmul.f32 v5, v42;
	[tilespmem:$0x1FA30] =	vst v1;
	v1 =	vadd.f32 v12, v7;
	v7 =	vbroadcast v31, $0x6  }
0x107: {  	v8 =	vmul.f32 v53, v42;
	v42 =	vbroadcast v31, $0xE  }
0x108: {  	[tilespmem:$0x1FA40] =	vst v7;
	v7 =	vbroadcast v31, $0x5  }
0x109: {  	[tilespmem:$0x1F9D0] =	vst v42;
	v42 =	vbroadcast v31, $0xD  }
0x10a: {  	[tilespmem:$0x1FA50] =	vst v7;
	v7 =	vbroadcast v31, $0x4  }
0x10b: {  	v3 =	vadd.f32 v30, v3;
	v30 =	vbroadcast v31, $0xC;
	[tilespmem:$0x1F9E0] =	vst v42  }
0x10c: {  	[tilespmem:$0x1FA60] =	vst v7;
	v7 =	vbroadcast v31, $0x3  }
0x10d: {  	v4 =	vadd.f32 v41, v4;
	[tilespmem:$0x1F9F0] =	vst v30;
	v30 =	vbroadcast v31, $0xB  }
0x10e: {  	[tilespmem:$0x1FA70] =	vst v7;
	v7 =	vbroadcast v31, $0x2  }
0x10f: {  	v4 =	vadd.f32 v8, v4;
	v8 =	vld [tilespmem:$0x1FAB0];
	[tilespmem:$0x1FA00] =	vst v30;
	v30 =	vbroadcast v31, $0xA  }
0x110: {  	v1 =	vadd.f32 v25, v1;
	v25 =	vld [tilespmem:$0x1FAC0];
	[tilespmem:$0x1FA80] =	vst v7;
	v7 =	vbroadcast v31, $0x1  }
0x111: {  	v3 =	vadd.f32 v26, v3;
	v26 =	vld [tilespmem:$0x1FAD0];
	[tilespmem:$0x1FA10] =	vst v30;
	v30 =	vbroadcast v31, $0x9  }
0x112: {  	v0 =	vadd.f32 v29, v0;
	v29 =	vld [tilespmem:$0x1FAE0];
	[tilespmem:$0x1FA90] =	vst v7;
	v7 =	vbroadcast v31, $0x0  }
0x113: {  	v42 =	vbroadcast v31, $0x8;
	[tilespmem:$0x1FA20] =	vst v30;
	v30 =	vld [tilespmem:$0x1FAF0]  }
0x114: {  	v56 =	vbroadcast v31, $0xF;
	v31 =	vld [tilespmem:$0x1FB00];
	[tilespmem:$0x1FAA0] =	vst v7;
	v7 =	vmul.f32 v59, v8  }
0x115: {  	v12 =	vmul.f32 v21, v25;
	v8 =	vmul.f32 v50, v8  }
0x116: {  	v3 =	vadd.f32 v7, v3;
	v7 =	vmul.f32 v24, v25;
	v25 =	vmul.f32 v59, v26  }
0x117: {  	v4 =	vadd.f32 v8, v4;
	v8 =	vmul.f32 v50, v26;
	v26 =	vmul.f32 v21, v29  }
0x118: {  	v0 =	vadd.f32 v25, v0;
	v25 =	vmul.f32 v24, v29;
	v29 =	vmul.f32 v54, v30  }
0x119: {  	v1 =	vadd.f32 v8, v1;
	v8 =	vmul.f32 v46, v30;
	v30 =	vmul.f32 v21, v31;
	_ =	sdelay $0x1  }
0x11a: {  	[tilespmem:$0x1FB10] =	vst v30;
	v30 =	vld [tilespmem:$0x1FB30];
	_ =	sdelay $0x2  }
0x11b: {  	v3 =	vadd.f32 v29, v3;
	v29 =	vmul.f32 v24, v31;
	_ =	sdelay $0x1  }
0x11c: {  	[tilespmem:$0x1FB20] =	vst v29;
	v29 =	vmul.f32 v54, v30  }
0x11d: {  	v4 =	vadd.f32 v8, v4;
	v8 =	vmul.f32 v46, v30  }
0x11e: {  	[tilespmem:$0x1FB70] =	vst v21;
	v30 =	vmul.f32 v21, v22;
	v21 =	vmul.f32 v21, v14;
	v0 =	vadd.f32 v29, v0;
	v29 =	vld [tilespmem:$0x1FB60];
	_ =	sdelay $0x1  }
0x11f: {  	[tilespmem:$0x1FB80] =	vst v21;
	v21 =	vld [tilespmem:$0x1FBB0];
	_ =	sdelay $0x2  }
0x120: {  	v14 =	vmul.f32 v24, v14;
	v1 =	vadd.f32 v8, v1;
	v8 =	vmul.f32 v43, v29  }
0x121: {  	v22 =	vmul.f32 v24, v22  }
0x122: {  	[tilespmem:$0x1FBA0] =	vst v14;
	v14 =	vmul.f32 v49, v21;
	v4 =	vadd.f32 v8, v4;
	v8 =	vmul.f32 v43, v21;
	v21 =	vld [tilespmem:$0x1FBC0];
	_ =	sdelay $0x1  }
0x123: {  	[tilespmem:$0x1FB50] =	vst v22;
	v22 =	vmul.f32 v49, v29;
	_ =	sdelay $0x1  }
0x124: {  	v45 =	vld [tilespmem:$0x1FBE0];
	v3 =	vadd.f32 v22, v3  }
0x125: {  	v0 =	vadd.f32 v14, v0;
	v22 =	vmul.f32 v44, v21;
	v14 =	vmul.f32 v33, v21;
	v21 =	vld [tilespmem:$0x1FBD0];
	_ =	sdelay $0x4  }
0x126: {  	v1 =	vadd.f32 v8, v1;
	v29 =	vmul.f32 v47, v21;
	v8 =	vmul.f32 v45, v21;
	v21 =	vld [tilespmem:$0x1FBF0];
	_ =	sdelay $0x4  }
0x127: {  	[tilespmem:$0x1FB40] =	vst v30;
	v3 =	vadd.f32 v29, v3;
	v30 =	vmul.f32 v44, v21;
	v29 =	vmul.f32 v33, v21;
	v21 =	vld [tilespmem:$0x1FC00]  }
0x128: {  	[tilespmem:$0x1FB90] =	vst v24;
	v24 =	vld [tilespmem:$0x1FC10];
	_ =	sdelay $0x3  }
0x129: {  	v31 =	vmul.f32 v47, v21  }
0x12a: {  	v4 =	vadd.f32 v8, v4;
	v8 =	vmul.f32 v45, v21;
	v21 =	vmul.f32 v44, v24;
	_ =	sdelay $0x1  }
0x12b: {  	[tilespmem:$0x1FC20] =	vst v21;
	v21 =	vmul.f32 v33, v24;
	_ =	sdelay $0x1  }
0x12c: {  	[tilespmem:$0x1FC30] =	vst v21;
	v21 =	vld [tilespmem:$0x1FC40]  }
0x12d: {  	v41 =	vld [tilespmem:$0x1FC50];
	_ =	sdelay $0x3  }
0x12e: {  	v0 =	vadd.f32 v31, v0;
	v31 =	vmul.f32 v40, v21  }
0x12f: {  	v1 =	vadd.f32 v8, v1;
	v8 =	vmul.f32 v41, v21;
	v21 =	vmul.f32 v44, v32;
	_ =	sdelay $0x1  }
0x130: {  	[tilespmem:$0x1FC60] =	vst v21;
	v21 =	vmul.f32 v33, v32;
	_ =	sdelay $0x1  }
0x131: {  	[tilespmem:$0x1FC70] =	vst v21;
	v21 =	vld [tilespmem:$0x1FC80];
	_ =	sdelay $0x4  }
0x132: {  	v24 =	vmul.f32 v40, v21  }
0x133: {  	v4 =	vadd.f32 v8, v4;
	v8 =	vmul.f32 v41, v21;
	v21 =	vmul.f32 v44, v15;
	_ =	sdelay $0x1  }
0x134: {  	[tilespmem:$0x1FC90] =	vst v21;
	v21 =	vld [tilespmem:$0x1FCC0];
	_ =	sdelay $0x4  }
0x135: {  	v1 =	vadd.f32 v8, v1;
	v8 =	vmul.f32 v41, v21  }
0x136: {  	v15 =	vmul.f32 v33, v15  }
0x137: {  	[tilespmem:$0x1FCE0] =	vst v8;
	v8 =	vmul.f32 v40, v35  }
0x138: {  	[tilespmem:$0x1FCB0] =	vst v15;
	v15 =	vmul.f32 v40, v21  }
0x139: {  	[tilespmem:$0x1FCF0] =	vst v8;
	v8 =	vmul.f32 v41, v35  }
0x13a: {  	[tilespmem:$0x1FCD0] =	vst v15;
	v15 =	vld [tilespmem:$0x1FD50]  }
0x13b: {  	[tilespmem:$0x1FD00] =	vst v8;
	v8 =	vmul.f32 v40, v20;
	_ =	sdelay $0x1  }
0x13c: {  	[tilespmem:$0x1FD20] =	vst v8;
	v8 =	vmul.f32 v41, v20;
	_ =	sdelay $0x1  }
0x13d: {  	[tilespmem:$0x1FD40] =	vst v8;
	v8 =	vmul.f32 v47, v15;
	_ =	sdelay $0x1  }
0x13e: {  	[tilespmem:$0x1FD60] =	vst v8;
	v8 =	vmul.f32 v47, v51;
	_ =	sdelay $0x1  }
0x13f: {  	[tilespmem:$0x1FD70] =	vst v8;
	v8 =	vmul.f32 v45, v51;
	_ =	sdelay $0x1  }
0x140: {  	[tilespmem:$0x1FD80] =	vst v8;
	v8 =	vmul.f32 v47, v27;
	_ =	sdelay $0x1  }
0x141: {  	[tilespmem:$0x1FD90] =	vst v8;
	v8 =	vld [tilespmem:$0x1FDA0]  }
0x142: {  	v3 =	vadd.f32 v31, v3;
	_ =	sdelay $0x1  }
0x143: {  	v3 =	vadd.f32 v22, v3;
	_ =	sdelay $0x1  }
0x144: {  	v41 =	vadd.f32 v12, v3;
	v3 =	vmul.f32 v49, v8;
	_ =	sdelay $0x1  }
0x145: {  	[tilespmem:$0x1FDB0] =	vst v3;
	v3 =	vmul.f32 v43, v8;
	_ =	sdelay $0x1  }
0x146: {  	[tilespmem:$0x1FDC0] =	vst v3;
	v3 =	vmul.f32 v49, v55;
	_ =	sdelay $0x1  }
0x147: {  	[tilespmem:$0x1FDD0] =	vst v3;
	v3 =	vld [tilespmem:$0x1FDE0]  }
0x148: {  	v0 =	vadd.f32 v24, v0  }
0x149: {  	v1 =	vadd.f32 v29, v1  }
0x14a: {  	v4 =	vadd.f32 v14, v4;
	v0 =	vadd.f32 v30, v0  }
0x14b: {  	[tilespmem:$0x1FD10] =	vst v40;
	v35 =	vadd.f32 v25, v1;
	v30 =	vmul.f32 v45, v15;
	v51 =	vmul.f32 v45, v27  }
0x14c: {  	v40 =	vmovc v45;
	v45 =	vadd.f32 v26, v0;
	v0 =	vmul.f32 v19, v3;
	v1 =	vmul.f32 v13, v3  }
0x14d: {  	[tilespmem:$0x1FCA0] =	vst v33;
	v33 =	vadd.f32 v7, v4;
	v7 =	vimm.f32 $0.0e+00  }
0x14e: {  	v0 =	vadd.f32 v0, v7;
	v1 =	vadd.f32 v1, v7;
	v7 =	vld [tilespmem:$0x1FE10]  }
0x14f: {  	v12 =	vld [tilespmem:$0x1FE20]  }
0x150: {  	v4 =	vld [tilespmem:$0x1FE00];
	_ =	sdelay $0x1  }
0x151: {  	v26 =	vmul.f32 v43, v55;
	v55 =	vmul.f32 v43, v23  }
0x152: {  	v3 =	vmul.f32 v49, v23;
	v21 =	vmul.f32 v54, v7  }
0x153: {  	v23 =	vmul.f32 v46, v7;
	v7 =	vmul.f32 v54, v12  }
0x154: {  	[tilespmem:$0x1FDF0] =	vst v3;
	v3 =	vmul.f32 v17, v4;
	v4 =	vmul.f32 v9, v4  }
0x155: {  	[tilespmem:$0x1FE30] =	vst v7;
	v7 =	vmul.f32 v46, v12;
	v12 =	vmul.f32 v54, v18  }
0x156: {  	v0 =	vadd.f32 v3, v0;
	v3 =	vmul.f32 v19, v28  }
0x157: {  	v8 =	vimm.f32 $0.0e+00;
	v1 =	vadd.f32 v4, v1;
	v4 =	vmul.f32 v13, v28;
	[tilespmem:$0x1FE50] =	vst v12;
	v12 =	vld [tilespmem:$0x1FE70]  }
0x158: {  	v3 =	vadd.f32 v3, v8;
	[tilespmem:$0x1FE40] =	vst v7;
	v7 =	vmul.f32 v17, v38  }
0x159: {  	v4 =	vadd.f32 v4, v8  }
0x15a: {  	v8 =	vmul.f32 v9, v38;
	v3 =	vadd.f32 v7, v3;
	v7 =	vmul.f32 v46, v18;
	_ =	sdelay $0x1  }
0x15b: {  	v4 =	vadd.f32 v8, v4;
	[tilespmem:$0x1FE60] =	vst v7;
	v7 =	vmul.f32 v16, v12;
	v8 =	vmul.f32 v6, v12;
	v12 =	vld [tilespmem:$0x1FE80];
	_ =	sdelay $0x4  }
0x15c: {  	v0 =	vadd.f32 v7, v0;
	v18 =	vmul.f32 v59, v12;
	v7 =	vmul.f32 v50, v12;
	v12 =	vld [tilespmem:$0x1FEA0]  }
0x15d: {  	v15 =	vld [tilespmem:$0x1FEB0];
	_ =	sdelay $0x3  }
0x15e: {  	[tilespmem:$0x1FE90] =	vst v7;
	v7 =	vmul.f32 v16, v12  }
0x15f: {  	v1 =	vadd.f32 v8, v1;
	v8 =	vmul.f32 v6, v12;
	v12 =	vmul.f32 v59, v15;
	_ =	sdelay $0x1  }
0x160: {  	[tilespmem:$0x1FEC0] =	vst v12;
	v12 =	vld [tilespmem:$0x1FEE0];
	_ =	sdelay $0x4  }
0x161: {  	v4 =	vadd.f32 v8, v4;
	v8 =	vmul.f32 v63, v12;
	_ =	sdelay $0x1  }
0x162: {  	v3 =	vadd.f32 v7, v3;
	v7 =	vmul.f32 v50, v15;
	v8 =	vadd.f32 v8, v1;
	v1 =	vld [tilespmem:$0x1FF20];
	_ =	sdelay $0x1  }
0x163: {  	[tilespmem:$0x1FED0] =	vst v7;
	v7 =	vmul.f32 v36, v12;
	v12 =	vmul.f32 v59, v39;
	_ =	sdelay $0x1  }
0x164: {  	[tilespmem:$0x1FEF0] =	vst v12;
	v0 =	vadd.f32 v7, v0;
	v7 =	vmul.f32 v50, v39;
	v12 =	vld [tilespmem:$0x1FF10]  }
0x165: {  	v39 =	vmul.f32 v5, v1;
	v1 =	vmul.f32 v53, v1;
	_ =	sdelay $0x1  }
0x166: {  	[tilespmem:$0x1FF30] =	vst v1;
	v1 =	vld [tilespmem:$0x1FF40];
	_ =	sdelay $0x1  }
0x167: {  	[tilespmem:$0x1FF00] =	vst v7;
	v7 =	vmul.f32 v36, v12  }
0x168: {  	v12 =	vmul.f32 v63, v12  }
0x169: {  	v3 =	vadd.f32 v7, v3  }
0x16a: {  	v4 =	vadd.f32 v12, v4;
	v7 =	vmul.f32 v37, v1;
	v12 =	vmul.f32 v62, v1;
	v1 =	vld [tilespmem:$0x1FF50];
	_ =	sdelay $0x4  }
0x16b: {  	v24 =	vmul.f32 v5, v1;
	v22 =	vmul.f32 v53, v1;
	v1 =	vld [tilespmem:$0x1FF60];
	_ =	sdelay $0x1  }
0x16c: {  	v15 =	vld [tilespmem:$0x1FF70];
	_ =	sdelay $0x2  }
0x16d: {  	v7 =	vadd.f32 v7, v0;
	v0 =	vmul.f32 v37, v1;
	_ =	sdelay $0x1  }
0x16e: {  	v25 =	vadd.f32 v12, v8;
	v8 =	vadd.f32 v0, v3;
	v0 =	vmul.f32 v53, v15;
	_ =	sdelay $0x1  }
0x16f: {  	v12 =	vmul.f32 v62, v1;
	v1 =	vmul.f32 v5, v15;
	[tilespmem:$0x1FF90] =	vst v0;
	v0 =	vld [tilespmem:$0x1FFA0];
	_ =	sdelay $0x1  }
0x170: {  	[tilespmem:$0x1FF80] =	vst v1;
	v1 =	vld [tilespmem:$0x1FFB0];
	_ =	sdelay $0x2  }
0x171: {  	v3 =	vmul.f32 v10, v0  }
0x172: {  	v27 =	vmul.f32 v58, v0  }
0x173: {  	v0 =	vmul.f32 v2, v1;
	v15 =	vadd.f32 v3, v7;
	v3 =	vmul.f32 v52, v1;
	v1 =	vld [tilespmem:$0x1FFC0];
	_ =	sdelay $0x3  }
0x174: {  	v14 =	vld [tilespmem:$0x1FD30]  }
0x175: {  	v12 =	vadd.f32 v12, v4;
	v4 =	vmul.f32 v11, v1;
	v7 =	vmul.f32 v57, v1;
	v1 =	vld [tilespmem:$0x1FFD0];
	_ =	sdelay $0x2  }
0x176: {  	v32 =	vimm.f32 $0.0e+00;
	v31 =	vimm.f32 $0.0e+00  }
0x177: {  	v20 =	vimm.f32 $0.0e+00;
	v25 =	vadd.f32 v27, v25;
	v27 =	vmul.f32 v11, v14  }
0x178: {  	s22 =	simm.s32 $0x1F;
	v38 =	vimm.f32 $0.0e+00;
	v28 =	vmul.f32 v10, v1;
	v29 =	vmul.f32 v58, v1  }
.LBB2_3:
0x179: {  	v1 =	vld [tilespmem:$0x1F8F0];
	_ =	sdelay $0x3  }
0x17a: {  	v8 =	vadd.f32 v28, v8;
	v4 =	vadd.f32 v4, v15  }
0x17b: {  	v7 =	vadd.f32 v7, v25;
	v15 =	vmul.f32 v2, v1;
	v25 =	vmul.f32 v52, v1;
	v1 =	vld [tilespmem:$0x1F910]  }
0x17c: {  	v12 =	vadd.f32 v29, v12;
	v28 =	vmul.f32 v57, v14  }
0x17d: {  	v8 =	vadd.f32 v27, v8  }
0x17e: {  	v12 =	vadd.f32 v28, v12;
	v0 =	vadd.f32 v0, v4  }
0x17f: {  	v14 =	vld [tilespmem:$0x1F920];
	v3 =	vadd.f32 v3, v7;
	v7 =	vadd.f32 v15, v8  }
0x180: {  	v8 =	vadd.f32 v25, v12;
	v4 =	vmul.f32 v2, v1;
	v12 =	vmul.f32 v52, v1;
	v1 =	vld [tilespmem:$0x1FF30];
	_ =	sdelay $0x4  }
0x181: {  	v15 =	vmul.f32 v11, v14;
	v1 =	vadd.f32 v1, v3;
	v3 =	vmul.f32 v57, v14;
	v14 =	vld [tilespmem:$0x1F930];
	_ =	sdelay $0x3  }
0x182: {  	v7 =	vadd.f32 v24, v7  }
0x183: {  	v8 =	vadd.f32 v22, v8;
	v22 =	vmul.f32 v10, v14;
	v24 =	vmul.f32 v58, v14;
	v14 =	vld [tilespmem:$0x1FEC0]  }
0x184: {  	v0 =	vadd.f32 v39, v0  }
0x185: {  	v25 =	vld [tilespmem:$0x1FDB0]  }
0x186: {  	v0 =	vadd.f32 v18, v0  }
0x187: {  	v27 =	vld [tilespmem:$0x1FD60]  }
0x188: {  	v0 =	vadd.f32 v21, v0;
	v7 =	vadd.f32 v14, v7;
	v14 =	vld [tilespmem:$0x1FED0]  }
0x189: {  	v29 =	vld [tilespmem:$0x1FCD0]  }
0x18a: {  	[tilespmem:$0x1F110] =	vst v48;
	v48 =	vld [tilespmem:$0x1FC20];
	v0 =	vadd.f32 v25, v0  }
0x18b: {  	v18 =	vld [tilespmem:$0x1FE90]  }
0x18c: {  	v0 =	vadd.f32 v27, v0  }
0x18d: {  	v8 =	vadd.f32 v14, v8;
	v14 =	vld [tilespmem:$0x1F940]  }
0x18e: {  	v0 =	vadd.f32 v29, v0  }
0x18f: {  	v25 =	vld [tilespmem:$0x1FDC0]  }
0x190: {  	v1 =	vadd.f32 v18, v1;
	v0 =	vadd.f32 v48, v0;
	v48 =	vld [tilespmem:$0x1FB10];
	_ =	sdelay $0x1  }
0x191: {  	v1 =	vadd.f32 v23, v1;
	v18 =	vmul.f32 v37, v14;
	v21 =	vmul.f32 v62, v14;
	v14 =	vld [tilespmem:$0x1FE30]  }
0x192: {  	v29 =	vld [tilespmem:$0x1FCE0]  }
0x193: {  	v1 =	vadd.f32 v25, v1;
	v25 =	vld [tilespmem:$0x1FDD0]  }
0x194: {  	[tilespmem:$0x1F0E0] =	vst v60;
	v60 =	vld [tilespmem:$0x1FC30];
	v0 =	vadd.f32 v48, v0  }
0x195: {  	v27 =	vld [tilespmem:$0x1FD70];
	v1 =	vadd.f32 v30, v1  }
0x196: {  	[tilespmem:$0x1F6C0] =	vst v0;
	v0 =	vld [tilespmem:$0x1FB20];
	v7 =	vadd.f32 v14, v7  }
0x197: {  	v1 =	vadd.f32 v29, v1;
	v29 =	vld [tilespmem:$0x1FCF0]  }
0x198: {  	v14 =	vld [tilespmem:$0x1FE40];
	v7 =	vadd.f32 v25, v7  }
0x199: {  	v39 =	vld [tilespmem:$0x1FC60];
	v1 =	vadd.f32 v60, v1  }
0x19a: {  	v7 =	vadd.f32 v27, v7  }
0x19b: {  	v0 =	vadd.f32 v0, v1;
	v1 =	vld [tilespmem:$0x1FB40]  }
0x19c: {  	v27 =	vld [tilespmem:$0x1FD80];
	v7 =	vadd.f32 v29, v7  }
0x19d: {  	v8 =	vadd.f32 v14, v8  }
0x19e: {  	v29 =	vld [tilespmem:$0x1FD00];
	v7 =	vadd.f32 v39, v7  }
0x19f: {  	v30 =	vld [tilespmem:$0x1F980];
	v8 =	vadd.f32 v26, v8  }
0x1a0: {  	[tilespmem:$0x1F390] =	vst v41;
	v41 =	vld [tilespmem:$0x1FC70];
	v1 =	vadd.f32 v1, v7  }
0x1a1: {  	v8 =	vadd.f32 v27, v8  }
0x1a2: {  	[tilespmem:$0x1F6F0] =	vst v1;
	v1 =	vld [tilespmem:$0x1FB50]  }
0x1a3: {  	[tilespmem:$0x1F3C0] =	vst v45;
	v45 =	vld [tilespmem:$0x1FAA0];
	v8 =	vadd.f32 v29, v8  }
0x1a4: {  	v28 =	vld [tilespmem:$0x1F970];
	v29 =	vmul.f32 v19, v30;
	v30 =	vmul.f32 v13, v30  }
0x1a5: {  	v26 =	vld [tilespmem:$0x1F960];
	v8 =	vadd.f32 v41, v8  }
0x1a6: {  	v7 =	vadd.f32 v30, v20;
	v20 =	vld [tilespmem:$0x1FA90]  }
0x1a7: {  	v1 =	vadd.f32 v1, v8  }
0x1a8: {  	v23 =	vld [tilespmem:$0x1F950]  }
0x1a9: {  	v27 =	vmul.f32 v17, v28;
	v19 =	vmul.f32 v19, v45;
	[tilespmem:$0x1F710] =	vst v1;
	v1 =	vadd.f32 v29, v32  }
0x1aa: {  	[tilespmem:$0x1F6D0] =	vst v0;
	v0 =	vmul.f32 v13, v45;
	v25 =	vmul.f32 v16, v26  }
0x1ab: {  	v13 =	vadd.f32 v19, v38;
	v8 =	vmul.f32 v17, v20;
	v17 =	vld [tilespmem:$0x1FA80];
	v1 =	vadd.f32 v27, v1;
	_ =	sdelay $0x1  }
0x1ac: {  	v14 =	vmul.f32 v36, v23;
	v8 =	vadd.f32 v8, v13;
	v13 =	vld [tilespmem:$0x1FA70];
	v1 =	vadd.f32 v25, v1  }
0x1ad: {  	v0 =	vadd.f32 v0, v31;
	v28 =	vmul.f32 v9, v28;
	v9 =	vmul.f32 v9, v20  }
0x1ae: {  	v1 =	vadd.f32 v14, v1;
	v14 =	vld [tilespmem:$0x1FA60]  }
0x1af: {  	v26 =	vmul.f32 v6, v26;
	v0 =	vadd.f32 v9, v0;
	v6 =	vmul.f32 v6, v17;
	_ =	sdelay $0x1  }
0x1b0: {  	v0 =	vadd.f32 v6, v0;
	v6 =	vmul.f32 v63, v13  }
0x1b1: {  	v16 =	vmul.f32 v16, v17;
	v9 =	vmul.f32 v36, v13  }
0x1b2: {  	v0 =	vadd.f32 v6, v0;
	v13 =	vmul.f32 v37, v14;
	v6 =	vmul.f32 v62, v14;
	v14 =	vld [tilespmem:$0x1FA50]  }
0x1b3: {  	v8 =	vadd.f32 v16, v8;
	_ =	sdelay $0x1  }
0x1b4: {  	v8 =	vadd.f32 v9, v8;
	_ =	sdelay $0x1  }
0x1b5: {  	v8 =	vadd.f32 v13, v8;
	v13 =	vld [tilespmem:$0x1FA40];
	v9 =	vmul.f32 v10, v14;
	_ =	sdelay $0x1  }
0x1b6: {  	v8 =	vadd.f32 v9, v8;
	v9 =	vld [tilespmem:$0x1FA30]  }
0x1b7: {  	v7 =	vadd.f32 v28, v7;
	v0 =	vadd.f32 v6, v0;
	v6 =	vmul.f32 v58, v14  }
0x1b8: {  	v23 =	vmul.f32 v63, v23  }
0x1b9: {  	v7 =	vadd.f32 v26, v7;
	v0 =	vadd.f32 v6, v0;
	v6 =	vmul.f32 v57, v13  }
0x1ba: {  	v1 =	vadd.f32 v18, v1  }
0x1bb: {  	v7 =	vadd.f32 v23, v7;
	v0 =	vadd.f32 v6, v0;
	v6 =	vmul.f32 v52, v9  }
0x1bc: {  	v1 =	vadd.f32 v22, v1  }
0x1bd: {  	v7 =	vadd.f32 v21, v7;
	v0 =	vadd.f32 v6, v0;
	v6 =	vld [tilespmem:$0x1FF80]  }
0x1be: {  	v1 =	vadd.f32 v15, v1  }
0x1bf: {  	v7 =	vadd.f32 v24, v7;
	v10 =	vmul.f32 v11, v13  }
0x1c0: {  	[tilespmem:$0x1F0F0] =	vst v34;
	v1 =	vadd.f32 v4, v1  }
0x1c1: {  	[tilespmem:$0x1F3D0] =	vst v35;
	v3 =	vadd.f32 v3, v7;
	v7 =	vadd.f32 v10, v8;
	v2 =	vmul.f32 v2, v9  }
0x1c2: {  	[tilespmem:$0x1F3A0] =	vst v33;
	v4 =	vmul.f32 v5, v42;
	v5 =	vmul.f32 v53, v42;
	v1 =	vadd.f32 v6, v1;
	v6 =	vld [tilespmem:$0x1FF90]  }
0x1c3: {  	v2 =	vadd.f32 v2, v7;
	v7 =	vld [tilespmem:$0x1FA20]  }
0x1c4: {  	v0 =	vadd.f32 v5, v0;
	v5 =	vld [tilespmem:$0x1FEF0];
	_ =	sdelay $0x2  }
0x1c5: {  	v3 =	vadd.f32 v12, v3  }
0x1c6: {  	v2 =	vadd.f32 v4, v2  }
0x1c7: {  	v3 =	vadd.f32 v6, v3;
	v6 =	vmul.f32 v59, v7;
	v1 =	vadd.f32 v5, v1;
	v5 =	vld [tilespmem:$0x1FF00]  }
0x1c8: {  	v4 =	vmul.f32 v50, v7;
	v7 =	vld [tilespmem:$0x1FA10]  }
0x1c9: {  	v2 =	vadd.f32 v6, v2;
	v6 =	vld [tilespmem:$0x1FE50];
	_ =	sdelay $0x2  }
0x1ca: {  	v0 =	vadd.f32 v4, v0  }
0x1cb: {  	v3 =	vadd.f32 v5, v3;
	v5 =	vmul.f32 v54, v7;
	v4 =	vmul.f32 v46, v7;
	v7 =	vld [tilespmem:$0x1FA00]  }
0x1cc: {  	v1 =	vadd.f32 v6, v1;
	v6 =	vld [tilespmem:$0x1FE60];
	_ =	sdelay $0x3  }
0x1cd: {  	v0 =	vadd.f32 v4, v0  }
0x1ce: {  	v4 =	vmul.f32 v43, v7;
	v3 =	vadd.f32 v6, v3;
	v6 =	vmul.f32 v49, v7;
	v7 =	vld [tilespmem:$0x1F9F0]  }
0x1cf: {  	v2 =	vadd.f32 v5, v2;
	v5 =	vld [tilespmem:$0x1FDF0];
	_ =	sdelay $0x1  }
0x1d0: {  	v2 =	vadd.f32 v6, v2;
	v6 =	vld [tilespmem:$0x1FD90];
	_ =	sdelay $0x1  }
0x1d1: {  	v0 =	vadd.f32 v4, v0;
	v4 =	vmul.f32 v40, v7  }
0x1d2: {  	v1 =	vadd.f32 v5, v1;
	v5 =	vmul.f32 v47, v7;
	v7 =	vld [tilespmem:$0x1F9E0]  }
0x1d3: {  	v0 =	vadd.f32 v4, v0;
	v4 =	vld [tilespmem:$0x1FC50]  }
0x1d4: {  	v1 =	vadd.f32 v6, v1;
	v6 =	vld [tilespmem:$0x1FD10];
	_ =	sdelay $0x2  }
0x1d5: {  	v2 =	vadd.f32 v5, v2;
	v5 =	vld [tilespmem:$0x1FD20]  }
0x1d6: {  	v4 =	vmul.f32 v4, v7  }
0x1d7: {  	v6 =	vmul.f32 v6, v7;
	v7 =	vld [tilespmem:$0x1F9D0]  }
0x1d8: {  	v0 =	vadd.f32 v4, v0;
	v4 =	vld [tilespmem:$0x1FCA0]  }
0x1d9: {  	v2 =	vadd.f32 v6, v2;
	v6 =	vld [tilespmem:$0x1FC90]  }
0x1da: {  	v1 =	vadd.f32 v5, v1;
	v5 =	vld [tilespmem:$0x1FD40]  }
0x1db: {  	v3 =	vadd.f32 v55, v3;
	_ =	sdelay $0x1  }
0x1dc: {  	v3 =	vadd.f32 v51, v3  }
0x1dd: {  	s31 =	sadd.s32 $0xFFFFFFF7, s22;
	v4 =	vmul.f32 v4, v7;
	v1 =	vadd.f32 v6, v1;
	v6 =	vld [tilespmem:$0x1FCB0]  }
0x1de: {  	v12 =	vmov s31;
	s31 =	sadd.s32 $0xFFFFFFF1, s22;
	v3 =	vadd.f32 v5, v3;
	v5 =	vmul.f32 v44, v7;
	v7 =	vld [tilespmem:$0x1FB80]  }
0x1df: {  	s30 =	sadd.s32 $0xFFFFFFF9, s22;
	v16 =	vmov s31;
	v0 =	vadd.f32 v4, v0;
	v4 =	vld [tilespmem:$0x1FB90]  }
0x1e0: {  	v26 =	vand.u32 $0x76, v12;
	v12 =	vshll.u32 v12, $0x3;
	v8 =	vmov s30;
	s30 =	sadd.s32 $0xFFFFFFF4, s22  }
0x1e1: {  	v31 =	vand.u32 $0x70, v16;
	v16 =	vshll.u32 v16, $0x3;
	v15 =	vmov s30  }
0x1e2: {  	v22 =	vand.u32 $0x78, v8;
	v8 =	vshll.u32 v8, $0x3;
	v3 =	vadd.f32 v6, v3;
	v6 =	vld [tilespmem:$0x1FB70]  }
0x1e3: {  	s29 =	sadd.s32 $0xFFFFFFFA, s22;
	v29 =	vand.u32 $0x73, v15;
	v15 =	vshll.u32 v15, $0x3;
	v1 =	vadd.f32 v7, v1  }
0x1e4: {  	v8 =	vand.u32 $0x1C00, v8;
	v9 =	vmov s29;
	v4 =	vmul.f32 v4, v56  }
0x1e5: {  	s25 =	sadd.s32 $0xFFFFFFFB, s22;
	v8 =	vor.u32 v22, v8;
	v23 =	vand.u32 $0x79, v9;
	v9 =	vshll.u32 v9, $0x3;
	[tilespmem:$0x1F700] =	vst v1;
	v1 =	vld [tilespmem:$0x1FBA0]  }
0x1e6: {  	v2 =	vadd.f32 v5, v2;
	v0 =	vadd.f32 v4, v0;
	v4 =	vmov s25;
	s25 =	sadd.s32 $0xFFFFFFF5, s22  }
0x1e7: {  	s23 =	sadd.s32 $0xFFFFFFFE, s22;
	v5 =	vmov s22;
	v6 =	vmul.f32 v6, v56;
	v10 =	vmov s25  }
0x1e8: {  	v21 =	vand.u32 $0x7A, v4;
	v4 =	vshll.u32 v4, $0x3;
	[tilespmem:$0x1F750] =	vst v0;
	v0 =	vmov s23  }
0x1e9: {  	v27 =	vand.u32 $0x74, v10;
	v10 =	vshll.u32 v10, $0x3;
	v4 =	vand.u32 $0x1C00, v4  }
0x1ea: {  	s28 =	sadd.s32 $0xFFFFFFFD, s22;
	s23 =	sadd.s32 $0xFFFFFFF3, s22;
	v1 =	vadd.f32 v1, v3;
	v2 =	vadd.f32 v6, v2;
	v3 =	vshll.u32 v5, $0x3  }
0x1eb: {  	v6 =	vmov s28;
	v14 =	vmov s23;
	v10 =	vand.u32 $0x1C00, v10  }
0x1ec: {  	v4 =	vor.u32 v21, v4;
	v3 =	vand.u32 $0x1C00, v3;
	v20 =	vand.u32 $0x7C, v6  }
0x1ed: {  	s24 =	sadd.s32 $0xFFFFFFFF, s22;
	s26 =	sadd.s32 $0xFFFFFFFC, s22;
	v6 =	vshll.u32 v6, $0x3;
	v28 =	vand.u32 $0x72, v14;
	v14 =	vshll.u32 v14, $0x3;
	[tilespmem:$0x1F7B0] =	vst v1  }
0x1ee: {  	v1 =	vand.u32 $0x7F, v5;
	[tilespmem:$0x1F1D0] =	vst v2;
	v2 =	vmov s24;
	s24 =	sadd.s32 $0xFFFFFFF8, s22;
	v5 =	vmov s26;
	s26 =	sadd.s32 $0xFFFFFFF6, s22  }
0x1ef: {  	v14 =	vand.u32 $0x1C00, v14;
	v7 =	vmov s24;
	v11 =	vmov s26  }
0x1f0: {  	v17 =	vand.u32 $0x7E, v2;
	v2 =	vshll.u32 v2, $0x3;
	v19 =	vand.u32 $0x7B, v5  }
0x1f1: {  	v53 =	vld [tilespmem:$0x1FFF0];
	v5 =	vshll.u32 v5, $0x3;
	v1 =	vor.u32 v1, v3;
	v3 =	vand.u32 $0x1C00, v6  }
0x1f2: {  	s24 =	sadd.s32 $0xFFFFFFF2, s22;
	v6 =	vand.u32 $0x1C00, v9;
	v9 =	vand.u32 $0x1C00, v12;
	v12 =	vand.u32 $0x1C00, v15  }
0x1f3: {  	v15 =	vand.u32 $0x1C00, v16;
	v16 =	vadd.s32 v61, v8;
	v13 =	vmov s24  }
0x1f4: {  	v24 =	vand.u32 $0x77, v7;
	v7 =	vshll.u32 v7, $0x3;
	v25 =	vand.u32 $0x75, v11  }
0x1f5: {  	v11 =	vshll.u32 v11, $0x3;
	v2 =	vand.u32 $0x1C00, v2;
	v5 =	vand.u32 $0x1C00, v5  }
0x1f6: {  	v52 =	vadd.s32 v61, v1;
	v1 =	vadd.s32 v53, v1;
	v3 =	vor.u32 v20, v3  }
0x1f7: {  	v6 =	vor.u32 v23, v6;
	v9 =	vor.u32 v26, v9;
	v23 =	vor.u32 v28, v14  }
0x1f8: {  	v26 =	vor.u32 v31, v15;
	v31 =	vadd.s32 v53, v8;
	v30 =	vand.u32 $0x71, v13  }
0x1f9: {  	s23 =	sand.u32 $0x3F0, s31;
	v13 =	vshll.u32 v13, $0x3;
	v7 =	vand.u32 $0x1C00, v7;
	v11 =	vand.u32 $0x1C00, v11  }
0x1fa: {  	s21 =	sadd.s32 $0x10, s21;
	v58 =	vld [tilespmem:s23+$0xF00];
	v2 =	vor.u32 v17, v2;
	v5 =	vor.u32 v19, v5;
	v56 =	vadd.s32 v61, v3  }
0x1fb: {  	v57 =	vadd.s32 v53, v3;
	v7 =	vor.u32 v24, v7;
	v24 =	vor.u32 v29, v12;
	v29 =	vld [tilespmem:s21+$0x0]  }
0x1fc: {  	v17 =	vadd.s32 v61, v4;
	v19 =	vadd.s32 v53, v4;
	v40 =	vadd.s32 v61, v23  }
0x1fd: {  	v39 =	vadd.s32 v53, v23;
	v63 =	vadd.s32 v53, v26;
	v13 =	vand.u32 $0x1C00, v13  }
0x1fe: {  	v22 =	vor.u32 v25, v11;
	v25 =	vor.u32 v27, v10;
	v28 =	vadd.s32 v61, v2  }
0x1ff: {  	v20 =	vadd.s32 v61, v5;
	v21 =	vadd.s32 v53, v5;
	v12 =	vadd.s32 v61, v9  }
0x200: {  	v55 =	vld [tilespmem:s23+$0x300];
	v11 =	vadd.s32 v53, v9;
	v60 =	vshrl.u32 v58, $0x10;
	v23 =	vshrl.u32 v29, $0x10  }
0x201: {  	v3 =	vld [tilespmem:s23+$0x600];
	v27 =	vor.u32 v30, v13;
	v14 =	vadd.s32 v61, v7;
	v23 =	vand.u32 $0x1, v23  }
0x202: {  	v4 =	vld [tilespmem:s23+$0x900];
	v13 =	vadd.s32 v53, v7;
	v9 =	vadd.s32 v61, v25;
	v23 =	vadd.s32 v23, v29  }
0x203: {  	v5 =	vld [tilespmem:s23+$0xC00];
	v32 =	vadd.s32 v53, v25;
	v7 =	vadd.s32 v53, v27;
	v23 =	vadd.s32 $0x7FFF, v23  }
0x204: {  	v30 =	vadd.s32 v61, v24;
	[tilespmem:$0x1EC20] =	vst v7;
	v7 =	vadd.s32 v61, v26;
	v23 =	vand.u32 $0xFFFF0000, v23  }
0x205: {  	v38 =	vadd.s32 v53, v24;
	v24 =	vshrl.u32 v55, $0x10;
	[tilespmem:$0x1EC30] =	vst v7;
	v7 =	vbroadcast v23, $0xE  }
0x206: {  	v42 =	vadd.s32 v61, v27;
	v46 =	vld.idx.msk [tilespmem:v1+s11+$0x0], $0xffff;
	v1 =	vand.u32 $0x1, v24;
	v25 =	vshrl.u32 v3, $0x10  }
0x207: {  	v26 =	vshrl.u32 v4, $0x10;
	v1 =	vadd.s32 v1, v55;
	[tilespmem:$0x1ED40] =	vst v7;
	v7 =	vbroadcast v23, $0xF  }
0x208: {  	v27 =	vshrl.u32 v5, $0x10;
	v24 =	vand.u32 $0x1, v25;
	v25 =	vand.u32 $0x1, v26;
	v8 =	vld.idx.msk [tilespmem:v28+s11+$0x0], $0xffff  }
0x209: {  	v26 =	vand.u32 $0x1, v27;
	v27 =	vand.u32 $0x1, v60;
	v60 =	vld.idx.msk [tilespmem:v17+s11+$0x0], $0xffff;
	[tilespmem:$0x1ECD0] =	vst v7;
	v7 =	vbroadcast v23, $0xC  }
0x20a: {  	v1 =	vadd.s32 $0x7FFF, v1;
	v17 =	vld.idx.msk [tilespmem:v38+s11+$0x0], $0xffff  }
0x20b: {  	v48 =	vand.u32 $0xFFFF0000, v1;
	v38 =	vld.idx.msk [tilespmem:v42+s11+$0x0], $0xffff;
	[tilespmem:$0x1EE20] =	vst v7;
	v7 =	vbroadcast v23, $0xD  }
0x20c: {  	v42 =	vld.idx.msk [tilespmem:v63+s11+$0x0], $0xffff;
	v63 =	vbroadcast v48, $0x5  }
0x20d: {  	v3 =	vadd.s32 v24, v3;
	[tilespmem:$0x1EDB0] =	vst v7;
	v7 =	vbroadcast v23, $0xA  }
0x20e: {  	v3 =	vadd.s32 $0x7FFF, v3;
	[tilespmem:$0x1F160] =	vst v63  }
0x20f: {  	v3 =	vand.u32 $0xFFFF0000, v3;
	[tilespmem:$0x1EF00] =	vst v7;
	v7 =	vbroadcast v23, $0xB  }
0x210: {  	v63 =	vbroadcast v3, $0x5;
	[tilespmem:$0x1EC70] =	vst v8  }
0x211: {  	v18 =	vand.u32 $0x7D, v0;
	v4 =	vadd.s32 v25, v4;
	[tilespmem:$0x1EE90] =	vst v7;
	v7 =	vbroadcast v23, $0x8  }
0x212: {  	v0 =	vshll.u32 v0, $0x3;
	v4 =	vadd.s32 $0x7FFF, v4;
	v1 =	vbroadcast v23, $0x0;
	[tilespmem:$0x1F1C0] =	vst v63  }
0x213: {  	v0 =	vand.u32 $0x1C00, v0;
	v47 =	vld.idx.msk [tilespmem:v52+s11+$0x0], $0xffff;
	v4 =	vand.u32 $0xFFFF0000, v4;
	[tilespmem:$0x1EFE0] =	vst v7;
	v7 =	vbroadcast v23, $0x9  }
0x214: {  	v0 =	vor.u32 v18, v0;
	v63 =	vbroadcast v4, $0x5;
	[tilespmem:$0x1F0C0] =	vst v1  }
0x215: {  	v54 =	vadd.s32 v61, v0;
	[tilespmem:$0x1EF70] =	vst v7;
	v7 =	vbroadcast v23, $0x6  }
0x216: {  	v0 =	vadd.s32 v53, v0;
	v5 =	vadd.s32 v26, v5;
	v1 =	vbroadcast v23, $0x1;
	[tilespmem:$0x1F410] =	vst v63  }
0x217: {  	v5 =	vadd.s32 $0x7FFF, v5;
	[tilespmem:$0x1F060] =	vst v7;
	v7 =	vbroadcast v23, $0x7  }
0x218: {  	v15 =	vadd.s32 v61, v6;
	v26 =	vshrl.u32 v47, $0x10;
	v5 =	vand.u32 $0xFFFF0000, v5;
	[tilespmem:$0x1F0B0] =	vst v1  }
0x219: {  	v59 =	vld [tilespmem:s23+$0x1200];
	v18 =	vadd.s32 v53, v6;
	v63 =	vbroadcast v5, $0x5;
	[tilespmem:$0x1F050] =	vst v7;
	v7 =	vand.u32 $0x1, v26  }
0x21a: {  	v10 =	vadd.s32 v61, v22;
	v6 =	vadd.s32 v53, v22;
	v22 =	vld [tilespmem:s23+$0x1500];
	[tilespmem:$0x1EC40] =	vst v7;
	v7 =	vbroadcast v23, $0x4  }
0x21b: {  	[tilespmem:$0x1F490] =	vst v63;
	v26 =	vld.idx.msk [tilespmem:v0+s11+$0x0], $0xffff;
	v0 =	vbroadcast v48, $0xF  }
0x21c: {  	[tilespmem:$0x1F080] =	vst v7;
	v7 =	vbroadcast v23, $0x5  }
0x21d: {  	v24 =	vadd.s32 v27, v58;
	v27 =	vshrl.u32 v46, $0x10;
	[tilespmem:$0x1ECE0] =	vst v0  }
0x21e: {  	v2 =	vadd.s32 v53, v2;
	v0 =	vbroadcast v3, $0xF;
	[tilespmem:$0x1F070] =	vst v7;
	v7 =	vand.u32 $0x1, v27  }
0x21f: {  	v61 =	vshrl.u32 v22, $0x10;
	[tilespmem:$0x1EC50] =	vst v7;
	v7 =	vbroadcast v23, $0x2  }
0x220: {  	v29 =	vshrl.u32 v59, $0x10;
	v62 =	vand.u32 $0x1, v61;
	[tilespmem:$0x1ECF0] =	vst v0;
	v0 =	vbroadcast v4, $0xF;
	v27 =	vld.idx.msk [tilespmem:v56+s11+$0x0], $0xffff  }
0x221: {  	v29 =	vand.u32 $0x1, v29;
	v22 =	vadd.s32 v62, v22;
	[tilespmem:$0x1F0A0] =	vst v7;
	v7 =	vbroadcast v23, $0x3  }
0x222: {  	v24 =	vadd.s32 $0x7FFF, v24;
	v25 =	vadd.s32 v29, v59;
	[tilespmem:$0x1ED00] =	vst v0;
	v0 =	vbroadcast v5, $0xF  }
0x223: {  	v22 =	vadd.s32 $0x7FFF, v22;
	[tilespmem:$0x1F090] =	vst v7;
	v7 =	vshrl.u32 v8, $0x10;
	v8 =	vld.idx.msk [tilespmem:v2+s11+$0x0], $0xffff;
	v2 =	vand.u32 $0xFFFF0000, v24  }
0x224: {  	v25 =	vadd.s32 $0x7FFF, v25;
	[tilespmem:$0x1ED10] =	vst v0;
	v0 =	vand.u32 $0xFFFF0000, v22;
	v22 =	vld.idx.msk [tilespmem:v9+s11+$0x0], $0xffff;
	v9 =	vbroadcast v2, $0xB  }
0x225: {  	v1 =	vand.u32 $0xFFFF0000, v25;
	[tilespmem:$0x1EC90] =	vst v27  }
0x226: {  	v23 =	vld.idx.msk [tilespmem:v54+s11+$0x0], $0xffff;
	[tilespmem:$0x1EEE0] =	vst v9;
	v9 =	vbroadcast v1, $0xB  }
0x227: {  	v52 =	vshrl.u32 v27, $0x10;
	v27 =	vld.idx.msk [tilespmem:v10+s11+$0x0], $0xffff;
	v10 =	vbroadcast v48, $0xB;
	[tilespmem:$0x1EC60] =	vst v7  }
0x228: {  	[tilespmem:$0x1EEF0] =	vst v9;
	v9 =	vbroadcast v48, $0xA  }
0x229: {  	[tilespmem:$0x1EEA0] =	vst v10  }
0x22a: {  	[tilespmem:$0x1EF10] =	vst v9;
	v9 =	vbroadcast v0, $0xB  }
0x22b: {  	v7 =	vbroadcast v2, $0xF;
	[tilespmem:$0x1ECA0] =	vst v23  }
0x22c: {  	[tilespmem:$0x1FA00] =	vst v9;
	v9 =	vbroadcast v3, $0xA  }
0x22d: {  	v63 =	vbroadcast v2, $0x5;
	[tilespmem:$0x1ED20] =	vst v7  }
0x22e: {  	[tilespmem:$0x1EF20] =	vst v9;
	v9 =	vbroadcast v4, $0xA  }
0x22f: {  	v10 =	vbroadcast v3, $0xB;
	[tilespmem:$0x1F780] =	vst v63  }
0x230: {  	v24 =	vld.idx.msk [tilespmem:v57+s11+$0x0], $0xffff;
	[tilespmem:$0x1EF30] =	vst v9;
	v9 =	vbroadcast v5, $0xA  }
0x231: {  	[tilespmem:$0x1EEB0] =	vst v10  }
0x232: {  	[tilespmem:$0x1EF40] =	vst v9;
	v9 =	vbroadcast v2, $0xA  }
0x233: {  	[tilespmem:$0x1EC80] =	vst v8  }
0x234: {  	[tilespmem:$0x1EF50] =	vst v9;
	v9 =	vbroadcast v1, $0xA  }
0x235: {  	v7 =	vbroadcast v1, $0xF;
	[tilespmem:$0x1ECC0] =	vst v24  }
0x236: {  	[tilespmem:$0x1EF60] =	vst v9;
	v9 =	vbroadcast v0, $0xA  }
0x237: {  	v55 =	vshrl.u32 v23, $0x10;
	v23 =	vld.idx.msk [tilespmem:v6+s11+$0x0], $0xffff;
	v6 =	vbroadcast v4, $0xB;
	[tilespmem:$0x1ED30] =	vst v7  }
0x238: {  	[tilespmem:$0x1FA10] =	vst v9;
	v9 =	vbroadcast v48, $0x9  }
0x239: {  	v63 =	vbroadcast v1, $0x5;
	[tilespmem:$0x1EEC0] =	vst v6  }
0x23a: {  	[tilespmem:$0x1EF80] =	vst v9;
	v9 =	vbroadcast v3, $0x9  }
0x23b: {  	v7 =	vbroadcast v48, $0xE;
	[tilespmem:$0x1F930] =	vst v63  }
0x23c: {  	[tilespmem:$0x1EF90] =	vst v9;
	v9 =	vbroadcast v4, $0x9  }
0x23d: {  	v63 =	vbroadcast v48, $0x4;
	[tilespmem:$0x1ED50] =	vst v7  }
0x23e: {  	[tilespmem:$0x1EFA0] =	vst v9;
	v9 =	vbroadcast v5, $0x9  }
0x23f: {  	v7 =	vbroadcast v0, $0xF;
	[tilespmem:$0x1F150] =	vst v63  }
0x240: {  	v63 =	vbroadcast v0, $0x5;
	[tilespmem:$0x1EFB0] =	vst v9;
	v9 =	vld [tilespmem:$0x1EC20]  }
0x241: {  	[tilespmem:$0x1F1B0] =	vst v7;
	v7 =	vbroadcast v3, $0xE  }
0x242: {  	[tilespmem:$0x1FA50] =	vst v63;
	v63 =	vbroadcast v3, $0x4  }
0x243: {  	[tilespmem:$0x1ED60] =	vst v7;
	v7 =	vbroadcast v4, $0xE  }
0x244: {  	[tilespmem:$0x1F1E0] =	vst v63;
	v63 =	vbroadcast v4, $0x4  }
0x245: {  	v59 =	vld.idx.msk [tilespmem:v19+s11+$0x0], $0xffff;
	[tilespmem:$0x1ED70] =	vst v7;
	v7 =	vbroadcast v5, $0xE  }
0x246: {  	v19 =	vld.idx.msk [tilespmem:v32+s11+$0x0], $0xffff;
	[tilespmem:$0x1F400] =	vst v63;
	v63 =	vbroadcast v5, $0x4  }
0x247: {  	v32 =	vld.idx.msk [tilespmem:v39+s11+$0x0], $0xffff;
	[tilespmem:$0x1ED80] =	vst v7;
	v7 =	vbroadcast v2, $0xE  }
0x248: {  	[tilespmem:$0x1F4E0] =	vst v63;
	v39 =	vld.idx.msk [tilespmem:v9+s11+$0x0], $0xffff;
	v9 =	vbroadcast v2, $0x9  }
0x249: {  	v63 =	vbroadcast v2, $0x4;
	[tilespmem:$0x1ED90] =	vst v7  }
0x24a: {  	[tilespmem:$0x1EFC0] =	vst v9;
	v9 =	vbroadcast v1, $0x9  }
0x24b: {  	v7 =	vbroadcast v1, $0xE;
	[tilespmem:$0x1F770] =	vst v63  }
0x24c: {  	v63 =	vbroadcast v1, $0x4;
	[tilespmem:$0x1EFD0] =	vst v9;
	v9 =	vld [tilespmem:$0x1EC30]  }
0x24d: {  	[tilespmem:$0x1EDA0] =	vst v7;
	v7 =	vbroadcast v0, $0xE  }
0x24e: {  	[tilespmem:$0x1F940] =	vst v63;
	v63 =	vbroadcast v0, $0x4  }
0x24f: {  	[tilespmem:$0x1F9D0] =	vst v7;
	v7 =	vbroadcast v48, $0xD  }
0x250: {  	[tilespmem:$0x1FA60] =	vst v63;
	v63 =	vbroadcast v48, $0x3  }
0x251: {  	v54 =	vld.idx.msk [tilespmem:v16+s11+$0x0], $0xffff;
	[tilespmem:$0x1EDC0] =	vst v7;
	v7 =	vbroadcast v3, $0xD  }
0x252: {  	v16 =	vld.idx.msk [tilespmem:v30+s11+$0x0], $0xffff;
	[tilespmem:$0x1F130] =	vst v63;
	v63 =	vbroadcast v3, $0x3  }
0x253: {  	v30 =	vld.idx.msk [tilespmem:v40+s11+$0x0], $0xffff;
	[tilespmem:$0x1EDD0] =	vst v7;
	v7 =	vbroadcast v4, $0xD  }
0x254: {  	[tilespmem:$0x1F200] =	vst v63;
	v40 =	vld.idx.msk [tilespmem:v9+s11+$0x0], $0xffff;
	v9 =	vbroadcast v48, $0x8  }
0x255: {  	v63 =	vbroadcast v4, $0x3;
	[tilespmem:$0x1EDE0] =	vst v7  }
0x256: {  	[tilespmem:$0x1EFF0] =	vst v9;
	v9 =	vbroadcast v0, $0x9  }
0x257: {  	v7 =	vbroadcast v5, $0xD;
	[tilespmem:$0x1F3F0] =	vst v63  }
0x258: {  	[tilespmem:$0x1FA20] =	vst v9;
	v9 =	vbroadcast v3, $0x8  }
0x259: {  	v63 =	vbroadcast v5, $0x3;
	[tilespmem:$0x1EDF0] =	vst v7  }
0x25a: {  	[tilespmem:$0x1F000] =	vst v9;
	v9 =	vbroadcast v4, $0x8  }
0x25b: {  	v7 =	vbroadcast v2, $0xD;
	[tilespmem:$0x1F530] =	vst v63  }
0x25c: {  	[tilespmem:$0x1F010] =	vst v9;
	v9 =	vbroadcast v5, $0x8  }
0x25d: {  	v63 =	vbroadcast v2, $0x3;
	[tilespmem:$0x1EE00] =	vst v7  }
0x25e: {  	[tilespmem:$0x1F020] =	vst v9;
	v9 =	vbroadcast v2, $0x8  }
0x25f: {  	v7 =	vbroadcast v1, $0xD;
	[tilespmem:$0x1F760] =	vst v63  }
0x260: {  	[tilespmem:$0x1F030] =	vst v9;
	v9 =	vbroadcast v1, $0x8  }
0x261: {  	v63 =	vbroadcast v1, $0x3;
	[tilespmem:$0x1EE10] =	vst v7  }
0x262: {  	[tilespmem:$0x1F040] =	vst v9;
	v9 =	vbroadcast v0, $0x8  }
0x263: {  	v7 =	vbroadcast v48, $0xC;
	[tilespmem:$0x1F950] =	vst v63  }
0x264: {  	[tilespmem:$0x1F140] =	vst v9;
	v9 =	vbroadcast v48, $0x7  }
0x265: {  	v63 =	vbroadcast v48, $0x2;
	[tilespmem:$0x1EE30] =	vst v7  }
0x266: {  	[tilespmem:$0x1F180] =	vst v9;
	v9 =	vbroadcast v3, $0x7  }
0x267: {  	v7 =	vbroadcast v0, $0xD;
	[tilespmem:$0x1F120] =	vst v63  }
0x268: {  	[tilespmem:$0x1F190] =	vst v9;
	v9 =	vbroadcast v4, $0x7  }
0x269: {  	v63 =	vbroadcast v0, $0x3;
	[tilespmem:$0x1F9E0] =	vst v7  }
0x26a: {  	[tilespmem:$0x1F430] =	vst v9;
	v9 =	vbroadcast v5, $0x7  }
0x26b: {  	v7 =	vbroadcast v3, $0xC;
	[tilespmem:$0x1FA70] =	vst v63  }
0x26c: {  	[tilespmem:$0x1F440] =	vst v9;
	v9 =	vbroadcast v2, $0x7  }
0x26d: {  	v63 =	vbroadcast v3, $0x2;
	[tilespmem:$0x1EE40] =	vst v7  }
0x26e: {  	[tilespmem:$0x1F8F0] =	vst v9;
	v9 =	vbroadcast v1, $0x7  }
0x26f: {  	v7 =	vbroadcast v4, $0xC;
	[tilespmem:$0x1F250] =	vst v63  }
0x270: {  	[tilespmem:$0x1F910] =	vst v9;
	v9 =	vbroadcast v48, $0x6  }
0x271: {  	v63 =	vbroadcast v4, $0x2;
	[tilespmem:$0x1EE50] =	vst v7  }
0x272: {  	[tilespmem:$0x1F170] =	vst v9;
	v9 =	vbroadcast v0, $0x7  }
0x273: {  	[tilespmem:$0x1F3E0] =	vst v63;
	v63 =	vbroadcast v5, $0x2  }
0x274: {  	[tilespmem:$0x1FA30] =	vst v9;
	v9 =	vbroadcast v3, $0x6  }
0x275: {  	[tilespmem:$0x1F580] =	vst v63;
	v63 =	vbroadcast v2, $0x2  }
0x276: {  	[tilespmem:$0x1F1A0] =	vst v9;
	v9 =	vbroadcast v4, $0x6  }
0x277: {  	v7 =	vbroadcast v5, $0xC;
	[tilespmem:$0x1F730] =	vst v63  }
0x278: {  	v63 =	vbroadcast v1, $0x2;
	[tilespmem:$0x1F420] =	vst v9;
	v9 =	vld [tilespmem:$0x1EC40]  }
0x279: {  	[tilespmem:$0x1EE60] =	vst v7;
	v7 =	vbroadcast v2, $0xC  }
0x27a: {  	[tilespmem:$0x1F960] =	vst v63;
	v63 =	vbroadcast v0, $0x2  }
0x27b: {  	[tilespmem:$0x1EE70] =	vst v7;
	v7 =	vbroadcast v1, $0xC  }
0x27c: {  	[tilespmem:$0x1FA80] =	vst v63;
	v63 =	vbroadcast v48, $0x1  }
0x27d: {  	[tilespmem:$0x1EE80] =	vst v7;
	v47 =	vadd.s32 v9, v47;
	v9 =	vbroadcast v5, $0x6  }
0x27e: {  	[tilespmem:$0x1F100] =	vst v63;
	v63 =	vbroadcast v3, $0x1  }
0x27f: {  	[tilespmem:$0x1F450] =	vst v9;
	v9 =	vbroadcast v2, $0x6  }
0x280: {  	[tilespmem:$0x1F2A0] =	vst v63;
	v63 =	vbroadcast v4, $0x1  }
0x281: {  	v3 =	vbroadcast v3, $0x0;
	[tilespmem:$0x1FD30] =	vst v9;
	v9 =	vld [tilespmem:$0x1EC50]  }
0x282: {  	v50 =	vld.idx.msk [tilespmem:v14+s11+$0x0], $0xffff;
	[tilespmem:$0x1F3B0] =	vst v63;
	v63 =	vbroadcast v5, $0x1  }
0x283: {  	v61 =	vld.idx.msk [tilespmem:v21+s11+$0x0], $0xffff;
	[tilespmem:$0x1F2F0] =	vst v3;
	v3 =	vbroadcast v4, $0x0  }
0x284: {  	v58 =	vld.idx.msk [tilespmem:v18+s11+$0x0], $0xffff;
	v18 =	vshrl.u32 v17, $0x10;
	v21 =	vshrl.u32 v19, $0x10;
	[tilespmem:$0x1F5D0] =	vst v63;
	v63 =	vbroadcast v2, $0x1  }
0x285: {  	v62 =	vld.idx.msk [tilespmem:v20+s11+$0x0], $0xffff;
	v20 =	vshrl.u32 v16, $0x10;
	v14 =	vshrl.u32 v30, $0x10;
	[tilespmem:$0x1F340] =	vst v3;
	v3 =	vbroadcast v5, $0x0  }
0x286: {  	v10 =	vshrl.u32 v42, $0x10;
	[tilespmem:$0x1F6E0] =	vst v63;
	v46 =	vadd.s32 v9, v46;
	v9 =	vbroadcast v1, $0x6  }
0x287: {  	v56 =	vshrl.u32 v8, $0x10;
	v8 =	vshrl.u32 v24, $0x10;
	[tilespmem:$0x1F620] =	vst v3;
	v2 =	vbroadcast v2, $0x0  }
0x288: {  	v33 =	vld.idx.msk [tilespmem:v12+s11+$0x0], $0xffff;
	v6 =	vbroadcast v5, $0xB;
	v24 =	vshrl.u32 v22, $0x10;
	[tilespmem:$0x1F920] =	vst v9;
	v9 =	vbroadcast v0, $0x6  }
0x289: {  	v25 =	vshrl.u32 v23, $0x10;
	v63 =	vbroadcast v1, $0x1;
	v3 =	vld [tilespmem:$0x1EC70];
	[tilespmem:$0x1F670] =	vst v2;
	v1 =	vbroadcast v1, $0x0  }
0x28a: {  	v12 =	vshrl.u32 v39, $0x10;
	v7 =	vbroadcast v0, $0xC;
	v2 =	vand.u32 $0x1, v24;
	[tilespmem:$0x1FA40] =	vst v9;
	v9 =	vld [tilespmem:$0x1EC60]  }
0x28b: {  	[tilespmem:$0x1F980] =	vst v1;
	v1 =	vand.u32 $0x1, v21;
	v21 =	vand.u32 $0x1, v12;
	v12 =	vadd.s32 v2, v22;
	v2 =	vld [tilespmem:$0x1ECD0]  }
0x28c: {  	[tilespmem:$0x1F970] =	vst v63;
	v63 =	vbroadcast v0, $0x1;
	v4 =	vand.u32 $0x1, v25;
	v0 =	vbroadcast v0, $0x0  }
0x28d: {  	v25 =	vand.u32 $0x1, v10;
	v5 =	vand.u32 $0x1, v14;
	v14 =	vand.u32 $0x1, v18  }
0x28e: {  	v10 =	vadd.s32 v14, v17;
	[tilespmem:$0x1FAA0] =	vst v0;
	v0 =	vand.u32 $0x1, v20;
	v20 =	vadd.s32 $0x7FFF, v47  }
0x28f: {  	v46 =	vadd.s32 $0x7FFF, v46;
	v17 =	vand.u32 $0xFFFF0000, v20;
	v9 =	vand.u32 $0x1, v9  }
0x290: {  	v47 =	vadd.s32 v9, v3;
	v9 =	vadd.s32 v1, v19;
	v1 =	vmul.f32 v17, v2  }
0x291: {  	v0 =	vadd.s32 v0, v16;
	v16 =	vand.u32 $0xFFFF0000, v46  }
0x292: {  	[tilespmem:$0x1F350] =	vst v1;
	v1 =	vmul.f32 v16, v2;
	v2 =	vld [tilespmem:$0x1ECE0];
	_ =	sdelay $0x4  }
0x293: {  	[tilespmem:$0x1F360] =	vst v1;
	v1 =	vmul.f32 v17, v2  }
0x294: {  	v43 =	vld.idx.msk [tilespmem:v13+s11+$0x0], $0xffff  }
0x295: {  	[tilespmem:$0x1F370] =	vst v1;
	v1 =	vmul.f32 v16, v2;
	v2 =	vld [tilespmem:$0x1ECF0]  }
0x296: {  	v57 =	vld.idx.msk [tilespmem:v15+s11+$0x0], $0xffff  }
0x297: {  	v13 =	vshrl.u32 v38, $0x10;
	v15 =	vshrl.u32 v32, $0x10;
	[tilespmem:$0x1F9F0] =	vst v7;
	v7 =	vshrl.u32 v54, $0x10;
	v14 =	vld [tilespmem:$0x1ED00]  }
0x298: {  	v15 =	vand.u32 $0x1, v15;
	[tilespmem:$0x1EED0] =	vst v6;
	v6 =	vshrl.u32 v50, $0x10;
	v7 =	vand.u32 $0x1, v7  }
0x299: {  	v6 =	vand.u32 $0x1, v6;
	v54 =	vadd.s32 v7, v54;
	v7 =	vadd.s32 v15, v32;
	v15 =	vld [tilespmem:$0x1ED10]  }
0x29a: {  	v18 =	vand.u32 $0x1, v13;
	[tilespmem:$0x1F380] =	vst v1;
	v1 =	vmul.f32 v17, v2;
	v2 =	vmul.f32 v16, v2  }
0x29b: {  	v50 =	vadd.s32 v6, v50;
	v6 =	vadd.s32 v18, v38;
	v18 =	vld [tilespmem:$0x1ED20]  }
0x29c: {  	v3 =	vld [tilespmem:$0x1EC80];
	[tilespmem:$0x1F690] =	vst v2;
	v2 =	vmul.f32 v17, v14;
	v14 =	vmul.f32 v16, v14;
	_ =	sdelay $0x1  }
0x29d: {  	v19 =	vld [tilespmem:$0x1ED30];
	[tilespmem:$0x1F6B0] =	vst v14;
	v14 =	vmul.f32 v17, v15;
	v15 =	vmul.f32 v16, v15;
	_ =	sdelay $0x1  }
0x29e: {  	v56 =	vand.u32 $0x1, v56;
	[tilespmem:$0x1FB20] =	vst v15;
	v15 =	vmul.f32 v17, v18  }
0x29f: {  	[tilespmem:$0x1FB70] =	vst v17;
	v56 =	vadd.s32 v56, v3;
	v18 =	vmul.f32 v16, v18  }
0x2a0: {  	[tilespmem:$0x1FB40] =	vst v15;
	v15 =	vadd.s32 $0x7FFF, v56  }
0x2a1: {  	v17 =	vmul.f32 v17, v19;
	[tilespmem:$0x1FB50] =	vst v18;
	v18 =	vand.u32 $0xFFFF0000, v15;
	v15 =	vld [tilespmem:$0x1ED40];
	_ =	sdelay $0x1  }
0x2a2: {  	v44 =	vshrl.u32 v60, $0x10;
	[tilespmem:$0x1FB80] =	vst v17;
	v17 =	vld [tilespmem:$0x1ED50]  }
0x2a3: {  	v44 =	vand.u32 $0x1, v44;
	[tilespmem:$0x1FB10] =	vst v14;
	v14 =	vadd.s32 $0x7FFF, v47  }
0x2a4: {  	[tilespmem:$0x1FA90] =	vst v63;
	v63 =	vadd.s32 v44, v60;
	v44 =	vand.u32 $0xFFFF0000, v14;
	v14 =	vmul.f32 v16, v19;
	v19 =	vld [tilespmem:$0x1ED60]  }
0x2a5: {  	[tilespmem:$0x1FB90] =	vst v16;
	v16 =	vmul.f32 v44, v15;
	_ =	sdelay $0x1  }
0x2a6: {  	[tilespmem:$0x1F300] =	vst v16;
	v16 =	vmul.f32 v44, v17;
	_ =	sdelay $0x1  }
0x2a7: {  	v3 =	vld [tilespmem:$0x1EC90];
	[tilespmem:$0x1F320] =	vst v16;
	v16 =	vmul.f32 v18, v17;
	v17 =	vmul.f32 v44, v19;
	_ =	sdelay $0x1  }
0x2a8: {  	[tilespmem:$0x1F630] =	vst v17;
	v17 =	vmul.f32 v18, v19;
	v19 =	vld [tilespmem:$0x1ED70];
	_ =	sdelay $0x1  }
0x2a9: {  	v52 =	vand.u32 $0x1, v52;
	v20 =	vld [tilespmem:$0x1ED80]  }
0x2aa: {  	v52 =	vadd.s32 v52, v3;
	v3 =	vld [tilespmem:$0x1ECA0];
	_ =	sdelay $0x1  }
0x2ab: {  	[tilespmem:$0x1F640] =	vst v17;
	v17 =	vmul.f32 v44, v19  }
0x2ac: {  	[tilespmem:$0x1ECB0] =	vst v26  }
0x2ad: {  	v55 =	vand.u32 $0x1, v55;
	[tilespmem:$0x1F650] =	vst v17;
	v17 =	vmul.f32 v18, v19;
	v19 =	vmul.f32 v44, v20  }
0x2ae: {  	v55 =	vadd.s32 v55, v3;
	v3 =	vld [tilespmem:$0x1ECB0]  }
0x2af: {  	[tilespmem:$0x1FC20] =	vst v19;
	v19 =	vmul.f32 v18, v20;
	_ =	sdelay $0x1  }
0x2b0: {  	v53 =	vshrl.u32 v26, $0x10;
	[tilespmem:$0x1FC30] =	vst v19;
	v19 =	vld [tilespmem:$0x1ED90]  }
0x2b1: {  	v53 =	vand.u32 $0x1, v53;
	v15 =	vmul.f32 v18, v15  }
0x2b2: {  	v53 =	vadd.s32 v53, v3  }
0x2b3: {  	[tilespmem:$0x1F310] =	vst v15;
	v15 =	vadd.s32 $0x7FFF, v53  }
0x2b4: {  	[tilespmem:$0x1FBA0] =	vst v14;
	v14 =	vadd.s32 $0x7FFF, v55;
	v20 =	vand.u32 $0xFFFF0000, v15;
	v15 =	vld [tilespmem:$0x1EDA0]  }
0x2b5: {  	v22 =	vand.u32 $0xFFFF0000, v14;
	v14 =	vmul.f32 v44, v19;
	_ =	sdelay $0x1  }
0x2b6: {  	[tilespmem:$0x1FC60] =	vst v14;
	v14 =	vmul.f32 v18, v19;
	_ =	sdelay $0x1  }
0x2b7: {  	[tilespmem:$0x1FC70] =	vst v14;
	v14 =	vmul.f32 v44, v15;
	_ =	sdelay $0x1  }
0x2b8: {  	[tilespmem:$0x1FC90] =	vst v14;
	v14 =	vmul.f32 v18, v15;
	v15 =	vld [tilespmem:$0x1EDB0];
	_ =	sdelay $0x4  }
0x2b9: {  	[tilespmem:$0x1FCA0] =	vst v18;
	v18 =	vmul.f32 v22, v15;
	_ =	sdelay $0x1  }
0x2ba: {  	[tilespmem:$0x1F2B0] =	vst v18;
	v18 =	vld [tilespmem:$0x1EDC0]  }
0x2bb: {  	v35 =	vld.idx.msk [tilespmem:v11+s11+$0x0], $0xffff;
	v11 =	vshrl.u32 v40, $0x10  }
0x2bc: {  	v24 =	vand.u32 $0x1, v11;
	v11 =	vadd.s32 v5, v30;
	v5 =	vadd.s32 v21, v39;
	v21 =	vld [tilespmem:$0x1EDD0];
	_ =	sdelay $0x1  }
0x2bd: {  	v13 =	vadd.s32 v4, v23;
	v23 =	vld [tilespmem:$0x1EDE0]  }
0x2be: {  	v19 =	vmul.f32 v22, v18  }
0x2bf: {  	[tilespmem:$0x1F680] =	vst v1;
	v1 =	vadd.s32 v24, v40;
	v24 =	vld [tilespmem:$0x1EDF0]  }
0x2c0: {  	[tilespmem:$0x1F2D0] =	vst v19;
	v19 =	vmul.f32 v22, v21;
	_ =	sdelay $0x1  }
0x2c1: {  	[tilespmem:$0x1F5E0] =	vst v19;
	v19 =	vmul.f32 v20, v21;
	v21 =	vmul.f32 v22, v23;
	_ =	sdelay $0x1  }
0x2c2: {  	[tilespmem:$0x1F600] =	vst v21;
	v21 =	vmul.f32 v20, v23;
	v23 =	vmul.f32 v22, v24;
	_ =	sdelay $0x1  }
0x2c3: {  	[tilespmem:$0x1FCD0] =	vst v23;
	v23 =	vmul.f32 v20, v24;
	_ =	sdelay $0x1  }
0x2c4: {  	[tilespmem:$0x1FCE0] =	vst v23;
	v23 =	vld [tilespmem:$0x1EE00];
	_ =	sdelay $0x3  }
0x2c5: {  	[tilespmem:$0x1F330] =	vst v16;
	v16 =	vadd.s32 $0x7FFF, v52  }
0x2c6: {  	v47 =	vand.u32 $0xFFFF0000, v16;
	v16 =	vmul.f32 v22, v23;
	_ =	sdelay $0x1  }
0x2c7: {  	v3 =	vld [tilespmem:$0x1ECC0];
	[tilespmem:$0x1FCF0] =	vst v16;
	v16 =	vmul.f32 v20, v23;
	_ =	sdelay $0x1  }
0x2c8: {  	[tilespmem:$0x1FD00] =	vst v16;
	v16 =	vld [tilespmem:$0x1EE10];
	_ =	sdelay $0x1  }
0x2c9: {  	v8 =	vand.u32 $0x1, v8  }
0x2ca: {  	v8 =	vadd.s32 v8, v3  }
0x2cb: {  	v8 =	vadd.s32 $0x7FFF, v8  }
0x2cc: {  	[tilespmem:$0x1F6A0] =	vst v2;
	v2 =	vadd.s32 v25, v42;
	v42 =	vand.u32 $0xFFFF0000, v8;
	v8 =	vmul.f32 v22, v16;
	_ =	sdelay $0x1  }
0x2cd: {  	[tilespmem:$0x1FD20] =	vst v8;
	v8 =	vmul.f32 v20, v16;
	_ =	sdelay $0x1  }
0x2ce: {  	[tilespmem:$0x1FD40] =	vst v8;
	v8 =	vld [tilespmem:$0x1EE20];
	_ =	sdelay $0x3  }
0x2cf: {  	v15 =	vmul.f32 v20, v15;
	v18 =	vmul.f32 v20, v18  }
0x2d0: {  	[tilespmem:$0x1FC50] =	vst v20;
	v20 =	vmul.f32 v47, v8;
	v8 =	vmul.f32 v42, v8;
	_ =	sdelay $0x1  }
0x2d1: {  	[tilespmem:$0x1F270] =	vst v8;
	v8 =	vld [tilespmem:$0x1EE30];
	_ =	sdelay $0x4  }
0x2d2: {  	[tilespmem:$0x1F260] =	vst v20;
	v20 =	vmul.f32 v47, v8;
	_ =	sdelay $0x1  }
0x2d3: {  	[tilespmem:$0x1F280] =	vst v20;
	v20 =	vld [tilespmem:$0x1EE40];
	_ =	sdelay $0x2  }
0x2d4: {  	v8 =	vmul.f32 v42, v8;
	_ =	sdelay $0x1  }
0x2d5: {  	[tilespmem:$0x1F290] =	vst v8;
	v8 =	vmul.f32 v47, v20;
	_ =	sdelay $0x1  }
0x2d6: {  	[tilespmem:$0x1F590] =	vst v8;
	v8 =	vmul.f32 v42, v20;
	v20 =	vld [tilespmem:$0x1EE50];
	_ =	sdelay $0x4  }
0x2d7: {  	[tilespmem:$0x1F5A0] =	vst v8;
	v8 =	vmul.f32 v47, v20;
	_ =	sdelay $0x1  }
0x2d8: {  	v49 =	vshrl.u32 v62, $0x10;
	[tilespmem:$0x1F5B0] =	vst v8;
	v8 =	vmul.f32 v42, v20;
	v20 =	vld [tilespmem:$0x1EE60]  }
0x2d9: {  	v49 =	vand.u32 $0x1, v49  }
0x2da: {  	v49 =	vadd.s32 v49, v62  }
0x2db: {  	[tilespmem:$0x1F660] =	vst v17;
	v17 =	vadd.s32 $0x7FFF, v49  }
0x2dc: {  	v45 =	vshrl.u32 v61, $0x10;
	v49 =	vand.u32 $0xFFFF0000, v17;
	v17 =	vld [tilespmem:$0x1EE70]  }
0x2dd: {  	v45 =	vand.u32 $0x1, v45;
	[tilespmem:$0x1F5C0] =	vst v8;
	v8 =	vmul.f32 v47, v20  }
0x2de: {  	v51 =	vld.idx.msk [tilespmem:v31+s11+$0x0], $0xffff;
	v31 =	vshrl.u32 v43, $0x10;
	v45 =	vadd.s32 v45, v61;
	[tilespmem:$0x1FCB0] =	vst v14  }
0x2df: {  	v31 =	vand.u32 $0x1, v31;
	v14 =	vadd.s32 $0x7FFF, v45;
	[tilespmem:$0x1FD60] =	vst v8;
	v8 =	vmul.f32 v42, v20  }
0x2e0: {  	v28 =	vshrl.u32 v35, $0x10;
	v31 =	vadd.s32 v31, v43;
	v43 =	vand.u32 $0xFFFF0000, v14;
	v14 =	vld [tilespmem:$0x1EE80]  }
0x2e1: {  	v28 =	vand.u32 $0x1, v28;
	[tilespmem:$0x1F740] =	vst v8;
	v8 =	vmul.f32 v47, v17  }
0x2e2: {  	v26 =	vshrl.u32 v27, $0x10;
	v4 =	vadd.s32 v28, v35  }
0x2e3: {  	v26 =	vand.u32 $0x1, v26;
	[tilespmem:$0x1FD70] =	vst v8;
	v8 =	vmul.f32 v42, v17;
	v17 =	vadd.s32 $0x7FFF, v4;
	v4 =	vld [tilespmem:$0x1EE90]  }
0x2e4: {  	v3 =	vadd.s32 v26, v27  }
0x2e5: {  	v30 =	vadd.s32 $0x7FFF, v31;
	v31 =	vadd.s32 $0x7FFF, v3;
	v3 =	vld [tilespmem:$0x1EEA0];
	[tilespmem:$0x1FD80] =	vst v8;
	v8 =	vmul.f32 v47, v14;
	_ =	sdelay $0x1  }
0x2e6: {  	[tilespmem:$0x1FD90] =	vst v8;
	v8 =	vmul.f32 v42, v14  }
0x2e7: {  	v14 =	vmul.f32 v49, v4;
	v4 =	vmul.f32 v43, v4;
	_ =	sdelay $0x1  }
0x2e8: {  	[tilespmem:$0x1F220] =	vst v4;
	v4 =	vmul.f32 v49, v3;
	_ =	sdelay $0x1  }
0x2e9: {  	[tilespmem:$0x1F230] =	vst v4;
	v4 =	vld [tilespmem:$0x1EEB0];
	_ =	sdelay $0x2  }
0x2ea: {  	v3 =	vmul.f32 v43, v3;
	_ =	sdelay $0x1  }
0x2eb: {  	[tilespmem:$0x1F240] =	vst v3;
	v3 =	vmul.f32 v49, v4;
	_ =	sdelay $0x1  }
0x2ec: {  	[tilespmem:$0x1F540] =	vst v3;
	v3 =	vmul.f32 v43, v4;
	v4 =	vld [tilespmem:$0x1EEC0];
	_ =	sdelay $0x4  }
0x2ed: {  	[tilespmem:$0x1F550] =	vst v3;
	v3 =	vmul.f32 v49, v4;
	_ =	sdelay $0x1  }
0x2ee: {  	[tilespmem:$0x1F560] =	vst v3;
	v3 =	vmul.f32 v43, v4;
	v4 =	vld [tilespmem:$0x1EED0];
	_ =	sdelay $0x3  }
0x2ef: {  	v41 =	vshrl.u32 v59, $0x10;
	[tilespmem:$0x1F2C0] =	vst v15;
	v15 =	vadd.s32 $0x7FFF, v63;
	v63 =	vadd.s32 $0x7FFF, v0;
	v0 =	vld [tilespmem:$0x1EF00]  }
0x2f0: {  	v41 =	vand.u32 $0x1, v41;
	[tilespmem:$0x1F570] =	vst v3;
	v3 =	vmul.f32 v49, v4  }
0x2f1: {  	v41 =	vadd.s32 v41, v59;
	[tilespmem:$0x1F2E0] =	vst v18  }
0x2f2: {  	v18 =	vadd.s32 $0x7FFF, v41;
	[tilespmem:$0x1FDB0] =	vst v3;
	v3 =	vmul.f32 v43, v4;
	v4 =	vld [tilespmem:$0x1EEE0]  }
0x2f3: {  	v46 =	vand.u32 $0xFFFF0000, v18;
	v16 =	vadd.s32 $0x7FFF, v54;
	v54 =	vand.u32 $0xFFFF0000, v15  }
0x2f4: {  	v27 =	vmul.f32 v54, v0;
	v0 =	vmul.f32 v46, v0;
	_ =	sdelay $0x1  }
0x2f5: {  	[tilespmem:$0x1F1F0] =	vst v0;
	v0 =	vld [tilespmem:$0x1EF10]  }
0x2f6: {  	[tilespmem:$0x1FDC0] =	vst v3;
	v3 =	vmul.f32 v49, v4;
	_ =	sdelay $0x1  }
0x2f7: {  	[tilespmem:$0x1FDD0] =	vst v3;
	v3 =	vmul.f32 v43, v4;
	v4 =	vld [tilespmem:$0x1EEF0];
	_ =	sdelay $0x1  }
0x2f8: {  	v25 =	vmul.f32 v54, v0;
	v28 =	vmul.f32 v46, v0;
	v0 =	vld [tilespmem:$0x1EF20];
	_ =	sdelay $0x2  }
0x2f9: {  	[tilespmem:$0x1F7A0] =	vst v3;
	v3 =	vmul.f32 v49, v4;
	_ =	sdelay $0x1  }
0x2fa: {  	[tilespmem:$0x1FDF0] =	vst v3;
	v3 =	vmul.f32 v54, v0;
	v0 =	vmul.f32 v46, v0;
	_ =	sdelay $0x1  }
0x2fb: {  	[tilespmem:$0x1F500] =	vst v0;
	v0 =	vld [tilespmem:$0x1EF30];
	_ =	sdelay $0x1  }
0x2fc: {  	[tilespmem:$0x1F210] =	vst v14;
	v14 =	vadd.s32 $0x7FFF, v6;
	v6 =	vld [tilespmem:$0x1EF40];
	_ =	sdelay $0x2  }
0x2fd: {  	[tilespmem:$0x1F4F0] =	vst v3;
	v3 =	vmul.f32 v54, v0;
	v0 =	vmul.f32 v46, v0;
	_ =	sdelay $0x1  }
0x2fe: {  	[tilespmem:$0x1F520] =	vst v0;
	v0 =	vmul.f32 v54, v6;
	_ =	sdelay $0x1  }
0x2ff: {  	[tilespmem:$0x1F7D0] =	vst v0;
	v0 =	vmul.f32 v46, v6;
	v6 =	vld [tilespmem:$0x1EF50];
	_ =	sdelay $0x4  }
0x300: {  	[tilespmem:$0x1F790] =	vst v0;
	v0 =	vmul.f32 v54, v6;
	_ =	sdelay $0x1  }
0x301: {  	[tilespmem:$0x1FE30] =	vst v0;
	v0 =	vmul.f32 v46, v6;
	v6 =	vld [tilespmem:$0x1EF60];
	_ =	sdelay $0x4  }
0x302: {  	[tilespmem:$0x1FE40] =	vst v0;
	v0 =	vmul.f32 v54, v6;
	_ =	sdelay $0x1  }
0x303: {  	[tilespmem:$0x1FE50] =	vst v0;
	v0 =	vmul.f32 v46, v6  }
0x304: {  	v37 =	vshrl.u32 v57, $0x10  }
0x305: {  	v36 =	vshrl.u32 v58, $0x10;
	v37 =	vand.u32 $0x1, v37;
	[tilespmem:$0x1FE60] =	vst v0;
	v0 =	vld [tilespmem:$0x1EF70]  }
0x306: {  	v34 =	vshrl.u32 v51, $0x10;
	v36 =	vand.u32 $0x1, v36;
	v37 =	vadd.s32 v37, v57  }
0x307: {  	v34 =	vand.u32 $0x1, v34;
	v36 =	vadd.s32 v36, v58;
	[tilespmem:$0x1F5F0] =	vst v19;
	v19 =	vadd.s32 $0x7FFF, v37  }
0x308: {  	v51 =	vadd.s32 v34, v51;
	v59 =	vand.u32 $0xFFFF0000, v19;
	[tilespmem:$0x1F610] =	vst v21;
	v21 =	vadd.s32 $0x7FFF, v36  }
0x309: {  	[tilespmem:$0x1FD10] =	vst v22;
	v24 =	vadd.s32 $0x7FFF, v50;
	v50 =	vand.u32 $0xFFFF0000, v21;
	v22 =	vadd.s32 $0x7FFF, v51  }
0x30a: {  	v51 =	vadd.s32 $0x7FFF, v7;
	v7 =	vmul.f32 v59, v0;
	v39 =	vmul.f32 v50, v0;
	v0 =	vld [tilespmem:$0x1EF80];
	_ =	sdelay $0x4  }
0x30b: {  	v38 =	vmul.f32 v59, v0;
	v15 =	vmul.f32 v50, v0;
	v0 =	vld [tilespmem:$0x1EF90];
	_ =	sdelay $0x4  }
0x30c: {  	v26 =	vadd.s32 $0x7FFF, v1;
	v1 =	vmul.f32 v59, v0;
	v0 =	vmul.f32 v50, v0;
	_ =	sdelay $0x1  }
0x30d: {  	[tilespmem:$0x1F4B0] =	vst v0;
	v0 =	vld [tilespmem:$0x1EFA0];
	_ =	sdelay $0x4  }
0x30e: {  	[tilespmem:$0x1F4A0] =	vst v1;
	v1 =	vmul.f32 v59, v0;
	v0 =	vmul.f32 v50, v0;
	_ =	sdelay $0x1  }
0x30f: {  	[tilespmem:$0x1F4D0] =	vst v0;
	v0 =	vld [tilespmem:$0x1EFB0];
	_ =	sdelay $0x4  }
0x310: {  	[tilespmem:$0x1F4C0] =	vst v1;
	v1 =	vmul.f32 v59, v0;
	_ =	sdelay $0x1  }
0x311: {  	[tilespmem:$0x1F7C0] =	vst v1;
	v1 =	vld [tilespmem:$0x1EFC0];
	_ =	sdelay $0x2  }
0x312: {  	v0 =	vmul.f32 v50, v0;
	_ =	sdelay $0x1  }
0x313: {  	[tilespmem:$0x1FE90] =	vst v0;
	v0 =	vmul.f32 v59, v1;
	_ =	sdelay $0x1  }
0x314: {  	[tilespmem:$0x1FEC0] =	vst v0;
	v0 =	vmul.f32 v50, v1;
	v1 =	vld [tilespmem:$0x1EFD0];
	_ =	sdelay $0x4  }
0x315: {  	[tilespmem:$0x1FED0] =	vst v0;
	v0 =	vmul.f32 v59, v1;
	_ =	sdelay $0x1  }
0x316: {  	[tilespmem:$0x1FEF0] =	vst v0;
	v0 =	vmul.f32 v50, v1;
	_ =	sdelay $0x1  }
0x317: {  	[tilespmem:$0x1FF00] =	vst v0;
	v0 =	vld [tilespmem:$0x1EFE0];
	_ =	sdelay $0x3  }
0x318: {  	v19 =	vadd.s32 $0x7FFF, v5;
	v53 =	vand.u32 $0xFFFF0000, v22;
	v5 =	vand.u32 $0xFFFF0000, v16  }
0x319: {  	v41 =	vmul.f32 v5, v0;
	v55 =	vmul.f32 v53, v0;
	v0 =	vld [tilespmem:$0x1EFF0];
	_ =	sdelay $0x4  }
0x31a: {  	v56 =	vmul.f32 v5, v0;
	v45 =	vmul.f32 v53, v0;
	v0 =	vld [tilespmem:$0x1F000]  }
0x31b: {  	v29 =	vshrl.u32 v33, $0x10  }
0x31c: {  	v29 =	vand.u32 $0x1, v29  }
0x31d: {  	v29 =	vadd.s32 v29, v33  }
0x31e: {  	v29 =	vadd.s32 $0x7FFF, v29;
	v35 =	vadd.s32 $0x7FFF, v11  }
0x31f: {  	v11 =	vand.u32 $0xFFFF0000, v29;
	v1 =	vmul.f32 v5, v0;
	v29 =	vmul.f32 v53, v0;
	v0 =	vld [tilespmem:$0x1F010];
	_ =	sdelay $0x4  }
0x320: {  	[tilespmem:$0x1F460] =	vst v1;
	v1 =	vmul.f32 v5, v0;
	v0 =	vmul.f32 v53, v0;
	_ =	sdelay $0x1  }
0x321: {  	[tilespmem:$0x1F480] =	vst v0;
	v0 =	vld [tilespmem:$0x1F020];
	_ =	sdelay $0x4  }
0x322: {  	[tilespmem:$0x1F470] =	vst v1;
	v1 =	vmul.f32 v5, v0;
	v0 =	vmul.f32 v53, v0;
	_ =	sdelay $0x1  }
0x323: {  	[tilespmem:$0x1FF30] =	vst v0;
	v0 =	vld [tilespmem:$0x1F030]  }
0x324: {  	[tilespmem:$0x1F720] =	vst v1;
	v1 =	vld [tilespmem:$0x1F040];
	_ =	sdelay $0x3  }
0x325: {  	[tilespmem:$0x1F510] =	vst v3;
	v3 =	vmul.f32 v5, v0  }
0x326: {  	v22 =	vmul.f32 v53, v0;
	v0 =	vmul.f32 v5, v1;
	_ =	sdelay $0x1  }
0x327: {  	[tilespmem:$0x1FF80] =	vst v0;
	v0 =	vmul.f32 v53, v1;
	_ =	sdelay $0x1  }
0x328: {  	[tilespmem:$0x1FF90] =	vst v0;
	v0 =	vld [tilespmem:$0x1F050];
	_ =	sdelay $0x1  }
0x329: {  	v52 =	vand.u32 $0xFFFF0000, v30  }
0x32a: {  	v36 =	vadd.s32 $0x7FFF, v12;
	v12 =	vadd.s32 $0x7FFF, v2;
	v2 =	vand.u32 $0xFFFF0000, v24  }
0x32b: {  	v37 =	vand.u32 $0xFFFF0000, v36;
	v36 =	vand.u32 $0xFFFF0000, v63;
	v23 =	vadd.s32 $0x7FFF, v10  }
0x32c: {  	v63 =	vand.u32 $0xFFFF0000, v23;
	v23 =	vmul.f32 v2, v0;
	v18 =	vmul.f32 v52, v0;
	v0 =	vld [tilespmem:$0x1F060];
	_ =	sdelay $0x3  }
0x32d: {  	v57 =	vand.u32 $0xFFFF0000, v17  }
0x32e: {  	v16 =	vand.u32 $0xFFFF0000, v35;
	v35 =	vmul.f32 v11, v0;
	v21 =	vmul.f32 v57, v0;
	v0 =	vld [tilespmem:$0x1F070];
	_ =	sdelay $0x2  }
0x32f: {  	v13 =	vadd.s32 $0x7FFF, v13  }
0x330: {  	v58 =	vand.u32 $0xFFFF0000, v13;
	v10 =	vand.u32 $0xFFFF0000, v31  }
0x331: {  	v6 =	vand.u32 $0xFFFF0000, v51;
	v51 =	vmul.f32 v10, v0;
	v20 =	vmul.f32 v58, v0;
	v0 =	vld [tilespmem:$0x1F080];
	_ =	sdelay $0x2  }
0x332: {  	v9 =	vadd.s32 $0x7FFF, v9  }
0x333: {  	v62 =	vand.u32 $0xFFFF0000, v9;
	v1 =	vld [tilespmem:$0x1F0C0]  }
0x334: {  	v17 =	vand.u32 $0xFFFF0000, v14;
	v14 =	vmul.f32 v37, v0;
	v32 =	vmul.f32 v62, v0;
	v0 =	vld [tilespmem:$0x1F090]  }
0x335: {  	v30 =	vld [tilespmem:$0x1F0E0];
	_ =	sdelay $0x1  }
0x336: {  	v48 =	vbroadcast v48, $0x0;
	v9 =	vand.u32 $0xFFFF0000, v19;
	v19 =	vand.u32 $0xFFFF0000, v26  }
0x337: {  	v40 =	vmul.f32 v19, v1  }
0x338: {  	[tilespmem:$0x1F0D0] =	vst v48;
	v48 =	vmul.f32 v36, v0;
	v33 =	vmul.f32 v63, v0;
	v0 =	vld [tilespmem:$0x1F0A0]  }
0x339: {  	v40 =	vadd.f32 v40, v30;
	v30 =	vld [tilespmem:$0x1F0F0];
	_ =	sdelay $0x1  }
0x33a: {  	v13 =	vand.u32 $0xFFFF0000, v12  }
0x33b: {  	v60 =	vmul.f32 v13, v1;
	v1 =	vld [tilespmem:$0x1F0D0]  }
0x33c: {  	v26 =	vmul.f32 v16, v0;
	v34 =	vmul.f32 v6, v0;
	v0 =	vld [tilespmem:$0x1F0B0]  }
0x33d: {  	v60 =	vadd.f32 v60, v30;
	v30 =	vld [tilespmem:$0x1F8D0];
	_ =	sdelay $0x2  }
0x33e: {  	v24 =	vld [tilespmem:$0x1F100];
	v61 =	vmul.f32 v19, v1  }
0x33f: {  	v12 =	vmul.f32 v17, v0  }
0x340: {  	v61 =	vadd.f32 v61, v30;
	v30 =	vld [tilespmem:$0x1F110]  }
0x341: {  	v0 =	vmul.f32 v9, v0;
	v12 =	vadd.f32 v12, v40;
	v40 =	vld [tilespmem:$0x1F120];
	_ =	sdelay $0x1  }
0x342: {  	v31 =	vmul.f32 v17, v24;
	v1 =	vmul.f32 v13, v1;
	v0 =	vadd.f32 v0, v60;
	v60 =	vld [tilespmem:$0x1F130];
	_ =	sdelay $0x1  }
0x343: {  	v31 =	vadd.f32 v31, v61;
	v1 =	vadd.f32 v1, v30  }
0x344: {  	v30 =	vmul.f32 v9, v24;
	v24 =	vmovc v3;
	v12 =	vadd.f32 v26, v12;
	v3 =	vmul.f32 v16, v40;
	_ =	sdelay $0x1  }
0x345: {  	v12 =	vadd.f32 v48, v12;
	v48 =	vld [tilespmem:$0x1F150];
	v26 =	vmul.f32 v36, v60;
	v31 =	vadd.f32 v3, v31  }
0x346: {  	v0 =	vadd.f32 v34, v0  }
0x347: {  	v12 =	vadd.f32 v14, v12;
	v26 =	vadd.f32 v26, v31;
	v31 =	vld [tilespmem:$0x1F160]  }
0x348: {  	v1 =	vadd.f32 v30, v1;
	v30 =	vmul.f32 v6, v40  }
0x349: {  	v0 =	vadd.f32 v33, v0;
	v12 =	vadd.f32 v51, v12;
	v51 =	vmov v8;
	v8 =	vld [tilespmem:$0x1F170]  }
0x34a: {  	v1 =	vadd.f32 v30, v1;
	v30 =	vmul.f32 v63, v60;
	v60 =	vmul.f32 v37, v48  }
0x34b: {  	v0 =	vadd.f32 v32, v0  }
0x34c: {  	v26 =	vadd.f32 v60, v26;
	v14 =	vmul.f32 v10, v31  }
0x34d: {  	v0 =	vadd.f32 v20, v0  }
0x34e: {  	v20 =	vmul.f32 v11, v8;
	v14 =	vadd.f32 v14, v26;
	v26 =	vmul.f32 v57, v8;
	v8 =	vld [tilespmem:$0x1F180];
	_ =	sdelay $0x1  }
0x34f: {  	v1 =	vadd.f32 v30, v1;
	v30 =	vmul.f32 v62, v48;
	_ =	sdelay $0x1  }
0x350: {  	v0 =	vadd.f32 v21, v0;
	v1 =	vadd.f32 v30, v1;
	v30 =	vmul.f32 v58, v31  }
0x351: {  	v14 =	vadd.f32 v20, v14;
	v21 =	vmul.f32 v2, v8;
	v20 =	vmul.f32 v52, v8;
	v8 =	vld [tilespmem:$0x1F190]  }
0x352: {  	v1 =	vadd.f32 v30, v1;
	_ =	sdelay $0x1  }
0x353: {  	v12 =	vadd.f32 v35, v12;
	v1 =	vadd.f32 v26, v1  }
0x354: {  	v0 =	vadd.f32 v18, v0;
	v14 =	vadd.f32 v21, v14  }
0x355: {  	v1 =	vadd.f32 v20, v1;
	v18 =	vmul.f32 v2, v8;
	v20 =	vmul.f32 v52, v8;
	v8 =	vld [tilespmem:$0x1F1A0]  }
0x356: {  	v14 =	vadd.f32 v56, v14  }
0x357: {  	v12 =	vadd.f32 v23, v12;
	v1 =	vadd.f32 v45, v1  }
0x358: {  	v14 =	vadd.f32 v38, v14  }
0x359: {  	v12 =	vadd.f32 v41, v12;
	v1 =	vadd.f32 v15, v1  }
0x35a: {  	v21 =	vmul.f32 v11, v8;
	v23 =	vmul.f32 v57, v8;
	v8 =	vadd.f32 v25, v14;
	v25 =	vld [tilespmem:$0x1F210]  }
0x35b: {  	v4 =	vmul.f32 v43, v4;
	v7 =	vadd.f32 v7, v12  }
0x35c: {  	v1 =	vadd.f32 v28, v1;
	v28 =	vld [tilespmem:$0x1F260]  }
0x35d: {  	v0 =	vadd.f32 v55, v0;
	v55 =	vmov v4;
	v4 =	vld [tilespmem:$0x1F1F0];
	v7 =	vadd.f32 v27, v7  }
0x35e: {  	v31 =	vld [tilespmem:$0x1F2B0]  }
0x35f: {  	v7 =	vadd.f32 v25, v7;
	v25 =	vld [tilespmem:$0x1F220]  }
0x360: {  	v0 =	vadd.f32 v39, v0  }
0x361: {  	v7 =	vadd.f32 v28, v7;
	v28 =	vld [tilespmem:$0x1F270]  }
0x362: {  	v0 =	vadd.f32 v4, v0  }
0x363: {  	v7 =	vadd.f32 v31, v7;
	v31 =	vld [tilespmem:$0x1F2C0]  }
0x364: {  	v0 =	vadd.f32 v25, v0;
	v25 =	vld [tilespmem:$0x1F230];
	_ =	sdelay $0x1  }
0x365: {  	v0 =	vadd.f32 v28, v0;
	v28 =	vld [tilespmem:$0x1F280];
	_ =	sdelay $0x1  }
0x366: {  	v0 =	vadd.f32 v31, v0;
	v31 =	vld [tilespmem:$0x1F2D0]  }
0x367: {  	v8 =	vadd.f32 v25, v8;
	v25 =	vld [tilespmem:$0x1F240];
	_ =	sdelay $0x1  }
0x368: {  	v8 =	vadd.f32 v28, v8;
	v28 =	vld [tilespmem:$0x1F290];
	_ =	sdelay $0x1  }
0x369: {  	v8 =	vadd.f32 v31, v8;
	v31 =	vld [tilespmem:$0x1F2E0]  }
0x36a: {  	v1 =	vadd.f32 v25, v1  }
0x36b: {  	v39 =	vld [tilespmem:$0x1F330]  }
0x36c: {  	v1 =	vadd.f32 v28, v1;
	_ =	sdelay $0x1  }
0x36d: {  	v45 =	vld [tilespmem:$0x1F300];
	v1 =	vadd.f32 v31, v1  }
0x36e: {  	v60 =	vld [tilespmem:$0x1F320]  }
0x36f: {  	v1 =	vadd.f32 v39, v1;
	v39 =	vld [tilespmem:$0x1F350];
	_ =	sdelay $0x2  }
0x370: {  	v48 =	vld [tilespmem:$0x1F310];
	v7 =	vadd.f32 v45, v7;
	_ =	sdelay $0x1  }
0x371: {  	v8 =	vadd.f32 v60, v8;
	v60 =	vadd.f32 v39, v7;
	v7 =	vld [tilespmem:$0x1F360];
	_ =	sdelay $0x2  }
0x372: {  	v0 =	vadd.f32 v48, v0;
	_ =	sdelay $0x1  }
0x373: {  	v34 =	vadd.f32 v7, v0;
	v7 =	vld [tilespmem:$0x1F370];
	_ =	sdelay $0x4  }
0x374: {  	v7 =	vadd.f32 v7, v8;
	_ =	sdelay $0x1  }
0x375: {  	[tilespmem:$0x1F8D0] =	vst v7;
	v7 =	vld [tilespmem:$0x1F380];
	_ =	sdelay $0x1  }
0x376: {  	v3 =	vld [tilespmem:$0x1F1C0]  }
0x377: {  	v41 =	vld [tilespmem:$0x1F2F0];
	_ =	sdelay $0x1  }
0x378: {  	v48 =	vadd.f32 v7, v1;
	v1 =	vld [tilespmem:$0x1F390]  }
0x379: {  	v30 =	vld [tilespmem:$0x1F2A0]  }
0x37a: {  	v12 =	vmul.f32 v58, v3;
	v26 =	vmul.f32 v10, v3;
	v3 =	vld [tilespmem:$0x1F1E0]  }
0x37b: {  	v32 =	vmul.f32 v13, v41;
	v31 =	vmul.f32 v19, v41;
	v41 =	vld [tilespmem:$0x1F340]  }
0x37c: {  	v7 =	vld [tilespmem:$0x1F3A0]  }
0x37d: {  	v1 =	vadd.f32 v31, v1;
	v31 =	vld [tilespmem:$0x1F3C0]  }
0x37e: {  	v27 =	vld [tilespmem:$0x1F250];
	_ =	sdelay $0x1  }
0x37f: {  	v14 =	vld [tilespmem:$0x1F200];
	v45 =	vmul.f32 v19, v41  }
0x380: {  	v28 =	vmul.f32 v17, v30;
	v0 =	vmul.f32 v13, v41;
	v41 =	vld [tilespmem:$0x1F3B0]  }
0x381: {  	v30 =	vmul.f32 v9, v30;
	v7 =	vadd.f32 v32, v7;
	v31 =	vadd.f32 v45, v31;
	v45 =	vld [tilespmem:$0x1F3D0]  }
0x382: {  	v4 =	vmul.f32 v62, v3;
	v25 =	vmul.f32 v16, v27  }
0x383: {  	v27 =	vmul.f32 v6, v27;
	v1 =	vadd.f32 v28, v1;
	v7 =	vadd.f32 v30, v7;
	v30 =	vld [tilespmem:$0x1F3E0]  }
0x384: {  	v15 =	vmul.f32 v37, v3;
	v3 =	vmul.f32 v36, v14  }
0x385: {  	v14 =	vmul.f32 v63, v14;
	v1 =	vadd.f32 v25, v1;
	v7 =	vadd.f32 v27, v7;
	v27 =	vld [tilespmem:$0x1F3F0]  }
0x386: {  	v39 =	vmul.f32 v9, v41;
	v0 =	vadd.f32 v0, v45  }
0x387: {  	v1 =	vadd.f32 v3, v1;
	v3 =	vadd.f32 v14, v7;
	v14 =	vld [tilespmem:$0x1F400]  }
0x388: {  	v28 =	vmul.f32 v16, v30;
	v30 =	vmul.f32 v6, v30;
	v0 =	vadd.f32 v39, v0  }
0x389: {  	v8 =	vmul.f32 v17, v41  }
0x38a: {  	v25 =	vmul.f32 v36, v27;
	v27 =	vmul.f32 v63, v27;
	v0 =	vadd.f32 v30, v0  }
0x38b: {  	v8 =	vadd.f32 v8, v31;
	v1 =	vadd.f32 v15, v1  }
0x38c: {  	v15 =	vld [tilespmem:$0x1F410];
	v7 =	vmul.f32 v37, v14;
	v14 =	vmul.f32 v62, v14;
	v0 =	vadd.f32 v27, v0  }
0x38d: {  	v8 =	vadd.f32 v28, v8  }
0x38e: {  	v0 =	vadd.f32 v14, v0;
	v14 =	vld [tilespmem:$0x1F420]  }
0x38f: {  	v8 =	vadd.f32 v25, v8  }
0x390: {  	v3 =	vadd.f32 v4, v3  }
0x391: {  	v4 =	vmul.f32 v10, v15;
	v7 =	vadd.f32 v7, v8  }
0x392: {  	v3 =	vadd.f32 v12, v3  }
0x393: {  	v4 =	vadd.f32 v4, v7;
	v12 =	vmul.f32 v11, v14;
	v7 =	vmul.f32 v57, v14;
	v14 =	vld [tilespmem:$0x1F430]  }
0x394: {  	v1 =	vadd.f32 v26, v1  }
0x395: {  	v8 =	vmul.f32 v58, v15  }
0x396: {  	v1 =	vadd.f32 v21, v1;
	v3 =	vadd.f32 v23, v3;
	v15 =	vld [tilespmem:$0x1F460]  }
0x397: {  	v41 =	vld [tilespmem:$0x1F630];
	v0 =	vadd.f32 v8, v0;
	v4 =	vadd.f32 v12, v4  }
0x398: {  	v8 =	vmul.f32 v2, v14;
	v12 =	vmul.f32 v52, v14;
	v14 =	vadd.f32 v20, v3;
	v20 =	vld [tilespmem:$0x1F4A0]  }
0x399: {  	v28 =	vld [tilespmem:$0x1F590];
	v1 =	vadd.f32 v18, v1  }
0x39a: {  	v23 =	vld [tilespmem:$0x1F4F0]  }
0x39b: {  	v1 =	vadd.f32 v15, v1;
	v15 =	vld [tilespmem:$0x1F470]  }
0x39c: {  	v26 =	vld [tilespmem:$0x1F540]  }
0x39d: {  	v1 =	vadd.f32 v20, v1;
	v20 =	vld [tilespmem:$0x1F4B0]  }
0x39e: {  	v30 =	vld [tilespmem:$0x1F5E0];
	v8 =	vadd.f32 v8, v4  }
0x39f: {  	v1 =	vadd.f32 v23, v1;
	v23 =	vld [tilespmem:$0x1F500]  }
0x3a0: {  	v14 =	vadd.f32 v29, v14;
	v8 =	vadd.f32 v15, v8;
	v15 =	vld [tilespmem:$0x1F480]  }
0x3a1: {  	v1 =	vadd.f32 v26, v1;
	v26 =	vld [tilespmem:$0x1F550]  }
0x3a2: {  	v14 =	vadd.f32 v20, v14;
	v20 =	vld [tilespmem:$0x1F4C0]  }
0x3a3: {  	v1 =	vadd.f32 v28, v1;
	v28 =	vld [tilespmem:$0x1F5A0]  }
0x3a4: {  	v14 =	vadd.f32 v23, v14;
	v23 =	vld [tilespmem:$0x1F510]  }
0x3a5: {  	v1 =	vadd.f32 v30, v1;
	v30 =	vld [tilespmem:$0x1F5F0]  }
0x3a6: {  	v7 =	vadd.f32 v7, v0;
	v14 =	vadd.f32 v26, v14;
	v26 =	vld [tilespmem:$0x1F560]  }
0x3a7: {  	v8 =	vadd.f32 v20, v8;
	v20 =	vld [tilespmem:$0x1F4D0]  }
0x3a8: {  	v12 =	vadd.f32 v12, v7;
	v14 =	vadd.f32 v28, v14;
	v28 =	vld [tilespmem:$0x1F5B0]  }
0x3a9: {  	v8 =	vadd.f32 v23, v8;
	v23 =	vld [tilespmem:$0x1F520]  }
0x3aa: {  	v12 =	vadd.f32 v15, v12;
	v14 =	vadd.f32 v30, v14;
	v30 =	vld [tilespmem:$0x1F600]  }
0x3ab: {  	v8 =	vadd.f32 v26, v8;
	v26 =	vld [tilespmem:$0x1F570]  }
0x3ac: {  	v45 =	vld [tilespmem:$0x1F640];
	v12 =	vadd.f32 v20, v12  }
0x3ad: {  	v8 =	vadd.f32 v28, v8;
	v28 =	vld [tilespmem:$0x1F5C0]  }
0x3ae: {  	v12 =	vadd.f32 v23, v12  }
0x3af: {  	v8 =	vadd.f32 v30, v8;
	v30 =	vld [tilespmem:$0x1F610]  }
0x3b0: {  	v1 =	vadd.f32 v41, v1;
	v41 =	vld [tilespmem:$0x1F660];
	v12 =	vadd.f32 v26, v12  }
0x3b1: {  	v14 =	vadd.f32 v45, v14;
	v45 =	vld [tilespmem:$0x1F680]  }
0x3b2: {  	v12 =	vadd.f32 v28, v12;
	_ =	sdelay $0x1  }
0x3b3: {  	v12 =	vadd.f32 v30, v12;
	_ =	sdelay $0x1  }
0x3b4: {  	v12 =	vadd.f32 v41, v12;
	v41 =	vadd.f32 v45, v1;
	v1 =	vld [tilespmem:$0x1F690];
	_ =	sdelay $0x2  }
0x3b5: {  	v39 =	vld [tilespmem:$0x1F650];
	_ =	sdelay $0x1  }
0x3b6: {  	v33 =	vadd.f32 v1, v14;
	v14 =	vld [tilespmem:$0x1F6A0];
	_ =	sdelay $0x1  }
0x3b7: {  	v61 =	vld [tilespmem:$0x1FFE0]  }
0x3b8: {  	v40 =	vmov v42;
	v42 =	vld [tilespmem:$0x1F140];
	v8 =	vadd.f32 v39, v8  }
0x3b9: {  	v35 =	vld [tilespmem:$0x1F670]  }
0x3ba: {  	v45 =	vadd.f32 v14, v8;
	v8 =	vld [tilespmem:$0x1F6B0]  }
0x3bb: {  	v56 =	vld [tilespmem:$0x1F1B0]  }
0x3bc: {  	v38 =	vld [tilespmem:$0x1F1D0]  }
0x3bd: {  	v31 =	vld [tilespmem:$0x1F620]  }
0x3be: {  	v29 =	vld [tilespmem:$0x1F5D0]  }
0x3bf: {  	v32 =	vmul.f32 v19, v35;
	v1 =	vmul.f32 v13, v35;
	v35 =	vadd.f32 v8, v12;
	v8 =	vld [tilespmem:$0x1F6C0]  }
0x3c0: {  	v12 =	vld [tilespmem:$0x1F6D0]  }
0x3c1: {  	v25 =	vld [tilespmem:$0x1F530]  }
0x3c2: {  	v27 =	vld [tilespmem:$0x1F580]  }
0x3c3: {  	v21 =	vld [tilespmem:$0x1F4E0];
	v30 =	vmul.f32 v19, v31;
	v31 =	vmul.f32 v13, v31  }
0x3c4: {  	v39 =	vld [tilespmem:$0x1F6E0];
	v28 =	vmul.f32 v17, v29  }
0x3c5: {  	v29 =	vmul.f32 v9, v29;
	v8 =	vadd.f32 v30, v8;
	v12 =	vadd.f32 v31, v12;
	v30 =	vld [tilespmem:$0x1F6F0]  }
0x3c6: {  	v18 =	vld [tilespmem:$0x1F490]  }
0x3c7: {  	v26 =	vmul.f32 v16, v27;
	v27 =	vmul.f32 v6, v27;
	v12 =	vadd.f32 v29, v12;
	v29 =	vld [tilespmem:$0x1F730]  }
0x3c8: {  	v31 =	vld [tilespmem:$0x1F710]  }
0x3c9: {  	v23 =	vmul.f32 v36, v25;
	v25 =	vmul.f32 v63, v25;
	v12 =	vadd.f32 v27, v12;
	v27 =	vld [tilespmem:$0x1F760]  }
0x3ca: {  	v3 =	vld [tilespmem:$0x1F440];
	v14 =	vmul.f32 v17, v39;
	v30 =	vadd.f32 v32, v30  }
0x3cb: {  	v8 =	vadd.f32 v28, v8;
	v12 =	vadd.f32 v25, v12;
	v25 =	vld [tilespmem:$0x1F770]  }
0x3cc: {  	v7 =	vld [tilespmem:$0x1F450];
	v15 =	vmul.f32 v10, v18;
	v28 =	vmul.f32 v16, v29;
	v14 =	vadd.f32 v14, v30  }
0x3cd: {  	v8 =	vadd.f32 v26, v8;
	v32 =	vld [tilespmem:$0x1F700];
	v1 =	vadd.f32 v1, v31;
	v31 =	vmul.f32 v9, v39  }
0x3ce: {  	v20 =	vmul.f32 v37, v21;
	v39 =	vld [tilespmem:$0x1F720];
	v26 =	vmul.f32 v36, v27;
	v14 =	vadd.f32 v28, v14  }
0x3cf: {  	v8 =	vadd.f32 v23, v8;
	v30 =	vld [tilespmem:$0x1F740];
	v1 =	vadd.f32 v31, v1;
	v29 =	vmul.f32 v6, v29  }
0x3d0: {  	v21 =	vmul.f32 v62, v21;
	v31 =	vld [tilespmem:$0x1F750];
	v23 =	vmul.f32 v37, v25;
	v14 =	vadd.f32 v26, v14  }
0x3d1: {  	v20 =	vadd.f32 v20, v8;
	v1 =	vadd.f32 v29, v1;
	v27 =	vmul.f32 v63, v27;
	v26 =	vld [tilespmem:$0x1F780]  }
0x3d2: {  	p0 =	sne.s32 s22, $0x2FF;
	v18 =	vmul.f32 v58, v18;
	v21 =	vadd.f32 v21, v12;
	v8 =	vadd.f32 v23, v14;
	v14 =	vld [tilespmem:$0x1FD30]  }
.Ltmp0:
0x3d3: {  	v15 =	vadd.f32 v15, v20;
	v20 =	vld [tilespmem:$0x1F7B0];
	v1 =	vadd.f32 v27, v1;
	v25 =	vmul.f32 v62, v25;
	(pc) =	sbr.rel @p0 .LBB2_3-.Ltmp0, $4  }
0x3d4: {  	v0 =	vmul.f32 v2, v3;
	v3 =	vmul.f32 v52, v3;
	v23 =	vld [tilespmem:$0x1F790]  }
0x3d5: {  	v4 =	vmul.f32 v11, v7;
	v12 =	vadd.f32 v25, v1;
	v25 =	vadd.f32 v18, v21;
	v18 =	vld [tilespmem:$0x1F7C0]  }
0x3d6: {  	v7 =	vmul.f32 v57, v7;
	v21 =	vld [tilespmem:$0x1F7D0];
	v28 =	vmul.f32 v10, v26  }
0x3d7: {  	s22 =	sadd.s32 $0x10, s22;
	v29 =	vmul.f32 v58, v26;
	v26 =	vld [tilespmem:$0x1F7A0];
	v27 =	vmul.f32 v11, v14  }
0x3d8: {  	v7 =	vadd.f32 v7, v25;
	_ =	sdelay $0x1  }
0x3d9: {  	v3 =	vadd.f32 v3, v7;
	v7 =	vld [tilespmem:$0x1FF30];
	_ =	sdelay $0x3  }
0x3da: {  	v1 =	vadd.f32 v28, v8;
	v8 =	vadd.f32 v29, v12;
	v12 =	vmul.f32 v57, v14;
	v14 =	vld [tilespmem:$0x1F8F0]  }
0x3db: {  	v3 =	vadd.f32 v7, v3;
	v7 =	vld [tilespmem:$0x1FE90];
	_ =	sdelay $0x3  }
0x3dc: {  	v1 =	vadd.f32 v27, v1;
	v8 =	vadd.f32 v12, v8;
	v12 =	vmul.f32 v2, v14  }
0x3dd: {  	v3 =	vadd.f32 v7, v3;
	v7 =	vld [tilespmem:$0x1FEC0]  }
0x3de: {  	v1 =	vadd.f32 v12, v1;
	_ =	sdelay $0x1  }
0x3df: {  	v1 =	vadd.f32 v24, v1  }
0x3e0: {  	v4 =	vadd.f32 v4, v15;
	v14 =	vmul.f32 v52, v14  }
0x3e1: {  	v1 =	vadd.f32 v7, v1;
	v7 =	vld [tilespmem:$0x1FED0]  }
0x3e2: {  	v0 =	vadd.f32 v0, v4;
	v4 =	vadd.f32 v14, v8;
	_ =	sdelay $0x1  }
0x3e3: {  	v4 =	vadd.f32 v22, v4;
	_ =	sdelay $0x1  }
0x3e4: {  	v4 =	vadd.f32 v7, v4;
	v7 =	vld [tilespmem:$0x1FE30];
	_ =	sdelay $0x4  }
0x3e5: {  	v1 =	vadd.f32 v7, v1;
	v7 =	vld [tilespmem:$0x1FE40];
	_ =	sdelay $0x3  }
0x3e6: {  	v0 =	vadd.f32 v39, v0  }
0x3e7: {  	v4 =	vadd.f32 v7, v4;
	v7 =	vld [tilespmem:$0x1FDB0]  }
0x3e8: {  	v0 =	vadd.f32 v18, v0;
	_ =	sdelay $0x1  }
0x3e9: {  	v0 =	vadd.f32 v21, v0;
	_ =	sdelay $0x1  }
0x3ea: {  	v0 =	vadd.f32 v7, v0;
	v7 =	vld [tilespmem:$0x1FDC0];
	_ =	sdelay $0x2  }
0x3eb: {  	v3 =	vadd.f32 v23, v3;
	_ =	sdelay $0x1  }
0x3ec: {  	v3 =	vadd.f32 v7, v3;
	v7 =	vld [tilespmem:$0x1FDD0];
	_ =	sdelay $0x4  }
0x3ed: {  	v1 =	vadd.f32 v7, v1;
	v7 =	vld [tilespmem:$0x1FD60];
	_ =	sdelay $0x1  }
0x3ee: {  	v8 =	vld [tilespmem:$0x1FCD0];
	_ =	sdelay $0x1  }
0x3ef: {  	v15 =	vld [tilespmem:$0x1FC20]  }
0x3f0: {  	v0 =	vadd.f32 v7, v0  }
0x3f1: {  	v28 =	vld [tilespmem:$0x1FAA0]  }
0x3f2: {  	v0 =	vadd.f32 v8, v0;
	v8 =	vld [tilespmem:$0x1FCE0]  }
0x3f3: {  	v7 =	vld [tilespmem:$0x1FD70]  }
0x3f4: {  	v0 =	vadd.f32 v15, v0;
	v15 =	vld [tilespmem:$0x1FC30]  }
0x3f5: {  	v39 =	vld [tilespmem:$0x1FA80];
	v3 =	vadd.f32 v30, v3  }
0x3f6: {  	v12 =	vld [tilespmem:$0x1FCF0]  }
0x3f7: {  	v23 =	vld [tilespmem:$0x1F980];
	v3 =	vadd.f32 v8, v3  }
0x3f8: {  	v1 =	vadd.f32 v7, v1;
	v7 =	vld [tilespmem:$0x1FD80]  }
0x3f9: {  	v3 =	vadd.f32 v15, v3;
	v15 =	vld [tilespmem:$0x1FC60]  }
0x3fa: {  	v21 =	vld [tilespmem:$0x1F970];
	v8 =	vmul.f32 v19, v28  }
0x3fb: {  	v14 =	vld [tilespmem:$0x1FD00];
	v4 =	vadd.f32 v26, v4  }
0x3fc: {  	v1 =	vadd.f32 v12, v1;
	v8 =	vadd.f32 v8, v38;
	v38 =	vld [tilespmem:$0x1FA90]  }
0x3fd: {  	v26 =	vld [tilespmem:$0x1F960]  }
0x3fe: {  	v4 =	vadd.f32 v7, v4;
	v7 =	vmul.f32 v19, v23;
	v15 =	vadd.f32 v15, v1;
	v1 =	vld [tilespmem:$0x1FC70];
	_ =	sdelay $0x1  }
0x3ff: {  	v12 =	vmul.f32 v17, v21;
	v7 =	vadd.f32 v7, v32  }
0x400: {  	v4 =	vadd.f32 v14, v4;
	v14 =	vmul.f32 v17, v38  }
0x401: {  	v7 =	vadd.f32 v12, v7;
	v12 =	vmul.f32 v16, v26  }
0x402: {  	v8 =	vadd.f32 v14, v8;
	v14 =	vmul.f32 v16, v39;
	v16 =	vadd.f32 v1, v4;
	v1 =	vld [tilespmem:$0x1FB10];
	_ =	sdelay $0x2  }
0x403: {  	v18 =	vld [tilespmem:$0x1FA70]  }
0x404: {  	v29 =	vld [tilespmem:$0x1FA60]  }
0x405: {  	v1 =	vadd.f32 v1, v0;
	v0 =	vld [tilespmem:$0x1FB20]  }
0x406: {  	v25 =	vld [tilespmem:$0x1F950];
	_ =	sdelay $0x1  }
0x407: {  	v17 =	vld [tilespmem:$0x1F940];
	v4 =	vadd.f32 v14, v8;
	v8 =	vmul.f32 v36, v18;
	_ =	sdelay $0x1  }
0x408: {  	v24 =	vld [tilespmem:$0x1F930];
	v0 =	vadd.f32 v0, v3;
	v3 =	vadd.f32 v8, v4;
	v4 =	vmul.f32 v37, v29  }
0x409: {  	v7 =	vadd.f32 v12, v7;
	v12 =	vmul.f32 v36, v25;
	v8 =	vmul.f32 v13, v23;
	v23 =	vld [tilespmem:$0x1F920]  }
0x40a: {  	v3 =	vadd.f32 v4, v3;
	v4 =	vld [tilespmem:$0x1FB40]  }
0x40b: {  	v7 =	vadd.f32 v12, v7;
	v12 =	vmul.f32 v37, v17;
	_ =	sdelay $0x1  }
0x40c: {  	v14 =	vld [tilespmem:$0x1FA50];
	v7 =	vadd.f32 v12, v7;
	v12 =	vmul.f32 v10, v24;
	_ =	sdelay $0x1  }
0x40d: {  	v7 =	vadd.f32 v12, v7;
	v12 =	vmul.f32 v11, v23;
	v4 =	vadd.f32 v4, v15;
	v15 =	vld [tilespmem:$0x1FA40]  }
0x40e: {  	v8 =	vadd.f32 v8, v20;
	v20 =	vld [tilespmem:$0x1FA30]  }
0x40f: {  	v7 =	vadd.f32 v12, v7;
	v12 =	vmul.f32 v9, v21;
	v21 =	vld [tilespmem:$0x1F910]  }
0x410: {  	v30 =	vmul.f32 v10, v14;
	_ =	sdelay $0x1  }
0x411: {  	v3 =	vadd.f32 v30, v3;
	v32 =	vmul.f32 v11, v15  }
0x412: {  	v19 =	vld [tilespmem:$0x1FA20];
	v38 =	vmul.f32 v9, v38;
	v13 =	vmul.f32 v13, v28  }
0x413: {  	v37 =	vmul.f32 v2, v21;
	v2 =	vmul.f32 v2, v20;
	v3 =	vadd.f32 v32, v3  }
0x414: {  	v36 =	vadd.f32 v13, v31;
	v8 =	vadd.f32 v12, v8;
	v12 =	vmul.f32 v6, v26;
	v26 =	vld [tilespmem:$0x1FA10]  }
0x415: {  	v28 =	vld [tilespmem:$0x1FA00];
	v2 =	vadd.f32 v2, v3;
	v3 =	vmul.f32 v5, v42  }
0x416: {  	v6 =	vmul.f32 v6, v39;
	v39 =	vld [tilespmem:$0x1FF80];
	v5 =	vadd.f32 v38, v36  }
0x417: {  	v8 =	vadd.f32 v12, v8;
	v12 =	vld [tilespmem:$0x1F9F0];
	v2 =	vadd.f32 v3, v2;
	v3 =	vmul.f32 v59, v19  }
0x418: {  	v5 =	vadd.f32 v6, v5;
	v6 =	vmul.f32 v63, v25;
	v25 =	vld [tilespmem:$0x1FEF0]  }
0x419: {  	v7 =	vadd.f32 v37, v7;
	v2 =	vadd.f32 v3, v2;
	v3 =	vmul.f32 v54, v26  }
0x41a: {  	v27 =	vld [tilespmem:$0x1FE50];
	v6 =	vadd.f32 v6, v8;
	v8 =	vmul.f32 v62, v17  }
0x41b: {  	v7 =	vadd.f32 v39, v7;
	v2 =	vadd.f32 v3, v2;
	v3 =	vmul.f32 v49, v28  }
0x41c: {  	v31 =	vmul.f32 v58, v14;
	v30 =	vld [tilespmem:$0x1FDF0];
	v6 =	vadd.f32 v8, v6;
	v8 =	vmul.f32 v58, v24  }
0x41d: {  	v14 =	vld [tilespmem:$0x1F9E0];
	v7 =	vadd.f32 v25, v7;
	v2 =	vadd.f32 v3, v2;
	v3 =	vmul.f32 v47, v12  }
0x41e: {  	v6 =	vadd.f32 v8, v6;
	v8 =	vld [tilespmem:$0x1FD90]  }
0x41f: {  	v63 =	vmul.f32 v63, v18;
	v7 =	vadd.f32 v27, v7;
	v2 =	vadd.f32 v3, v2;
	v3 =	vld [tilespmem:$0x1FD10]  }
0x420: {  	v36 =	vld [tilespmem:$0x1FD20]  }
0x421: {  	v29 =	vmul.f32 v62, v29;
	v13 =	vld [tilespmem:$0x1F9D0];
	v5 =	vadd.f32 v63, v5;
	v7 =	vadd.f32 v30, v7  }
0x422: {  	v32 =	vmul.f32 v57, v15;
	v15 =	vld [tilespmem:$0x1F8D0]  }
0x423: {  	v37 =	vld [tilespmem:$0x1FC90];
	v38 =	vmul.f32 v52, v21;
	v5 =	vadd.f32 v29, v5;
	v7 =	vadd.f32 v8, v7  }
0x424: {  	v39 =	vld [tilespmem:$0x1FB70];
	v8 =	vmul.f32 v57, v23;
	v3 =	vmul.f32 v3, v14  }
0x425: {  	v18 =	vmul.f32 v43, v28;
	v5 =	vadd.f32 v31, v5;
	v47 =	vld [tilespmem:$0x1FB80];
	v7 =	vadd.f32 v36, v7  }
0x426: {  	v6 =	vadd.f32 v8, v6;
	v2 =	vadd.f32 v3, v2;
	v3 =	vmul.f32 v44, v13  }
0x427: {  	v8 =	vmax.f32 v60, v15;
	v44 =	vmul.f32 v52, v20;
	v52 =	vmul.f32 v53, v42;
	v53 =	vld [tilespmem:$0x1FF90]  }
0x428: {  	v7 =	vadd.f32 v37, v7;
	v2 =	vadd.f32 v3, v2;
	v3 =	vmax.f32 v8, v41  }
0x429: {  	v10 =	vmul.f32 v39, v56;
	v5 =	vadd.f32 v32, v5;
	v57 =	vld [tilespmem:$0x1FF00];
	v3 =	vmax.f32 v3, v45  }
0x42a: {  	v6 =	vadd.f32 v38, v6;
	v7 =	vadd.f32 v47, v7;
	v3 =	vmax.f32 v3, v1  }
0x42b: {  	v5 =	vadd.f32 v44, v5;
	v49 =	vadd.f32 v10, v2;
	v2 =	vmax.f32 v3, v4  }
0x42c: {  	v62 =	vmul.f32 v46, v26;
	v6 =	vadd.f32 v53, v6;
	v2 =	vmax.f32 v2, v7  }
0x42d: {  	v58 =	vimm.s32 $0x8;
	v54 =	vmax.f32 v2, v49;
	v2 =	vadd.f32 v52, v5  }
0x42e: {  	v63 =	vld [tilespmem:$0x1FE60];
	v5 =	vmul.f32 v50, v19;
	v6 =	vadd.f32 v57, v6;
	vm0 =	veq.f32 v49, v54  }
0x42f: {  	vm14 =	veq.f32 v7, v54;
	vm15 =	veq.f32 v4, v54;
	v59 =	vsel vm0, $0x7, v58  }
0x430: {  	vm4 =	veq.f32 v1, v54;
	v2 =	vadd.f32 v5, v2;
	v5 =	vsel vm14, $0x6, v59  }
0x431: {  	vm5 =	veq.f32 v45, v54;
	vm6 =	veq.f32 v41, v54;
	v5 =	vsel vm15, $0x5, v5  }
0x432: {  	v20 =	vld [tilespmem:$0x1FC50];
	vm1 =	veq.f32 v15, v54;
	v2 =	vadd.f32 v62, v2;
	v5 =	vsel vm4, $0x4, v5  }
0x433: {  	vm10 =	vne.f32 v60, v54;
	v6 =	vadd.f32 v63, v6;
	v5 =	vsel vm5, $0x3, v5  }
0x434: {  	vm9 =	vmand vm10, vm1;
	v10 =	vadd.f32 v18, v2;
	v5 =	vsel vm6, $0x2, v5  }
0x435: {  	v21 =	vld [tilespmem:$0x1FCA0];
	v2 =	vsel vm1, $0x1, v5;
	v5 =	vsel vm9, v60, v8;
	v8 =	vmul.f32 v40, v12;
	_ =	sdelay $0x1  }
0x436: {  	v6 =	vadd.f32 v55, v6;
	v8 =	vadd.f32 v8, v10;
	v10 =	vmul.f32 v20, v14;
	v14 =	vld [tilespmem:$0x1FD40]  }
0x437: {  	v3 =	vld [tilespmem:$0x1FB50];
	v2 =	vnsel vm10, $0x0, v2  }
0x438: {  	v6 =	vadd.f32 v51, v6;
	v5 =	vsel vm10, v5, v15;
	vm11 =	veq.s32 v2, $0x2  }
0x439: {  	v12 =	vmax.f32 v5, v41;
	v8 =	vadd.f32 v10, v8;
	v10 =	vmul.f32 v21, v13;
	v13 =	vld [tilespmem:$0x1FCB0]  }
0x43a: {  	v5 =	vsel vm11, v5, v12  }
0x43b: {  	vm12 =	veq.s32 v2, $0x3;
	v5 =	vmax.f32 v5, v45;
	v6 =	vadd.f32 v14, v6;
	v14 =	vld [tilespmem:$0x1FBA0]  }
0x43c: {  	v22 =	vld [tilespmem:$0x1FB90];
	v3 =	vadd.f32 v3, v16;
	v12 =	vsel vm12, v12, v5  }
0x43d: {  	vm13 =	veq.s32 v2, $0x4;
	vm14 =	veq.s32 v2, $0x5;
	v12 =	vmax.f32 v12, v1  }
0x43e: {  	vm15 =	veq.s32 v2, $0x6;
	v5 =	vsel vm13, v5, v12;
	v6 =	vadd.f32 v13, v6  }
0x43f: {  	v8 =	vadd.f32 v10, v8;
	v5 =	vmax.f32 v5, v4;
	v13 =	vmax.f32 v34, v48  }
0x440: {  	v12 =	vsel vm14, v12, v5;
	v6 =	vadd.f32 v14, v6;
	v14 =	vmax.f32 v13, v33  }
0x441: {  	v10 =	vmul.f32 v22, v56;
	v12 =	vmax.f32 v12, v7;
	v14 =	vmax.f32 v14, v35  }
0x442: {  	vm7 =	veq.s32 v2, $0x7;
	v5 =	vsel vm15, v5, v12;
	v23 =	vmax.f32 v14, v0  }
0x443: {  	v8 =	vadd.f32 v10, v8;
	v5 =	vmax.f32 v5, v49;
	v10 =	vmax.f32 v23, v3  }
0x444: {  	v12 =	vsel vm7, v12, v5;
	v5 =	vmax.f32 v10, v6  }
0x445: {  	v24 =	vsub.f32 v12, v54;
	v25 =	vmax.f32 v5, v8  }
0x446: {  	v28 =	vimm.s32 $0x0;
	v14 =	vimm.s32 $0x0;
	vm8 =	veq.f32 v8, v25  }
0x447: {  	v5 =	vmul.f32 $1.442695020e+00, v24;
	vm4 =	veq.f32 v6, v25;
	v26 =	vsel vm8, $0x7, v58  }
0x448: {  	v14 =	vsel vm7, $0xFFFFFFFF, v14;
	vm5 =	veq.f32 v3, v25;
	v10 =	vsel vm4, $0x6, v26  }
0x449: {  	vm6 =	veq.f32 v0, v25;
	(erf) = vpow2.f32 v5;
	v5 =	vsel vm5, $0x5, v10  }
0x44a: {  	vm7 =	veq.f32 v35, v25;
	vm2 =	veq.f32 v48, v25;
	v5 =	vsel vm6, $0x4, v5  }
0x44b: {  	vm8 =	veq.f32 v33, v25;
	vm5 =	vne.f32 v34, v25;
	v5 =	vsel vm7, $0x3, v5  }
0x44c: {  	vm3 =	veq.f32 v49, v12;
	vm6 =	vmand vm5, vm2;
	v5 =	vsel vm8, $0x2, v5  }
0x44d: {  	vm4 =	vne.s32 v2, $0x7;
	v27 =	vsel vm6, v34, v13;
	v5 =	vsel vm2, $0x1, v5  }
0x44e: {  	vm3 =	vmand vm4, vm3;
	v9 =	vsel vm5, v27, v48;
	v5 =	vnsel vm5, $0x0, v5  }
0x44f: {  	vm4 =	vne.s32 v2, $0x6;
	v29 =	vmax.f32 v9, v33;
	vm7 =	veq.s32 v5, $0x2  }
0x450: {  	v13 =	vsel vm3, $0x7, v58;
	vm3 =	veq.f32 v7, v12;
	v9 =	vsel vm7, v9, v29  }
0x451: {  	[tilespmem:$0x1EBF0] =	vst v14;
	vm8 =	veq.s32 v5, $0x3;
	v10 =	vsel vm7, $0xFFFFFFFF, v28;
	v9 =	vmax.f32 v9, v35  }
0x452: {  	v14 =	vimm.s32 $0x0;
	vm4 =	vmand vm4, vm3;
	[tilespmem:$0x1EC00] =	vst v10;
	v10 =	vsel vm8, v29, v9  }
0x453: {  	vm3 =	veq.s32 v5, $0x4;
	v7 =	vpop (erf);
	v14 =	vsel vm8, $0xFFFFFFFF, v14;
	v10 =	vmax.f32 v10, v0  }
0x454: {  	[tilespmem:$0x1EC10] =	vst v14;
	v14 =	vadd.f32 $1.000000000e+00, v7;
	vm8 =	veq.f32 v4, v12;
	v4 =	vsel vm3, v9, v10  }
0x455: {  	vm0 =	vne.s32 v2, $0x5;
	vm7 =	veq.s32 v5, $0x5;
	v4 =	vmax.f32 v4, v3  }
0x456: {  	v30 =	vsel vm4, $0x6, v13;
	(erf) = vrcp.f32 v14;
	v10 =	vsel vm7, v10, v4  }
0x457: {  	vm4 =	veq.s32 v5, $0x6;
	vm0 =	vmand vm0, vm8;
	v10 =	vmax.f32 v10, v6  }
0x458: {  	v9 =	vsel vm0, $0x5, v30;
	vm0 =	veq.f32 v1, v12;
	v1 =	vsel vm4, v4, v10  }
0x459: {  	vm8 =	veq.s32 v5, $0x7;
	v1 =	vmax.f32 v1, v8  }
0x45a: {  	v1 =	vsel vm8, v10, v1  }
0x45b: {  	vm2 =	vne.s32 v2, $0x4;
	v31 =	vsub.f32 v1, v25  }
0x45c: {  	vm0 =	vmand vm2, vm0;
	vm2 =	vne.s32 v2, $0x3  }
0x45d: {  	v4 =	vsel vm0, $0x4, v9;
	vm0 =	veq.f32 v45, v12;
	v9 =	vmul.f32 $1.442695020e+00, v31  }
0x45e: {  	vm1 =	vmand vm2, vm0  }
0x45f: {  	vm2 =	veq.f32 v41, v12;
	vm0 =	vne.s32 v2, $0x2;
	v32 =	vpop (erf);
	(erf) = vpow2.f32 v9  }
0x460: {  	v4 =	vsel vm1, $0x3, v4;
	vm0 =	vmand vm0, vm2  }
0x461: {  	v4 =	vsel vm0, $0x2, v4;
	vm0 =	vne.f32 v15, v12;
	v7 =	vmul.f32 v32, v7  }
0x462: {  	vm1 =	veq.f32 v60, v12;
	vm0 =	vmor vm9, vm0  }
0x463: {  	vm1 =	vmand vm10, vm1;
	v4 =	vnsel vm0, $0x1, v4;
	v36 =	vsub.f32 $1.000000000e+00, v7  }
0x464: {  	v4 =	vsel vm1, $0x0, v4;
	v10 =	vnsel vm1, $0x0, v7  }
0x465: {  	v10 =	vsel vm10, v10, v36;
	vm10 =	veq.s32 v4, $0x2  }
0x466: {  	v40 =	vlaneseq.u32;
	v12 =	vnsel vm10, $0x0, v7;
	vm10 =	veq.s32 v4, $0x3  }
0x467: {  	v41 =	vmul.u32 $0x8, v40;
	vm0 =	vmor vm1, vm0;
	v13 =	vnsel vm10, $0x0, v7  }
0x468: {  	v37 =	vsel vm0, $0x0, v7;
	v13 =	vsel vm12, v36, v13;
	vm12 =	veq.f32 v8, v1;
	v8 =	vpop (erf)  }
0x469: {  	v11 =	vsel vm9, v36, v37;
	vm9 =	veq.s32 v4, $0x4;
	v39 =	vadd.f32 $1.000000000e+00, v8  }
0x46a: {  	v42 =	vor.u32 $0x3, v41;
	v14 =	vnsel vm9, $0x0, v7  }
0x46b: {  	vm9 =	vne.s32 v5, $0x6;
	v12 =	vsel vm11, v36, v12;
	(erf) = vrcp.f32 v39  }
0x46c: {  	vm10 =	veq.s32 v4, $0x5;
	vm11 =	veq.s32 v4, $0x6;
	v14 =	vsel vm13, v36, v14  }
0x46d: {  	vm13 =	vne.s32 v5, $0x7;
	v15 =	vnsel vm10, $0x0, v7;
	v38 =	vnsel vm11, $0x0, v7  }
0x46e: {  	vm10 =	veq.f32 v3, v1;
	vm11 =	vne.s32 v5, $0x5;
	v15 =	vsel vm14, v36, v15  }
0x46f: {  	v16 =	vsel vm15, v36, v38;
	vm15 =	veq.f32 v6, v1;
	v6 =	vor.u32 $0x1, v41  }
0x470: {  	vm0 =	vmand vm13, vm12;
	vm13 =	veq.f32 v0, v1;
	v0 =	vor.u32 $0x2, v41  }
0x471: {  	vm14 =	veq.s32 v4, $0x7;
	vm12 =	vmand vm11, vm10;
	vm10 =	veq.f32 v33, v1  }
0x472: {  	v7 =	vnsel vm14, $0x0, v7;
	v19 =	vsel vm0, $0x7, v58;
	vm0 =	vmand vm9, vm15  }
0x473: {  	[tilespmem:v41+s15+$0x0] =	vst.idx.msk $0xffff, v10;
	vm14 =	vne.s32 v5, $0x4;
	vm15 =	veq.f32 v35, v1;
	v3 =	vsel vm0, $0x6, v19  }
0x474: {  	vm0 =	vmand vm14, vm13;
	vm13 =	vne.f32 v48, v1;
	vm14 =	veq.f32 v34, v1;
	[tilespmem:v6+s15+$0x0] =	vst.idx.msk $0xffff, v11;
	v1 =	vpop (erf)  }
0x475: {  	v43 =	vor.u32 $0x4, v41;
	[tilespmem:v0+s15+$0x0] =	vst.idx.msk $0xffff, v12;
	v0 =	vmul.f32 v1, v8;
	v8 =	vld [tilespmem:$0x1EBF0]  }
0x476: {  	v44 =	vor.u32 $0x5, v41  }
0x477: {  	v45 =	vor.u32 $0x6, v41  }
0x478: {  	v3 =	vsel vm12, $0x5, v3;
	v6 =	vor.u32 $0x7, v41;
	v1 =	vmul.u32 $0x2, v40  }
0x479: {  	vm9 =	vne.s32 v5, $0x3;
	v3 =	vsel vm0, $0x4, v3;
	[tilespmem:v42+s15+$0x0] =	vst.idx.msk $0xffff, v13  }
0x47a: {  	vm0 =	vmand vm9, vm15;
	[tilespmem:v43+s15+$0x0] =	vst.idx.msk $0xffff, v14;
	vm15 =	vnez.u8 v8;
	v8 =	vor.u32 $0x1, v1  }
0x47b: {  	v53 =	vld [tilespmem:$0x1EC10];
	v50 =	vor.u32 $0x81, v41;
	v51 =	vor.u32 $0x82, v41;
	v52 =	vor.u32 $0x83, v41;
	[tilespmem:v44+s15+$0x0] =	vst.idx.msk $0xffff, v15  }
0x47c: {  	v54 =	vor.u32 $0x85, v41;
	vm11 =	vne.s32 v5, $0x2;
	[tilespmem:v45+s15+$0x0] =	vst.idx.msk $0xffff, v16;
	v7 =	vsel vm15, v36, v7  }
0x47d: {  	v56 =	vor.u32 $0x86, v41;
	vm12 =	vmand vm11, vm10;
	v3 =	vsel vm0, $0x3, v3;
	[tilespmem:v6+s15+$0x0] =	vst.idx.msk $0xffff, v7  }
0x47e: {  	v18 =	vor.u32 $0x87, v41;
	vm0 =	vmor vm6, vm13;
	v3 =	vsel vm12, $0x2, v3;
	[tilespmem:v1+s16+$0x0] =	vst.idx.msk $0xffff, v2  }
0x47f: {  	v48 =	vor.u32 $0x80, v41;
	vm1 =	vmand vm5, vm14;
	v3 =	vnsel vm0, $0x1, v3;
	[tilespmem:v8+s16+$0x0] =	vst.idx.msk $0xffff, v4;
	v4 =	vld [tilespmem:$0x1EC00]  }
0x480: {  	vm11 =	vnez.u8 v53;
	v3 =	vsel vm1, $0x0, v3;
	v46 =	vsub.f32 $1.000000000e+00, v0  }
0x481: {  	vm0 =	vmor vm1, vm0;
	vm9 =	veq.s32 v3, $0x3;
	v47 =	vnsel vm1, $0x0, v0  }
0x482: {  	vm12 =	veq.s32 v3, $0x4;
	v49 =	vsel vm0, $0x0, v0;
	v17 =	vsel vm5, v47, v46  }
0x483: {  	v6 =	vsel vm6, v46, v49;
	vm6 =	veq.s32 v3, $0x2;
	v8 =	vor.u32 $0x84, v41  }
0x484: {  	vm13 =	veq.s32 v3, $0x5;
	v2 =	vnsel vm6, $0x0, v0;
	[tilespmem:v48+s15+$0x0] =	vst.idx.msk $0xffff, v17;
	vm10 =	vnez.u8 v4  }
0x485: {  	vm14 =	veq.s32 v3, $0x6;
	[tilespmem:v50+s15+$0x0] =	vst.idx.msk $0xffff, v6;
	v4 =	vnsel vm9, $0x0, v0;
	v2 =	vsel vm10, v46, v2  }
0x486: {  	v55 =	vnsel vm12, $0x0, v0;
	v58 =	vnsel vm13, $0x0, v0;
	v4 =	vsel vm11, v46, v4;
	[tilespmem:v51+s15+$0x0] =	vst.idx.msk $0xffff, v2  }
0x487: {  	v59 =	vor.u32 $0x20, v1;
	v57 =	vsel vm3, v46, v55;
	v21 =	vsel vm7, v46, v58;
	[tilespmem:v52+s15+$0x0] =	vst.idx.msk $0xffff, v4  }
0x488: {  	vm15 =	veq.s32 v3, $0x7;
	v1 =	vor.u32 $0x21, v1;
	[tilespmem:v8+s15+$0x0] =	vst.idx.msk $0xffff, v57;
	v8 =	vnsel vm14, $0x0, v0  }
0x489: {  	v0 =	vnsel vm15, $0x0, v0;
	[tilespmem:v54+s15+$0x0] =	vst.idx.msk $0xffff, v21;
	v8 =	vsel vm4, v46, v8  }
0x48a: {  	v0 =	vsel vm8, v46, v0;
	[tilespmem:v56+s15+$0x0] =	vst.idx.msk $0xffff, v8  }
0x48b: {  	[tilespmem:v18+s15+$0x0] =	vst.idx.msk $0xffff, v0  }
0x48c: {  	v60 =	vld [tilespmem:$0x1F810];
	[tilespmem:v59+s16+$0x0] =	vst.idx.msk $0xffff, v5  }
0x48d: {  	s21 =	sadd.s32 s0, s20;
	v5 =	vld [tilespmem:$0x1F800];
	[tilespmem:v1+s16+$0x0] =	vst.idx.msk $0xffff, v3  }
0x48e: {  	v1 =	vld [tilespmem:$0x1F7E0];
	[hbm4b:s21+s4] =	stream.linear.scatter [tilespmem:s15], [sflag:$0x1], $0x100, $0x38  }
0x48f: {  	v3 =	vld [tilespmem:$0x1F7F0];
	_ =	swait.ge [sflag:s10], $0x100  }
0x490: {  	v62 =	vld [tilespmem:$0x1F820]  }
0x491: {  	v63 =	vld [tilespmem:$0x1F830]  }
0x492: {  	v9 =	vadd.f32 v13, v60;
	v13 =	vld [tilespmem:$0x1F850]  }
0x493: {  	v5 =	vadd.f32 v12, v5;
	v12 =	vld [tilespmem:$0x1F840]  }
0x494: {  	s19 =	sadd.s32 $0x1, s19;
	v4 =	vadd.f32 v4, v9;
	v3 =	vadd.f32 v11, v3  }
0x495: {  	s31 =	sshrl.u32 s20, $0x2;
	p0 =	sne.s32 s19, $0x8;
	[sflag:s10] =	ssyncset.done $0x0;
	v1 =	vadd.f32 v10, v1;
	v5 =	vadd.f32 v2, v5  }
.Ltmp1:
0x496: {  	s20 =	sadd.s32 s2, s31;
	[sflag:s10] =	ssyncadd.s32 $0xFFFFFF00;
	v6 =	vadd.f32 v6, v3;
	v10 =	vadd.f32 v14, v62;
	(pc) =	sbr.rel @p0 .LBB2_2-.Ltmp1, $4  }
0x497: {  	[hbm4b:s20+s4] =	stream.linear.scatter [tilespmem:s16], [sflag:$0x1], $0x40, $0x38;
	v11 =	vadd.f32 v15, v63;
	v7 =	vadd.f32 v7, v13;
	[tilespmem:$0x8A00] =	vst v63  }
0x498: {  	_ =	swait.ge [sflag:s10], $0x40;
	v13 =	vadd.f32 v17, v1;
	v12 =	vadd.f32 v16, v12  }
0x499: {  	[sflag:s10] =	ssyncset.done $0x0;
	v3 =	vadd.f32 v57, v10;
	v2 =	vadd.f32 v21, v11  }
0x49a: {  	v34 =	vld [tilespmem:$0x1FFF0];
	[sflag:s10] =	ssyncadd.s32 $0xFFFFFFC0;
	v0 =	vadd.f32 v0, v7;
	v1 =	vadd.f32 v8, v12  }
0x49b: {  	[tilespmem:$0x8980] =	vst v13  }
0x49c: {  	[tilespmem:$0x8990] =	vst v6  }
0x49d: {  	[tilespmem:$0x89A0] =	vst v5  }
0x49e: {  	[tilespmem:$0x89B0] =	vst v4  }
0x49f: {  	[tilespmem:$0x89C0] =	vst v3  }
0x4a0: {  	[tilespmem:$0x89D0] =	vst v2;
	s18 =	sadd.s32 $0x1, s18  }
0x4a1: {  	[tilespmem:$0x89E0] =	vst v1;
	p0 =	sne.s32 s18, s9  }
.Ltmp2:
0x4a2: {  	[tilespmem:$0x89F0] =	vst v0;
	(pc) =	sbr.rel @p0 .LBB2_1-.Ltmp2, $4  }
0x4a3: {  	[hbm4b:s8+s4] =	stream.linear.scatter [tilespmem:s17], [sflag:$0x1], $0x80, $0x38;
	[tilespmem:$0x8A00] =	vst v63  }
0x4a4: {  	_ =	swait.ge [sflag:s10], $0x80  }
0x4a5: {  	[sflag:s10] =	ssyncset.done $0x0  }
0x4a6: {  	[sflag:s10] =	ssyncadd.s32 $0xFFFFFF80  }
0x4a7: {  	_ =	sfence.sel $0x180000  }
0x4a8: {  	[bflag:$0x0] =	sbarrier.arrive $0xFFFF  }
0x4a9: {  	p0 =	sne.s32 s3, $0x0;
	_ =	strace $0x90000047  }
0x4aa: {  	s0 =	sadd.s32 @!p0 $0x100000, s1;
	[bflag:$0x2] =	sbarrier.arrive $0xFFFF  }
0x4ab: {  	[sflag:s0] =	ssyncadd.tile.s32 @!p0 $0x1;
	_ =	shalt  }
.Lfunc_end2:
_tile_overlayer_lowered:
.L_overlay_start_2:
0x4ac: {  	(tag) =	ssettag $0x2  }
0x4ad: {  	s0 =	rddreg [dreg:$0x0];
	s2 =	stileid.u32  }
0x4ae: {  	s1 =	rddreg [dreg:$0x1];
	p0 =	sne.s32 s2, $0x0  }
0x4af: {  	s3 =	rddreg [dreg:$0x2];
	[bflag:$0x3] =	sbarrier.arrive $0xFFFF;
	s2 =	simm.s32 @!p0 $0x1C01  }
0x4b0: {  	[timem:s3], [sflag:s2] =	dma.local @!p0 [hbm:s0], s1  }
0x4b1: {  	s0 =	simm.s32 @!p0 $0x1  }
0x4b2: {  	_ =	swait.ge @!p0 [sflag:s0], s1  }
0x4b3: {  	s1 =	ssub.s32 @!p0 $0x0, s1;
	[sflag:s0] =	ssyncset.done @!p0 $0x0  }
0x4b4: {  	[sflag:s0] =	ssyncadd.s32 @!p0 s1  }
0x4b5: {  	[bflag:$0x3] =	sbarrier.arrive $0xFFFF  }
0x4b6: {  	_ =	shalt  }

</sc_bundles>
